<compile_context>
chip_gen: v7x
topology: tpu7x:2x2x1
jax: 0.10.2.dev20260603
libtpu: 0.0.44.dev20260713+nightly
codegen_flags: <defaults>
</compile_context>

<pallas_src>
import functools

import jax
import jax.numpy as jnp
from jax import lax
from jax.experimental import pallas as pl
from jax.experimental.pallas import tpu as pltpu
from jax.experimental.pallas import tpu_sc as plsc

_NC = 2
_NS = 16
_NW = _NC * _NS

_B, _C, _H, _W, _D = 4, 256, 32, 32, 32
_CH = 86
_HWD = _H * _W * _D
_CPW = _C // _NW


_TAB = 50 * _CH


def _pos_embed_sc(tabs):
    mesh = plsc.VectorSubcoreMesh(
        core_axis_name="c", subcore_axis_name="s",
        num_cores=_NC, num_subcores=_NS)

    @functools.partial(
        pl.kernel,
        out_type=jax.ShapeDtypeStruct((_B * _C * _HWD,), jnp.float32),
        mesh=mesh,
        scratch_types=[
            pltpu.VMEM((3 * _TAB,), jnp.float32),
            pltpu.VMEM((2, _HWD), jnp.float32),
            pltpu.SemaphoreType.DMA,
            pltpu.SemaphoreType.DMA,
        ],
        compiler_params=pltpu.CompilerParams(needs_layout_passes=False),
    )
    def body(tabs_hbm, out_hbm, tabs_v, buf_v, sem0, sem1):
        wid = lax.axis_index("s") * _NC + lax.axis_index("c")

        pltpu.sync_copy(tabs_hbm, tabs_v)

        lanes = lax.iota(jnp.int32, 16)
        sems = (sem0, sem1)
        pending = [[], []]

        for cc in range(_CPW):
            c = wid + _NW * cc
            slot = cc % 2
            for d in pending[slot]:
                d.wait()
            pending[slot] = []

            is_a = c < _CH
            is_b = jnp.logical_and(c >= _CH, c < 2 * _CH)
            g = jnp.where(is_a, 0, jnp.where(is_b, 1, 2)).astype(jnp.int32)
            coff = (c - g * _CH).astype(jnp.int32)
            base = g * _TAB + coff
            bvec = jnp.full((16,), base, jnp.int32)

            def build_a(bvec=bvec, slot=slot):
                def slab(i, _):
                    val = plsc.load_gather(tabs_v, [bvec + i * _CH])

                    @plsc.parallel_loop(0, 64, unroll=8)
                    def st(q):
                        buf_v[slot, pl.ds(i * 1024 + q * 16, 16)] = val
                    return 0
                lax.fori_loop(0, 32, slab, 0)

            def build_b(bvec=bvec, slot=slot):
                def jloop(j, _):
                    val = plsc.load_gather(tabs_v, [bvec + j * _CH])
                    buf_v[slot, pl.ds(j * 32, 16)] = val
                    buf_v[slot, pl.ds(j * 32 + 16, 16)] = val
                    return 0
                lax.fori_loop(0, 32, jloop, 0)
                n = 1024
                while n < _HWD:
                    @plsc.parallel_loop(0, n // 16, unroll=8)
                    def cp(q, n=n, slot=slot):
                        buf_v[slot, pl.ds(n + q * 16, 16)] = (
                            buf_v[slot, pl.ds(q * 16, 16)])
                    n *= 2

            def build_c(bvec=bvec, slot=slot):
                v0 = plsc.load_gather(tabs_v, [bvec + lanes * _CH])
                v1 = plsc.load_gather(tabs_v, [bvec + (lanes + 16) * _CH])

                @plsc.parallel_loop(0, 1024, unroll=8)
                def st(m):
                    buf_v[slot, pl.ds(m * 32, 16)] = v0
                    buf_v[slot, pl.ds(m * 32 + 16, 16)] = v1

            pl.when(is_a)(build_a)
            pl.when(is_b)(build_b)
            pl.when(jnp.logical_and(jnp.logical_not(is_a),
                                    jnp.logical_not(is_b)))(build_c)

            for b in range(_B):
                dst = out_hbm.at[pl.ds((b * _C + c) * _HWD, _HWD)]
                pending[slot].append(
                    pltpu.async_copy(buf_v.at[slot], dst, sems[slot]))

        for slot in range(2):
            for d in pending[slot]:
                d.wait()

    return body(tabs)


def kernel(tensor, row_embed, col_embed, dep_embed):
    b, c, h, w, d = tensor.shape
    tabs = jnp.concatenate(
        [col_embed.reshape(-1), row_embed.reshape(-1), dep_embed.reshape(-1)])
    out_flat = _pos_embed_sc(tabs)
    return out_flat.reshape(b, c, h * w * d)

# --- scband reference (transcript-rebuilt; emitter-appended) ---
"""Pipeline reference for scband-position-embedding-learned-23974507446529 (READ-ONLY COPY).

The authoritative reference and input builder live on the scoring server;
editing this copy changes nothing except your own understanding.
"""

import jax, jax.numpy as jnp
import numpy as np

ORIG_CHANNELS = 256
CH = int(np.ceil(ORIG_CHANNELS / 6) * 2)  # 86


def setup_inputs(seed: int = 0) -> dict:
    key = jax.random.key(seed)
    k1, k2, k3 = jax.random.split(key, 3)
    tensor = jnp.zeros((4, 256, 32, 32, 32), dtype=jnp.float32)
    row_embed = jax.random.uniform(k1, (50, CH), dtype=jnp.float32)
    col_embed = jax.random.uniform(k2, (50, CH), dtype=jnp.float32)
    dep_embed = jax.random.uniform(k3, (50, CH), dtype=jnp.float32)
    return {"tensor": tensor, "row_embed": row_embed, "col_embed": col_embed, "dep_embed": dep_embed}


def reference(tensor, row_embed, col_embed, dep_embed):
    b, c, h, w, d = tensor.shape
    i = jnp.arange(h)
    j = jnp.arange(w)
    k = jnp.arange(d)
    x_emb = jnp.take(col_embed, i, axis=0)  # [h, CH]
    y_emb = jnp.take(row_embed, j, axis=0)  # [w, CH]
    z_emb = jnp.take(dep_embed, k, axis=0)  # [d, CH]
    pos = jnp.concatenate([
        jnp.broadcast_to(x_emb[:, None, None, :], (h, w, d, CH)),
        jnp.broadcast_to(y_emb[None, :, None, :], (h, w, d, CH)),
        jnp.broadcast_to(z_emb[None, None, :, :], (h, w, d, CH)),
    ], axis=-1)[..., :ORIG_CHANNELS]  # [h, w, d, 256]
    pos = jnp.transpose(pos, (3, 0, 1, 2))  # [256, h, w, d]
    pos = jnp.broadcast_to(pos[None], (b, ORIG_CHANNELS, h, w, d))
    pos = pos.reshape(b, ORIG_CHANNELS, h * w * d)
    return pos

if __name__ == "__main__":
    import jax
    _d = setup_inputs()
    print(jax.jit(kernel)(*tuple(_d.values())))

</pallas_src>

<mosaic_0001>
#map = affine_map<(d0, d1) -> (0)>
module attributes {stable_mosaic.version = 14 : i64} {
  func.func @body(%arg0: i32, %arg1: i32, %arg2: memref<12900xf32, #tpu.memory_space<hbm>>, %arg3: memref<33554432xf32, #tpu.memory_space<hbm>>, %arg4: memref<12900xf32, #tpu.memory_space<vmem>>, %arg5: memref<2x32768xf32, #tpu.memory_space<vmem>>, %arg6: memref<!tpu.dma_semaphore, #tpu.memory_space<semaphore_mem>>, %arg7: memref<!tpu.dma_semaphore, #tpu.memory_space<semaphore_mem>>) attributes {dimension_semantics = [#tpu.dimension_semantics<core_parallel>, #tpu.dimension_semantics<subcore_parallel>], iteration_bounds = array<i64: 2, 16>, scalar_prefetch = 0 : i64, scratch_operands = 4 : i64, tpu.core_type = #tpu.core_type<sc_vector_subcore>, window_params = [{transform_indices = #map}, {transform_indices = #map}]} {
    %mul3A = arith.constant 2 : i32
    %mul3A_0 = arith.muli %arg1, %mul3A : i32
    %add3A = arith.addi %mul3A_0, %arg0 : i32
    "tpu.region"() ({
      %run_scoped3A = tpu.sem_alloc : memref<!tpu.dma_semaphore, #tpu.memory_space<semaphore_mem>>
      tpu.enqueue_dma source(%arg2 : memref<12900xf32, #tpu.memory_space<hbm>>) target(%arg4 : memref<12900xf32, #tpu.memory_space<vmem>>) target_semaphore(%run_scoped3A : memref<!tpu.dma_semaphore, #tpu.memory_space<semaphore_mem>>)
      tpu.wait_dma2 semaphore(%run_scoped3A : memref<!tpu.dma_semaphore, #tpu.memory_space<semaphore_mem>>) src(%arg2 : memref<12900xf32, #tpu.memory_space<hbm>>) dst(%arg4 : memref<12900xf32, #tpu.memory_space<vmem>>)
      tpu.yield
    }) : () -> ()
    %iota3A = tpu.iota {dimensions = array<i32: 0>} : vector<16xi32>
    %add3A_1 = arith.constant 0 : i32
    %add3A_2 = arith.addi %add3A, %add3A_1 : i32
    %lt3A = arith.constant 86 : i32
    %lt3A_3 = arith.cmpi slt, %add3A_2, %lt3A : i32
    %ge3A = arith.constant 86 : i32
    %ge3A_4 = arith.cmpi sge, %add3A_2, %ge3A : i32
    %lt3A_5 = arith.constant 172 : i32
    %lt3A_6 = arith.cmpi slt, %add3A_2, %lt3A_5 : i32
    %and3A = arith.andi %ge3A_4, %lt3A_6 : i1
    %jit3A = arith.constant 1 : i32
    %jit3A_7 = arith.constant 2 : i32
    %select_n3A = arith.select %and3A, %jit3A, %jit3A_7 : i32
    %jit3A_8 = arith.constant 0 : i32
    %select_n3A_9 = arith.select %lt3A_3, %jit3A_8, %select_n3A : i32
    %mul3A_10 = arith.constant 86 : i32
    %mul3A_11 = arith.muli %select_n3A_9, %mul3A_10 : i32
    %sub3A = arith.subi %add3A_2, %mul3A_11 : i32
    %mul3A_12 = arith.constant 4300 : i32
    %mul3A_13 = arith.muli %select_n3A_9, %mul3A_12 : i32
    %add3A_14 = arith.addi %mul3A_13, %sub3A : i32
    %broadcast_in_dim3A = vector.broadcast %add3A_14 : i32 to vector<16xi32>
    %convert_element_type3A = arith.extui %lt3A_3 : i1 to i32
    %cond3A = arith.constant 0 : i32
    %cond3A_15 = arith.cmpi ne, %convert_element_type3A, %cond3A : i32
    scf.if %cond3A_15 {
      %scan3A = arith.constant 0 : i32
      %scan3A_973 = arith.constant 0 : i32
      %scan3A_974 = arith.constant 32 : i32
      %scan3A_975 = arith.addi %scan3A_973, %scan3A_974 : i32
      %scan3A_976 = arith.constant 1 : i32
      %scan3A_977 = scf.for %scan3A_979 = %scan3A_973 to %scan3A_975 step %scan3A_976 iter_args(%scan3A_980 = %scan3A) -> (i32)  : i32 {
        %mul3A_981 = arith.constant 86 : i32
        %mul3A_982 = arith.muli %scan3A_979, %mul3A_981 : i32
        %add3A_983 = vector.broadcast %mul3A_982 : i32 to vector<16xi32>
        %add3A_984 = arith.addi %broadcast_in_dim3A, %add3A_983 : vector<16xi32>
        %gather3A = tpu.vector_load_idx %arg4[%add3A_984] : memref<12900xf32, #tpu.memory_space<vmem>>[vector<16xi32>], vector<16xf32>,
        %parallel_loop3A = arith.constant 0 : i32
        %parallel_loop3A_985 = arith.constant 64 : i32
        %parallel_loop3A_986 = arith.constant 1 : i32
        scf.for %parallel_loop3A_988 = %parallel_loop3A to %parallel_loop3A_985 step %parallel_loop3A_986  : i32 {
          %parallel_loop3A_989 = arith.constant 1024 : i32
          %parallel_loop3A_990 = arith.muli %scan3A_979, %parallel_loop3A_989 : i32
          %parallel_loop3A_991 = arith.constant 16 : i32
          %parallel_loop3A_992 = arith.muli %parallel_loop3A_988, %parallel_loop3A_991 : i32
          %parallel_loop3A_993 = arith.addi %parallel_loop3A_990, %parallel_loop3A_992 : i32
          %parallel_loop3A_994 = arith.constant 0 : i32
          %parallel_loop3A_995 = arith.index_cast %parallel_loop3A_994 : i32 to index
          %parallel_loop3A_996 = arith.index_cast %parallel_loop3A_993 : i32 to index
          %parallel_loop3A_997 = tpu.vector_load %arg5[%parallel_loop3A_995, %parallel_loop3A_996] {strides = array<i32>} : memref<2x32768xf32, #tpu.memory_space<vmem>>, vector<16xf32>,
          tpu.vector_store %arg5[%parallel_loop3A_995, %parallel_loop3A_996], %gather3A {strides = array<i32>} : memref<2x32768xf32, #tpu.memory_space<vmem>>, vector<16xf32>,
        } {sc.loop_unroll_factor = 8 : i64, sc.parallel_access}
        %scan3A_987 = arith.constant 0 : i32
        scf.yield %scan3A_987 : i32
      }
      %scan3A_978 = arith.constant 32 : i32
    } else {
    }
    %convert_element_type3A_16 = arith.extui %and3A : i1 to i32
    %cond3A_17 = arith.constant 0 : i32
    %cond3A_18 = arith.cmpi ne, %convert_element_type3A_16, %cond3A_17 : i32
    scf.if %cond3A_18 {
      %scan3A = arith.constant 0 : i32
      %scan3A_973 = arith.constant 0 : i32
      %scan3A_974 = arith.constant 32 : i32
      %scan3A_975 = arith.addi %scan3A_973, %scan3A_974 : i32
      %scan3A_976 = arith.constant 1 : i32
      %scan3A_977 = scf.for %scan3A_993 = %scan3A_973 to %scan3A_975 step %scan3A_976 iter_args(%scan3A_994 = %scan3A) -> (i32)  : i32 {
        %mul3A_995 = arith.constant 86 : i32
        %mul3A_996 = arith.muli %scan3A_993, %mul3A_995 : i32
        %add3A_997 = vector.broadcast %mul3A_996 : i32 to vector<16xi32>
        %add3A_998 = arith.addi %broadcast_in_dim3A, %add3A_997 : vector<16xi32>
        %gather3A = tpu.vector_load_idx %arg4[%add3A_998] : memref<12900xf32, #tpu.memory_space<vmem>>[vector<16xi32>], vector<16xf32>,
        %mul3A_999 = arith.constant 32 : i32
        %mul3A_1000 = arith.muli %scan3A_993, %mul3A_999 : i32
        %swap3A = arith.constant 0 : i32
        %swap3A_1001 = arith.index_cast %swap3A : i32 to index
        %swap3A_1002 = arith.index_cast %mul3A_1000 : i32 to index
        %swap3A_1003 = tpu.vector_load %arg5[%swap3A_1001, %swap3A_1002] {strides = array<i32>} : memref<2x32768xf32, #tpu.memory_space<vmem>>, vector<16xf32>,
        tpu.vector_store %arg5[%swap3A_1001, %swap3A_1002], %gather3A {strides = array<i32>} : memref<2x32768xf32, #tpu.memory_space<vmem>>, vector<16xf32>,
        %mul3A_1004 = arith.constant 32 : i32
        %mul3A_1005 = arith.muli %scan3A_993, %mul3A_1004 : i32
        %add3A_1006 = arith.constant 16 : i32
        %add3A_1007 = arith.addi %mul3A_1005, %add3A_1006 : i32
        %swap3A_1008 = arith.constant 0 : i32
        %swap3A_1009 = arith.index_cast %swap3A_1008 : i32 to index
        %swap3A_1010 = arith.index_cast %add3A_1007 : i32 to index
        %swap3A_1011 = tpu.vector_load %arg5[%swap3A_1009, %swap3A_1010] {strides = array<i32>} : memref<2x32768xf32, #tpu.memory_space<vmem>>, vector<16xf32>,
        tpu.vector_store %arg5[%swap3A_1009, %swap3A_1010], %gather3A {strides = array<i32>} : memref<2x32768xf32, #tpu.memory_space<vmem>>, vector<16xf32>,
        %scan3A_1012 = arith.constant 0 : i32
        scf.yield %scan3A_1012 : i32
      }
      %scan3A_978 = arith.constant 32 : i32
      %parallel_loop3A = arith.constant 0 : i32
      %parallel_loop3A_979 = arith.constant 64 : i32
      %parallel_loop3A_980 = arith.constant 1 : i32
      scf.for %parallel_loop3A_993 = %parallel_loop3A to %parallel_loop3A_979 step %parallel_loop3A_980  : i32 {
        %parallel_loop3A_994 = arith.constant 16 : i32
        %parallel_loop3A_995 = arith.muli %parallel_loop3A_993, %parallel_loop3A_994 : i32
        %parallel_loop3A_996 = arith.constant 0 : i32
        %parallel_loop3A_997 = arith.index_cast %parallel_loop3A_996 : i32 to index
        %parallel_loop3A_998 = arith.index_cast %parallel_loop3A_995 : i32 to index
        %parallel_loop3A_999 = tpu.vector_load %arg5[%parallel_loop3A_997, %parallel_loop3A_998] {strides = array<i32>} : memref<2x32768xf32, #tpu.memory_space<vmem>>, vector<16xf32>,
        %parallel_loop3A_1000 = arith.constant 16 : i32
        %parallel_loop3A_1001 = arith.muli %parallel_loop3A_993, %parallel_loop3A_1000 : i32
        %parallel_loop3A_1002 = arith.constant 1024 : i32
        %parallel_loop3A_1003 = arith.addi %parallel_loop3A_1002, %parallel_loop3A_1001 : i32
        %parallel_loop3A_1004 = arith.constant 0 : i32
        %parallel_loop3A_1005 = arith.index_cast %parallel_loop3A_1004 : i32 to index
        %parallel_loop3A_1006 = arith.index_cast %parallel_loop3A_1003 : i32 to index
        %parallel_loop3A_1007 = tpu.vector_load %arg5[%parallel_loop3A_1005, %parallel_loop3A_1006] {strides = array<i32>} : memref<2x32768xf32, #tpu.memory_space<vmem>>, vector<16xf32>,
        tpu.vector_store %arg5[%parallel_loop3A_1005, %parallel_loop3A_1006], %parallel_loop3A_999 {strides = array<i32>} : memref<2x32768xf32, #tpu.memory_space<vmem>>, vector<16xf32>,
      } {sc.loop_unroll_factor = 8 : i64, sc.parallel_access}
      %parallel_loop3A_981 = arith.constant 0 : i32
      %parallel_loop3A_982 = arith.constant 128 : i32
      %parallel_loop3A_983 = arith.constant 1 : i32
      scf.for %parallel_loop3A_993 = %parallel_loop3A_981 to %parallel_loop3A_982 step %parallel_loop3A_983  : i32 {
        %parallel_loop3A_994 = arith.constant 16 : i32
        %parallel_loop3A_995 = arith.muli %parallel_loop3A_993, %parallel_loop3A_994 : i32
        %parallel_loop3A_996 = arith.constant 0 : i32
        %parallel_loop3A_997 = arith.index_cast %parallel_loop3A_996 : i32 to index
        %parallel_loop3A_998 = arith.index_cast %parallel_loop3A_995 : i32 to index
        %parallel_loop3A_999 = tpu.vector_load %arg5[%parallel_loop3A_997, %parallel_loop3A_998] {strides = array<i32>} : memref<2x32768xf32, #tpu.memory_space<vmem>>, vector<16xf32>,
        %parallel_loop3A_1000 = arith.constant 16 : i32
        %parallel_loop3A_1001 = arith.muli %parallel_loop3A_993, %parallel_loop3A_1000 : i32
        %parallel_loop3A_1002 = arith.constant 2048 : i32
        %parallel_loop3A_1003 = arith.addi %parallel_loop3A_1002, %parallel_loop3A_1001 : i32
        %parallel_loop3A_1004 = arith.constant 0 : i32
        %parallel_loop3A_1005 = arith.index_cast %parallel_loop3A_1004 : i32 to index
        %parallel_loop3A_1006 = arith.index_cast %parallel_loop3A_1003 : i32 to index
        %parallel_loop3A_1007 = tpu.vector_load %arg5[%parallel_loop3A_1005, %parallel_loop3A_1006] {strides = array<i32>} : memref<2x32768xf32, #tpu.memory_space<vmem>>, vector<16xf32>,
        tpu.vector_store %arg5[%parallel_loop3A_1005, %parallel_loop3A_1006], %parallel_loop3A_999 {strides = array<i32>} : memref<2x32768xf32, #tpu.memory_space<vmem>>, vector<16xf32>,
      } {sc.loop_unroll_factor = 8 : i64, sc.parallel_access}
      %parallel_loop3A_984 = arith.constant 0 : i32
      %parallel_loop3A_985 = arith.constant 256 : i32
      %parallel_loop3A_986 = arith.constant 1 : i32
      scf.for %parallel_loop3A_993 = %parallel_loop3A_984 to %parallel_loop3A_985 step %parallel_loop3A_986  : i32 {
        %parallel_loop3A_994 = arith.constant 16 : i32
        %parallel_loop3A_995 = arith.muli %parallel_loop3A_993, %parallel_loop3A_994 : i32
        %parallel_loop3A_996 = arith.constant 0 : i32
        %parallel_loop3A_997 = arith.index_cast %parallel_loop3A_996 : i32 to index
        %parallel_loop3A_998 = arith.index_cast %parallel_loop3A_995 : i32 to index
        %parallel_loop3A_999 = tpu.vector_load %arg5[%parallel_loop3A_997, %parallel_loop3A_998] {strides = array<i32>} : memref<2x32768xf32, #tpu.memory_space<vmem>>, vector<16xf32>,
        %parallel_loop3A_1000 = arith.constant 16 : i32
        %parallel_loop3A_1001 = arith.muli %parallel_loop3A_993, %parallel_loop3A_1000 : i32
        %parallel_loop3A_1002 = arith.constant 4096 : i32
        %parallel_loop3A_1003 = arith.addi %parallel_loop3A_1002, %parallel_loop3A_1001 : i32
        %parallel_loop3A_1004 = arith.constant 0 : i32
        %parallel_loop3A_1005 = arith.index_cast %parallel_loop3A_1004 : i32 to index
        %parallel_loop3A_1006 = arith.index_cast %parallel_loop3A_1003 : i32 to index
        %parallel_loop3A_1007 = tpu.vector_load %arg5[%parallel_loop3A_1005, %parallel_loop3A_1006] {strides = array<i32>} : memref<2x32768xf32, #tpu.memory_space<vmem>>, vector<16xf32>,
        tpu.vector_store %arg5[%parallel_loop3A_1005, %parallel_loop3A_1006], %parallel_loop3A_999 {strides = array<i32>} : memref<2x32768xf32, #tpu.memory_space<vmem>>, vector<16xf32>,
      } {sc.loop_unroll_factor = 8 : i64, sc.parallel_access}
      %parallel_loop3A_987 = arith.constant 0 : i32
      %parallel_loop3A_988 = arith.constant 512 : i32
      %parallel_loop3A_989 = arith.constant 1 : i32
      scf.for %parallel_loop3A_993 = %parallel_loop3A_987 to %parallel_loop3A_988 step %parallel_loop3A_989  : i32 {
        %parallel_loop3A_994 = arith.constant 16 : i32
        %parallel_loop3A_995 = arith.muli %parallel_loop3A_993, %parallel_loop3A_994 : i32
        %parallel_loop3A_996 = arith.constant 0 : i32
        %parallel_loop3A_997 = arith.index_cast %parallel_loop3A_996 : i32 to index
        %parallel_loop3A_998 = arith.index_cast %parallel_loop3A_995 : i32 to index
        %parallel_loop3A_999 = tpu.vector_load %arg5[%parallel_loop3A_997, %parallel_loop3A_998] {strides = array<i32>} : memref<2x32768xf32, #tpu.memory_space<vmem>>, vector<16xf32>,
        %parallel_loop3A_1000 = arith.constant 16 : i32
        %parallel_loop3A_1001 = arith.muli %parallel_loop3A_993, %parallel_loop3A_1000 : i32
        %parallel_loop3A_1002 = arith.constant 8192 : i32
        %parallel_loop3A_1003 = arith.addi %parallel_loop3A_1002, %parallel_loop3A_1001 : i32
        %parallel_loop3A_1004 = arith.constant 0 : i32
        %parallel_loop3A_1005 = arith.index_cast %parallel_loop3A_1004 : i32 to index
        %parallel_loop3A_1006 = arith.index_cast %parallel_loop3A_1003 : i32 to index
        %parallel_loop3A_1007 = tpu.vector_load %arg5[%parallel_loop3A_1005, %parallel_loop3A_1006] {strides = array<i32>} : memref<2x32768xf32, #tpu.memory_space<vmem>>, vector<16xf32>,
        tpu.vector_store %arg5[%parallel_loop3A_1005, %parallel_loop3A_1006], %parallel_loop3A_999 {strides = array<i32>} : memref<2x32768xf32, #tpu.memory_space<vmem>>, vector<16xf32>,
      } {sc.loop_unroll_factor = 8 : i64, sc.parallel_access}
      %parallel_loop3A_990 = arith.constant 0 : i32
      %parallel_loop3A_991 = arith.constant 1024 : i32
      %parallel_loop3A_992 = arith.constant 1 : i32
      scf.for %parallel_loop3A_993 = %parallel_loop3A_990 to %parallel_loop3A_991 step %parallel_loop3A_992  : i32 {
        %parallel_loop3A_994 = arith.constant 16 : i32
        %parallel_loop3A_995 = arith.muli %parallel_loop3A_993, %parallel_loop3A_994 : i32
        %parallel_loop3A_996 = arith.constant 0 : i32
        %parallel_loop3A_997 = arith.index_cast %parallel_loop3A_996 : i32 to index
        %parallel_loop3A_998 = arith.index_cast %parallel_loop3A_995 : i32 to index
        %parallel_loop3A_999 = tpu.vector_load %arg5[%parallel_loop3A_997, %parallel_loop3A_998] {strides = array<i32>} : memref<2x32768xf32, #tpu.memory_space<vmem>>, vector<16xf32>,
        %parallel_loop3A_1000 = arith.constant 16 : i32
        %parallel_loop3A_1001 = arith.muli %parallel_loop3A_993, %parallel_loop3A_1000 : i32
        %parallel_loop3A_1002 = arith.constant 16384 : i32
        %parallel_loop3A_1003 = arith.addi %parallel_loop3A_1002, %parallel_loop3A_1001 : i32
        %parallel_loop3A_1004 = arith.constant 0 : i32
        %parallel_loop3A_1005 = arith.index_cast %parallel_loop3A_1004 : i32 to index
        %parallel_loop3A_1006 = arith.index_cast %parallel_loop3A_1003 : i32 to index
        %parallel_loop3A_1007 = tpu.vector_load %arg5[%parallel_loop3A_1005, %parallel_loop3A_1006] {strides = array<i32>} : memref<2x32768xf32, #tpu.memory_space<vmem>>, vector<16xf32>,
        tpu.vector_store %arg5[%parallel_loop3A_1005, %parallel_loop3A_1006], %parallel_loop3A_999 {strides = array<i32>} : memref<2x32768xf32, #tpu.memory_space<vmem>>, vector<16xf32>,
      } {sc.loop_unroll_factor = 8 : i64, sc.parallel_access}
    } else {
    }
    %not3A = arith.constant true
    %not3A_19 = arith.xori %lt3A_3, %not3A : i1
    %not3A_20 = arith.constant true
    %not3A_21 = arith.xori %and3A, %not3A_20 : i1
    %and3A_22 = arith.andi %not3A_19, %not3A_21 : i1
    %convert_element_type3A_23 = arith.extui %and3A_22 : i1 to i32
    %cond3A_24 = arith.constant 0 : i32
    %cond3A_25 = arith.cmpi ne, %convert_element_type3A_23, %cond3A_24 : i32
    scf.if %cond3A_25 {
      %mul3A_973 = arith.constant 86 : i32
      %mul3A_974 = vector.broadcast %mul3A_973 : i32 to vector<16xi32>
      %mul3A_975 = arith.muli %iota3A, %mul3A_974 : vector<16xi32>
      %add3A_976 = arith.addi %broadcast_in_dim3A, %mul3A_975 : vector<16xi32>
      %gather3A = tpu.vector_load_idx %arg4[%add3A_976] : memref<12900xf32, #tpu.memory_space<vmem>>[vector<16xi32>], vector<16xf32>,
      %add3A_977 = arith.constant 16 : i32
      %add3A_978 = vector.broadcast %add3A_977 : i32 to vector<16xi32>
      %add3A_979 = arith.addi %iota3A, %add3A_978 : vector<16xi32>
      %mul3A_980 = arith.constant 86 : i32
      %mul3A_981 = vector.broadcast %mul3A_980 : i32 to vector<16xi32>
      %mul3A_982 = arith.muli %add3A_979, %mul3A_981 : vector<16xi32>
      %add3A_983 = arith.addi %broadcast_in_dim3A, %mul3A_982 : vector<16xi32>
      %gather3A_984 = tpu.vector_load_idx %arg4[%add3A_983] : memref<12900xf32, #tpu.memory_space<vmem>>[vector<16xi32>], vector<16xf32>,
      %parallel_loop3A = arith.constant 0 : i32
      %parallel_loop3A_985 = arith.constant 1024 : i32
      %parallel_loop3A_986 = arith.constant 1 : i32
      scf.for %parallel_loop3A_987 = %parallel_loop3A to %parallel_loop3A_985 step %parallel_loop3A_986  : i32 {
        %parallel_loop3A_988 = arith.constant 32 : i32
        %parallel_loop3A_989 = arith.muli %parallel_loop3A_987, %parallel_loop3A_988 : i32
        %parallel_loop3A_990 = arith.constant 0 : i32
        %parallel_loop3A_991 = arith.index_cast %parallel_loop3A_990 : i32 to index
        %parallel_loop3A_992 = arith.index_cast %parallel_loop3A_989 : i32 to index
        %parallel_loop3A_993 = tpu.vector_load %arg5[%parallel_loop3A_991, %parallel_loop3A_992] {strides = array<i32>} : memref<2x32768xf32, #tpu.memory_space<vmem>>, vector<16xf32>,
        tpu.vector_store %arg5[%parallel_loop3A_991, %parallel_loop3A_992], %gather3A {strides = array<i32>} : memref<2x32768xf32, #tpu.memory_space<vmem>>, vector<16xf32>,
        %parallel_loop3A_994 = arith.constant 32 : i32
        %parallel_loop3A_995 = arith.muli %parallel_loop3A_987, %parallel_loop3A_994 : i32
        %parallel_loop3A_996 = arith.constant 16 : i32
        %parallel_loop3A_997 = arith.addi %parallel_loop3A_995, %parallel_loop3A_996 : i32
        %parallel_loop3A_998 = arith.constant 0 : i32
        %parallel_loop3A_999 = arith.index_cast %parallel_loop3A_998 : i32 to index
        %parallel_loop3A_1000 = arith.index_cast %parallel_loop3A_997 : i32 to index
        %parallel_loop3A_1001 = tpu.vector_load %arg5[%parallel_loop3A_999, %parallel_loop3A_1000] {strides = array<i32>} : memref<2x32768xf32, #tpu.memory_space<vmem>>, vector<16xf32>,
        tpu.vector_store %arg5[%parallel_loop3A_999, %parallel_loop3A_1000], %gather3A_984 {strides = array<i32>} : memref<2x32768xf32, #tpu.memory_space<vmem>>, vector<16xf32>,
      } {sc.loop_unroll_factor = 8 : i64, sc.parallel_access}
    } else {
    }
    %add3A_26 = arith.constant 0 : i32
    %add3A_27 = arith.addi %add3A_26, %add3A_2 : i32
    %mul3A_28 = arith.constant 32768 : i32
    %mul3A_29 = arith.muli %add3A_27, %mul3A_28 : i32
    %dma_start3A = arith.constant 0 : i32
    %dma_start3A_30 = arith.constant 0 : i32
    %dma_start3A_31 = tpu.memref_slice %arg5[%dma_start3A, %dma_start3A_30] : memref<2x32768xf32, #tpu.memory_space<vmem>> -> memref<1x32768xf32, #tpu.memory_space<vmem>>
    %dma_start3A_32 = tpu.memref_squeeze %dma_start3A_31 : memref<1x32768xf32, #tpu.memory_space<vmem>> -> memref<32768xf32, #tpu.memory_space<vmem>>
    %dma_start3A_33 = tpu.memref_slice %arg3[%mul3A_29] : memref<33554432xf32, #tpu.memory_space<hbm>> -> memref<32768xf32, #tpu.memory_space<hbm>>
    %dma_start3A_34 = tpu.memref_slice %arg3[%mul3A_29] : memref<33554432xf32, #tpu.memory_space<hbm>> -> memref<32768xf32, #tpu.memory_space<hbm>>
    %dma_start3A_35 = arith.constant 0 : i32
    %dma_start3A_36 = tpu.memref_slice %arg5[%dma_start3A, %dma_start3A_35] : memref<2x32768xf32, #tpu.memory_space<vmem>> -> memref<1x32768xf32, #tpu.memory_space<vmem>>
    %dma_start3A_37 = tpu.memref_squeeze %dma_start3A_36 : memref<1x32768xf32, #tpu.memory_space<vmem>> -> memref<32768xf32, #tpu.memory_space<vmem>>
    tpu.enqueue_dma source(%dma_start3A_37 : memref<32768xf32, #tpu.memory_space<vmem>>) target(%dma_start3A_34 : memref<32768xf32, #tpu.memory_space<hbm>>) target_semaphore(%arg6 : memref<!tpu.dma_semaphore, #tpu.memory_space<semaphore_mem>>)
    %add3A_38 = arith.constant 256 : i32
    %add3A_39 = arith.addi %add3A_38, %add3A_2 : i32
    %mul3A_40 = arith.constant 32768 : i32
    %mul3A_41 = arith.muli %add3A_39, %mul3A_40 : i32
    %dma_start3A_42 = arith.constant 0 : i32
    %dma_start3A_43 = arith.constant 0 : i32
    %dma_start3A_44 = tpu.memref_slice %arg5[%dma_start3A_42, %dma_start3A_43] : memref<2x32768xf32, #tpu.memory_space<vmem>> -> memref<1x32768xf32, #tpu.memory_space<vmem>>
    %dma_start3A_45 = tpu.memref_squeeze %dma_start3A_44 : memref<1x32768xf32, #tpu.memory_space<vmem>> -> memref<32768xf32, #tpu.memory_space<vmem>>
    %dma_start3A_46 = tpu.memref_slice %arg3[%mul3A_41] : memref<33554432xf32, #tpu.memory_space<hbm>> -> memref<32768xf32, #tpu.memory_space<hbm>>
    %dma_start3A_47 = tpu.memref_slice %arg3[%mul3A_41] : memref<33554432xf32, #tpu.memory_space<hbm>> -> memref<32768xf32, #tpu.memory_space<hbm>>
    %dma_start3A_48 = arith.constant 0 : i32
    %dma_start3A_49 = tpu.memref_slice %arg5[%dma_start3A_42, %dma_start3A_48] : memref<2x32768xf32, #tpu.memory_space<vmem>> -> memref<1x32768xf32, #tpu.memory_space<vmem>>
    %dma_start3A_50 = tpu.memref_squeeze %dma_start3A_49 : memref<1x32768xf32, #tpu.memory_space<vmem>> -> memref<32768xf32, #tpu.memory_space<vmem>>
    tpu.enqueue_dma source(%dma_start3A_50 : memref<32768xf32, #tpu.memory_space<vmem>>) target(%dma_start3A_47 : memref<32768xf32, #tpu.memory_space<hbm>>) target_semaphore(%arg6 : memref<!tpu.dma_semaphore, #tpu.memory_space<semaphore_mem>>)
    %add3A_51 = arith.constant 512 : i32
    %add3A_52 = arith.addi %add3A_51, %add3A_2 : i32
    %mul3A_53 = arith.constant 32768 : i32
    %mul3A_54 = arith.muli %add3A_52, %mul3A_53 : i32
    %dma_start3A_55 = arith.constant 0 : i32
    %dma_start3A_56 = arith.constant 0 : i32
    %dma_start3A_57 = tpu.memref_slice %arg5[%dma_start3A_55, %dma_start3A_56] : memref<2x32768xf32, #tpu.memory_space<vmem>> -> memref<1x32768xf32, #tpu.memory_space<vmem>>
    %dma_start3A_58 = tpu.memref_squeeze %dma_start3A_57 : memref<1x32768xf32, #tpu.memory_space<vmem>> -> memref<32768xf32, #tpu.memory_space<vmem>>
    %dma_start3A_59 = tpu.memref_slice %arg3[%mul3A_54] : memref<33554432xf32, #tpu.memory_space<hbm>> -> memref<32768xf32, #tpu.memory_space<hbm>>
    %dma_start3A_60 = tpu.memref_slice %arg3[%mul3A_54] : memref<33554432xf32, #tpu.memory_space<hbm>> -> memref<32768xf32, #tpu.memory_space<hbm>>
    %dma_start3A_61 = arith.constant 0 : i32
    %dma_start3A_62 = tpu.memref_slice %arg5[%dma_start3A_55, %dma_start3A_61] : memref<2x32768xf32, #tpu.memory_space<vmem>> -> memref<1x32768xf32, #tpu.memory_space<vmem>>
    %dma_start3A_63 = tpu.memref_squeeze %dma_start3A_62 : memref<1x32768xf32, #tpu.memory_space<vmem>> -> memref<32768xf32, #tpu.memory_space<vmem>>
    tpu.enqueue_dma source(%dma_start3A_63 : memref<32768xf32, #tpu.memory_space<vmem>>) target(%dma_start3A_60 : memref<32768xf32, #tpu.memory_space<hbm>>) target_semaphore(%arg6 : memref<!tpu.dma_semaphore, #tpu.memory_space<semaphore_mem>>)
    %add3A_64 = arith.constant 768 : i32
    %add3A_65 = arith.addi %add3A_64, %add3A_2 : i32
    %mul3A_66 = arith.constant 32768 : i32
    %mul3A_67 = arith.muli %add3A_65, %mul3A_66 : i32
    %dma_start3A_68 = arith.constant 0 : i32
    %dma_start3A_69 = arith.constant 0 : i32
    %dma_start3A_70 = tpu.memref_slice %arg5[%dma_start3A_68, %dma_start3A_69] : memref<2x32768xf32, #tpu.memory_space<vmem>> -> memref<1x32768xf32, #tpu.memory_space<vmem>>
    %dma_start3A_71 = tpu.memref_squeeze %dma_start3A_70 : memref<1x32768xf32, #tpu.memory_space<vmem>> -> memref<32768xf32, #tpu.memory_space<vmem>>
    %dma_start3A_72 = tpu.memref_slice %arg3[%mul3A_67] : memref<33554432xf32, #tpu.memory_space<hbm>> -> memref<32768xf32, #tpu.memory_space<hbm>>
    %dma_start3A_73 = tpu.memref_slice %arg3[%mul3A_67] : memref<33554432xf32, #tpu.memory_space<hbm>> -> memref<32768xf32, #tpu.memory_space<hbm>>
    %dma_start3A_74 = arith.constant 0 : i32
    %dma_start3A_75 = tpu.memref_slice %arg5[%dma_start3A_68, %dma_start3A_74] : memref<2x32768xf32, #tpu.memory_space<vmem>> -> memref<1x32768xf32, #tpu.memory_space<vmem>>
    %dma_start3A_76 = tpu.memref_squeeze %dma_start3A_75 : memref<1x32768xf32, #tpu.memory_space<vmem>> -> memref<32768xf32, #tpu.memory_space<vmem>>
    tpu.enqueue_dma source(%dma_start3A_76 : memref<32768xf32, #tpu.memory_space<vmem>>) target(%dma_start3A_73 : memref<32768xf32, #tpu.memory_space<hbm>>) target_semaphore(%arg6 : memref<!tpu.dma_semaphore, #tpu.memory_space<semaphore_mem>>)
    %add3A_77 = arith.constant 32 : i32
    %add3A_78 = arith.addi %add3A, %add3A_77 : i32
    %lt3A_79 = arith.constant 86 : i32
    %lt3A_80 = arith.cmpi slt, %add3A_78, %lt3A_79 : i32
    %ge3A_81 = arith.constant 86 : i32
    %ge3A_82 = arith.cmpi sge, %add3A_78, %ge3A_81 : i32
    %lt3A_83 = arith.constant 172 : i32
    %lt3A_84 = arith.cmpi slt, %add3A_78, %lt3A_83 : i32
    %and3A_85 = arith.andi %ge3A_82, %lt3A_84 : i1
    %jit3A_86 = arith.constant 1 : i32
    %jit3A_87 = arith.constant 2 : i32
    %select_n3A_88 = arith.select %and3A_85, %jit3A_86, %jit3A_87 : i32
    %jit3A_89 = arith.constant 0 : i32
    %select_n3A_90 = arith.select %lt3A_80, %jit3A_89, %select_n3A_88 : i32
    %mul3A_91 = arith.constant 86 : i32
    %mul3A_92 = arith.muli %select_n3A_90, %mul3A_91 : i32
    %sub3A_93 = arith.subi %add3A_78, %mul3A_92 : i32
    %mul3A_94 = arith.constant 4300 : i32
    %mul3A_95 = arith.muli %select_n3A_90, %mul3A_94 : i32
    %add3A_96 = arith.addi %mul3A_95, %sub3A_93 : i32
    %broadcast_in_dim3A_97 = vector.broadcast %add3A_96 : i32 to vector<16xi32>
    %convert_element_type3A_98 = arith.extui %lt3A_80 : i1 to i32
    %cond3A_99 = arith.constant 0 : i32
    %cond3A_100 = arith.cmpi ne, %convert_element_type3A_98, %cond3A_99 : i32
    scf.if %cond3A_100 {
      %scan3A = arith.constant 0 : i32
      %scan3A_973 = arith.constant 0 : i32
      %scan3A_974 = arith.constant 32 : i32
      %scan3A_975 = arith.addi %scan3A_973, %scan3A_974 : i32
      %scan3A_976 = arith.constant 1 : i32
      %scan3A_977 = scf.for %scan3A_979 = %scan3A_973 to %scan3A_975 step %scan3A_976 iter_args(%scan3A_980 = %scan3A) -> (i32)  : i32 {
        %mul3A_981 = arith.constant 86 : i32
        %mul3A_982 = arith.muli %scan3A_979, %mul3A_981 : i32
        %add3A_983 = vector.broadcast %mul3A_982 : i32 to vector<16xi32>
        %add3A_984 = arith.addi %broadcast_in_dim3A_97, %add3A_983 : vector<16xi32>
        %gather3A = tpu.vector_load_idx %arg4[%add3A_984] : memref<12900xf32, #tpu.memory_space<vmem>>[vector<16xi32>], vector<16xf32>,
        %parallel_loop3A = arith.constant 0 : i32
        %parallel_loop3A_985 = arith.constant 64 : i32
        %parallel_loop3A_986 = arith.constant 1 : i32
        scf.for %parallel_loop3A_988 = %parallel_loop3A to %parallel_loop3A_985 step %parallel_loop3A_986  : i32 {
          %parallel_loop3A_989 = arith.constant 1024 : i32
          %parallel_loop3A_990 = arith.muli %scan3A_979, %parallel_loop3A_989 : i32
          %parallel_loop3A_991 = arith.constant 16 : i32
          %parallel_loop3A_992 = arith.muli %parallel_loop3A_988, %parallel_loop3A_991 : i32
          %parallel_loop3A_993 = arith.addi %parallel_loop3A_990, %parallel_loop3A_992 : i32
          %parallel_loop3A_994 = arith.constant 1 : i32
          %parallel_loop3A_995 = arith.index_cast %parallel_loop3A_994 : i32 to index
          %parallel_loop3A_996 = arith.index_cast %parallel_loop3A_993 : i32 to index
          %parallel_loop3A_997 = tpu.vector_load %arg5[%parallel_loop3A_995, %parallel_loop3A_996] {strides = array<i32>} : memref<2x32768xf32, #tpu.memory_space<vmem>>, vector<16xf32>,
          tpu.vector_store %arg5[%parallel_loop3A_995, %parallel_loop3A_996], %gather3A {strides = array<i32>} : memref<2x32768xf32, #tpu.memory_space<vmem>>, vector<16xf32>,
        } {sc.loop_unroll_factor = 8 : i64, sc.parallel_access}
        %scan3A_987 = arith.constant 0 : i32
        scf.yield %scan3A_987 : i32
      }
      %scan3A_978 = arith.constant 32 : i32
    } else {
    }
    %convert_element_type3A_101 = arith.extui %and3A_85 : i1 to i32
    %cond3A_102 = arith.constant 0 : i32
    %cond3A_103 = arith.cmpi ne, %convert_element_type3A_101, %cond3A_102 : i32
    scf.if %cond3A_103 {
      %scan3A = arith.constant 0 : i32
      %scan3A_973 = arith.constant 0 : i32
      %scan3A_974 = arith.constant 32 : i32
      %scan3A_975 = arith.addi %scan3A_973, %scan3A_974 : i32
      %scan3A_976 = arith.constant 1 : i32
      %scan3A_977 = scf.for %scan3A_993 = %scan3A_973 to %scan3A_975 step %scan3A_976 iter_args(%scan3A_994 = %scan3A) -> (i32)  : i32 {
        %mul3A_995 = arith.constant 86 : i32
        %mul3A_996 = arith.muli %scan3A_993, %mul3A_995 : i32
        %add3A_997 = vector.broadcast %mul3A_996 : i32 to vector<16xi32>
        %add3A_998 = arith.addi %broadcast_in_dim3A_97, %add3A_997 : vector<16xi32>
        %gather3A = tpu.vector_load_idx %arg4[%add3A_998] : memref<12900xf32, #tpu.memory_space<vmem>>[vector<16xi32>], vector<16xf32>,
        %mul3A_999 = arith.constant 32 : i32
        %mul3A_1000 = arith.muli %scan3A_993, %mul3A_999 : i32
        %swap3A = arith.constant 1 : i32
        %swap3A_1001 = arith.index_cast %swap3A : i32 to index
        %swap3A_1002 = arith.index_cast %mul3A_1000 : i32 to index
        %swap3A_1003 = tpu.vector_load %arg5[%swap3A_1001, %swap3A_1002] {strides = array<i32>} : memref<2x32768xf32, #tpu.memory_space<vmem>>, vector<16xf32>,
        tpu.vector_store %arg5[%swap3A_1001, %swap3A_1002], %gather3A {strides = array<i32>} : memref<2x32768xf32, #tpu.memory_space<vmem>>, vector<16xf32>,
        %mul3A_1004 = arith.constant 32 : i32
        %mul3A_1005 = arith.muli %scan3A_993, %mul3A_1004 : i32
        %add3A_1006 = arith.constant 16 : i32
        %add3A_1007 = arith.addi %mul3A_1005, %add3A_1006 : i32
        %swap3A_1008 = arith.constant 1 : i32
        %swap3A_1009 = arith.index_cast %swap3A_1008 : i32 to index
        %swap3A_1010 = arith.index_cast %add3A_1007 : i32 to index
        %swap3A_1011 = tpu.vector_load %arg5[%swap3A_1009, %swap3A_1010] {strides = array<i32>} : memref<2x32768xf32, #tpu.memory_space<vmem>>, vector<16xf32>,
        tpu.vector_store %arg5[%swap3A_1009, %swap3A_1010], %gather3A {strides = array<i32>} : memref<2x32768xf32, #tpu.memory_space<vmem>>, vector<16xf32>,
        %scan3A_1012 = arith.constant 0 : i32
        scf.yield %scan3A_1012 : i32
      }
      %scan3A_978 = arith.constant 32 : i32
      %parallel_loop3A = arith.constant 0 : i32
      %parallel_loop3A_979 = arith.constant 64 : i32
      %parallel_loop3A_980 = arith.constant 1 : i32
      scf.for %parallel_loop3A_993 = %parallel_loop3A to %parallel_loop3A_979 step %parallel_loop3A_980  : i32 {
        %parallel_loop3A_994 = arith.constant 16 : i32
        %parallel_loop3A_995 = arith.muli %parallel_loop3A_993, %parallel_loop3A_994 : i32
        %parallel_loop3A_996 = arith.constant 1 : i32
        %parallel_loop3A_997 = arith.index_cast %parallel_loop3A_996 : i32 to index
        %parallel_loop3A_998 = arith.index_cast %parallel_loop3A_995 : i32 to index
        %parallel_loop3A_999 = tpu.vector_load %arg5[%parallel_loop3A_997, %parallel_loop3A_998] {strides = array<i32>} : memref<2x32768xf32, #tpu.memory_space<vmem>>, vector<16xf32>,
        %parallel_loop3A_1000 = arith.constant 16 : i32
        %parallel_loop3A_1001 = arith.muli %parallel_loop3A_993, %parallel_loop3A_1000 : i32
        %parallel_loop3A_1002 = arith.constant 1024 : i32
        %parallel_loop3A_1003 = arith.addi %parallel_loop3A_1002, %parallel_loop3A_1001 : i32
        %parallel_loop3A_1004 = arith.constant 1 : i32
        %parallel_loop3A_1005 = arith.index_cast %parallel_loop3A_1004 : i32 to index
        %parallel_loop3A_1006 = arith.index_cast %parallel_loop3A_1003 : i32 to index
        %parallel_loop3A_1007 = tpu.vector_load %arg5[%parallel_loop3A_1005, %parallel_loop3A_1006] {strides = array<i32>} : memref<2x32768xf32, #tpu.memory_space<vmem>>, vector<16xf32>,
        tpu.vector_store %arg5[%parallel_loop3A_1005, %parallel_loop3A_1006], %parallel_loop3A_999 {strides = array<i32>} : memref<2x32768xf32, #tpu.memory_space<vmem>>, vector<16xf32>,
      } {sc.loop_unroll_factor = 8 : i64, sc.parallel_access}
      %parallel_loop3A_981 = arith.constant 0 : i32
      %parallel_loop3A_982 = arith.constant 128 : i32
      %parallel_loop3A_983 = arith.constant 1 : i32
      scf.for %parallel_loop3A_993 = %parallel_loop3A_981 to %parallel_loop3A_982 step %parallel_loop3A_983  : i32 {
        %parallel_loop3A_994 = arith.constant 16 : i32
        %parallel_loop3A_995 = arith.muli %parallel_loop3A_993, %parallel_loop3A_994 : i32
        %parallel_loop3A_996 = arith.constant 1 : i32
        %parallel_loop3A_997 = arith.index_cast %parallel_loop3A_996 : i32 to index
        %parallel_loop3A_998 = arith.index_cast %parallel_loop3A_995 : i32 to index
        %parallel_loop3A_999 = tpu.vector_load %arg5[%parallel_loop3A_997, %parallel_loop3A_998] {strides = array<i32>} : memref<2x32768xf32, #tpu.memory_space<vmem>>, vector<16xf32>,
        %parallel_loop3A_1000 = arith.constant 16 : i32
        %parallel_loop3A_1001 = arith.muli %parallel_loop3A_993, %parallel_loop3A_1000 : i32
        %parallel_loop3A_1002 = arith.constant 2048 : i32
        %parallel_loop3A_1003 = arith.addi %parallel_loop3A_1002, %parallel_loop3A_1001 : i32
        %parallel_loop3A_1004 = arith.constant 1 : i32
        %parallel_loop3A_1005 = arith.index_cast %parallel_loop3A_1004 : i32 to index
        %parallel_loop3A_1006 = arith.index_cast %parallel_loop3A_1003 : i32 to index
        %parallel_loop3A_1007 = tpu.vector_load %arg5[%parallel_loop3A_1005, %parallel_loop3A_1006] {strides = array<i32>} : memref<2x32768xf32, #tpu.memory_space<vmem>>, vector<16xf32>,
        tpu.vector_store %arg5[%parallel_loop3A_1005, %parallel_loop3A_1006], %parallel_loop3A_999 {strides = array<i32>} : memref<2x32768xf32, #tpu.memory_space<vmem>>, vector<16xf32>,
      } {sc.loop_unroll_factor = 8 : i64, sc.parallel_access}
      %parallel_loop3A_984 = arith.constant 0 : i32
      %parallel_loop3A_985 = arith.constant 256 : i32
      %parallel_loop3A_986 = arith.constant 1 : i32
      scf.for %parallel_loop3A_993 = %parallel_loop3A_984 to %parallel_loop3A_985 step %parallel_loop3A_986  : i32 {
        %parallel_loop3A_994 = arith.constant 16 : i32
        %parallel_loop3A_995 = arith.muli %parallel_loop3A_993, %parallel_loop3A_994 : i32
        %parallel_loop3A_996 = arith.constant 1 : i32
        %parallel_loop3A_997 = arith.index_cast %parallel_loop3A_996 : i32 to index
        %parallel_loop3A_998 = arith.index_cast %parallel_loop3A_995 : i32 to index
        %parallel_loop3A_999 = tpu.vector_load %arg5[%parallel_loop3A_997, %parallel_loop3A_998] {strides = array<i32>} : memref<2x32768xf32, #tpu.memory_space<vmem>>, vector<16xf32>,
        %parallel_loop3A_1000 = arith.constant 16 : i32
        %parallel_loop3A_1001 = arith.muli %parallel_loop3A_993, %parallel_loop3A_1000 : i32
        %parallel_loop3A_1002 = arith.constant 4096 : i32
        %parallel_loop3A_1003 = arith.addi %parallel_loop3A_1002, %parallel_loop3A_1001 : i32
        %parallel_loop3A_1004 = arith.constant 1 : i32
        %parallel_loop3A_1005 = arith.index_cast %parallel_loop3A_1004 : i32 to index
        %parallel_loop3A_1006 = arith.index_cast %parallel_loop3A_1003 : i32 to index
        %parallel_loop3A_1007 = tpu.vector_load %arg5[%parallel_loop3A_1005, %parallel_loop3A_1006] {strides = array<i32>} : memref<2x32768xf32, #tpu.memory_space<vmem>>, vector<16xf32>,
        tpu.vector_store %arg5[%parallel_loop3A_1005, %parallel_loop3A_1006], %parallel_loop3A_999 {strides = array<i32>} : memref<2x32768xf32, #tpu.memory_space<vmem>>, vector<16xf32>,
      } {sc.loop_unroll_factor = 8 : i64, sc.parallel_access}
      %parallel_loop3A_987 = arith.constant 0 : i32
      %parallel_loop3A_988 = arith.constant 512 : i32
      %parallel_loop3A_989 = arith.constant 1 : i32
      scf.for %parallel_loop3A_993 = %parallel_loop3A_987 to %parallel_loop3A_988 step %parallel_loop3A_989  : i32 {
        %parallel_loop3A_994 = arith.constant 16 : i32
        %parallel_loop3A_995 = arith.muli %parallel_loop3A_993, %parallel_loop3A_994 : i32
        %parallel_loop3A_996 = arith.constant 1 : i32
        %parallel_loop3A_997 = arith.index_cast %parallel_loop3A_996 : i32 to index
        %parallel_loop3A_998 = arith.index_cast %parallel_loop3A_995 : i32 to index
        %parallel_loop3A_999 = tpu.vector_load %arg5[%parallel_loop3A_997, %parallel_loop3A_998] {strides = array<i32>} : memref<2x32768xf32, #tpu.memory_space<vmem>>, vector<16xf32>,
        %parallel_loop3A_1000 = arith.constant 16 : i32
        %parallel_loop3A_1001 = arith.muli %parallel_loop3A_993, %parallel_loop3A_1000 : i32
        %parallel_loop3A_1002 = arith.constant 8192 : i32
        %parallel_loop3A_1003 = arith.addi %parallel_loop3A_1002, %parallel_loop3A_1001 : i32
        %parallel_loop3A_1004 = arith.constant 1 : i32
        %parallel_loop3A_1005 = arith.index_cast %parallel_loop3A_1004 : i32 to index
        %parallel_loop3A_1006 = arith.index_cast %parallel_loop3A_1003 : i32 to index
        %parallel_loop3A_1007 = tpu.vector_load %arg5[%parallel_loop3A_1005, %parallel_loop3A_1006] {strides = array<i32>} : memref<2x32768xf32, #tpu.memory_space<vmem>>, vector<16xf32>,
        tpu.vector_store %arg5[%parallel_loop3A_1005, %parallel_loop3A_1006], %parallel_loop3A_999 {strides = array<i32>} : memref<2x32768xf32, #tpu.memory_space<vmem>>, vector<16xf32>,
      } {sc.loop_unroll_factor = 8 : i64, sc.parallel_access}
      %parallel_loop3A_990 = arith.constant 0 : i32
      %parallel_loop3A_991 = arith.constant 1024 : i32
      %parallel_loop3A_992 = arith.constant 1 : i32
      scf.for %parallel_loop3A_993 = %parallel_loop3A_990 to %parallel_loop3A_991 step %parallel_loop3A_992  : i32 {
        %parallel_loop3A_994 = arith.constant 16 : i32
        %parallel_loop3A_995 = arith.muli %parallel_loop3A_993, %parallel_loop3A_994 : i32
        %parallel_loop3A_996 = arith.constant 1 : i32
        %parallel_loop3A_997 = arith.index_cast %parallel_loop3A_996 : i32 to index
        %parallel_loop3A_998 = arith.index_cast %parallel_loop3A_995 : i32 to index
        %parallel_loop3A_999 = tpu.vector_load %arg5[%parallel_loop3A_997, %parallel_loop3A_998] {strides = array<i32>} : memref<2x32768xf32, #tpu.memory_space<vmem>>, vector<16xf32>,
        %parallel_loop3A_1000 = arith.constant 16 : i32
        %parallel_loop3A_1001 = arith.muli %parallel_loop3A_993, %parallel_loop3A_1000 : i32
        %parallel_loop3A_1002 = arith.constant 16384 : i32
        %parallel_loop3A_1003 = arith.addi %parallel_loop3A_1002, %parallel_loop3A_1001 : i32
        %parallel_loop3A_1004 = arith.constant 1 : i32
        %parallel_loop3A_1005 = arith.index_cast %parallel_loop3A_1004 : i32 to index
        %parallel_loop3A_1006 = arith.index_cast %parallel_loop3A_1003 : i32 to index
        %parallel_loop3A_1007 = tpu.vector_load %arg5[%parallel_loop3A_1005, %parallel_loop3A_1006] {strides = array<i32>} : memref<2x32768xf32, #tpu.memory_space<vmem>>, vector<16xf32>,
        tpu.vector_store %arg5[%parallel_loop3A_1005, %parallel_loop3A_1006], %parallel_loop3A_999 {strides = array<i32>} : memref<2x32768xf32, #tpu.memory_space<vmem>>, vector<16xf32>,
      } {sc.loop_unroll_factor = 8 : i64, sc.parallel_access}
    } else {
    }
    %not3A_104 = arith.constant true
    %not3A_105 = arith.xori %lt3A_80, %not3A_104 : i1
    %not3A_106 = arith.constant true
    %not3A_107 = arith.xori %and3A_85, %not3A_106 : i1
    %and3A_108 = arith.andi %not3A_105, %not3A_107 : i1
    %convert_element_type3A_109 = arith.extui %and3A_108 : i1 to i32
    %cond3A_110 = arith.constant 0 : i32
    %cond3A_111 = arith.cmpi ne, %convert_element_type3A_109, %cond3A_110 : i32
    scf.if %cond3A_111 {
      %mul3A_973 = arith.constant 86 : i32
      %mul3A_974 = vector.broadcast %mul3A_973 : i32 to vector<16xi32>
      %mul3A_975 = arith.muli %iota3A, %mul3A_974 : vector<16xi32>
      %add3A_976 = arith.addi %broadcast_in_dim3A_97, %mul3A_975 : vector<16xi32>
      %gather3A = tpu.vector_load_idx %arg4[%add3A_976] : memref<12900xf32, #tpu.memory_space<vmem>>[vector<16xi32>], vector<16xf32>,
      %add3A_977 = arith.constant 16 : i32
      %add3A_978 = vector.broadcast %add3A_977 : i32 to vector<16xi32>
      %add3A_979 = arith.addi %iota3A, %add3A_978 : vector<16xi32>
      %mul3A_980 = arith.constant 86 : i32
      %mul3A_981 = vector.broadcast %mul3A_980 : i32 to vector<16xi32>
      %mul3A_982 = arith.muli %add3A_979, %mul3A_981 : vector<16xi32>
      %add3A_983 = arith.addi %broadcast_in_dim3A_97, %mul3A_982 : vector<16xi32>
      %gather3A_984 = tpu.vector_load_idx %arg4[%add3A_983] : memref<12900xf32, #tpu.memory_space<vmem>>[vector<16xi32>], vector<16xf32>,
      %parallel_loop3A = arith.constant 0 : i32
      %parallel_loop3A_985 = arith.constant 1024 : i32
      %parallel_loop3A_986 = arith.constant 1 : i32
      scf.for %parallel_loop3A_987 = %parallel_loop3A to %parallel_loop3A_985 step %parallel_loop3A_986  : i32 {
        %parallel_loop3A_988 = arith.constant 32 : i32
        %parallel_loop3A_989 = arith.muli %parallel_loop3A_987, %parallel_loop3A_988 : i32
        %parallel_loop3A_990 = arith.constant 1 : i32
        %parallel_loop3A_991 = arith.index_cast %parallel_loop3A_990 : i32 to index
        %parallel_loop3A_992 = arith.index_cast %parallel_loop3A_989 : i32 to index
        %parallel_loop3A_993 = tpu.vector_load %arg5[%parallel_loop3A_991, %parallel_loop3A_992] {strides = array<i32>} : memref<2x32768xf32, #tpu.memory_space<vmem>>, vector<16xf32>,
        tpu.vector_store %arg5[%parallel_loop3A_991, %parallel_loop3A_992], %gather3A {strides = array<i32>} : memref<2x32768xf32, #tpu.memory_space<vmem>>, vector<16xf32>,
        %parallel_loop3A_994 = arith.constant 32 : i32
        %parallel_loop3A_995 = arith.muli %parallel_loop3A_987, %parallel_loop3A_994 : i32
        %parallel_loop3A_996 = arith.constant 16 : i32
        %parallel_loop3A_997 = arith.addi %parallel_loop3A_995, %parallel_loop3A_996 : i32
        %parallel_loop3A_998 = arith.constant 1 : i32
        %parallel_loop3A_999 = arith.index_cast %parallel_loop3A_998 : i32 to index
        %parallel_loop3A_1000 = arith.index_cast %parallel_loop3A_997 : i32 to index
        %parallel_loop3A_1001 = tpu.vector_load %arg5[%parallel_loop3A_999, %parallel_loop3A_1000] {strides = array<i32>} : memref<2x32768xf32, #tpu.memory_space<vmem>>, vector<16xf32>,
        tpu.vector_store %arg5[%parallel_loop3A_999, %parallel_loop3A_1000], %gather3A_984 {strides = array<i32>} : memref<2x32768xf32, #tpu.memory_space<vmem>>, vector<16xf32>,
      } {sc.loop_unroll_factor = 8 : i64, sc.parallel_access}
    } else {
    }
    %add3A_112 = arith.constant 0 : i32
    %add3A_113 = arith.addi %add3A_112, %add3A_78 : i32
    %mul3A_114 = arith.constant 32768 : i32
    %mul3A_115 = arith.muli %add3A_113, %mul3A_114 : i32
    %dma_start3A_116 = arith.constant 1 : i32
    %dma_start3A_117 = arith.constant 0 : i32
    %dma_start3A_118 = tpu.memref_slice %arg5[%dma_start3A_116, %dma_start3A_117] : memref<2x32768xf32, #tpu.memory_space<vmem>> -> memref<1x32768xf32, #tpu.memory_space<vmem>>
    %dma_start3A_119 = tpu.memref_squeeze %dma_start3A_118 : memref<1x32768xf32, #tpu.memory_space<vmem>> -> memref<32768xf32, #tpu.memory_space<vmem>>
    %dma_start3A_120 = tpu.memref_slice %arg3[%mul3A_115] : memref<33554432xf32, #tpu.memory_space<hbm>> -> memref<32768xf32, #tpu.memory_space<hbm>>
    %dma_start3A_121 = tpu.memref_slice %arg3[%mul3A_115] : memref<33554432xf32, #tpu.memory_space<hbm>> -> memref<32768xf32, #tpu.memory_space<hbm>>
    %dma_start3A_122 = arith.constant 0 : i32
    %dma_start3A_123 = tpu.memref_slice %arg5[%dma_start3A_116, %dma_start3A_122] : memref<2x32768xf32, #tpu.memory_space<vmem>> -> memref<1x32768xf32, #tpu.memory_space<vmem>>
    %dma_start3A_124 = tpu.memref_squeeze %dma_start3A_123 : memref<1x32768xf32, #tpu.memory_space<vmem>> -> memref<32768xf32, #tpu.memory_space<vmem>>
    tpu.enqueue_dma source(%dma_start3A_124 : memref<32768xf32, #tpu.memory_space<vmem>>) target(%dma_start3A_121 : memref<32768xf32, #tpu.memory_space<hbm>>) target_semaphore(%arg7 : memref<!tpu.dma_semaphore, #tpu.memory_space<semaphore_mem>>)
    %add3A_125 = arith.constant 256 : i32
    %add3A_126 = arith.addi %add3A_125, %add3A_78 : i32
    %mul3A_127 = arith.constant 32768 : i32
    %mul3A_128 = arith.muli %add3A_126, %mul3A_127 : i32
    %dma_start3A_129 = arith.constant 1 : i32
    %dma_start3A_130 = arith.constant 0 : i32
    %dma_start3A_131 = tpu.memref_slice %arg5[%dma_start3A_129, %dma_start3A_130] : memref<2x32768xf32, #tpu.memory_space<vmem>> -> memref<1x32768xf32, #tpu.memory_space<vmem>>
    %dma_start3A_132 = tpu.memref_squeeze %dma_start3A_131 : memref<1x32768xf32, #tpu.memory_space<vmem>> -> memref<32768xf32, #tpu.memory_space<vmem>>
    %dma_start3A_133 = tpu.memref_slice %arg3[%mul3A_128] : memref<33554432xf32, #tpu.memory_space<hbm>> -> memref<32768xf32, #tpu.memory_space<hbm>>
    %dma_start3A_134 = tpu.memref_slice %arg3[%mul3A_128] : memref<33554432xf32, #tpu.memory_space<hbm>> -> memref<32768xf32, #tpu.memory_space<hbm>>
    %dma_start3A_135 = arith.constant 0 : i32
    %dma_start3A_136 = tpu.memref_slice %arg5[%dma_start3A_129, %dma_start3A_135] : memref<2x32768xf32, #tpu.memory_space<vmem>> -> memref<1x32768xf32, #tpu.memory_space<vmem>>
    %dma_start3A_137 = tpu.memref_squeeze %dma_start3A_136 : memref<1x32768xf32, #tpu.memory_space<vmem>> -> memref<32768xf32, #tpu.memory_space<vmem>>
    tpu.enqueue_dma source(%dma_start3A_137 : memref<32768xf32, #tpu.memory_space<vmem>>) target(%dma_start3A_134 : memref<32768xf32, #tpu.memory_space<hbm>>) target_semaphore(%arg7 : memref<!tpu.dma_semaphore, #tpu.memory_space<semaphore_mem>>)
    %add3A_138 = arith.constant 512 : i32
    %add3A_139 = arith.addi %add3A_138, %add3A_78 : i32
    %mul3A_140 = arith.constant 32768 : i32
    %mul3A_141 = arith.muli %add3A_139, %mul3A_140 : i32
    %dma_start3A_142 = arith.constant 1 : i32
    %dma_start3A_143 = arith.constant 0 : i32
    %dma_start3A_144 = tpu.memref_slice %arg5[%dma_start3A_142, %dma_start3A_143] : memref<2x32768xf32, #tpu.memory_space<vmem>> -> memref<1x32768xf32, #tpu.memory_space<vmem>>
    %dma_start3A_145 = tpu.memref_squeeze %dma_start3A_144 : memref<1x32768xf32, #tpu.memory_space<vmem>> -> memref<32768xf32, #tpu.memory_space<vmem>>
    %dma_start3A_146 = tpu.memref_slice %arg3[%mul3A_141] : memref<33554432xf32, #tpu.memory_space<hbm>> -> memref<32768xf32, #tpu.memory_space<hbm>>
    %dma_start3A_147 = tpu.memref_slice %arg3[%mul3A_141] : memref<33554432xf32, #tpu.memory_space<hbm>> -> memref<32768xf32, #tpu.memory_space<hbm>>
    %dma_start3A_148 = arith.constant 0 : i32
    %dma_start3A_149 = tpu.memref_slice %arg5[%dma_start3A_142, %dma_start3A_148] : memref<2x32768xf32, #tpu.memory_space<vmem>> -> memref<1x32768xf32, #tpu.memory_space<vmem>>
    %dma_start3A_150 = tpu.memref_squeeze %dma_start3A_149 : memref<1x32768xf32, #tpu.memory_space<vmem>> -> memref<32768xf32, #tpu.memory_space<vmem>>
    tpu.enqueue_dma source(%dma_start3A_150 : memref<32768xf32, #tpu.memory_space<vmem>>) target(%dma_start3A_147 : memref<32768xf32, #tpu.memory_space<hbm>>) target_semaphore(%arg7 : memref<!tpu.dma_semaphore, #tpu.memory_space<semaphore_mem>>)
    %add3A_151 = arith.constant 768 : i32
    %add3A_152 = arith.addi %add3A_151, %add3A_78 : i32
    %mul3A_153 = arith.constant 32768 : i32
    %mul3A_154 = arith.muli %add3A_152, %mul3A_153 : i32
    %dma_start3A_155 = arith.constant 1 : i32
    %dma_start3A_156 = arith.constant 0 : i32
    %dma_start3A_157 = tpu.memref_slice %arg5[%dma_start3A_155, %dma_start3A_156] : memref<2x32768xf32, #tpu.memory_space<vmem>> -> memref<1x32768xf32, #tpu.memory_space<vmem>>
    %dma_start3A_158 = tpu.memref_squeeze %dma_start3A_157 : memref<1x32768xf32, #tpu.memory_space<vmem>> -> memref<32768xf32, #tpu.memory_space<vmem>>
    %dma_start3A_159 = tpu.memref_slice %arg3[%mul3A_154] : memref<33554432xf32, #tpu.memory_space<hbm>> -> memref<32768xf32, #tpu.memory_space<hbm>>
    %dma_start3A_160 = tpu.memref_slice %arg3[%mul3A_154] : memref<33554432xf32, #tpu.memory_space<hbm>> -> memref<32768xf32, #tpu.memory_space<hbm>>
    %dma_start3A_161 = arith.constant 0 : i32
    %dma_start3A_162 = tpu.memref_slice %arg5[%dma_start3A_155, %dma_start3A_161] : memref<2x32768xf32, #tpu.memory_space<vmem>> -> memref<1x32768xf32, #tpu.memory_space<vmem>>
    %dma_start3A_163 = tpu.memref_squeeze %dma_start3A_162 : memref<1x32768xf32, #tpu.memory_space<vmem>> -> memref<32768xf32, #tpu.memory_space<vmem>>
    tpu.enqueue_dma source(%dma_start3A_163 : memref<32768xf32, #tpu.memory_space<vmem>>) target(%dma_start3A_160 : memref<32768xf32, #tpu.memory_space<hbm>>) target_semaphore(%arg7 : memref<!tpu.dma_semaphore, #tpu.memory_space<semaphore_mem>>)
    %add3A_164 = arith.constant 64 : i32
    %add3A_165 = arith.addi %add3A, %add3A_164 : i32
    %dma_wait3A = arith.constant 0 : i32
    %dma_wait3A_166 = arith.constant 0 : i32
    %dma_wait3A_167 = tpu.memref_slice %arg5[%dma_wait3A, %dma_wait3A_166] : memref<2x32768xf32, #tpu.memory_space<vmem>> -> memref<1x32768xf32, #tpu.memory_space<vmem>>
    %dma_wait3A_168 = tpu.memref_squeeze %dma_wait3A_167 : memref<1x32768xf32, #tpu.memory_space<vmem>> -> memref<32768xf32, #tpu.memory_space<vmem>>
    %dma_wait3A_169 = tpu.memref_slice %arg3[%mul3A_29] : memref<33554432xf32, #tpu.memory_space<hbm>> -> memref<32768xf32, #tpu.memory_space<hbm>>
    %dma_wait3A_170 = tpu.memref_slice %arg3[%mul3A_29] : memref<33554432xf32, #tpu.memory_space<hbm>> -> memref<32768xf32, #tpu.memory_space<hbm>>
    %dma_wait3A_171 = arith.constant 0 : i32
    %dma_wait3A_172 = tpu.memref_slice %arg5[%dma_wait3A, %dma_wait3A_171] : memref<2x32768xf32, #tpu.memory_space<vmem>> -> memref<1x32768xf32, #tpu.memory_space<vmem>>
    %dma_wait3A_173 = tpu.memref_squeeze %dma_wait3A_172 : memref<1x32768xf32, #tpu.memory_space<vmem>> -> memref<32768xf32, #tpu.memory_space<vmem>>
    tpu.wait_dma2 semaphore(%arg6 : memref<!tpu.dma_semaphore, #tpu.memory_space<semaphore_mem>>) src(%dma_wait3A_173 : memref<32768xf32, #tpu.memory_space<vmem>>) dst(%dma_wait3A_170 : memref<32768xf32, #tpu.memory_space<hbm>>)
    %dma_wait3A_174 = arith.constant 0 : i32
    %dma_wait3A_175 = arith.constant 0 : i32
    %dma_wait3A_176 = tpu.memref_slice %arg5[%dma_wait3A_174, %dma_wait3A_175] : memref<2x32768xf32, #tpu.memory_space<vmem>> -> memref<1x32768xf32, #tpu.memory_space<vmem>>
    %dma_wait3A_177 = tpu.memref_squeeze %dma_wait3A_176 : memref<1x32768xf32, #tpu.memory_space<vmem>> -> memref<32768xf32, #tpu.memory_space<vmem>>
    %dma_wait3A_178 = tpu.memref_slice %arg3[%mul3A_41] : memref<33554432xf32, #tpu.memory_space<hbm>> -> memref<32768xf32, #tpu.memory_space<hbm>>
    %dma_wait3A_179 = tpu.memref_slice %arg3[%mul3A_41] : memref<33554432xf32, #tpu.memory_space<hbm>> -> memref<32768xf32, #tpu.memory_space<hbm>>
    %dma_wait3A_180 = arith.constant 0 : i32
    %dma_wait3A_181 = tpu.memref_slice %arg5[%dma_wait3A_174, %dma_wait3A_180] : memref<2x32768xf32, #tpu.memory_space<vmem>> -> memref<1x32768xf32, #tpu.memory_space<vmem>>
    %dma_wait3A_182 = tpu.memref_squeeze %dma_wait3A_181 : memref<1x32768xf32, #tpu.memory_space<vmem>> -> memref<32768xf32, #tpu.memory_space<vmem>>
    tpu.wait_dma2 semaphore(%arg6 : memref<!tpu.dma_semaphore, #tpu.memory_space<semaphore_mem>>) src(%dma_wait3A_182 : memref<32768xf32, #tpu.memory_space<vmem>>) dst(%dma_wait3A_179 : memref<32768xf32, #tpu.memory_space<hbm>>)
    %dma_wait3A_183 = arith.constant 0 : i32
    %dma_wait3A_184 = arith.constant 0 : i32
    %dma_wait3A_185 = tpu.memref_slice %arg5[%dma_wait3A_183, %dma_wait3A_184] : memref<2x32768xf32, #tpu.memory_space<vmem>> -> memref<1x32768xf32, #tpu.memory_space<vmem>>
    %dma_wait3A_186 = tpu.memref_squeeze %dma_wait3A_185 : memref<1x32768xf32, #tpu.memory_space<vmem>> -> memref<32768xf32, #tpu.memory_space<vmem>>
    %dma_wait3A_187 = tpu.memref_slice %arg3[%mul3A_54] : memref<33554432xf32, #tpu.memory_space<hbm>> -> memref<32768xf32, #tpu.memory_space<hbm>>
    %dma_wait3A_188 = tpu.memref_slice %arg3[%mul3A_54] : memref<33554432xf32, #tpu.memory_space<hbm>> -> memref<32768xf32, #tpu.memory_space<hbm>>
    %dma_wait3A_189 = arith.constant 0 : i32
    %dma_wait3A_190 = tpu.memref_slice %arg5[%dma_wait3A_183, %dma_wait3A_189] : memref<2x32768xf32, #tpu.memory_space<vmem>> -> memref<1x32768xf32, #tpu.memory_space<vmem>>
    %dma_wait3A_191 = tpu.memref_squeeze %dma_wait3A_190 : memref<1x32768xf32, #tpu.memory_space<vmem>> -> memref<32768xf32, #tpu.memory_space<vmem>>
    tpu.wait_dma2 semaphore(%arg6 : memref<!tpu.dma_semaphore, #tpu.memory_space<semaphore_mem>>) src(%dma_wait3A_191 : memref<32768xf32, #tpu.memory_space<vmem>>) dst(%dma_wait3A_188 : memref<32768xf32, #tpu.memory_space<hbm>>)
    %dma_wait3A_192 = arith.constant 0 : i32
    %dma_wait3A_193 = arith.constant 0 : i32
    %dma_wait3A_194 = tpu.memref_slice %arg5[%dma_wait3A_192, %dma_wait3A_193] : memref<2x32768xf32, #tpu.memory_space<vmem>> -> memref<1x32768xf32, #tpu.memory_space<vmem>>
    %dma_wait3A_195 = tpu.memref_squeeze %dma_wait3A_194 : memref<1x32768xf32, #tpu.memory_space<vmem>> -> memref<32768xf32, #tpu.memory_space<vmem>>
    %dma_wait3A_196 = tpu.memref_slice %arg3[%mul3A_67] : memref<33554432xf32, #tpu.memory_space<hbm>> -> memref<32768xf32, #tpu.memory_space<hbm>>
    %dma_wait3A_197 = tpu.memref_slice %arg3[%mul3A_67] : memref<33554432xf32, #tpu.memory_space<hbm>> -> memref<32768xf32, #tpu.memory_space<hbm>>
    %dma_wait3A_198 = arith.constant 0 : i32
    %dma_wait3A_199 = tpu.memref_slice %arg5[%dma_wait3A_192, %dma_wait3A_198] : memref<2x32768xf32, #tpu.memory_space<vmem>> -> memref<1x32768xf32, #tpu.memory_space<vmem>>
    %dma_wait3A_200 = tpu.memref_squeeze %dma_wait3A_199 : memref<1x32768xf32, #tpu.memory_space<vmem>> -> memref<32768xf32, #tpu.memory_space<vmem>>
    tpu.wait_dma2 semaphore(%arg6 : memref<!tpu.dma_semaphore, #tpu.memory_space<semaphore_mem>>) src(%dma_wait3A_200 : memref<32768xf32, #tpu.memory_space<vmem>>) dst(%dma_wait3A_197 : memref<32768xf32, #tpu.memory_space<hbm>>)
    %lt3A_201 = arith.constant 86 : i32
    %lt3A_202 = arith.cmpi slt, %add3A_165, %lt3A_201 : i32
    %ge3A_203 = arith.constant 86 : i32
    %ge3A_204 = arith.cmpi sge, %add3A_165, %ge3A_203 : i32
    %lt3A_205 = arith.constant 172 : i32
    %lt3A_206 = arith.cmpi slt, %add3A_165, %lt3A_205 : i32
    %and3A_207 = arith.andi %ge3A_204, %lt3A_206 : i1
    %jit3A_208 = arith.constant 1 : i32
    %jit3A_209 = arith.constant 2 : i32
    %select_n3A_210 = arith.select %and3A_207, %jit3A_208, %jit3A_209 : i32
    %jit3A_211 = arith.constant 0 : i32
    %select_n3A_212 = arith.select %lt3A_202, %jit3A_211, %select_n3A_210 : i32
    %mul3A_213 = arith.constant 86 : i32
    %mul3A_214 = arith.muli %select_n3A_212, %mul3A_213 : i32
    %sub3A_215 = arith.subi %add3A_165, %mul3A_214 : i32
    %mul3A_216 = arith.constant 4300 : i32
    %mul3A_217 = arith.muli %select_n3A_212, %mul3A_216 : i32
    %add3A_218 = arith.addi %mul3A_217, %sub3A_215 : i32
    %broadcast_in_dim3A_219 = vector.broadcast %add3A_218 : i32 to vector<16xi32>
    %convert_element_type3A_220 = arith.extui %lt3A_202 : i1 to i32
    %cond3A_221 = arith.constant 0 : i32
    %cond3A_222 = arith.cmpi ne, %convert_element_type3A_220, %cond3A_221 : i32
    scf.if %cond3A_222 {
      %scan3A = arith.constant 0 : i32
      %scan3A_973 = arith.constant 0 : i32
      %scan3A_974 = arith.constant 32 : i32
      %scan3A_975 = arith.addi %scan3A_973, %scan3A_974 : i32
      %scan3A_976 = arith.constant 1 : i32
      %scan3A_977 = scf.for %scan3A_979 = %scan3A_973 to %scan3A_975 step %scan3A_976 iter_args(%scan3A_980 = %scan3A) -> (i32)  : i32 {
        %mul3A_981 = arith.constant 86 : i32
        %mul3A_982 = arith.muli %scan3A_979, %mul3A_981 : i32
        %add3A_983 = vector.broadcast %mul3A_982 : i32 to vector<16xi32>
        %add3A_984 = arith.addi %broadcast_in_dim3A_219, %add3A_983 : vector<16xi32>
        %gather3A = tpu.vector_load_idx %arg4[%add3A_984] : memref<12900xf32, #tpu.memory_space<vmem>>[vector<16xi32>], vector<16xf32>,
        %parallel_loop3A = arith.constant 0 : i32
        %parallel_loop3A_985 = arith.constant 64 : i32
        %parallel_loop3A_986 = arith.constant 1 : i32
        scf.for %parallel_loop3A_988 = %parallel_loop3A to %parallel_loop3A_985 step %parallel_loop3A_986  : i32 {
          %parallel_loop3A_989 = arith.constant 1024 : i32
          %parallel_loop3A_990 = arith.muli %scan3A_979, %parallel_loop3A_989 : i32
          %parallel_loop3A_991 = arith.constant 16 : i32
          %parallel_loop3A_992 = arith.muli %parallel_loop3A_988, %parallel_loop3A_991 : i32
          %parallel_loop3A_993 = arith.addi %parallel_loop3A_990, %parallel_loop3A_992 : i32
          %parallel_loop3A_994 = arith.constant 0 : i32
          %parallel_loop3A_995 = arith.index_cast %parallel_loop3A_994 : i32 to index
          %parallel_loop3A_996 = arith.index_cast %parallel_loop3A_993 : i32 to index
          %parallel_loop3A_997 = tpu.vector_load %arg5[%parallel_loop3A_995, %parallel_loop3A_996] {strides = array<i32>} : memref<2x32768xf32, #tpu.memory_space<vmem>>, vector<16xf32>,
          tpu.vector_store %arg5[%parallel_loop3A_995, %parallel_loop3A_996], %gather3A {strides = array<i32>} : memref<2x32768xf32, #tpu.memory_space<vmem>>, vector<16xf32>,
        } {sc.loop_unroll_factor = 8 : i64, sc.parallel_access}
        %scan3A_987 = arith.constant 0 : i32
        scf.yield %scan3A_987 : i32
      }
      %scan3A_978 = arith.constant 32 : i32
    } else {
    }
    %convert_element_type3A_223 = arith.extui %and3A_207 : i1 to i32
    %cond3A_224 = arith.constant 0 : i32
    %cond3A_225 = arith.cmpi ne, %convert_element_type3A_223, %cond3A_224 : i32
    scf.if %cond3A_225 {
      %scan3A = arith.constant 0 : i32
      %scan3A_973 = arith.constant 0 : i32
      %scan3A_974 = arith.constant 32 : i32
      %scan3A_975 = arith.addi %scan3A_973, %scan3A_974 : i32
      %scan3A_976 = arith.constant 1 : i32
      %scan3A_977 = scf.for %scan3A_993 = %scan3A_973 to %scan3A_975 step %scan3A_976 iter_args(%scan3A_994 = %scan3A) -> (i32)  : i32 {
        %mul3A_995 = arith.constant 86 : i32
        %mul3A_996 = arith.muli %scan3A_993, %mul3A_995 : i32
        %add3A_997 = vector.broadcast %mul3A_996 : i32 to vector<16xi32>
        %add3A_998 = arith.addi %broadcast_in_dim3A_219, %add3A_997 : vector<16xi32>
        %gather3A = tpu.vector_load_idx %arg4[%add3A_998] : memref<12900xf32, #tpu.memory_space<vmem>>[vector<16xi32>], vector<16xf32>,
        %mul3A_999 = arith.constant 32 : i32
        %mul3A_1000 = arith.muli %scan3A_993, %mul3A_999 : i32
        %swap3A = arith.constant 0 : i32
        %swap3A_1001 = arith.index_cast %swap3A : i32 to index
        %swap3A_1002 = arith.index_cast %mul3A_1000 : i32 to index
        %swap3A_1003 = tpu.vector_load %arg5[%swap3A_1001, %swap3A_1002] {strides = array<i32>} : memref<2x32768xf32, #tpu.memory_space<vmem>>, vector<16xf32>,
        tpu.vector_store %arg5[%swap3A_1001, %swap3A_1002], %gather3A {strides = array<i32>} : memref<2x32768xf32, #tpu.memory_space<vmem>>, vector<16xf32>,
        %mul3A_1004 = arith.constant 32 : i32
        %mul3A_1005 = arith.muli %scan3A_993, %mul3A_1004 : i32
        %add3A_1006 = arith.constant 16 : i32
        %add3A_1007 = arith.addi %mul3A_1005, %add3A_1006 : i32
        %swap3A_1008 = arith.constant 0 : i32
        %swap3A_1009 = arith.index_cast %swap3A_1008 : i32 to index
        %swap3A_1010 = arith.index_cast %add3A_1007 : i32 to index
        %swap3A_1011 = tpu.vector_load %arg5[%swap3A_1009, %swap3A_1010] {strides = array<i32>} : memref<2x32768xf32, #tpu.memory_space<vmem>>, vector<16xf32>,
        tpu.vector_store %arg5[%swap3A_1009, %swap3A_1010], %gather3A {strides = array<i32>} : memref<2x32768xf32, #tpu.memory_space<vmem>>, vector<16xf32>,
        %scan3A_1012 = arith.constant 0 : i32
        scf.yield %scan3A_1012 : i32
      }
      %scan3A_978 = arith.constant 32 : i32
      %parallel_loop3A = arith.constant 0 : i32
      %parallel_loop3A_979 = arith.constant 64 : i32
      %parallel_loop3A_980 = arith.constant 1 : i32
      scf.for %parallel_loop3A_993 = %parallel_loop3A to %parallel_loop3A_979 step %parallel_loop3A_980  : i32 {
        %parallel_loop3A_994 = arith.constant 16 : i32
        %parallel_loop3A_995 = arith.muli %parallel_loop3A_993, %parallel_loop3A_994 : i32
        %parallel_loop3A_996 = arith.constant 0 : i32
        %parallel_loop3A_997 = arith.index_cast %parallel_loop3A_996 : i32 to index
        %parallel_loop3A_998 = arith.index_cast %parallel_loop3A_995 : i32 to index
        %parallel_loop3A_999 = tpu.vector_load %arg5[%parallel_loop3A_997, %parallel_loop3A_998] {strides = array<i32>} : memref<2x32768xf32, #tpu.memory_space<vmem>>, vector<16xf32>,
        %parallel_loop3A_1000 = arith.constant 16 : i32
        %parallel_loop3A_1001 = arith.muli %parallel_loop3A_993, %parallel_loop3A_1000 : i32
        %parallel_loop3A_1002 = arith.constant 1024 : i32
        %parallel_loop3A_1003 = arith.addi %parallel_loop3A_1002, %parallel_loop3A_1001 : i32
        %parallel_loop3A_1004 = arith.constant 0 : i32
        %parallel_loop3A_1005 = arith.index_cast %parallel_loop3A_1004 : i32 to index
        %parallel_loop3A_1006 = arith.index_cast %parallel_loop3A_1003 : i32 to index
        %parallel_loop3A_1007 = tpu.vector_load %arg5[%parallel_loop3A_1005, %parallel_loop3A_1006] {strides = array<i32>} : memref<2x32768xf32, #tpu.memory_space<vmem>>, vector<16xf32>,
        tpu.vector_store %arg5[%parallel_loop3A_1005, %parallel_loop3A_1006], %parallel_loop3A_999 {strides = array<i32>} : memref<2x32768xf32, #tpu.memory_space<vmem>>, vector<16xf32>,
      } {sc.loop_unroll_factor = 8 : i64, sc.parallel_access}
      %parallel_loop3A_981 = arith.constant 0 : i32
      %parallel_loop3A_982 = arith.constant 128 : i32
      %parallel_loop3A_983 = arith.constant 1 : i32
      scf.for %parallel_loop3A_993 = %parallel_loop3A_981 to %parallel_loop3A_982 step %parallel_loop3A_983  : i32 {
        %parallel_loop3A_994 = arith.constant 16 : i32
        %parallel_loop3A_995 = arith.muli %parallel_loop3A_993, %parallel_loop3A_994 : i32
        %parallel_loop3A_996 = arith.constant 0 : i32
        %parallel_loop3A_997 = arith.index_cast %parallel_loop3A_996 : i32 to index
        %parallel_loop3A_998 = arith.index_cast %parallel_loop3A_995 : i32 to index
        %parallel_loop3A_999 = tpu.vector_load %arg5[%parallel_loop3A_997, %parallel_loop3A_998] {strides = array<i32>} : memref<2x32768xf32, #tpu.memory_space<vmem>>, vector<16xf32>,
        %parallel_loop3A_1000 = arith.constant 16 : i32
        %parallel_loop3A_1001 = arith.muli %parallel_loop3A_993, %parallel_loop3A_1000 : i32
        %parallel_loop3A_1002 = arith.constant 2048 : i32
        %parallel_loop3A_1003 = arith.addi %parallel_loop3A_1002, %parallel_loop3A_1001 : i32
        %parallel_loop3A_1004 = arith.constant 0 : i32
        %parallel_loop3A_1005 = arith.index_cast %parallel_loop3A_1004 : i32 to index
        %parallel_loop3A_1006 = arith.index_cast %parallel_loop3A_1003 : i32 to index
        %parallel_loop3A_1007 = tpu.vector_load %arg5[%parallel_loop3A_1005, %parallel_loop3A_1006] {strides = array<i32>} : memref<2x32768xf32, #tpu.memory_space<vmem>>, vector<16xf32>,
        tpu.vector_store %arg5[%parallel_loop3A_1005, %parallel_loop3A_1006], %parallel_loop3A_999 {strides = array<i32>} : memref<2x32768xf32, #tpu.memory_space<vmem>>, vector<16xf32>,
      } {sc.loop_unroll_factor = 8 : i64, sc.parallel_access}
      %parallel_loop3A_984 = arith.constant 0 : i32
      %parallel_loop3A_985 = arith.constant 256 : i32
      %parallel_loop3A_986 = arith.constant 1 : i32
      scf.for %parallel_loop3A_993 = %parallel_loop3A_984 to %parallel_loop3A_985 step %parallel_loop3A_986  : i32 {
        %parallel_loop3A_994 = arith.constant 16 : i32
        %parallel_loop3A_995 = arith.muli %parallel_loop3A_993, %parallel_loop3A_994 : i32
        %parallel_loop3A_996 = arith.constant 0 : i32
        %parallel_loop3A_997 = arith.index_cast %parallel_loop3A_996 : i32 to index
        %parallel_loop3A_998 = arith.index_cast %parallel_loop3A_995 : i32 to index
        %parallel_loop3A_999 = tpu.vector_load %arg5[%parallel_loop3A_997, %parallel_loop3A_998] {strides = array<i32>} : memref<2x32768xf32, #tpu.memory_space<vmem>>, vector<16xf32>,
        %parallel_loop3A_1000 = arith.constant 16 : i32
        %parallel_loop3A_1001 = arith.muli %parallel_loop3A_993, %parallel_loop3A_1000 : i32
        %parallel_loop3A_1002 = arith.constant 4096 : i32
        %parallel_loop3A_1003 = arith.addi %parallel_loop3A_1002, %parallel_loop3A_1001 : i32
        %parallel_loop3A_1004 = arith.constant 0 : i32
        %parallel_loop3A_1005 = arith.index_cast %parallel_loop3A_1004 : i32 to index
        %parallel_loop3A_1006 = arith.index_cast %parallel_loop3A_1003 : i32 to index
        %parallel_loop3A_1007 = tpu.vector_load %arg5[%parallel_loop3A_1005, %parallel_loop3A_1006] {strides = array<i32>} : memref<2x32768xf32, #tpu.memory_space<vmem>>, vector<16xf32>,
        tpu.vector_store %arg5[%parallel_loop3A_1005, %parallel_loop3A_1006], %parallel_loop3A_999 {strides = array<i32>} : memref<2x32768xf32, #tpu.memory_space<vmem>>, vector<16xf32>,
      } {sc.loop_unroll_factor = 8 : i64, sc.parallel_access}
      %parallel_loop3A_987 = arith.constant 0 : i32
      %parallel_loop3A_988 = arith.constant 512 : i32
      %parallel_loop3A_989 = arith.constant 1 : i32
      scf.for %parallel_loop3A_993 = %parallel_loop3A_987 to %parallel_loop3A_988 step %parallel_loop3A_989  : i32 {
        %parallel_loop3A_994 = arith.constant 16 : i32
        %parallel_loop3A_995 = arith.muli %parallel_loop3A_993, %parallel_loop3A_994 : i32
        %parallel_loop3A_996 = arith.constant 0 : i32
        %parallel_loop3A_997 = arith.index_cast %parallel_loop3A_996 : i32 to index
        %parallel_loop3A_998 = arith.index_cast %parallel_loop3A_995 : i32 to index
        %parallel_loop3A_999 = tpu.vector_load %arg5[%parallel_loop3A_997, %parallel_loop3A_998] {strides = array<i32>} : memref<2x32768xf32, #tpu.memory_space<vmem>>, vector<16xf32>,
        %parallel_loop3A_1000 = arith.constant 16 : i32
        %parallel_loop3A_1001 = arith.muli %parallel_loop3A_993, %parallel_loop3A_1000 : i32
        %parallel_loop3A_1002 = arith.constant 8192 : i32
        %parallel_loop3A_1003 = arith.addi %parallel_loop3A_1002, %parallel_loop3A_1001 : i32
        %parallel_loop3A_1004 = arith.constant 0 : i32
        %parallel_loop3A_1005 = arith.index_cast %parallel_loop3A_1004 : i32 to index
        %parallel_loop3A_1006 = arith.index_cast %parallel_loop3A_1003 : i32 to index
        %parallel_loop3A_1007 = tpu.vector_load %arg5[%parallel_loop3A_1005, %parallel_loop3A_1006] {strides = array<i32>} : memref<2x32768xf32, #tpu.memory_space<vmem>>, vector<16xf32>,
        tpu.vector_store %arg5[%parallel_loop3A_1005, %parallel_loop3A_1006], %parallel_loop3A_999 {strides = array<i32>} : memref<2x32768xf32, #tpu.memory_space<vmem>>, vector<16xf32>,
      } {sc.loop_unroll_factor = 8 : i64, sc.parallel_access}
      %parallel_loop3A_990 = arith.constant 0 : i32
      %parallel_loop3A_991 = arith.constant 1024 : i32
      %parallel_loop3A_992 = arith.constant 1 : i32
      scf.for %parallel_loop3A_993 = %parallel_loop3A_990 to %parallel_loop3A_991 step %parallel_loop3A_992  : i32 {
        %parallel_loop3A_994 = arith.constant 16 : i32
        %parallel_loop3A_995 = arith.muli %parallel_loop3A_993, %parallel_loop3A_994 : i32
        %parallel_loop3A_996 = arith.constant 0 : i32
        %parallel_loop3A_997 = arith.index_cast %parallel_loop3A_996 : i32 to index
        %parallel_loop3A_998 = arith.index_cast %parallel_loop3A_995 : i32 to index
        %parallel_loop3A_999 = tpu.vector_load %arg5[%parallel_loop3A_997, %parallel_loop3A_998] {strides = array<i32>} : memref<2x32768xf32, #tpu.memory_space<vmem>>, vector<16xf32>,
        %parallel_loop3A_1000 = arith.constant 16 : i32
        %parallel_loop3A_1001 = arith.muli %parallel_loop3A_993, %parallel_loop3A_1000 : i32
        %parallel_loop3A_1002 = arith.constant 16384 : i32
        %parallel_loop3A_1003 = arith.addi %parallel_loop3A_1002, %parallel_loop3A_1001 : i32
        %parallel_loop3A_1004 = arith.constant 0 : i32
        %parallel_loop3A_1005 = arith.index_cast %parallel_loop3A_1004 : i32 to index
        %parallel_loop3A_1006 = arith.index_cast %parallel_loop3A_1003 : i32 to index
        %parallel_loop3A_1007 = tpu.vector_load %arg5[%parallel_loop3A_1005, %parallel_loop3A_1006] {strides = array<i32>} : memref<2x32768xf32, #tpu.memory_space<vmem>>, vector<16xf32>,
        tpu.vector_store %arg5[%parallel_loop3A_1005, %parallel_loop3A_1006], %parallel_loop3A_999 {strides = array<i32>} : memref<2x32768xf32, #tpu.memory_space<vmem>>, vector<16xf32>,
      } {sc.loop_unroll_factor = 8 : i64, sc.parallel_access}
    } else {
    }
    %not3A_226 = arith.constant true
    %not3A_227 = arith.xori %lt3A_202, %not3A_226 : i1
    %not3A_228 = arith.constant true
    %not3A_229 = arith.xori %and3A_207, %not3A_228 : i1
    %and3A_230 = arith.andi %not3A_227, %not3A_229 : i1
    %convert_element_type3A_231 = arith.extui %and3A_230 : i1 to i32
    %cond3A_232 = arith.constant 0 : i32
    %cond3A_233 = arith.cmpi ne, %convert_element_type3A_231, %cond3A_232 : i32
    scf.if %cond3A_233 {
      %mul3A_973 = arith.constant 86 : i32
      %mul3A_974 = vector.broadcast %mul3A_973 : i32 to vector<16xi32>
      %mul3A_975 = arith.muli %iota3A, %mul3A_974 : vector<16xi32>
      %add3A_976 = arith.addi %broadcast_in_dim3A_219, %mul3A_975 : vector<16xi32>
      %gather3A = tpu.vector_load_idx %arg4[%add3A_976] : memref<12900xf32, #tpu.memory_space<vmem>>[vector<16xi32>], vector<16xf32>,
      %add3A_977 = arith.constant 16 : i32
      %add3A_978 = vector.broadcast %add3A_977 : i32 to vector<16xi32>
      %add3A_979 = arith.addi %iota3A, %add3A_978 : vector<16xi32>
      %mul3A_980 = arith.constant 86 : i32
      %mul3A_981 = vector.broadcast %mul3A_980 : i32 to vector<16xi32>
      %mul3A_982 = arith.muli %add3A_979, %mul3A_981 : vector<16xi32>
      %add3A_983 = arith.addi %broadcast_in_dim3A_219, %mul3A_982 : vector<16xi32>
      %gather3A_984 = tpu.vector_load_idx %arg4[%add3A_983] : memref<12900xf32, #tpu.memory_space<vmem>>[vector<16xi32>], vector<16xf32>,
      %parallel_loop3A = arith.constant 0 : i32
      %parallel_loop3A_985 = arith.constant 1024 : i32
      %parallel_loop3A_986 = arith.constant 1 : i32
      scf.for %parallel_loop3A_987 = %parallel_loop3A to %parallel_loop3A_985 step %parallel_loop3A_986  : i32 {
        %parallel_loop3A_988 = arith.constant 32 : i32
        %parallel_loop3A_989 = arith.muli %parallel_loop3A_987, %parallel_loop3A_988 : i32
        %parallel_loop3A_990 = arith.constant 0 : i32
        %parallel_loop3A_991 = arith.index_cast %parallel_loop3A_990 : i32 to index
        %parallel_loop3A_992 = arith.index_cast %parallel_loop3A_989 : i32 to index
        %parallel_loop3A_993 = tpu.vector_load %arg5[%parallel_loop3A_991, %parallel_loop3A_992] {strides = array<i32>} : memref<2x32768xf32, #tpu.memory_space<vmem>>, vector<16xf32>,
        tpu.vector_store %arg5[%parallel_loop3A_991, %parallel_loop3A_992], %gather3A {strides = array<i32>} : memref<2x32768xf32, #tpu.memory_space<vmem>>, vector<16xf32>,
        %parallel_loop3A_994 = arith.constant 32 : i32
        %parallel_loop3A_995 = arith.muli %parallel_loop3A_987, %parallel_loop3A_994 : i32
        %parallel_loop3A_996 = arith.constant 16 : i32
        %parallel_loop3A_997 = arith.addi %parallel_loop3A_995, %parallel_loop3A_996 : i32
        %parallel_loop3A_998 = arith.constant 0 : i32
        %parallel_loop3A_999 = arith.index_cast %parallel_loop3A_998 : i32 to index
        %parallel_loop3A_1000 = arith.index_cast %parallel_loop3A_997 : i32 to index
        %parallel_loop3A_1001 = tpu.vector_load %arg5[%parallel_loop3A_999, %parallel_loop3A_1000] {strides = array<i32>} : memref<2x32768xf32, #tpu.memory_space<vmem>>, vector<16xf32>,
        tpu.vector_store %arg5[%parallel_loop3A_999, %parallel_loop3A_1000], %gather3A_984 {strides = array<i32>} : memref<2x32768xf32, #tpu.memory_space<vmem>>, vector<16xf32>,
      } {sc.loop_unroll_factor = 8 : i64, sc.parallel_access}
    } else {
    }
    %add3A_234 = arith.constant 0 : i32
    %add3A_235 = arith.addi %add3A_234, %add3A_165 : i32
    %mul3A_236 = arith.constant 32768 : i32
    %mul3A_237 = arith.muli %add3A_235, %mul3A_236 : i32
    %dma_start3A_238 = arith.constant 0 : i32
    %dma_start3A_239 = arith.constant 0 : i32
    %dma_start3A_240 = tpu.memref_slice %arg5[%dma_start3A_238, %dma_start3A_239] : memref<2x32768xf32, #tpu.memory_space<vmem>> -> memref<1x32768xf32, #tpu.memory_space<vmem>>
    %dma_start3A_241 = tpu.memref_squeeze %dma_start3A_240 : memref<1x32768xf32, #tpu.memory_space<vmem>> -> memref<32768xf32, #tpu.memory_space<vmem>>
    %dma_start3A_242 = tpu.memref_slice %arg3[%mul3A_237] : memref<33554432xf32, #tpu.memory_space<hbm>> -> memref<32768xf32, #tpu.memory_space<hbm>>
    %dma_start3A_243 = tpu.memref_slice %arg3[%mul3A_237] : memref<33554432xf32, #tpu.memory_space<hbm>> -> memref<32768xf32, #tpu.memory_space<hbm>>
    %dma_start3A_244 = arith.constant 0 : i32
    %dma_start3A_245 = tpu.memref_slice %arg5[%dma_start3A_238, %dma_start3A_244] : memref<2x32768xf32, #tpu.memory_space<vmem>> -> memref<1x32768xf32, #tpu.memory_space<vmem>>
    %dma_start3A_246 = tpu.memref_squeeze %dma_start3A_245 : memref<1x32768xf32, #tpu.memory_space<vmem>> -> memref<32768xf32, #tpu.memory_space<vmem>>
    tpu.enqueue_dma source(%dma_start3A_246 : memref<32768xf32, #tpu.memory_space<vmem>>) target(%dma_start3A_243 : memref<32768xf32, #tpu.memory_space<hbm>>) target_semaphore(%arg6 : memref<!tpu.dma_semaphore, #tpu.memory_space<semaphore_mem>>)
    %add3A_247 = arith.constant 256 : i32
    %add3A_248 = arith.addi %add3A_247, %add3A_165 : i32
    %mul3A_249 = arith.constant 32768 : i32
    %mul3A_250 = arith.muli %add3A_248, %mul3A_249 : i32
    %dma_start3A_251 = arith.constant 0 : i32
    %dma_start3A_252 = arith.constant 0 : i32
    %dma_start3A_253 = tpu.memref_slice %arg5[%dma_start3A_251, %dma_start3A_252] : memref<2x32768xf32, #tpu.memory_space<vmem>> -> memref<1x32768xf32, #tpu.memory_space<vmem>>
    %dma_start3A_254 = tpu.memref_squeeze %dma_start3A_253 : memref<1x32768xf32, #tpu.memory_space<vmem>> -> memref<32768xf32, #tpu.memory_space<vmem>>
    %dma_start3A_255 = tpu.memref_slice %arg3[%mul3A_250] : memref<33554432xf32, #tpu.memory_space<hbm>> -> memref<32768xf32, #tpu.memory_space<hbm>>
    %dma_start3A_256 = tpu.memref_slice %arg3[%mul3A_250] : memref<33554432xf32, #tpu.memory_space<hbm>> -> memref<32768xf32, #tpu.memory_space<hbm>>
    %dma_start3A_257 = arith.constant 0 : i32
    %dma_start3A_258 = tpu.memref_slice %arg5[%dma_start3A_251, %dma_start3A_257] : memref<2x32768xf32, #tpu.memory_space<vmem>> -> memref<1x32768xf32, #tpu.memory_space<vmem>>
    %dma_start3A_259 = tpu.memref_squeeze %dma_start3A_258 : memref<1x32768xf32, #tpu.memory_space<vmem>> -> memref<32768xf32, #tpu.memory_space<vmem>>
    tpu.enqueue_dma source(%dma_start3A_259 : memref<32768xf32, #tpu.memory_space<vmem>>) target(%dma_start3A_256 : memref<32768xf32, #tpu.memory_space<hbm>>) target_semaphore(%arg6 : memref<!tpu.dma_semaphore, #tpu.memory_space<semaphore_mem>>)
    %add3A_260 = arith.constant 512 : i32
    %add3A_261 = arith.addi %add3A_260, %add3A_165 : i32
    %mul3A_262 = arith.constant 32768 : i32
    %mul3A_263 = arith.muli %add3A_261, %mul3A_262 : i32
    %dma_start3A_264 = arith.constant 0 : i32
    %dma_start3A_265 = arith.constant 0 : i32
    %dma_start3A_266 = tpu.memref_slice %arg5[%dma_start3A_264, %dma_start3A_265] : memref<2x32768xf32, #tpu.memory_space<vmem>> -> memref<1x32768xf32, #tpu.memory_space<vmem>>
    %dma_start3A_267 = tpu.memref_squeeze %dma_start3A_266 : memref<1x32768xf32, #tpu.memory_space<vmem>> -> memref<32768xf32, #tpu.memory_space<vmem>>
    %dma_start3A_268 = tpu.memref_slice %arg3[%mul3A_263] : memref<33554432xf32, #tpu.memory_space<hbm>> -> memref<32768xf32, #tpu.memory_space<hbm>>
    %dma_start3A_269 = tpu.memref_slice %arg3[%mul3A_263] : memref<33554432xf32, #tpu.memory_space<hbm>> -> memref<32768xf32, #tpu.memory_space<hbm>>
    %dma_start3A_270 = arith.constant 0 : i32
    %dma_start3A_271 = tpu.memref_slice %arg5[%dma_start3A_264, %dma_start3A_270] : memref<2x32768xf32, #tpu.memory_space<vmem>> -> memref<1x32768xf32, #tpu.memory_space<vmem>>
    %dma_start3A_272 = tpu.memref_squeeze %dma_start3A_271 : memref<1x32768xf32, #tpu.memory_space<vmem>> -> memref<32768xf32, #tpu.memory_space<vmem>>
    tpu.enqueue_dma source(%dma_start3A_272 : memref<32768xf32, #tpu.memory_space<vmem>>) target(%dma_start3A_269 : memref<32768xf32, #tpu.memory_space<hbm>>) target_semaphore(%arg6 : memref<!tpu.dma_semaphore, #tpu.memory_space<semaphore_mem>>)
    %add3A_273 = arith.constant 768 : i32
    %add3A_274 = arith.addi %add3A_273, %add3A_165 : i32
    %mul3A_275 = arith.constant 32768 : i32
    %mul3A_276 = arith.muli %add3A_274, %mul3A_275 : i32
    %dma_start3A_277 = arith.constant 0 : i32
    %dma_start3A_278 = arith.constant 0 : i32
    %dma_start3A_279 = tpu.memref_slice %arg5[%dma_start3A_277, %dma_start3A_278] : memref<2x32768xf32, #tpu.memory_space<vmem>> -> memref<1x32768xf32, #tpu.memory_space<vmem>>
    %dma_start3A_280 = tpu.memref_squeeze %dma_start3A_279 : memref<1x32768xf32, #tpu.memory_space<vmem>> -> memref<32768xf32, #tpu.memory_space<vmem>>
    %dma_start3A_281 = tpu.memref_slice %arg3[%mul3A_276] : memref<33554432xf32, #tpu.memory_space<hbm>> -> memref<32768xf32, #tpu.memory_space<hbm>>
    %dma_start3A_282 = tpu.memref_slice %arg3[%mul3A_276] : memref<33554432xf32, #tpu.memory_space<hbm>> -> memref<32768xf32, #tpu.memory_space<hbm>>
    %dma_start3A_283 = arith.constant 0 : i32
    %dma_start3A_284 = tpu.memref_slice %arg5[%dma_start3A_277, %dma_start3A_283] : memref<2x32768xf32, #tpu.memory_space<vmem>> -> memref<1x32768xf32, #tpu.memory_space<vmem>>
    %dma_start3A_285 = tpu.memref_squeeze %dma_start3A_284 : memref<1x32768xf32, #tpu.memory_space<vmem>> -> memref<32768xf32, #tpu.memory_space<vmem>>
    tpu.enqueue_dma source(%dma_start3A_285 : memref<32768xf32, #tpu.memory_space<vmem>>) target(%dma_start3A_282 : memref<32768xf32, #tpu.memory_space<hbm>>) target_semaphore(%arg6 : memref<!tpu.dma_semaphore, #tpu.memory_space<semaphore_mem>>)
    %add3A_286 = arith.constant 96 : i32
    %add3A_287 = arith.addi %add3A, %add3A_286 : i32
    %dma_wait3A_288 = arith.constant 1 : i32
    %dma_wait3A_289 = arith.constant 0 : i32
    %dma_wait3A_290 = tpu.memref_slice %arg5[%dma_wait3A_288, %dma_wait3A_289] : memref<2x32768xf32, #tpu.memory_space<vmem>> -> memref<1x32768xf32, #tpu.memory_space<vmem>>
    %dma_wait3A_291 = tpu.memref_squeeze %dma_wait3A_290 : memref<1x32768xf32, #tpu.memory_space<vmem>> -> memref<32768xf32, #tpu.memory_space<vmem>>
    %dma_wait3A_292 = tpu.memref_slice %arg3[%mul3A_115] : memref<33554432xf32, #tpu.memory_space<hbm>> -> memref<32768xf32, #tpu.memory_space<hbm>>
    %dma_wait3A_293 = tpu.memref_slice %arg3[%mul3A_115] : memref<33554432xf32, #tpu.memory_space<hbm>> -> memref<32768xf32, #tpu.memory_space<hbm>>
    %dma_wait3A_294 = arith.constant 0 : i32
    %dma_wait3A_295 = tpu.memref_slice %arg5[%dma_wait3A_288, %dma_wait3A_294] : memref<2x32768xf32, #tpu.memory_space<vmem>> -> memref<1x32768xf32, #tpu.memory_space<vmem>>
    %dma_wait3A_296 = tpu.memref_squeeze %dma_wait3A_295 : memref<1x32768xf32, #tpu.memory_space<vmem>> -> memref<32768xf32, #tpu.memory_space<vmem>>
    tpu.wait_dma2 semaphore(%arg7 : memref<!tpu.dma_semaphore, #tpu.memory_space<semaphore_mem>>) src(%dma_wait3A_296 : memref<32768xf32, #tpu.memory_space<vmem>>) dst(%dma_wait3A_293 : memref<32768xf32, #tpu.memory_space<hbm>>)
    %dma_wait3A_297 = arith.constant 1 : i32
    %dma_wait3A_298 = arith.constant 0 : i32
    %dma_wait3A_299 = tpu.memref_slice %arg5[%dma_wait3A_297, %dma_wait3A_298] : memref<2x32768xf32, #tpu.memory_space<vmem>> -> memref<1x32768xf32, #tpu.memory_space<vmem>>
    %dma_wait3A_300 = tpu.memref_squeeze %dma_wait3A_299 : memref<1x32768xf32, #tpu.memory_space<vmem>> -> memref<32768xf32, #tpu.memory_space<vmem>>
    %dma_wait3A_301 = tpu.memref_slice %arg3[%mul3A_128] : memref<33554432xf32, #tpu.memory_space<hbm>> -> memref<32768xf32, #tpu.memory_space<hbm>>
    %dma_wait3A_302 = tpu.memref_slice %arg3[%mul3A_128] : memref<33554432xf32, #tpu.memory_space<hbm>> -> memref<32768xf32, #tpu.memory_space<hbm>>
    %dma_wait3A_303 = arith.constant 0 : i32
    %dma_wait3A_304 = tpu.memref_slice %arg5[%dma_wait3A_297, %dma_wait3A_303] : memref<2x32768xf32, #tpu.memory_space<vmem>> -> memref<1x32768xf32, #tpu.memory_space<vmem>>
    %dma_wait3A_305 = tpu.memref_squeeze %dma_wait3A_304 : memref<1x32768xf32, #tpu.memory_space<vmem>> -> memref<32768xf32, #tpu.memory_space<vmem>>
    tpu.wait_dma2 semaphore(%arg7 : memref<!tpu.dma_semaphore, #tpu.memory_space<semaphore_mem>>) src(%dma_wait3A_305 : memref<32768xf32, #tpu.memory_space<vmem>>) dst(%dma_wait3A_302 : memref<32768xf32, #tpu.memory_space<hbm>>)
    %dma_wait3A_306 = arith.constant 1 : i32
    %dma_wait3A_307 = arith.constant 0 : i32
    %dma_wait3A_308 = tpu.memref_slice %arg5[%dma_wait3A_306, %dma_wait3A_307] : memref<2x32768xf32, #tpu.memory_space<vmem>> -> memref<1x32768xf32, #tpu.memory_space<vmem>>
    %dma_wait3A_309 = tpu.memref_squeeze %dma_wait3A_308 : memref<1x32768xf32, #tpu.memory_space<vmem>> -> memref<32768xf32, #tpu.memory_space<vmem>>
    %dma_wait3A_310 = tpu.memref_slice %arg3[%mul3A_141] : memref<33554432xf32, #tpu.memory_space<hbm>> -> memref<32768xf32, #tpu.memory_space<hbm>>
    %dma_wait3A_311 = tpu.memref_slice %arg3[%mul3A_141] : memref<33554432xf32, #tpu.memory_space<hbm>> -> memref<32768xf32, #tpu.memory_space<hbm>>
    %dma_wait3A_312 = arith.constant 0 : i32
    %dma_wait3A_313 = tpu.memref_slice %arg5[%dma_wait3A_306, %dma_wait3A_312] : memref<2x32768xf32, #tpu.memory_space<vmem>> -> memref<1x32768xf32, #tpu.memory_space<vmem>>
    %dma_wait3A_314 = tpu.memref_squeeze %dma_wait3A_313 : memref<1x32768xf32, #tpu.memory_space<vmem>> -> memref<32768xf32, #tpu.memory_space<vmem>>
    tpu.wait_dma2 semaphore(%arg7 : memref<!tpu.dma_semaphore, #tpu.memory_space<semaphore_mem>>) src(%dma_wait3A_314 : memref<32768xf32, #tpu.memory_space<vmem>>) dst(%dma_wait3A_311 : memref<32768xf32, #tpu.memory_space<hbm>>)
    %dma_wait3A_315 = arith.constant 1 : i32
    %dma_wait3A_316 = arith.constant 0 : i32
    %dma_wait3A_317 = tpu.memref_slice %arg5[%dma_wait3A_315, %dma_wait3A_316] : memref<2x32768xf32, #tpu.memory_space<vmem>> -> memref<1x32768xf32, #tpu.memory_space<vmem>>
    %dma_wait3A_318 = tpu.memref_squeeze %dma_wait3A_317 : memref<1x32768xf32, #tpu.memory_space<vmem>> -> memref<32768xf32, #tpu.memory_space<vmem>>
    %dma_wait3A_319 = tpu.memref_slice %arg3[%mul3A_154] : memref<33554432xf32, #tpu.memory_space<hbm>> -> memref<32768xf32, #tpu.memory_space<hbm>>
    %dma_wait3A_320 = tpu.memref_slice %arg3[%mul3A_154] : memref<33554432xf32, #tpu.memory_space<hbm>> -> memref<32768xf32, #tpu.memory_space<hbm>>
    %dma_wait3A_321 = arith.constant 0 : i32
    %dma_wait3A_322 = tpu.memref_slice %arg5[%dma_wait3A_315, %dma_wait3A_321] : memref<2x32768xf32, #tpu.memory_space<vmem>> -> memref<1x32768xf32, #tpu.memory_space<vmem>>
    %dma_wait3A_323 = tpu.memref_squeeze %dma_wait3A_322 : memref<1x32768xf32, #tpu.memory_space<vmem>> -> memref<32768xf32, #tpu.memory_space<vmem>>
    tpu.wait_dma2 semaphore(%arg7 : memref<!tpu.dma_semaphore, #tpu.memory_space<semaphore_mem>>) src(%dma_wait3A_323 : memref<32768xf32, #tpu.memory_space<vmem>>) dst(%dma_wait3A_320 : memref<32768xf32, #tpu.memory_space<hbm>>)
    %lt3A_324 = arith.constant 86 : i32
    %lt3A_325 = arith.cmpi slt, %add3A_287, %lt3A_324 : i32
    %ge3A_326 = arith.constant 86 : i32
    %ge3A_327 = arith.cmpi sge, %add3A_287, %ge3A_326 : i32
    %lt3A_328 = arith.constant 172 : i32
    %lt3A_329 = arith.cmpi slt, %add3A_287, %lt3A_328 : i32
    %and3A_330 = arith.andi %ge3A_327, %lt3A_329 : i1
    %jit3A_331 = arith.constant 1 : i32
    %jit3A_332 = arith.constant 2 : i32
    %select_n3A_333 = arith.select %and3A_330, %jit3A_331, %jit3A_332 : i32
    %jit3A_334 = arith.constant 0 : i32
    %select_n3A_335 = arith.select %lt3A_325, %jit3A_334, %select_n3A_333 : i32
    %mul3A_336 = arith.constant 86 : i32
    %mul3A_337 = arith.muli %select_n3A_335, %mul3A_336 : i32
    %sub3A_338 = arith.subi %add3A_287, %mul3A_337 : i32
    %mul3A_339 = arith.constant 4300 : i32
    %mul3A_340 = arith.muli %select_n3A_335, %mul3A_339 : i32
    %add3A_341 = arith.addi %mul3A_340, %sub3A_338 : i32
    %broadcast_in_dim3A_342 = vector.broadcast %add3A_341 : i32 to vector<16xi32>
    %convert_element_type3A_343 = arith.extui %lt3A_325 : i1 to i32
    %cond3A_344 = arith.constant 0 : i32
    %cond3A_345 = arith.cmpi ne, %convert_element_type3A_343, %cond3A_344 : i32
    scf.if %cond3A_345 {
      %scan3A = arith.constant 0 : i32
      %scan3A_973 = arith.constant 0 : i32
      %scan3A_974 = arith.constant 32 : i32
      %scan3A_975 = arith.addi %scan3A_973, %scan3A_974 : i32
      %scan3A_976 = arith.constant 1 : i32
      %scan3A_977 = scf.for %scan3A_979 = %scan3A_973 to %scan3A_975 step %scan3A_976 iter_args(%scan3A_980 = %scan3A) -> (i32)  : i32 {
        %mul3A_981 = arith.constant 86 : i32
        %mul3A_982 = arith.muli %scan3A_979, %mul3A_981 : i32
        %add3A_983 = vector.broadcast %mul3A_982 : i32 to vector<16xi32>
        %add3A_984 = arith.addi %broadcast_in_dim3A_342, %add3A_983 : vector<16xi32>
        %gather3A = tpu.vector_load_idx %arg4[%add3A_984] : memref<12900xf32, #tpu.memory_space<vmem>>[vector<16xi32>], vector<16xf32>,
        %parallel_loop3A = arith.constant 0 : i32
        %parallel_loop3A_985 = arith.constant 64 : i32
        %parallel_loop3A_986 = arith.constant 1 : i32
        scf.for %parallel_loop3A_988 = %parallel_loop3A to %parallel_loop3A_985 step %parallel_loop3A_986  : i32 {
          %parallel_loop3A_989 = arith.constant 1024 : i32
          %parallel_loop3A_990 = arith.muli %scan3A_979, %parallel_loop3A_989 : i32
          %parallel_loop3A_991 = arith.constant 16 : i32
          %parallel_loop3A_992 = arith.muli %parallel_loop3A_988, %parallel_loop3A_991 : i32
          %parallel_loop3A_993 = arith.addi %parallel_loop3A_990, %parallel_loop3A_992 : i32
          %parallel_loop3A_994 = arith.constant 1 : i32
          %parallel_loop3A_995 = arith.index_cast %parallel_loop3A_994 : i32 to index
          %parallel_loop3A_996 = arith.index_cast %parallel_loop3A_993 : i32 to index
          %parallel_loop3A_997 = tpu.vector_load %arg5[%parallel_loop3A_995, %parallel_loop3A_996] {strides = array<i32>} : memref<2x32768xf32, #tpu.memory_space<vmem>>, vector<16xf32>,
          tpu.vector_store %arg5[%parallel_loop3A_995, %parallel_loop3A_996], %gather3A {strides = array<i32>} : memref<2x32768xf32, #tpu.memory_space<vmem>>, vector<16xf32>,
        } {sc.loop_unroll_factor = 8 : i64, sc.parallel_access}
        %scan3A_987 = arith.constant 0 : i32
        scf.yield %scan3A_987 : i32
      }
      %scan3A_978 = arith.constant 32 : i32
    } else {
    }
    %convert_element_type3A_346 = arith.extui %and3A_330 : i1 to i32
    %cond3A_347 = arith.constant 0 : i32
    %cond3A_348 = arith.cmpi ne, %convert_element_type3A_346, %cond3A_347 : i32
    scf.if %cond3A_348 {
      %scan3A = arith.constant 0 : i32
      %scan3A_973 = arith.constant 0 : i32
      %scan3A_974 = arith.constant 32 : i32
      %scan3A_975 = arith.addi %scan3A_973, %scan3A_974 : i32
      %scan3A_976 = arith.constant 1 : i32
      %scan3A_977 = scf.for %scan3A_993 = %scan3A_973 to %scan3A_975 step %scan3A_976 iter_args(%scan3A_994 = %scan3A) -> (i32)  : i32 {
        %mul3A_995 = arith.constant 86 : i32
        %mul3A_996 = arith.muli %scan3A_993, %mul3A_995 : i32
        %add3A_997 = vector.broadcast %mul3A_996 : i32 to vector<16xi32>
        %add3A_998 = arith.addi %broadcast_in_dim3A_342, %add3A_997 : vector<16xi32>
        %gather3A = tpu.vector_load_idx %arg4[%add3A_998] : memref<12900xf32, #tpu.memory_space<vmem>>[vector<16xi32>], vector<16xf32>,
        %mul3A_999 = arith.constant 32 : i32
        %mul3A_1000 = arith.muli %scan3A_993, %mul3A_999 : i32
        %swap3A = arith.constant 1 : i32
        %swap3A_1001 = arith.index_cast %swap3A : i32 to index
        %swap3A_1002 = arith.index_cast %mul3A_1000 : i32 to index
        %swap3A_1003 = tpu.vector_load %arg5[%swap3A_1001, %swap3A_1002] {strides = array<i32>} : memref<2x32768xf32, #tpu.memory_space<vmem>>, vector<16xf32>,
        tpu.vector_store %arg5[%swap3A_1001, %swap3A_1002], %gather3A {strides = array<i32>} : memref<2x32768xf32, #tpu.memory_space<vmem>>, vector<16xf32>,
        %mul3A_1004 = arith.constant 32 : i32
        %mul3A_1005 = arith.muli %scan3A_993, %mul3A_1004 : i32
        %add3A_1006 = arith.constant 16 : i32
        %add3A_1007 = arith.addi %mul3A_1005, %add3A_1006 : i32
        %swap3A_1008 = arith.constant 1 : i32
        %swap3A_1009 = arith.index_cast %swap3A_1008 : i32 to index
        %swap3A_1010 = arith.index_cast %add3A_1007 : i32 to index
        %swap3A_1011 = tpu.vector_load %arg5[%swap3A_1009, %swap3A_1010] {strides = array<i32>} : memref<2x32768xf32, #tpu.memory_space<vmem>>, vector<16xf32>,
        tpu.vector_store %arg5[%swap3A_1009, %swap3A_1010], %gather3A {strides = array<i32>} : memref<2x32768xf32, #tpu.memory_space<vmem>>, vector<16xf32>,
        %scan3A_1012 = arith.constant 0 : i32
        scf.yield %scan3A_1012 : i32
      }
      %scan3A_978 = arith.constant 32 : i32
      %parallel_loop3A = arith.constant 0 : i32
      %parallel_loop3A_979 = arith.constant 64 : i32
      %parallel_loop3A_980 = arith.constant 1 : i32
      scf.for %parallel_loop3A_993 = %parallel_loop3A to %parallel_loop3A_979 step %parallel_loop3A_980  : i32 {
        %parallel_loop3A_994 = arith.constant 16 : i32
        %parallel_loop3A_995 = arith.muli %parallel_loop3A_993, %parallel_loop3A_994 : i32
        %parallel_loop3A_996 = arith.constant 1 : i32
        %parallel_loop3A_997 = arith.index_cast %parallel_loop3A_996 : i32 to index
        %parallel_loop3A_998 = arith.index_cast %parallel_loop3A_995 : i32 to index
        %parallel_loop3A_999 = tpu.vector_load %arg5[%parallel_loop3A_997, %parallel_loop3A_998] {strides = array<i32>} : memref<2x32768xf32, #tpu.memory_space<vmem>>, vector<16xf32>,
        %parallel_loop3A_1000 = arith.constant 16 : i32
        %parallel_loop3A_1001 = arith.muli %parallel_loop3A_993, %parallel_loop3A_1000 : i32
        %parallel_loop3A_1002 = arith.constant 1024 : i32
        %parallel_loop3A_1003 = arith.addi %parallel_loop3A_1002, %parallel_loop3A_1001 : i32
        %parallel_loop3A_1004 = arith.constant 1 : i32
        %parallel_loop3A_1005 = arith.index_cast %parallel_loop3A_1004 : i32 to index
        %parallel_loop3A_1006 = arith.index_cast %parallel_loop3A_1003 : i32 to index
        %parallel_loop3A_1007 = tpu.vector_load %arg5[%parallel_loop3A_1005, %parallel_loop3A_1006] {strides = array<i32>} : memref<2x32768xf32, #tpu.memory_space<vmem>>, vector<16xf32>,
        tpu.vector_store %arg5[%parallel_loop3A_1005, %parallel_loop3A_1006], %parallel_loop3A_999 {strides = array<i32>} : memref<2x32768xf32, #tpu.memory_space<vmem>>, vector<16xf32>,
      } {sc.loop_unroll_factor = 8 : i64, sc.parallel_access}
      %parallel_loop3A_981 = arith.constant 0 : i32
      %parallel_loop3A_982 = arith.constant 128 : i32
      %parallel_loop3A_983 = arith.constant 1 : i32
      scf.for %parallel_loop3A_993 = %parallel_loop3A_981 to %parallel_loop3A_982 step %parallel_loop3A_983  : i32 {
        %parallel_loop3A_994 = arith.constant 16 : i32
        %parallel_loop3A_995 = arith.muli %parallel_loop3A_993, %parallel_loop3A_994 : i32
        %parallel_loop3A_996 = arith.constant 1 : i32
        %parallel_loop3A_997 = arith.index_cast %parallel_loop3A_996 : i32 to index
        %parallel_loop3A_998 = arith.index_cast %parallel_loop3A_995 : i32 to index
        %parallel_loop3A_999 = tpu.vector_load %arg5[%parallel_loop3A_997, %parallel_loop3A_998] {strides = array<i32>} : memref<2x32768xf32, #tpu.memory_space<vmem>>, vector<16xf32>,
        %parallel_loop3A_1000 = arith.constant 16 : i32
        %parallel_loop3A_1001 = arith.muli %parallel_loop3A_993, %parallel_loop3A_1000 : i32
        %parallel_loop3A_1002 = arith.constant 2048 : i32
        %parallel_loop3A_1003 = arith.addi %parallel_loop3A_1002, %parallel_loop3A_1001 : i32
        %parallel_loop3A_1004 = arith.constant 1 : i32
        %parallel_loop3A_1005 = arith.index_cast %parallel_loop3A_1004 : i32 to index
        %parallel_loop3A_1006 = arith.index_cast %parallel_loop3A_1003 : i32 to index
        %parallel_loop3A_1007 = tpu.vector_load %arg5[%parallel_loop3A_1005, %parallel_loop3A_1006] {strides = array<i32>} : memref<2x32768xf32, #tpu.memory_space<vmem>>, vector<16xf32>,
        tpu.vector_store %arg5[%parallel_loop3A_1005, %parallel_loop3A_1006], %parallel_loop3A_999 {strides = array<i32>} : memref<2x32768xf32, #tpu.memory_space<vmem>>, vector<16xf32>,
      } {sc.loop_unroll_factor = 8 : i64, sc.parallel_access}
      %parallel_loop3A_984 = arith.constant 0 : i32
      %parallel_loop3A_985 = arith.constant 256 : i32
      %parallel_loop3A_986 = arith.constant 1 : i32
      scf.for %parallel_loop3A_993 = %parallel_loop3A_984 to %parallel_loop3A_985 step %parallel_loop3A_986  : i32 {
        %parallel_loop3A_994 = arith.constant 16 : i32
        %parallel_loop3A_995 = arith.muli %parallel_loop3A_993, %parallel_loop3A_994 : i32
        %parallel_loop3A_996 = arith.constant 1 : i32
        %parallel_loop3A_997 = arith.index_cast %parallel_loop3A_996 : i32 to index
        %parallel_loop3A_998 = arith.index_cast %parallel_loop3A_995 : i32 to index
        %parallel_loop3A_999 = tpu.vector_load %arg5[%parallel_loop3A_997, %parallel_loop3A_998] {strides = array<i32>} : memref<2x32768xf32, #tpu.memory_space<vmem>>, vector<16xf32>,
        %parallel_loop3A_1000 = arith.constant 16 : i32
        %parallel_loop3A_1001 = arith.muli %parallel_loop3A_993, %parallel_loop3A_1000 : i32
        %parallel_loop3A_1002 = arith.constant 4096 : i32
        %parallel_loop3A_1003 = arith.addi %parallel_loop3A_1002, %parallel_loop3A_1001 : i32
        %parallel_loop3A_1004 = arith.constant 1 : i32
        %parallel_loop3A_1005 = arith.index_cast %parallel_loop3A_1004 : i32 to index
        %parallel_loop3A_1006 = arith.index_cast %parallel_loop3A_1003 : i32 to index
        %parallel_loop3A_1007 = tpu.vector_load %arg5[%parallel_loop3A_1005, %parallel_loop3A_1006] {strides = array<i32>} : memref<2x32768xf32, #tpu.memory_space<vmem>>, vector<16xf32>,
        tpu.vector_store %arg5[%parallel_loop3A_1005, %parallel_loop3A_1006], %parallel_loop3A_999 {strides = array<i32>} : memref<2x32768xf32, #tpu.memory_space<vmem>>, vector<16xf32>,
      } {sc.loop_unroll_factor = 8 : i64, sc.parallel_access}
      %parallel_loop3A_987 = arith.constant 0 : i32
      %parallel_loop3A_988 = arith.constant 512 : i32
      %parallel_loop3A_989 = arith.constant 1 : i32
      scf.for %parallel_loop3A_993 = %parallel_loop3A_987 to %parallel_loop3A_988 step %parallel_loop3A_989  : i32 {
        %parallel_loop3A_994 = arith.constant 16 : i32
        %parallel_loop3A_995 = arith.muli %parallel_loop3A_993, %parallel_loop3A_994 : i32
        %parallel_loop3A_996 = arith.constant 1 : i32
        %parallel_loop3A_997 = arith.index_cast %parallel_loop3A_996 : i32 to index
        %parallel_loop3A_998 = arith.index_cast %parallel_loop3A_995 : i32 to index
        %parallel_loop3A_999 = tpu.vector_load %arg5[%parallel_loop3A_997, %parallel_loop3A_998] {strides = array<i32>} : memref<2x32768xf32, #tpu.memory_space<vmem>>, vector<16xf32>,
        %parallel_loop3A_1000 = arith.constant 16 : i32
        %parallel_loop3A_1001 = arith.muli %parallel_loop3A_993, %parallel_loop3A_1000 : i32
        %parallel_loop3A_1002 = arith.constant 8192 : i32
        %parallel_loop3A_1003 = arith.addi %parallel_loop3A_1002, %parallel_loop3A_1001 : i32
        %parallel_loop3A_1004 = arith.constant 1 : i32
        %parallel_loop3A_1005 = arith.index_cast %parallel_loop3A_1004 : i32 to index
        %parallel_loop3A_1006 = arith.index_cast %parallel_loop3A_1003 : i32 to index
        %parallel_loop3A_1007 = tpu.vector_load %arg5[%parallel_loop3A_1005, %parallel_loop3A_1006] {strides = array<i32>} : memref<2x32768xf32, #tpu.memory_space<vmem>>, vector<16xf32>,
        tpu.vector_store %arg5[%parallel_loop3A_1005, %parallel_loop3A_1006], %parallel_loop3A_999 {strides = array<i32>} : memref<2x32768xf32, #tpu.memory_space<vmem>>, vector<16xf32>,
      } {sc.loop_unroll_factor = 8 : i64, sc.parallel_access}
      %parallel_loop3A_990 = arith.constant 0 : i32
      %parallel_loop3A_991 = arith.constant 1024 : i32
      %parallel_loop3A_992 = arith.constant 1 : i32
      scf.for %parallel_loop3A_993 = %parallel_loop3A_990 to %parallel_loop3A_991 step %parallel_loop3A_992  : i32 {
        %parallel_loop3A_994 = arith.constant 16 : i32
        %parallel_loop3A_995 = arith.muli %parallel_loop3A_993, %parallel_loop3A_994 : i32
        %parallel_loop3A_996 = arith.constant 1 : i32
        %parallel_loop3A_997 = arith.index_cast %parallel_loop3A_996 : i32 to index
        %parallel_loop3A_998 = arith.index_cast %parallel_loop3A_995 : i32 to index
        %parallel_loop3A_999 = tpu.vector_load %arg5[%parallel_loop3A_997, %parallel_loop3A_998] {strides = array<i32>} : memref<2x32768xf32, #tpu.memory_space<vmem>>, vector<16xf32>,
        %parallel_loop3A_1000 = arith.constant 16 : i32
        %parallel_loop3A_1001 = arith.muli %parallel_loop3A_993, %parallel_loop3A_1000 : i32
        %parallel_loop3A_1002 = arith.constant 16384 : i32
        %parallel_loop3A_1003 = arith.addi %parallel_loop3A_1002, %parallel_loop3A_1001 : i32
        %parallel_loop3A_1004 = arith.constant 1 : i32
        %parallel_loop3A_1005 = arith.index_cast %parallel_loop3A_1004 : i32 to index
        %parallel_loop3A_1006 = arith.index_cast %parallel_loop3A_1003 : i32 to index
        %parallel_loop3A_1007 = tpu.vector_load %arg5[%parallel_loop3A_1005, %parallel_loop3A_1006] {strides = array<i32>} : memref<2x32768xf32, #tpu.memory_space<vmem>>, vector<16xf32>,
        tpu.vector_store %arg5[%parallel_loop3A_1005, %parallel_loop3A_1006], %parallel_loop3A_999 {strides = array<i32>} : memref<2x32768xf32, #tpu.memory_space<vmem>>, vector<16xf32>,
      } {sc.loop_unroll_factor = 8 : i64, sc.parallel_access}
    } else {
    }
    %not3A_349 = arith.constant true
    %not3A_350 = arith.xori %lt3A_325, %not3A_349 : i1
    %not3A_351 = arith.constant true
    %not3A_352 = arith.xori %and3A_330, %not3A_351 : i1
    %and3A_353 = arith.andi %not3A_350, %not3A_352 : i1
    %convert_element_type3A_354 = arith.extui %and3A_353 : i1 to i32
    %cond3A_355 = arith.constant 0 : i32
    %cond3A_356 = arith.cmpi ne, %convert_element_type3A_354, %cond3A_355 : i32
    scf.if %cond3A_356 {
      %mul3A_973 = arith.constant 86 : i32
      %mul3A_974 = vector.broadcast %mul3A_973 : i32 to vector<16xi32>
      %mul3A_975 = arith.muli %iota3A, %mul3A_974 : vector<16xi32>
      %add3A_976 = arith.addi %broadcast_in_dim3A_342, %mul3A_975 : vector<16xi32>
      %gather3A = tpu.vector_load_idx %arg4[%add3A_976] : memref<12900xf32, #tpu.memory_space<vmem>>[vector<16xi32>], vector<16xf32>,
      %add3A_977 = arith.constant 16 : i32
      %add3A_978 = vector.broadcast %add3A_977 : i32 to vector<16xi32>
      %add3A_979 = arith.addi %iota3A, %add3A_978 : vector<16xi32>
      %mul3A_980 = arith.constant 86 : i32
      %mul3A_981 = vector.broadcast %mul3A_980 : i32 to vector<16xi32>
      %mul3A_982 = arith.muli %add3A_979, %mul3A_981 : vector<16xi32>
      %add3A_983 = arith.addi %broadcast_in_dim3A_342, %mul3A_982 : vector<16xi32>
      %gather3A_984 = tpu.vector_load_idx %arg4[%add3A_983] : memref<12900xf32, #tpu.memory_space<vmem>>[vector<16xi32>], vector<16xf32>,
      %parallel_loop3A = arith.constant 0 : i32
      %parallel_loop3A_985 = arith.constant 1024 : i32
      %parallel_loop3A_986 = arith.constant 1 : i32
      scf.for %parallel_loop3A_987 = %parallel_loop3A to %parallel_loop3A_985 step %parallel_loop3A_986  : i32 {
        %parallel_loop3A_988 = arith.constant 32 : i32
        %parallel_loop3A_989 = arith.muli %parallel_loop3A_987, %parallel_loop3A_988 : i32
        %parallel_loop3A_990 = arith.constant 1 : i32
        %parallel_loop3A_991 = arith.index_cast %parallel_loop3A_990 : i32 to index
        %parallel_loop3A_992 = arith.index_cast %parallel_loop3A_989 : i32 to index
        %parallel_loop3A_993 = tpu.vector_load %arg5[%parallel_loop3A_991, %parallel_loop3A_992] {strides = array<i32>} : memref<2x32768xf32, #tpu.memory_space<vmem>>, vector<16xf32>,
        tpu.vector_store %arg5[%parallel_loop3A_991, %parallel_loop3A_992], %gather3A {strides = array<i32>} : memref<2x32768xf32, #tpu.memory_space<vmem>>, vector<16xf32>,
        %parallel_loop3A_994 = arith.constant 32 : i32
        %parallel_loop3A_995 = arith.muli %parallel_loop3A_987, %parallel_loop3A_994 : i32
        %parallel_loop3A_996 = arith.constant 16 : i32
        %parallel_loop3A_997 = arith.addi %parallel_loop3A_995, %parallel_loop3A_996 : i32
        %parallel_loop3A_998 = arith.constant 1 : i32
        %parallel_loop3A_999 = arith.index_cast %parallel_loop3A_998 : i32 to index
        %parallel_loop3A_1000 = arith.index_cast %parallel_loop3A_997 : i32 to index
        %parallel_loop3A_1001 = tpu.vector_load %arg5[%parallel_loop3A_999, %parallel_loop3A_1000] {strides = array<i32>} : memref<2x32768xf32, #tpu.memory_space<vmem>>, vector<16xf32>,
        tpu.vector_store %arg5[%parallel_loop3A_999, %parallel_loop3A_1000], %gather3A_984 {strides = array<i32>} : memref<2x32768xf32, #tpu.memory_space<vmem>>, vector<16xf32>,
      } {sc.loop_unroll_factor = 8 : i64, sc.parallel_access}
    } else {
    }
    %add3A_357 = arith.constant 0 : i32
    %add3A_358 = arith.addi %add3A_357, %add3A_287 : i32
    %mul3A_359 = arith.constant 32768 : i32
    %mul3A_360 = arith.muli %add3A_358, %mul3A_359 : i32
    %dma_start3A_361 = arith.constant 1 : i32
    %dma_start3A_362 = arith.constant 0 : i32
    %dma_start3A_363 = tpu.memref_slice %arg5[%dma_start3A_361, %dma_start3A_362] : memref<2x32768xf32, #tpu.memory_space<vmem>> -> memref<1x32768xf32, #tpu.memory_space<vmem>>
    %dma_start3A_364 = tpu.memref_squeeze %dma_start3A_363 : memref<1x32768xf32, #tpu.memory_space<vmem>> -> memref<32768xf32, #tpu.memory_space<vmem>>
    %dma_start3A_365 = tpu.memref_slice %arg3[%mul3A_360] : memref<33554432xf32, #tpu.memory_space<hbm>> -> memref<32768xf32, #tpu.memory_space<hbm>>
    %dma_start3A_366 = tpu.memref_slice %arg3[%mul3A_360] : memref<33554432xf32, #tpu.memory_space<hbm>> -> memref<32768xf32, #tpu.memory_space<hbm>>
    %dma_start3A_367 = arith.constant 0 : i32
    %dma_start3A_368 = tpu.memref_slice %arg5[%dma_start3A_361, %dma_start3A_367] : memref<2x32768xf32, #tpu.memory_space<vmem>> -> memref<1x32768xf32, #tpu.memory_space<vmem>>
    %dma_start3A_369 = tpu.memref_squeeze %dma_start3A_368 : memref<1x32768xf32, #tpu.memory_space<vmem>> -> memref<32768xf32, #tpu.memory_space<vmem>>
    tpu.enqueue_dma source(%dma_start3A_369 : memref<32768xf32, #tpu.memory_space<vmem>>) target(%dma_start3A_366 : memref<32768xf32, #tpu.memory_space<hbm>>) target_semaphore(%arg7 : memref<!tpu.dma_semaphore, #tpu.memory_space<semaphore_mem>>)
    %add3A_370 = arith.constant 256 : i32
    %add3A_371 = arith.addi %add3A_370, %add3A_287 : i32
    %mul3A_372 = arith.constant 32768 : i32
    %mul3A_373 = arith.muli %add3A_371, %mul3A_372 : i32
    %dma_start3A_374 = arith.constant 1 : i32
    %dma_start3A_375 = arith.constant 0 : i32
    %dma_start3A_376 = tpu.memref_slice %arg5[%dma_start3A_374, %dma_start3A_375] : memref<2x32768xf32, #tpu.memory_space<vmem>> -> memref<1x32768xf32, #tpu.memory_space<vmem>>
    %dma_start3A_377 = tpu.memref_squeeze %dma_start3A_376 : memref<1x32768xf32, #tpu.memory_space<vmem>> -> memref<32768xf32, #tpu.memory_space<vmem>>
    %dma_start3A_378 = tpu.memref_slice %arg3[%mul3A_373] : memref<33554432xf32, #tpu.memory_space<hbm>> -> memref<32768xf32, #tpu.memory_space<hbm>>
    %dma_start3A_379 = tpu.memref_slice %arg3[%mul3A_373] : memref<33554432xf32, #tpu.memory_space<hbm>> -> memref<32768xf32, #tpu.memory_space<hbm>>
    %dma_start3A_380 = arith.constant 0 : i32
    %dma_start3A_381 = tpu.memref_slice %arg5[%dma_start3A_374, %dma_start3A_380] : memref<2x32768xf32, #tpu.memory_space<vmem>> -> memref<1x32768xf32, #tpu.memory_space<vmem>>
    %dma_start3A_382 = tpu.memref_squeeze %dma_start3A_381 : memref<1x32768xf32, #tpu.memory_space<vmem>> -> memref<32768xf32, #tpu.memory_space<vmem>>
    tpu.enqueue_dma source(%dma_start3A_382 : memref<32768xf32, #tpu.memory_space<vmem>>) target(%dma_start3A_379 : memref<32768xf32, #tpu.memory_space<hbm>>) target_semaphore(%arg7 : memref<!tpu.dma_semaphore, #tpu.memory_space<semaphore_mem>>)
    %add3A_383 = arith.constant 512 : i32
    %add3A_384 = arith.addi %add3A_383, %add3A_287 : i32
    %mul3A_385 = arith.constant 32768 : i32
    %mul3A_386 = arith.muli %add3A_384, %mul3A_385 : i32
    %dma_start3A_387 = arith.constant 1 : i32
    %dma_start3A_388 = arith.constant 0 : i32
    %dma_start3A_389 = tpu.memref_slice %arg5[%dma_start3A_387, %dma_start3A_388] : memref<2x32768xf32, #tpu.memory_space<vmem>> -> memref<1x32768xf32, #tpu.memory_space<vmem>>
    %dma_start3A_390 = tpu.memref_squeeze %dma_start3A_389 : memref<1x32768xf32, #tpu.memory_space<vmem>> -> memref<32768xf32, #tpu.memory_space<vmem>>
    %dma_start3A_391 = tpu.memref_slice %arg3[%mul3A_386] : memref<33554432xf32, #tpu.memory_space<hbm>> -> memref<32768xf32, #tpu.memory_space<hbm>>
    %dma_start3A_392 = tpu.memref_slice %arg3[%mul3A_386] : memref<33554432xf32, #tpu.memory_space<hbm>> -> memref<32768xf32, #tpu.memory_space<hbm>>
    %dma_start3A_393 = arith.constant 0 : i32
    %dma_start3A_394 = tpu.memref_slice %arg5[%dma_start3A_387, %dma_start3A_393] : memref<2x32768xf32, #tpu.memory_space<vmem>> -> memref<1x32768xf32, #tpu.memory_space<vmem>>
    %dma_start3A_395 = tpu.memref_squeeze %dma_start3A_394 : memref<1x32768xf32, #tpu.memory_space<vmem>> -> memref<32768xf32, #tpu.memory_space<vmem>>
    tpu.enqueue_dma source(%dma_start3A_395 : memref<32768xf32, #tpu.memory_space<vmem>>) target(%dma_start3A_392 : memref<32768xf32, #tpu.memory_space<hbm>>) target_semaphore(%arg7 : memref<!tpu.dma_semaphore, #tpu.memory_space<semaphore_mem>>)
    %add3A_396 = arith.constant 768 : i32
    %add3A_397 = arith.addi %add3A_396, %add3A_287 : i32
    %mul3A_398 = arith.constant 32768 : i32
    %mul3A_399 = arith.muli %add3A_397, %mul3A_398 : i32
    %dma_start3A_400 = arith.constant 1 : i32
    %dma_start3A_401 = arith.constant 0 : i32
    %dma_start3A_402 = tpu.memref_slice %arg5[%dma_start3A_400, %dma_start3A_401] : memref<2x32768xf32, #tpu.memory_space<vmem>> -> memref<1x32768xf32, #tpu.memory_space<vmem>>
    %dma_start3A_403 = tpu.memref_squeeze %dma_start3A_402 : memref<1x32768xf32, #tpu.memory_space<vmem>> -> memref<32768xf32, #tpu.memory_space<vmem>>
    %dma_start3A_404 = tpu.memref_slice %arg3[%mul3A_399] : memref<33554432xf32, #tpu.memory_space<hbm>> -> memref<32768xf32, #tpu.memory_space<hbm>>
    %dma_start3A_405 = tpu.memref_slice %arg3[%mul3A_399] : memref<33554432xf32, #tpu.memory_space<hbm>> -> memref<32768xf32, #tpu.memory_space<hbm>>
    %dma_start3A_406 = arith.constant 0 : i32
    %dma_start3A_407 = tpu.memref_slice %arg5[%dma_start3A_400, %dma_start3A_406] : memref<2x32768xf32, #tpu.memory_space<vmem>> -> memref<1x32768xf32, #tpu.memory_space<vmem>>
    %dma_start3A_408 = tpu.memref_squeeze %dma_start3A_407 : memref<1x32768xf32, #tpu.memory_space<vmem>> -> memref<32768xf32, #tpu.memory_space<vmem>>
    tpu.enqueue_dma source(%dma_start3A_408 : memref<32768xf32, #tpu.memory_space<vmem>>) target(%dma_start3A_405 : memref<32768xf32, #tpu.memory_space<hbm>>) target_semaphore(%arg7 : memref<!tpu.dma_semaphore, #tpu.memory_space<semaphore_mem>>)
    %add3A_409 = arith.constant 128 : i32
    %add3A_410 = arith.addi %add3A, %add3A_409 : i32
    %dma_wait3A_411 = arith.constant 0 : i32
    %dma_wait3A_412 = arith.constant 0 : i32
    %dma_wait3A_413 = tpu.memref_slice %arg5[%dma_wait3A_411, %dma_wait3A_412] : memref<2x32768xf32, #tpu.memory_space<vmem>> -> memref<1x32768xf32, #tpu.memory_space<vmem>>
    %dma_wait3A_414 = tpu.memref_squeeze %dma_wait3A_413 : memref<1x32768xf32, #tpu.memory_space<vmem>> -> memref<32768xf32, #tpu.memory_space<vmem>>
    %dma_wait3A_415 = tpu.memref_slice %arg3[%mul3A_237] : memref<33554432xf32, #tpu.memory_space<hbm>> -> memref<32768xf32, #tpu.memory_space<hbm>>
    %dma_wait3A_416 = tpu.memref_slice %arg3[%mul3A_237] : memref<33554432xf32, #tpu.memory_space<hbm>> -> memref<32768xf32, #tpu.memory_space<hbm>>
    %dma_wait3A_417 = arith.constant 0 : i32
    %dma_wait3A_418 = tpu.memref_slice %arg5[%dma_wait3A_411, %dma_wait3A_417] : memref<2x32768xf32, #tpu.memory_space<vmem>> -> memref<1x32768xf32, #tpu.memory_space<vmem>>
    %dma_wait3A_419 = tpu.memref_squeeze %dma_wait3A_418 : memref<1x32768xf32, #tpu.memory_space<vmem>> -> memref<32768xf32, #tpu.memory_space<vmem>>
    tpu.wait_dma2 semaphore(%arg6 : memref<!tpu.dma_semaphore, #tpu.memory_space<semaphore_mem>>) src(%dma_wait3A_419 : memref<32768xf32, #tpu.memory_space<vmem>>) dst(%dma_wait3A_416 : memref<32768xf32, #tpu.memory_space<hbm>>)
    %dma_wait3A_420 = arith.constant 0 : i32
    %dma_wait3A_421 = arith.constant 0 : i32
    %dma_wait3A_422 = tpu.memref_slice %arg5[%dma_wait3A_420, %dma_wait3A_421] : memref<2x32768xf32, #tpu.memory_space<vmem>> -> memref<1x32768xf32, #tpu.memory_space<vmem>>
    %dma_wait3A_423 = tpu.memref_squeeze %dma_wait3A_422 : memref<1x32768xf32, #tpu.memory_space<vmem>> -> memref<32768xf32, #tpu.memory_space<vmem>>
    %dma_wait3A_424 = tpu.memref_slice %arg3[%mul3A_250] : memref<33554432xf32, #tpu.memory_space<hbm>> -> memref<32768xf32, #tpu.memory_space<hbm>>
    %dma_wait3A_425 = tpu.memref_slice %arg3[%mul3A_250] : memref<33554432xf32, #tpu.memory_space<hbm>> -> memref<32768xf32, #tpu.memory_space<hbm>>
    %dma_wait3A_426 = arith.constant 0 : i32
    %dma_wait3A_427 = tpu.memref_slice %arg5[%dma_wait3A_420, %dma_wait3A_426] : memref<2x32768xf32, #tpu.memory_space<vmem>> -> memref<1x32768xf32, #tpu.memory_space<vmem>>
    %dma_wait3A_428 = tpu.memref_squeeze %dma_wait3A_427 : memref<1x32768xf32, #tpu.memory_space<vmem>> -> memref<32768xf32, #tpu.memory_space<vmem>>
    tpu.wait_dma2 semaphore(%arg6 : memref<!tpu.dma_semaphore, #tpu.memory_space<semaphore_mem>>) src(%dma_wait3A_428 : memref<32768xf32, #tpu.memory_space<vmem>>) dst(%dma_wait3A_425 : memref<32768xf32, #tpu.memory_space<hbm>>)
    %dma_wait3A_429 = arith.constant 0 : i32
    %dma_wait3A_430 = arith.constant 0 : i32
    %dma_wait3A_431 = tpu.memref_slice %arg5[%dma_wait3A_429, %dma_wait3A_430] : memref<2x32768xf32, #tpu.memory_space<vmem>> -> memref<1x32768xf32, #tpu.memory_space<vmem>>
    %dma_wait3A_432 = tpu.memref_squeeze %dma_wait3A_431 : memref<1x32768xf32, #tpu.memory_space<vmem>> -> memref<32768xf32, #tpu.memory_space<vmem>>
    %dma_wait3A_433 = tpu.memref_slice %arg3[%mul3A_263] : memref<33554432xf32, #tpu.memory_space<hbm>> -> memref<32768xf32, #tpu.memory_space<hbm>>
    %dma_wait3A_434 = tpu.memref_slice %arg3[%mul3A_263] : memref<33554432xf32, #tpu.memory_space<hbm>> -> memref<32768xf32, #tpu.memory_space<hbm>>
    %dma_wait3A_435 = arith.constant 0 : i32
    %dma_wait3A_436 = tpu.memref_slice %arg5[%dma_wait3A_429, %dma_wait3A_435] : memref<2x32768xf32, #tpu.memory_space<vmem>> -> memref<1x32768xf32, #tpu.memory_space<vmem>>
    %dma_wait3A_437 = tpu.memref_squeeze %dma_wait3A_436 : memref<1x32768xf32, #tpu.memory_space<vmem>> -> memref<32768xf32, #tpu.memory_space<vmem>>
    tpu.wait_dma2 semaphore(%arg6 : memref<!tpu.dma_semaphore, #tpu.memory_space<semaphore_mem>>) src(%dma_wait3A_437 : memref<32768xf32, #tpu.memory_space<vmem>>) dst(%dma_wait3A_434 : memref<32768xf32, #tpu.memory_space<hbm>>)
    %dma_wait3A_438 = arith.constant 0 : i32
    %dma_wait3A_439 = arith.constant 0 : i32
    %dma_wait3A_440 = tpu.memref_slice %arg5[%dma_wait3A_438, %dma_wait3A_439] : memref<2x32768xf32, #tpu.memory_space<vmem>> -> memref<1x32768xf32, #tpu.memory_space<vmem>>
    %dma_wait3A_441 = tpu.memref_squeeze %dma_wait3A_440 : memref<1x32768xf32, #tpu.memory_space<vmem>> -> memref<32768xf32, #tpu.memory_space<vmem>>
    %dma_wait3A_442 = tpu.memref_slice %arg3[%mul3A_276] : memref<33554432xf32, #tpu.memory_space<hbm>> -> memref<32768xf32, #tpu.memory_space<hbm>>
    %dma_wait3A_443 = tpu.memref_slice %arg3[%mul3A_276] : memref<33554432xf32, #tpu.memory_space<hbm>> -> memref<32768xf32, #tpu.memory_space<hbm>>
    %dma_wait3A_444 = arith.constant 0 : i32
    %dma_wait3A_445 = tpu.memref_slice %arg5[%dma_wait3A_438, %dma_wait3A_444] : memref<2x32768xf32, #tpu.memory_space<vmem>> -> memref<1x32768xf32, #tpu.memory_space<vmem>>
    %dma_wait3A_446 = tpu.memref_squeeze %dma_wait3A_445 : memref<1x32768xf32, #tpu.memory_space<vmem>> -> memref<32768xf32, #tpu.memory_space<vmem>>
    tpu.wait_dma2 semaphore(%arg6 : memref<!tpu.dma_semaphore, #tpu.memory_space<semaphore_mem>>) src(%dma_wait3A_446 : memref<32768xf32, #tpu.memory_space<vmem>>) dst(%dma_wait3A_443 : memref<32768xf32, #tpu.memory_space<hbm>>)
    %lt3A_447 = arith.constant 86 : i32
    %lt3A_448 = arith.cmpi slt, %add3A_410, %lt3A_447 : i32
    %ge3A_449 = arith.constant 86 : i32
    %ge3A_450 = arith.cmpi sge, %add3A_410, %ge3A_449 : i32
    %lt3A_451 = arith.constant 172 : i32
    %lt3A_452 = arith.cmpi slt, %add3A_410, %lt3A_451 : i32
    %and3A_453 = arith.andi %ge3A_450, %lt3A_452 : i1
    %jit3A_454 = arith.constant 1 : i32
    %jit3A_455 = arith.constant 2 : i32
    %select_n3A_456 = arith.select %and3A_453, %jit3A_454, %jit3A_455 : i32
    %jit3A_457 = arith.constant 0 : i32
    %select_n3A_458 = arith.select %lt3A_448, %jit3A_457, %select_n3A_456 : i32
    %mul3A_459 = arith.constant 86 : i32
    %mul3A_460 = arith.muli %select_n3A_458, %mul3A_459 : i32
    %sub3A_461 = arith.subi %add3A_410, %mul3A_460 : i32
    %mul3A_462 = arith.constant 4300 : i32
    %mul3A_463 = arith.muli %select_n3A_458, %mul3A_462 : i32
    %add3A_464 = arith.addi %mul3A_463, %sub3A_461 : i32
    %broadcast_in_dim3A_465 = vector.broadcast %add3A_464 : i32 to vector<16xi32>
    %convert_element_type3A_466 = arith.extui %lt3A_448 : i1 to i32
    %cond3A_467 = arith.constant 0 : i32
    %cond3A_468 = arith.cmpi ne, %convert_element_type3A_466, %cond3A_467 : i32
    scf.if %cond3A_468 {
      %scan3A = arith.constant 0 : i32
      %scan3A_973 = arith.constant 0 : i32
      %scan3A_974 = arith.constant 32 : i32
      %scan3A_975 = arith.addi %scan3A_973, %scan3A_974 : i32
      %scan3A_976 = arith.constant 1 : i32
      %scan3A_977 = scf.for %scan3A_979 = %scan3A_973 to %scan3A_975 step %scan3A_976 iter_args(%scan3A_980 = %scan3A) -> (i32)  : i32 {
        %mul3A_981 = arith.constant 86 : i32
        %mul3A_982 = arith.muli %scan3A_979, %mul3A_981 : i32
        %add3A_983 = vector.broadcast %mul3A_982 : i32 to vector<16xi32>
        %add3A_984 = arith.addi %broadcast_in_dim3A_465, %add3A_983 : vector<16xi32>
        %gather3A = tpu.vector_load_idx %arg4[%add3A_984] : memref<12900xf32, #tpu.memory_space<vmem>>[vector<16xi32>], vector<16xf32>,
        %parallel_loop3A = arith.constant 0 : i32
        %parallel_loop3A_985 = arith.constant 64 : i32
        %parallel_loop3A_986 = arith.constant 1 : i32
        scf.for %parallel_loop3A_988 = %parallel_loop3A to %parallel_loop3A_985 step %parallel_loop3A_986  : i32 {
          %parallel_loop3A_989 = arith.constant 1024 : i32
          %parallel_loop3A_990 = arith.muli %scan3A_979, %parallel_loop3A_989 : i32
          %parallel_loop3A_991 = arith.constant 16 : i32
          %parallel_loop3A_992 = arith.muli %parallel_loop3A_988, %parallel_loop3A_991 : i32
          %parallel_loop3A_993 = arith.addi %parallel_loop3A_990, %parallel_loop3A_992 : i32
          %parallel_loop3A_994 = arith.constant 0 : i32
          %parallel_loop3A_995 = arith.index_cast %parallel_loop3A_994 : i32 to index
          %parallel_loop3A_996 = arith.index_cast %parallel_loop3A_993 : i32 to index
          %parallel_loop3A_997 = tpu.vector_load %arg5[%parallel_loop3A_995, %parallel_loop3A_996] {strides = array<i32>} : memref<2x32768xf32, #tpu.memory_space<vmem>>, vector<16xf32>,
          tpu.vector_store %arg5[%parallel_loop3A_995, %parallel_loop3A_996], %gather3A {strides = array<i32>} : memref<2x32768xf32, #tpu.memory_space<vmem>>, vector<16xf32>,
        } {sc.loop_unroll_factor = 8 : i64, sc.parallel_access}
        %scan3A_987 = arith.constant 0 : i32
        scf.yield %scan3A_987 : i32
      }
      %scan3A_978 = arith.constant 32 : i32
    } else {
    }
    %convert_element_type3A_469 = arith.extui %and3A_453 : i1 to i32
    %cond3A_470 = arith.constant 0 : i32
    %cond3A_471 = arith.cmpi ne, %convert_element_type3A_469, %cond3A_470 : i32
    scf.if %cond3A_471 {
      %scan3A = arith.constant 0 : i32
      %scan3A_973 = arith.constant 0 : i32
      %scan3A_974 = arith.constant 32 : i32
      %scan3A_975 = arith.addi %scan3A_973, %scan3A_974 : i32
      %scan3A_976 = arith.constant 1 : i32
      %scan3A_977 = scf.for %scan3A_993 = %scan3A_973 to %scan3A_975 step %scan3A_976 iter_args(%scan3A_994 = %scan3A) -> (i32)  : i32 {
        %mul3A_995 = arith.constant 86 : i32
        %mul3A_996 = arith.muli %scan3A_993, %mul3A_995 : i32
        %add3A_997 = vector.broadcast %mul3A_996 : i32 to vector<16xi32>
        %add3A_998 = arith.addi %broadcast_in_dim3A_465, %add3A_997 : vector<16xi32>
        %gather3A = tpu.vector_load_idx %arg4[%add3A_998] : memref<12900xf32, #tpu.memory_space<vmem>>[vector<16xi32>], vector<16xf32>,
        %mul3A_999 = arith.constant 32 : i32
        %mul3A_1000 = arith.muli %scan3A_993, %mul3A_999 : i32
        %swap3A = arith.constant 0 : i32
        %swap3A_1001 = arith.index_cast %swap3A : i32 to index
        %swap3A_1002 = arith.index_cast %mul3A_1000 : i32 to index
        %swap3A_1003 = tpu.vector_load %arg5[%swap3A_1001, %swap3A_1002] {strides = array<i32>} : memref<2x32768xf32, #tpu.memory_space<vmem>>, vector<16xf32>,
        tpu.vector_store %arg5[%swap3A_1001, %swap3A_1002], %gather3A {strides = array<i32>} : memref<2x32768xf32, #tpu.memory_space<vmem>>, vector<16xf32>,
        %mul3A_1004 = arith.constant 32 : i32
        %mul3A_1005 = arith.muli %scan3A_993, %mul3A_1004 : i32
        %add3A_1006 = arith.constant 16 : i32
        %add3A_1007 = arith.addi %mul3A_1005, %add3A_1006 : i32
        %swap3A_1008 = arith.constant 0 : i32
        %swap3A_1009 = arith.index_cast %swap3A_1008 : i32 to index
        %swap3A_1010 = arith.index_cast %add3A_1007 : i32 to index
        %swap3A_1011 = tpu.vector_load %arg5[%swap3A_1009, %swap3A_1010] {strides = array<i32>} : memref<2x32768xf32, #tpu.memory_space<vmem>>, vector<16xf32>,
        tpu.vector_store %arg5[%swap3A_1009, %swap3A_1010], %gather3A {strides = array<i32>} : memref<2x32768xf32, #tpu.memory_space<vmem>>, vector<16xf32>,
        %scan3A_1012 = arith.constant 0 : i32
        scf.yield %scan3A_1012 : i32
      }
      %scan3A_978 = arith.constant 32 : i32
      %parallel_loop3A = arith.constant 0 : i32
      %parallel_loop3A_979 = arith.constant 64 : i32
      %parallel_loop3A_980 = arith.constant 1 : i32
      scf.for %parallel_loop3A_993 = %parallel_loop3A to %parallel_loop3A_979 step %parallel_loop3A_980  : i32 {
        %parallel_loop3A_994 = arith.constant 16 : i32
        %parallel_loop3A_995 = arith.muli %parallel_loop3A_993, %parallel_loop3A_994 : i32
        %parallel_loop3A_996 = arith.constant 0 : i32
        %parallel_loop3A_997 = arith.index_cast %parallel_loop3A_996 : i32 to index
        %parallel_loop3A_998 = arith.index_cast %parallel_loop3A_995 : i32 to index
        %parallel_loop3A_999 = tpu.vector_load %arg5[%parallel_loop3A_997, %parallel_loop3A_998] {strides = array<i32>} : memref<2x32768xf32, #tpu.memory_space<vmem>>, vector<16xf32>,
        %parallel_loop3A_1000 = arith.constant 16 : i32
        %parallel_loop3A_1001 = arith.muli %parallel_loop3A_993, %parallel_loop3A_1000 : i32
        %parallel_loop3A_1002 = arith.constant 1024 : i32
        %parallel_loop3A_1003 = arith.addi %parallel_loop3A_1002, %parallel_loop3A_1001 : i32
        %parallel_loop3A_1004 = arith.constant 0 : i32
        %parallel_loop3A_1005 = arith.index_cast %parallel_loop3A_1004 : i32 to index
        %parallel_loop3A_1006 = arith.index_cast %parallel_loop3A_1003 : i32 to index
        %parallel_loop3A_1007 = tpu.vector_load %arg5[%parallel_loop3A_1005, %parallel_loop3A_1006] {strides = array<i32>} : memref<2x32768xf32, #tpu.memory_space<vmem>>, vector<16xf32>,
        tpu.vector_store %arg5[%parallel_loop3A_1005, %parallel_loop3A_1006], %parallel_loop3A_999 {strides = array<i32>} : memref<2x32768xf32, #tpu.memory_space<vmem>>, vector<16xf32>,
      } {sc.loop_unroll_factor = 8 : i64, sc.parallel_access}
      %parallel_loop3A_981 = arith.constant 0 : i32
      %parallel_loop3A_982 = arith.constant 128 : i32
      %parallel_loop3A_983 = arith.constant 1 : i32
      scf.for %parallel_loop3A_993 = %parallel_loop3A_981 to %parallel_loop3A_982 step %parallel_loop3A_983  : i32 {
        %parallel_loop3A_994 = arith.constant 16 : i32
        %parallel_loop3A_995 = arith.muli %parallel_loop3A_993, %parallel_loop3A_994 : i32
        %parallel_loop3A_996 = arith.constant 0 : i32
        %parallel_loop3A_997 = arith.index_cast %parallel_loop3A_996 : i32 to index
        %parallel_loop3A_998 = arith.index_cast %parallel_loop3A_995 : i32 to index
        %parallel_loop3A_999 = tpu.vector_load %arg5[%parallel_loop3A_997, %parallel_loop3A_998] {strides = array<i32>} : memref<2x32768xf32, #tpu.memory_space<vmem>>, vector<16xf32>,
        %parallel_loop3A_1000 = arith.constant 16 : i32
        %parallel_loop3A_1001 = arith.muli %parallel_loop3A_993, %parallel_loop3A_1000 : i32
        %parallel_loop3A_1002 = arith.constant 2048 : i32
        %parallel_loop3A_1003 = arith.addi %parallel_loop3A_1002, %parallel_loop3A_1001 : i32
        %parallel_loop3A_1004 = arith.constant 0 : i32
        %parallel_loop3A_1005 = arith.index_cast %parallel_loop3A_1004 : i32 to index
        %parallel_loop3A_1006 = arith.index_cast %parallel_loop3A_1003 : i32 to index
        %parallel_loop3A_1007 = tpu.vector_load %arg5[%parallel_loop3A_1005, %parallel_loop3A_1006] {strides = array<i32>} : memref<2x32768xf32, #tpu.memory_space<vmem>>, vector<16xf32>,
        tpu.vector_store %arg5[%parallel_loop3A_1005, %parallel_loop3A_1006], %parallel_loop3A_999 {strides = array<i32>} : memref<2x32768xf32, #tpu.memory_space<vmem>>, vector<16xf32>,
      } {sc.loop_unroll_factor = 8 : i64, sc.parallel_access}
      %parallel_loop3A_984 = arith.constant 0 : i32
      %parallel_loop3A_985 = arith.constant 256 : i32
      %parallel_loop3A_986 = arith.constant 1 : i32
      scf.for %parallel_loop3A_993 = %parallel_loop3A_984 to %parallel_loop3A_985 step %parallel_loop3A_986  : i32 {
        %parallel_loop3A_994 = arith.constant 16 : i32
        %parallel_loop3A_995 = arith.muli %parallel_loop3A_993, %parallel_loop3A_994 : i32
        %parallel_loop3A_996 = arith.constant 0 : i32
        %parallel_loop3A_997 = arith.index_cast %parallel_loop3A_996 : i32 to index
        %parallel_loop3A_998 = arith.index_cast %parallel_loop3A_995 : i32 to index
        %parallel_loop3A_999 = tpu.vector_load %arg5[%parallel_loop3A_997, %parallel_loop3A_998] {strides = array<i32>} : memref<2x32768xf32, #tpu.memory_space<vmem>>, vector<16xf32>,
        %parallel_loop3A_1000 = arith.constant 16 : i32
        %parallel_loop3A_1001 = arith.muli %parallel_loop3A_993, %parallel_loop3A_1000 : i32
        %parallel_loop3A_1002 = arith.constant 4096 : i32
        %parallel_loop3A_1003 = arith.addi %parallel_loop3A_1002, %parallel_loop3A_1001 : i32
        %parallel_loop3A_1004 = arith.constant 0 : i32
        %parallel_loop3A_1005 = arith.index_cast %parallel_loop3A_1004 : i32 to index
        %parallel_loop3A_1006 = arith.index_cast %parallel_loop3A_1003 : i32 to index
        %parallel_loop3A_1007 = tpu.vector_load %arg5[%parallel_loop3A_1005, %parallel_loop3A_1006] {strides = array<i32>} : memref<2x32768xf32, #tpu.memory_space<vmem>>, vector<16xf32>,
        tpu.vector_store %arg5[%parallel_loop3A_1005, %parallel_loop3A_1006], %parallel_loop3A_999 {strides = array<i32>} : memref<2x32768xf32, #tpu.memory_space<vmem>>, vector<16xf32>,
      } {sc.loop_unroll_factor = 8 : i64, sc.parallel_access}
      %parallel_loop3A_987 = arith.constant 0 : i32
      %parallel_loop3A_988 = arith.constant 512 : i32
      %parallel_loop3A_989 = arith.constant 1 : i32
      scf.for %parallel_loop3A_993 = %parallel_loop3A_987 to %parallel_loop3A_988 step %parallel_loop3A_989  : i32 {
        %parallel_loop3A_994 = arith.constant 16 : i32
        %parallel_loop3A_995 = arith.muli %parallel_loop3A_993, %parallel_loop3A_994 : i32
        %parallel_loop3A_996 = arith.constant 0 : i32
        %parallel_loop3A_997 = arith.index_cast %parallel_loop3A_996 : i32 to index
        %parallel_loop3A_998 = arith.index_cast %parallel_loop3A_995 : i32 to index
        %parallel_loop3A_999 = tpu.vector_load %arg5[%parallel_loop3A_997, %parallel_loop3A_998] {strides = array<i32>} : memref<2x32768xf32, #tpu.memory_space<vmem>>, vector<16xf32>,
        %parallel_loop3A_1000 = arith.constant 16 : i32
        %parallel_loop3A_1001 = arith.muli %parallel_loop3A_993, %parallel_loop3A_1000 : i32
        %parallel_loop3A_1002 = arith.constant 8192 : i32
        %parallel_loop3A_1003 = arith.addi %parallel_loop3A_1002, %parallel_loop3A_1001 : i32
        %parallel_loop3A_1004 = arith.constant 0 : i32
        %parallel_loop3A_1005 = arith.index_cast %parallel_loop3A_1004 : i32 to index
        %parallel_loop3A_1006 = arith.index_cast %parallel_loop3A_1003 : i32 to index
        %parallel_loop3A_1007 = tpu.vector_load %arg5[%parallel_loop3A_1005, %parallel_loop3A_1006] {strides = array<i32>} : memref<2x32768xf32, #tpu.memory_space<vmem>>, vector<16xf32>,
        tpu.vector_store %arg5[%parallel_loop3A_1005, %parallel_loop3A_1006], %parallel_loop3A_999 {strides = array<i32>} : memref<2x32768xf32, #tpu.memory_space<vmem>>, vector<16xf32>,
      } {sc.loop_unroll_factor = 8 : i64, sc.parallel_access}
      %parallel_loop3A_990 = arith.constant 0 : i32
      %parallel_loop3A_991 = arith.constant 1024 : i32
      %parallel_loop3A_992 = arith.constant 1 : i32
      scf.for %parallel_loop3A_993 = %parallel_loop3A_990 to %parallel_loop3A_991 step %parallel_loop3A_992  : i32 {
        %parallel_loop3A_994 = arith.constant 16 : i32
        %parallel_loop3A_995 = arith.muli %parallel_loop3A_993, %parallel_loop3A_994 : i32
        %parallel_loop3A_996 = arith.constant 0 : i32
        %parallel_loop3A_997 = arith.index_cast %parallel_loop3A_996 : i32 to index
        %parallel_loop3A_998 = arith.index_cast %parallel_loop3A_995 : i32 to index
        %parallel_loop3A_999 = tpu.vector_load %arg5[%parallel_loop3A_997, %parallel_loop3A_998] {strides = array<i32>} : memref<2x32768xf32, #tpu.memory_space<vmem>>, vector<16xf32>,
        %parallel_loop3A_1000 = arith.constant 16 : i32
        %parallel_loop3A_1001 = arith.muli %parallel_loop3A_993, %parallel_loop3A_1000 : i32
        %parallel_loop3A_1002 = arith.constant 16384 : i32
        %parallel_loop3A_1003 = arith.addi %parallel_loop3A_1002, %parallel_loop3A_1001 : i32
        %parallel_loop3A_1004 = arith.constant 0 : i32
        %parallel_loop3A_1005 = arith.index_cast %parallel_loop3A_1004 : i32 to index
        %parallel_loop3A_1006 = arith.index_cast %parallel_loop3A_1003 : i32 to index
        %parallel_loop3A_1007 = tpu.vector_load %arg5[%parallel_loop3A_1005, %parallel_loop3A_1006] {strides = array<i32>} : memref<2x32768xf32, #tpu.memory_space<vmem>>, vector<16xf32>,
        tpu.vector_store %arg5[%parallel_loop3A_1005, %parallel_loop3A_1006], %parallel_loop3A_999 {strides = array<i32>} : memref<2x32768xf32, #tpu.memory_space<vmem>>, vector<16xf32>,
      } {sc.loop_unroll_factor = 8 : i64, sc.parallel_access}
    } else {
    }
    %not3A_472 = arith.constant true
    %not3A_473 = arith.xori %lt3A_448, %not3A_472 : i1
    %not3A_474 = arith.constant true
    %not3A_475 = arith.xori %and3A_453, %not3A_474 : i1
    %and3A_476 = arith.andi %not3A_473, %not3A_475 : i1
    %convert_element_type3A_477 = arith.extui %and3A_476 : i1 to i32
    %cond3A_478 = arith.constant 0 : i32
    %cond3A_479 = arith.cmpi ne, %convert_element_type3A_477, %cond3A_478 : i32
    scf.if %cond3A_479 {
      %mul3A_973 = arith.constant 86 : i32
      %mul3A_974 = vector.broadcast %mul3A_973 : i32 to vector<16xi32>
      %mul3A_975 = arith.muli %iota3A, %mul3A_974 : vector<16xi32>
      %add3A_976 = arith.addi %broadcast_in_dim3A_465, %mul3A_975 : vector<16xi32>
      %gather3A = tpu.vector_load_idx %arg4[%add3A_976] : memref<12900xf32, #tpu.memory_space<vmem>>[vector<16xi32>], vector<16xf32>,
      %add3A_977 = arith.constant 16 : i32
      %add3A_978 = vector.broadcast %add3A_977 : i32 to vector<16xi32>
      %add3A_979 = arith.addi %iota3A, %add3A_978 : vector<16xi32>
      %mul3A_980 = arith.constant 86 : i32
      %mul3A_981 = vector.broadcast %mul3A_980 : i32 to vector<16xi32>
      %mul3A_982 = arith.muli %add3A_979, %mul3A_981 : vector<16xi32>
      %add3A_983 = arith.addi %broadcast_in_dim3A_465, %mul3A_982 : vector<16xi32>
      %gather3A_984 = tpu.vector_load_idx %arg4[%add3A_983] : memref<12900xf32, #tpu.memory_space<vmem>>[vector<16xi32>], vector<16xf32>,
      %parallel_loop3A = arith.constant 0 : i32
      %parallel_loop3A_985 = arith.constant 1024 : i32
      %parallel_loop3A_986 = arith.constant 1 : i32
      scf.for %parallel_loop3A_987 = %parallel_loop3A to %parallel_loop3A_985 step %parallel_loop3A_986  : i32 {
        %parallel_loop3A_988 = arith.constant 32 : i32
        %parallel_loop3A_989 = arith.muli %parallel_loop3A_987, %parallel_loop3A_988 : i32
        %parallel_loop3A_990 = arith.constant 0 : i32
        %parallel_loop3A_991 = arith.index_cast %parallel_loop3A_990 : i32 to index
        %parallel_loop3A_992 = arith.index_cast %parallel_loop3A_989 : i32 to index
        %parallel_loop3A_993 = tpu.vector_load %arg5[%parallel_loop3A_991, %parallel_loop3A_992] {strides = array<i32>} : memref<2x32768xf32, #tpu.memory_space<vmem>>, vector<16xf32>,
        tpu.vector_store %arg5[%parallel_loop3A_991, %parallel_loop3A_992], %gather3A {strides = array<i32>} : memref<2x32768xf32, #tpu.memory_space<vmem>>, vector<16xf32>,
        %parallel_loop3A_994 = arith.constant 32 : i32
        %parallel_loop3A_995 = arith.muli %parallel_loop3A_987, %parallel_loop3A_994 : i32
        %parallel_loop3A_996 = arith.constant 16 : i32
        %parallel_loop3A_997 = arith.addi %parallel_loop3A_995, %parallel_loop3A_996 : i32
        %parallel_loop3A_998 = arith.constant 0 : i32
        %parallel_loop3A_999 = arith.index_cast %parallel_loop3A_998 : i32 to index
        %parallel_loop3A_1000 = arith.index_cast %parallel_loop3A_997 : i32 to index
        %parallel_loop3A_1001 = tpu.vector_load %arg5[%parallel_loop3A_999, %parallel_loop3A_1000] {strides = array<i32>} : memref<2x32768xf32, #tpu.memory_space<vmem>>, vector<16xf32>,
        tpu.vector_store %arg5[%parallel_loop3A_999, %parallel_loop3A_1000], %gather3A_984 {strides = array<i32>} : memref<2x32768xf32, #tpu.memory_space<vmem>>, vector<16xf32>,
      } {sc.loop_unroll_factor = 8 : i64, sc.parallel_access}
    } else {
    }
    %add3A_480 = arith.constant 0 : i32
    %add3A_481 = arith.addi %add3A_480, %add3A_410 : i32
    %mul3A_482 = arith.constant 32768 : i32
    %mul3A_483 = arith.muli %add3A_481, %mul3A_482 : i32
    %dma_start3A_484 = arith.constant 0 : i32
    %dma_start3A_485 = arith.constant 0 : i32
    %dma_start3A_486 = tpu.memref_slice %arg5[%dma_start3A_484, %dma_start3A_485] : memref<2x32768xf32, #tpu.memory_space<vmem>> -> memref<1x32768xf32, #tpu.memory_space<vmem>>
    %dma_start3A_487 = tpu.memref_squeeze %dma_start3A_486 : memref<1x32768xf32, #tpu.memory_space<vmem>> -> memref<32768xf32, #tpu.memory_space<vmem>>
    %dma_start3A_488 = tpu.memref_slice %arg3[%mul3A_483] : memref<33554432xf32, #tpu.memory_space<hbm>> -> memref<32768xf32, #tpu.memory_space<hbm>>
    %dma_start3A_489 = tpu.memref_slice %arg3[%mul3A_483] : memref<33554432xf32, #tpu.memory_space<hbm>> -> memref<32768xf32, #tpu.memory_space<hbm>>
    %dma_start3A_490 = arith.constant 0 : i32
    %dma_start3A_491 = tpu.memref_slice %arg5[%dma_start3A_484, %dma_start3A_490] : memref<2x32768xf32, #tpu.memory_space<vmem>> -> memref<1x32768xf32, #tpu.memory_space<vmem>>
    %dma_start3A_492 = tpu.memref_squeeze %dma_start3A_491 : memref<1x32768xf32, #tpu.memory_space<vmem>> -> memref<32768xf32, #tpu.memory_space<vmem>>
    tpu.enqueue_dma source(%dma_start3A_492 : memref<32768xf32, #tpu.memory_space<vmem>>) target(%dma_start3A_489 : memref<32768xf32, #tpu.memory_space<hbm>>) target_semaphore(%arg6 : memref<!tpu.dma_semaphore, #tpu.memory_space<semaphore_mem>>)
    %add3A_493 = arith.constant 256 : i32
    %add3A_494 = arith.addi %add3A_493, %add3A_410 : i32
    %mul3A_495 = arith.constant 32768 : i32
    %mul3A_496 = arith.muli %add3A_494, %mul3A_495 : i32
    %dma_start3A_497 = arith.constant 0 : i32
    %dma_start3A_498 = arith.constant 0 : i32
    %dma_start3A_499 = tpu.memref_slice %arg5[%dma_start3A_497, %dma_start3A_498] : memref<2x32768xf32, #tpu.memory_space<vmem>> -> memref<1x32768xf32, #tpu.memory_space<vmem>>
    %dma_start3A_500 = tpu.memref_squeeze %dma_start3A_499 : memref<1x32768xf32, #tpu.memory_space<vmem>> -> memref<32768xf32, #tpu.memory_space<vmem>>
    %dma_start3A_501 = tpu.memref_slice %arg3[%mul3A_496] : memref<33554432xf32, #tpu.memory_space<hbm>> -> memref<32768xf32, #tpu.memory_space<hbm>>
    %dma_start3A_502 = tpu.memref_slice %arg3[%mul3A_496] : memref<33554432xf32, #tpu.memory_space<hbm>> -> memref<32768xf32, #tpu.memory_space<hbm>>
    %dma_start3A_503 = arith.constant 0 : i32
    %dma_start3A_504 = tpu.memref_slice %arg5[%dma_start3A_497, %dma_start3A_503] : memref<2x32768xf32, #tpu.memory_space<vmem>> -> memref<1x32768xf32, #tpu.memory_space<vmem>>
    %dma_start3A_505 = tpu.memref_squeeze %dma_start3A_504 : memref<1x32768xf32, #tpu.memory_space<vmem>> -> memref<32768xf32, #tpu.memory_space<vmem>>
    tpu.enqueue_dma source(%dma_start3A_505 : memref<32768xf32, #tpu.memory_space<vmem>>) target(%dma_start3A_502 : memref<32768xf32, #tpu.memory_space<hbm>>) target_semaphore(%arg6 : memref<!tpu.dma_semaphore, #tpu.memory_space<semaphore_mem>>)
    %add3A_506 = arith.constant 512 : i32
    %add3A_507 = arith.addi %add3A_506, %add3A_410 : i32
    %mul3A_508 = arith.constant 32768 : i32
    %mul3A_509 = arith.muli %add3A_507, %mul3A_508 : i32
    %dma_start3A_510 = arith.constant 0 : i32
    %dma_start3A_511 = arith.constant 0 : i32
    %dma_start3A_512 = tpu.memref_slice %arg5[%dma_start3A_510, %dma_start3A_511] : memref<2x32768xf32, #tpu.memory_space<vmem>> -> memref<1x32768xf32, #tpu.memory_space<vmem>>
    %dma_start3A_513 = tpu.memref_squeeze %dma_start3A_512 : memref<1x32768xf32, #tpu.memory_space<vmem>> -> memref<32768xf32, #tpu.memory_space<vmem>>
    %dma_start3A_514 = tpu.memref_slice %arg3[%mul3A_509] : memref<33554432xf32, #tpu.memory_space<hbm>> -> memref<32768xf32, #tpu.memory_space<hbm>>
    %dma_start3A_515 = tpu.memref_slice %arg3[%mul3A_509] : memref<33554432xf32, #tpu.memory_space<hbm>> -> memref<32768xf32, #tpu.memory_space<hbm>>
    %dma_start3A_516 = arith.constant 0 : i32
    %dma_start3A_517 = tpu.memref_slice %arg5[%dma_start3A_510, %dma_start3A_516] : memref<2x32768xf32, #tpu.memory_space<vmem>> -> memref<1x32768xf32, #tpu.memory_space<vmem>>
    %dma_start3A_518 = tpu.memref_squeeze %dma_start3A_517 : memref<1x32768xf32, #tpu.memory_space<vmem>> -> memref<32768xf32, #tpu.memory_space<vmem>>
    tpu.enqueue_dma source(%dma_start3A_518 : memref<32768xf32, #tpu.memory_space<vmem>>) target(%dma_start3A_515 : memref<32768xf32, #tpu.memory_space<hbm>>) target_semaphore(%arg6 : memref<!tpu.dma_semaphore, #tpu.memory_space<semaphore_mem>>)
    %add3A_519 = arith.constant 768 : i32
    %add3A_520 = arith.addi %add3A_519, %add3A_410 : i32
    %mul3A_521 = arith.constant 32768 : i32
    %mul3A_522 = arith.muli %add3A_520, %mul3A_521 : i32
    %dma_start3A_523 = arith.constant 0 : i32
    %dma_start3A_524 = arith.constant 0 : i32
    %dma_start3A_525 = tpu.memref_slice %arg5[%dma_start3A_523, %dma_start3A_524] : memref<2x32768xf32, #tpu.memory_space<vmem>> -> memref<1x32768xf32, #tpu.memory_space<vmem>>
    %dma_start3A_526 = tpu.memref_squeeze %dma_start3A_525 : memref<1x32768xf32, #tpu.memory_space<vmem>> -> memref<32768xf32, #tpu.memory_space<vmem>>
    %dma_start3A_527 = tpu.memref_slice %arg3[%mul3A_522] : memref<33554432xf32, #tpu.memory_space<hbm>> -> memref<32768xf32, #tpu.memory_space<hbm>>
    %dma_start3A_528 = tpu.memref_slice %arg3[%mul3A_522] : memref<33554432xf32, #tpu.memory_space<hbm>> -> memref<32768xf32, #tpu.memory_space<hbm>>
    %dma_start3A_529 = arith.constant 0 : i32
    %dma_start3A_530 = tpu.memref_slice %arg5[%dma_start3A_523, %dma_start3A_529] : memref<2x32768xf32, #tpu.memory_space<vmem>> -> memref<1x32768xf32, #tpu.memory_space<vmem>>
    %dma_start3A_531 = tpu.memref_squeeze %dma_start3A_530 : memref<1x32768xf32, #tpu.memory_space<vmem>> -> memref<32768xf32, #tpu.memory_space<vmem>>
    tpu.enqueue_dma source(%dma_start3A_531 : memref<32768xf32, #tpu.memory_space<vmem>>) target(%dma_start3A_528 : memref<32768xf32, #tpu.memory_space<hbm>>) target_semaphore(%arg6 : memref<!tpu.dma_semaphore, #tpu.memory_space<semaphore_mem>>)
    %add3A_532 = arith.constant 160 : i32
    %add3A_533 = arith.addi %add3A, %add3A_532 : i32
    %dma_wait3A_534 = arith.constant 1 : i32
    %dma_wait3A_535 = arith.constant 0 : i32
    %dma_wait3A_536 = tpu.memref_slice %arg5[%dma_wait3A_534, %dma_wait3A_535] : memref<2x32768xf32, #tpu.memory_space<vmem>> -> memref<1x32768xf32, #tpu.memory_space<vmem>>
    %dma_wait3A_537 = tpu.memref_squeeze %dma_wait3A_536 : memref<1x32768xf32, #tpu.memory_space<vmem>> -> memref<32768xf32, #tpu.memory_space<vmem>>
    %dma_wait3A_538 = tpu.memref_slice %arg3[%mul3A_360] : memref<33554432xf32, #tpu.memory_space<hbm>> -> memref<32768xf32, #tpu.memory_space<hbm>>
    %dma_wait3A_539 = tpu.memref_slice %arg3[%mul3A_360] : memref<33554432xf32, #tpu.memory_space<hbm>> -> memref<32768xf32, #tpu.memory_space<hbm>>
    %dma_wait3A_540 = arith.constant 0 : i32
    %dma_wait3A_541 = tpu.memref_slice %arg5[%dma_wait3A_534, %dma_wait3A_540] : memref<2x32768xf32, #tpu.memory_space<vmem>> -> memref<1x32768xf32, #tpu.memory_space<vmem>>
    %dma_wait3A_542 = tpu.memref_squeeze %dma_wait3A_541 : memref<1x32768xf32, #tpu.memory_space<vmem>> -> memref<32768xf32, #tpu.memory_space<vmem>>
    tpu.wait_dma2 semaphore(%arg7 : memref<!tpu.dma_semaphore, #tpu.memory_space<semaphore_mem>>) src(%dma_wait3A_542 : memref<32768xf32, #tpu.memory_space<vmem>>) dst(%dma_wait3A_539 : memref<32768xf32, #tpu.memory_space<hbm>>)
    %dma_wait3A_543 = arith.constant 1 : i32
    %dma_wait3A_544 = arith.constant 0 : i32
    %dma_wait3A_545 = tpu.memref_slice %arg5[%dma_wait3A_543, %dma_wait3A_544] : memref<2x32768xf32, #tpu.memory_space<vmem>> -> memref<1x32768xf32, #tpu.memory_space<vmem>>
    %dma_wait3A_546 = tpu.memref_squeeze %dma_wait3A_545 : memref<1x32768xf32, #tpu.memory_space<vmem>> -> memref<32768xf32, #tpu.memory_space<vmem>>
    %dma_wait3A_547 = tpu.memref_slice %arg3[%mul3A_373] : memref<33554432xf32, #tpu.memory_space<hbm>> -> memref<32768xf32, #tpu.memory_space<hbm>>
    %dma_wait3A_548 = tpu.memref_slice %arg3[%mul3A_373] : memref<33554432xf32, #tpu.memory_space<hbm>> -> memref<32768xf32, #tpu.memory_space<hbm>>
    %dma_wait3A_549 = arith.constant 0 : i32
    %dma_wait3A_550 = tpu.memref_slice %arg5[%dma_wait3A_543, %dma_wait3A_549] : memref<2x32768xf32, #tpu.memory_space<vmem>> -> memref<1x32768xf32, #tpu.memory_space<vmem>>
    %dma_wait3A_551 = tpu.memref_squeeze %dma_wait3A_550 : memref<1x32768xf32, #tpu.memory_space<vmem>> -> memref<32768xf32, #tpu.memory_space<vmem>>
    tpu.wait_dma2 semaphore(%arg7 : memref<!tpu.dma_semaphore, #tpu.memory_space<semaphore_mem>>) src(%dma_wait3A_551 : memref<32768xf32, #tpu.memory_space<vmem>>) dst(%dma_wait3A_548 : memref<32768xf32, #tpu.memory_space<hbm>>)
    %dma_wait3A_552 = arith.constant 1 : i32
    %dma_wait3A_553 = arith.constant 0 : i32
    %dma_wait3A_554 = tpu.memref_slice %arg5[%dma_wait3A_552, %dma_wait3A_553] : memref<2x32768xf32, #tpu.memory_space<vmem>> -> memref<1x32768xf32, #tpu.memory_space<vmem>>
    %dma_wait3A_555 = tpu.memref_squeeze %dma_wait3A_554 : memref<1x32768xf32, #tpu.memory_space<vmem>> -> memref<32768xf32, #tpu.memory_space<vmem>>
    %dma_wait3A_556 = tpu.memref_slice %arg3[%mul3A_386] : memref<33554432xf32, #tpu.memory_space<hbm>> -> memref<32768xf32, #tpu.memory_space<hbm>>
    %dma_wait3A_557 = tpu.memref_slice %arg3[%mul3A_386] : memref<33554432xf32, #tpu.memory_space<hbm>> -> memref<32768xf32, #tpu.memory_space<hbm>>
    %dma_wait3A_558 = arith.constant 0 : i32
    %dma_wait3A_559 = tpu.memref_slice %arg5[%dma_wait3A_552, %dma_wait3A_558] : memref<2x32768xf32, #tpu.memory_space<vmem>> -> memref<1x32768xf32, #tpu.memory_space<vmem>>
    %dma_wait3A_560 = tpu.memref_squeeze %dma_wait3A_559 : memref<1x32768xf32, #tpu.memory_space<vmem>> -> memref<32768xf32, #tpu.memory_space<vmem>>
    tpu.wait_dma2 semaphore(%arg7 : memref<!tpu.dma_semaphore, #tpu.memory_space<semaphore_mem>>) src(%dma_wait3A_560 : memref<32768xf32, #tpu.memory_space<vmem>>) dst(%dma_wait3A_557 : memref<32768xf32, #tpu.memory_space<hbm>>)
    %dma_wait3A_561 = arith.constant 1 : i32
    %dma_wait3A_562 = arith.constant 0 : i32
    %dma_wait3A_563 = tpu.memref_slice %arg5[%dma_wait3A_561, %dma_wait3A_562] : memref<2x32768xf32, #tpu.memory_space<vmem>> -> memref<1x32768xf32, #tpu.memory_space<vmem>>
    %dma_wait3A_564 = tpu.memref_squeeze %dma_wait3A_563 : memref<1x32768xf32, #tpu.memory_space<vmem>> -> memref<32768xf32, #tpu.memory_space<vmem>>
    %dma_wait3A_565 = tpu.memref_slice %arg3[%mul3A_399] : memref<33554432xf32, #tpu.memory_space<hbm>> -> memref<32768xf32, #tpu.memory_space<hbm>>
    %dma_wait3A_566 = tpu.memref_slice %arg3[%mul3A_399] : memref<33554432xf32, #tpu.memory_space<hbm>> -> memref<32768xf32, #tpu.memory_space<hbm>>
    %dma_wait3A_567 = arith.constant 0 : i32
    %dma_wait3A_568 = tpu.memref_slice %arg5[%dma_wait3A_561, %dma_wait3A_567] : memref<2x32768xf32, #tpu.memory_space<vmem>> -> memref<1x32768xf32, #tpu.memory_space<vmem>>
    %dma_wait3A_569 = tpu.memref_squeeze %dma_wait3A_568 : memref<1x32768xf32, #tpu.memory_space<vmem>> -> memref<32768xf32, #tpu.memory_space<vmem>>
    tpu.wait_dma2 semaphore(%arg7 : memref<!tpu.dma_semaphore, #tpu.memory_space<semaphore_mem>>) src(%dma_wait3A_569 : memref<32768xf32, #tpu.memory_space<vmem>>) dst(%dma_wait3A_566 : memref<32768xf32, #tpu.memory_space<hbm>>)
    %lt3A_570 = arith.constant 86 : i32
    %lt3A_571 = arith.cmpi slt, %add3A_533, %lt3A_570 : i32
    %ge3A_572 = arith.constant 86 : i32
    %ge3A_573 = arith.cmpi sge, %add3A_533, %ge3A_572 : i32
    %lt3A_574 = arith.constant 172 : i32
    %lt3A_575 = arith.cmpi slt, %add3A_533, %lt3A_574 : i32
    %and3A_576 = arith.andi %ge3A_573, %lt3A_575 : i1
    %jit3A_577 = arith.constant 1 : i32
    %jit3A_578 = arith.constant 2 : i32
    %select_n3A_579 = arith.select %and3A_576, %jit3A_577, %jit3A_578 : i32
    %jit3A_580 = arith.constant 0 : i32
    %select_n3A_581 = arith.select %lt3A_571, %jit3A_580, %select_n3A_579 : i32
    %mul3A_582 = arith.constant 86 : i32
    %mul3A_583 = arith.muli %select_n3A_581, %mul3A_582 : i32
    %sub3A_584 = arith.subi %add3A_533, %mul3A_583 : i32
    %mul3A_585 = arith.constant 4300 : i32
    %mul3A_586 = arith.muli %select_n3A_581, %mul3A_585 : i32
    %add3A_587 = arith.addi %mul3A_586, %sub3A_584 : i32
    %broadcast_in_dim3A_588 = vector.broadcast %add3A_587 : i32 to vector<16xi32>
    %convert_element_type3A_589 = arith.extui %lt3A_571 : i1 to i32
    %cond3A_590 = arith.constant 0 : i32
    %cond3A_591 = arith.cmpi ne, %convert_element_type3A_589, %cond3A_590 : i32
    scf.if %cond3A_591 {
      %scan3A = arith.constant 0 : i32
      %scan3A_973 = arith.constant 0 : i32
      %scan3A_974 = arith.constant 32 : i32
      %scan3A_975 = arith.addi %scan3A_973, %scan3A_974 : i32
      %scan3A_976 = arith.constant 1 : i32
      %scan3A_977 = scf.for %scan3A_979 = %scan3A_973 to %scan3A_975 step %scan3A_976 iter_args(%scan3A_980 = %scan3A) -> (i32)  : i32 {
        %mul3A_981 = arith.constant 86 : i32
        %mul3A_982 = arith.muli %scan3A_979, %mul3A_981 : i32
        %add3A_983 = vector.broadcast %mul3A_982 : i32 to vector<16xi32>
        %add3A_984 = arith.addi %broadcast_in_dim3A_588, %add3A_983 : vector<16xi32>
        %gather3A = tpu.vector_load_idx %arg4[%add3A_984] : memref<12900xf32, #tpu.memory_space<vmem>>[vector<16xi32>], vector<16xf32>,
        %parallel_loop3A = arith.constant 0 : i32
        %parallel_loop3A_985 = arith.constant 64 : i32
        %parallel_loop3A_986 = arith.constant 1 : i32
        scf.for %parallel_loop3A_988 = %parallel_loop3A to %parallel_loop3A_985 step %parallel_loop3A_986  : i32 {
          %parallel_loop3A_989 = arith.constant 1024 : i32
          %parallel_loop3A_990 = arith.muli %scan3A_979, %parallel_loop3A_989 : i32
          %parallel_loop3A_991 = arith.constant 16 : i32
          %parallel_loop3A_992 = arith.muli %parallel_loop3A_988, %parallel_loop3A_991 : i32
          %parallel_loop3A_993 = arith.addi %parallel_loop3A_990, %parallel_loop3A_992 : i32
          %parallel_loop3A_994 = arith.constant 1 : i32
          %parallel_loop3A_995 = arith.index_cast %parallel_loop3A_994 : i32 to index
          %parallel_loop3A_996 = arith.index_cast %parallel_loop3A_993 : i32 to index
          %parallel_loop3A_997 = tpu.vector_load %arg5[%parallel_loop3A_995, %parallel_loop3A_996] {strides = array<i32>} : memref<2x32768xf32, #tpu.memory_space<vmem>>, vector<16xf32>,
          tpu.vector_store %arg5[%parallel_loop3A_995, %parallel_loop3A_996], %gather3A {strides = array<i32>} : memref<2x32768xf32, #tpu.memory_space<vmem>>, vector<16xf32>,
        } {sc.loop_unroll_factor = 8 : i64, sc.parallel_access}
        %scan3A_987 = arith.constant 0 : i32
        scf.yield %scan3A_987 : i32
      }
      %scan3A_978 = arith.constant 32 : i32
    } else {
    }
    %convert_element_type3A_592 = arith.extui %and3A_576 : i1 to i32
    %cond3A_593 = arith.constant 0 : i32
    %cond3A_594 = arith.cmpi ne, %convert_element_type3A_592, %cond3A_593 : i32
    scf.if %cond3A_594 {
      %scan3A = arith.constant 0 : i32
      %scan3A_973 = arith.constant 0 : i32
      %scan3A_974 = arith.constant 32 : i32
      %scan3A_975 = arith.addi %scan3A_973, %scan3A_974 : i32
      %scan3A_976 = arith.constant 1 : i32
      %scan3A_977 = scf.for %scan3A_993 = %scan3A_973 to %scan3A_975 step %scan3A_976 iter_args(%scan3A_994 = %scan3A) -> (i32)  : i32 {
        %mul3A_995 = arith.constant 86 : i32
        %mul3A_996 = arith.muli %scan3A_993, %mul3A_995 : i32
        %add3A_997 = vector.broadcast %mul3A_996 : i32 to vector<16xi32>
        %add3A_998 = arith.addi %broadcast_in_dim3A_588, %add3A_997 : vector<16xi32>
        %gather3A = tpu.vector_load_idx %arg4[%add3A_998] : memref<12900xf32, #tpu.memory_space<vmem>>[vector<16xi32>], vector<16xf32>,
        %mul3A_999 = arith.constant 32 : i32
        %mul3A_1000 = arith.muli %scan3A_993, %mul3A_999 : i32
        %swap3A = arith.constant 1 : i32
        %swap3A_1001 = arith.index_cast %swap3A : i32 to index
        %swap3A_1002 = arith.index_cast %mul3A_1000 : i32 to index
        %swap3A_1003 = tpu.vector_load %arg5[%swap3A_1001, %swap3A_1002] {strides = array<i32>} : memref<2x32768xf32, #tpu.memory_space<vmem>>, vector<16xf32>,
        tpu.vector_store %arg5[%swap3A_1001, %swap3A_1002], %gather3A {strides = array<i32>} : memref<2x32768xf32, #tpu.memory_space<vmem>>, vector<16xf32>,
        %mul3A_1004 = arith.constant 32 : i32
        %mul3A_1005 = arith.muli %scan3A_993, %mul3A_1004 : i32
        %add3A_1006 = arith.constant 16 : i32
        %add3A_1007 = arith.addi %mul3A_1005, %add3A_1006 : i32
        %swap3A_1008 = arith.constant 1 : i32
        %swap3A_1009 = arith.index_cast %swap3A_1008 : i32 to index
        %swap3A_1010 = arith.index_cast %add3A_1007 : i32 to index
        %swap3A_1011 = tpu.vector_load %arg5[%swap3A_1009, %swap3A_1010] {strides = array<i32>} : memref<2x32768xf32, #tpu.memory_space<vmem>>, vector<16xf32>,
        tpu.vector_store %arg5[%swap3A_1009, %swap3A_1010], %gather3A {strides = array<i32>} : memref<2x32768xf32, #tpu.memory_space<vmem>>, vector<16xf32>,
        %scan3A_1012 = arith.constant 0 : i32
        scf.yield %scan3A_1012 : i32
      }
      %scan3A_978 = arith.constant 32 : i32
      %parallel_loop3A = arith.constant 0 : i32
      %parallel_loop3A_979 = arith.constant 64 : i32
      %parallel_loop3A_980 = arith.constant 1 : i32
      scf.for %parallel_loop3A_993 = %parallel_loop3A to %parallel_loop3A_979 step %parallel_loop3A_980  : i32 {
        %parallel_loop3A_994 = arith.constant 16 : i32
        %parallel_loop3A_995 = arith.muli %parallel_loop3A_993, %parallel_loop3A_994 : i32
        %parallel_loop3A_996 = arith.constant 1 : i32
        %parallel_loop3A_997 = arith.index_cast %parallel_loop3A_996 : i32 to index
        %parallel_loop3A_998 = arith.index_cast %parallel_loop3A_995 : i32 to index
        %parallel_loop3A_999 = tpu.vector_load %arg5[%parallel_loop3A_997, %parallel_loop3A_998] {strides = array<i32>} : memref<2x32768xf32, #tpu.memory_space<vmem>>, vector<16xf32>,
        %parallel_loop3A_1000 = arith.constant 16 : i32
        %parallel_loop3A_1001 = arith.muli %parallel_loop3A_993, %parallel_loop3A_1000 : i32
        %parallel_loop3A_1002 = arith.constant 1024 : i32
        %parallel_loop3A_1003 = arith.addi %parallel_loop3A_1002, %parallel_loop3A_1001 : i32
        %parallel_loop3A_1004 = arith.constant 1 : i32
        %parallel_loop3A_1005 = arith.index_cast %parallel_loop3A_1004 : i32 to index
        %parallel_loop3A_1006 = arith.index_cast %parallel_loop3A_1003 : i32 to index
        %parallel_loop3A_1007 = tpu.vector_load %arg5[%parallel_loop3A_1005, %parallel_loop3A_1006] {strides = array<i32>} : memref<2x32768xf32, #tpu.memory_space<vmem>>, vector<16xf32>,
        tpu.vector_store %arg5[%parallel_loop3A_1005, %parallel_loop3A_1006], %parallel_loop3A_999 {strides = array<i32>} : memref<2x32768xf32, #tpu.memory_space<vmem>>, vector<16xf32>,
      } {sc.loop_unroll_factor = 8 : i64, sc.parallel_access}
      %parallel_loop3A_981 = arith.constant 0 : i32
      %parallel_loop3A_982 = arith.constant 128 : i32
      %parallel_loop3A_983 = arith.constant 1 : i32
      scf.for %parallel_loop3A_993 = %parallel_loop3A_981 to %parallel_loop3A_982 step %parallel_loop3A_983  : i32 {
        %parallel_loop3A_994 = arith.constant 16 : i32
        %parallel_loop3A_995 = arith.muli %parallel_loop3A_993, %parallel_loop3A_994 : i32
        %parallel_loop3A_996 = arith.constant 1 : i32
        %parallel_loop3A_997 = arith.index_cast %parallel_loop3A_996 : i32 to index
        %parallel_loop3A_998 = arith.index_cast %parallel_loop3A_995 : i32 to index
        %parallel_loop3A_999 = tpu.vector_load %arg5[%parallel_loop3A_997, %parallel_loop3A_998] {strides = array<i32>} : memref<2x32768xf32, #tpu.memory_space<vmem>>, vector<16xf32>,
        %parallel_loop3A_1000 = arith.constant 16 : i32
        %parallel_loop3A_1001 = arith.muli %parallel_loop3A_993, %parallel_loop3A_1000 : i32
        %parallel_loop3A_1002 = arith.constant 2048 : i32
        %parallel_loop3A_1003 = arith.addi %parallel_loop3A_1002, %parallel_loop3A_1001 : i32
        %parallel_loop3A_1004 = arith.constant 1 : i32
        %parallel_loop3A_1005 = arith.index_cast %parallel_loop3A_1004 : i32 to index
        %parallel_loop3A_1006 = arith.index_cast %parallel_loop3A_1003 : i32 to index
        %parallel_loop3A_1007 = tpu.vector_load %arg5[%parallel_loop3A_1005, %parallel_loop3A_1006] {strides = array<i32>} : memref<2x32768xf32, #tpu.memory_space<vmem>>, vector<16xf32>,
        tpu.vector_store %arg5[%parallel_loop3A_1005, %parallel_loop3A_1006], %parallel_loop3A_999 {strides = array<i32>} : memref<2x32768xf32, #tpu.memory_space<vmem>>, vector<16xf32>,
      } {sc.loop_unroll_factor = 8 : i64, sc.parallel_access}
      %parallel_loop3A_984 = arith.constant 0 : i32
      %parallel_loop3A_985 = arith.constant 256 : i32
      %parallel_loop3A_986 = arith.constant 1 : i32
      scf.for %parallel_loop3A_993 = %parallel_loop3A_984 to %parallel_loop3A_985 step %parallel_loop3A_986  : i32 {
        %parallel_loop3A_994 = arith.constant 16 : i32
        %parallel_loop3A_995 = arith.muli %parallel_loop3A_993, %parallel_loop3A_994 : i32
        %parallel_loop3A_996 = arith.constant 1 : i32
        %parallel_loop3A_997 = arith.index_cast %parallel_loop3A_996 : i32 to index
        %parallel_loop3A_998 = arith.index_cast %parallel_loop3A_995 : i32 to index
        %parallel_loop3A_999 = tpu.vector_load %arg5[%parallel_loop3A_997, %parallel_loop3A_998] {strides = array<i32>} : memref<2x32768xf32, #tpu.memory_space<vmem>>, vector<16xf32>,
        %parallel_loop3A_1000 = arith.constant 16 : i32
        %parallel_loop3A_1001 = arith.muli %parallel_loop3A_993, %parallel_loop3A_1000 : i32
        %parallel_loop3A_1002 = arith.constant 4096 : i32
        %parallel_loop3A_1003 = arith.addi %parallel_loop3A_1002, %parallel_loop3A_1001 : i32
        %parallel_loop3A_1004 = arith.constant 1 : i32
        %parallel_loop3A_1005 = arith.index_cast %parallel_loop3A_1004 : i32 to index
        %parallel_loop3A_1006 = arith.index_cast %parallel_loop3A_1003 : i32 to index
        %parallel_loop3A_1007 = tpu.vector_load %arg5[%parallel_loop3A_1005, %parallel_loop3A_1006] {strides = array<i32>} : memref<2x32768xf32, #tpu.memory_space<vmem>>, vector<16xf32>,
        tpu.vector_store %arg5[%parallel_loop3A_1005, %parallel_loop3A_1006], %parallel_loop3A_999 {strides = array<i32>} : memref<2x32768xf32, #tpu.memory_space<vmem>>, vector<16xf32>,
      } {sc.loop_unroll_factor = 8 : i64, sc.parallel_access}
      %parallel_loop3A_987 = arith.constant 0 : i32
      %parallel_loop3A_988 = arith.constant 512 : i32
      %parallel_loop3A_989 = arith.constant 1 : i32
      scf.for %parallel_loop3A_993 = %parallel_loop3A_987 to %parallel_loop3A_988 step %parallel_loop3A_989  : i32 {
        %parallel_loop3A_994 = arith.constant 16 : i32
        %parallel_loop3A_995 = arith.muli %parallel_loop3A_993, %parallel_loop3A_994 : i32
        %parallel_loop3A_996 = arith.constant 1 : i32
        %parallel_loop3A_997 = arith.index_cast %parallel_loop3A_996 : i32 to index
        %parallel_loop3A_998 = arith.index_cast %parallel_loop3A_995 : i32 to index
        %parallel_loop3A_999 = tpu.vector_load %arg5[%parallel_loop3A_997, %parallel_loop3A_998] {strides = array<i32>} : memref<2x32768xf32, #tpu.memory_space<vmem>>, vector<16xf32>,
        %parallel_loop3A_1000 = arith.constant 16 : i32
        %parallel_loop3A_1001 = arith.muli %parallel_loop3A_993, %parallel_loop3A_1000 : i32
        %parallel_loop3A_1002 = arith.constant 8192 : i32
        %parallel_loop3A_1003 = arith.addi %parallel_loop3A_1002, %parallel_loop3A_1001 : i32
        %parallel_loop3A_1004 = arith.constant 1 : i32
        %parallel_loop3A_1005 = arith.index_cast %parallel_loop3A_1004 : i32 to index
        %parallel_loop3A_1006 = arith.index_cast %parallel_loop3A_1003 : i32 to index
        %parallel_loop3A_1007 = tpu.vector_load %arg5[%parallel_loop3A_1005, %parallel_loop3A_1006] {strides = array<i32>} : memref<2x32768xf32, #tpu.memory_space<vmem>>, vector<16xf32>,
        tpu.vector_store %arg5[%parallel_loop3A_1005, %parallel_loop3A_1006], %parallel_loop3A_999 {strides = array<i32>} : memref<2x32768xf32, #tpu.memory_space<vmem>>, vector<16xf32>,
      } {sc.loop_unroll_factor = 8 : i64, sc.parallel_access}
      %parallel_loop3A_990 = arith.constant 0 : i32
      %parallel_loop3A_991 = arith.constant 1024 : i32
      %parallel_loop3A_992 = arith.constant 1 : i32
      scf.for %parallel_loop3A_993 = %parallel_loop3A_990 to %parallel_loop3A_991 step %parallel_loop3A_992  : i32 {
        %parallel_loop3A_994 = arith.constant 16 : i32
        %parallel_loop3A_995 = arith.muli %parallel_loop3A_993, %parallel_loop3A_994 : i32
        %parallel_loop3A_996 = arith.constant 1 : i32
        %parallel_loop3A_997 = arith.index_cast %parallel_loop3A_996 : i32 to index
        %parallel_loop3A_998 = arith.index_cast %parallel_loop3A_995 : i32 to index
        %parallel_loop3A_999 = tpu.vector_load %arg5[%parallel_loop3A_997, %parallel_loop3A_998] {strides = array<i32>} : memref<2x32768xf32, #tpu.memory_space<vmem>>, vector<16xf32>,
        %parallel_loop3A_1000 = arith.constant 16 : i32
        %parallel_loop3A_1001 = arith.muli %parallel_loop3A_993, %parallel_loop3A_1000 : i32
        %parallel_loop3A_1002 = arith.constant 16384 : i32
        %parallel_loop3A_1003 = arith.addi %parallel_loop3A_1002, %parallel_loop3A_1001 : i32
        %parallel_loop3A_1004 = arith.constant 1 : i32
        %parallel_loop3A_1005 = arith.index_cast %parallel_loop3A_1004 : i32 to index
        %parallel_loop3A_1006 = arith.index_cast %parallel_loop3A_1003 : i32 to index
        %parallel_loop3A_1007 = tpu.vector_load %arg5[%parallel_loop3A_1005, %parallel_loop3A_1006] {strides = array<i32>} : memref<2x32768xf32, #tpu.memory_space<vmem>>, vector<16xf32>,
        tpu.vector_store %arg5[%parallel_loop3A_1005, %parallel_loop3A_1006], %parallel_loop3A_999 {strides = array<i32>} : memref<2x32768xf32, #tpu.memory_space<vmem>>, vector<16xf32>,
      } {sc.loop_unroll_factor = 8 : i64, sc.parallel_access}
    } else {
    }
    %not3A_595 = arith.constant true
    %not3A_596 = arith.xori %lt3A_571, %not3A_595 : i1
    %not3A_597 = arith.constant true
    %not3A_598 = arith.xori %and3A_576, %not3A_597 : i1
    %and3A_599 = arith.andi %not3A_596, %not3A_598 : i1
    %convert_element_type3A_600 = arith.extui %and3A_599 : i1 to i32
    %cond3A_601 = arith.constant 0 : i32
    %cond3A_602 = arith.cmpi ne, %convert_element_type3A_600, %cond3A_601 : i32
    scf.if %cond3A_602 {
      %mul3A_973 = arith.constant 86 : i32
      %mul3A_974 = vector.broadcast %mul3A_973 : i32 to vector<16xi32>
      %mul3A_975 = arith.muli %iota3A, %mul3A_974 : vector<16xi32>
      %add3A_976 = arith.addi %broadcast_in_dim3A_588, %mul3A_975 : vector<16xi32>
      %gather3A = tpu.vector_load_idx %arg4[%add3A_976] : memref<12900xf32, #tpu.memory_space<vmem>>[vector<16xi32>], vector<16xf32>,
      %add3A_977 = arith.constant 16 : i32
      %add3A_978 = vector.broadcast %add3A_977 : i32 to vector<16xi32>
      %add3A_979 = arith.addi %iota3A, %add3A_978 : vector<16xi32>
      %mul3A_980 = arith.constant 86 : i32
      %mul3A_981 = vector.broadcast %mul3A_980 : i32 to vector<16xi32>
      %mul3A_982 = arith.muli %add3A_979, %mul3A_981 : vector<16xi32>
      %add3A_983 = arith.addi %broadcast_in_dim3A_588, %mul3A_982 : vector<16xi32>
      %gather3A_984 = tpu.vector_load_idx %arg4[%add3A_983] : memref<12900xf32, #tpu.memory_space<vmem>>[vector<16xi32>], vector<16xf32>,
      %parallel_loop3A = arith.constant 0 : i32
      %parallel_loop3A_985 = arith.constant 1024 : i32
      %parallel_loop3A_986 = arith.constant 1 : i32
      scf.for %parallel_loop3A_987 = %parallel_loop3A to %parallel_loop3A_985 step %parallel_loop3A_986  : i32 {
        %parallel_loop3A_988 = arith.constant 32 : i32
        %parallel_loop3A_989 = arith.muli %parallel_loop3A_987, %parallel_loop3A_988 : i32
        %parallel_loop3A_990 = arith.constant 1 : i32
        %parallel_loop3A_991 = arith.index_cast %parallel_loop3A_990 : i32 to index
        %parallel_loop3A_992 = arith.index_cast %parallel_loop3A_989 : i32 to index
        %parallel_loop3A_993 = tpu.vector_load %arg5[%parallel_loop3A_991, %parallel_loop3A_992] {strides = array<i32>} : memref<2x32768xf32, #tpu.memory_space<vmem>>, vector<16xf32>,
        tpu.vector_store %arg5[%parallel_loop3A_991, %parallel_loop3A_992], %gather3A {strides = array<i32>} : memref<2x32768xf32, #tpu.memory_space<vmem>>, vector<16xf32>,
        %parallel_loop3A_994 = arith.constant 32 : i32
        %parallel_loop3A_995 = arith.muli %parallel_loop3A_987, %parallel_loop3A_994 : i32
        %parallel_loop3A_996 = arith.constant 16 : i32
        %parallel_loop3A_997 = arith.addi %parallel_loop3A_995, %parallel_loop3A_996 : i32
        %parallel_loop3A_998 = arith.constant 1 : i32
        %parallel_loop3A_999 = arith.index_cast %parallel_loop3A_998 : i32 to index
        %parallel_loop3A_1000 = arith.index_cast %parallel_loop3A_997 : i32 to index
        %parallel_loop3A_1001 = tpu.vector_load %arg5[%parallel_loop3A_999, %parallel_loop3A_1000] {strides = array<i32>} : memref<2x32768xf32, #tpu.memory_space<vmem>>, vector<16xf32>,
        tpu.vector_store %arg5[%parallel_loop3A_999, %parallel_loop3A_1000], %gather3A_984 {strides = array<i32>} : memref<2x32768xf32, #tpu.memory_space<vmem>>, vector<16xf32>,
      } {sc.loop_unroll_factor = 8 : i64, sc.parallel_access}
    } else {
    }
    %add3A_603 = arith.constant 0 : i32
    %add3A_604 = arith.addi %add3A_603, %add3A_533 : i32
    %mul3A_605 = arith.constant 32768 : i32
    %mul3A_606 = arith.muli %add3A_604, %mul3A_605 : i32
    %dma_start3A_607 = arith.constant 1 : i32
    %dma_start3A_608 = arith.constant 0 : i32
    %dma_start3A_609 = tpu.memref_slice %arg5[%dma_start3A_607, %dma_start3A_608] : memref<2x32768xf32, #tpu.memory_space<vmem>> -> memref<1x32768xf32, #tpu.memory_space<vmem>>
    %dma_start3A_610 = tpu.memref_squeeze %dma_start3A_609 : memref<1x32768xf32, #tpu.memory_space<vmem>> -> memref<32768xf32, #tpu.memory_space<vmem>>
    %dma_start3A_611 = tpu.memref_slice %arg3[%mul3A_606] : memref<33554432xf32, #tpu.memory_space<hbm>> -> memref<32768xf32, #tpu.memory_space<hbm>>
    %dma_start3A_612 = tpu.memref_slice %arg3[%mul3A_606] : memref<33554432xf32, #tpu.memory_space<hbm>> -> memref<32768xf32, #tpu.memory_space<hbm>>
    %dma_start3A_613 = arith.constant 0 : i32
    %dma_start3A_614 = tpu.memref_slice %arg5[%dma_start3A_607, %dma_start3A_613] : memref<2x32768xf32, #tpu.memory_space<vmem>> -> memref<1x32768xf32, #tpu.memory_space<vmem>>
    %dma_start3A_615 = tpu.memref_squeeze %dma_start3A_614 : memref<1x32768xf32, #tpu.memory_space<vmem>> -> memref<32768xf32, #tpu.memory_space<vmem>>
    tpu.enqueue_dma source(%dma_start3A_615 : memref<32768xf32, #tpu.memory_space<vmem>>) target(%dma_start3A_612 : memref<32768xf32, #tpu.memory_space<hbm>>) target_semaphore(%arg7 : memref<!tpu.dma_semaphore, #tpu.memory_space<semaphore_mem>>)
    %add3A_616 = arith.constant 256 : i32
    %add3A_617 = arith.addi %add3A_616, %add3A_533 : i32
    %mul3A_618 = arith.constant 32768 : i32
    %mul3A_619 = arith.muli %add3A_617, %mul3A_618 : i32
    %dma_start3A_620 = arith.constant 1 : i32
    %dma_start3A_621 = arith.constant 0 : i32
    %dma_start3A_622 = tpu.memref_slice %arg5[%dma_start3A_620, %dma_start3A_621] : memref<2x32768xf32, #tpu.memory_space<vmem>> -> memref<1x32768xf32, #tpu.memory_space<vmem>>
    %dma_start3A_623 = tpu.memref_squeeze %dma_start3A_622 : memref<1x32768xf32, #tpu.memory_space<vmem>> -> memref<32768xf32, #tpu.memory_space<vmem>>
    %dma_start3A_624 = tpu.memref_slice %arg3[%mul3A_619] : memref<33554432xf32, #tpu.memory_space<hbm>> -> memref<32768xf32, #tpu.memory_space<hbm>>
    %dma_start3A_625 = tpu.memref_slice %arg3[%mul3A_619] : memref<33554432xf32, #tpu.memory_space<hbm>> -> memref<32768xf32, #tpu.memory_space<hbm>>
    %dma_start3A_626 = arith.constant 0 : i32
    %dma_start3A_627 = tpu.memref_slice %arg5[%dma_start3A_620, %dma_start3A_626] : memref<2x32768xf32, #tpu.memory_space<vmem>> -> memref<1x32768xf32, #tpu.memory_space<vmem>>
    %dma_start3A_628 = tpu.memref_squeeze %dma_start3A_627 : memref<1x32768xf32, #tpu.memory_space<vmem>> -> memref<32768xf32, #tpu.memory_space<vmem>>
    tpu.enqueue_dma source(%dma_start3A_628 : memref<32768xf32, #tpu.memory_space<vmem>>) target(%dma_start3A_625 : memref<32768xf32, #tpu.memory_space<hbm>>) target_semaphore(%arg7 : memref<!tpu.dma_semaphore, #tpu.memory_space<semaphore_mem>>)
    %add3A_629 = arith.constant 512 : i32
    %add3A_630 = arith.addi %add3A_629, %add3A_533 : i32
    %mul3A_631 = arith.constant 32768 : i32
    %mul3A_632 = arith.muli %add3A_630, %mul3A_631 : i32
    %dma_start3A_633 = arith.constant 1 : i32
    %dma_start3A_634 = arith.constant 0 : i32
    %dma_start3A_635 = tpu.memref_slice %arg5[%dma_start3A_633, %dma_start3A_634] : memref<2x32768xf32, #tpu.memory_space<vmem>> -> memref<1x32768xf32, #tpu.memory_space<vmem>>
    %dma_start3A_636 = tpu.memref_squeeze %dma_start3A_635 : memref<1x32768xf32, #tpu.memory_space<vmem>> -> memref<32768xf32, #tpu.memory_space<vmem>>
    %dma_start3A_637 = tpu.memref_slice %arg3[%mul3A_632] : memref<33554432xf32, #tpu.memory_space<hbm>> -> memref<32768xf32, #tpu.memory_space<hbm>>
    %dma_start3A_638 = tpu.memref_slice %arg3[%mul3A_632] : memref<33554432xf32, #tpu.memory_space<hbm>> -> memref<32768xf32, #tpu.memory_space<hbm>>
    %dma_start3A_639 = arith.constant 0 : i32
    %dma_start3A_640 = tpu.memref_slice %arg5[%dma_start3A_633, %dma_start3A_639] : memref<2x32768xf32, #tpu.memory_space<vmem>> -> memref<1x32768xf32, #tpu.memory_space<vmem>>
    %dma_start3A_641 = tpu.memref_squeeze %dma_start3A_640 : memref<1x32768xf32, #tpu.memory_space<vmem>> -> memref<32768xf32, #tpu.memory_space<vmem>>
    tpu.enqueue_dma source(%dma_start3A_641 : memref<32768xf32, #tpu.memory_space<vmem>>) target(%dma_start3A_638 : memref<32768xf32, #tpu.memory_space<hbm>>) target_semaphore(%arg7 : memref<!tpu.dma_semaphore, #tpu.memory_space<semaphore_mem>>)
    %add3A_642 = arith.constant 768 : i32
    %add3A_643 = arith.addi %add3A_642, %add3A_533 : i32
    %mul3A_644 = arith.constant 32768 : i32
    %mul3A_645 = arith.muli %add3A_643, %mul3A_644 : i32
    %dma_start3A_646 = arith.constant 1 : i32
    %dma_start3A_647 = arith.constant 0 : i32
    %dma_start3A_648 = tpu.memref_slice %arg5[%dma_start3A_646, %dma_start3A_647] : memref<2x32768xf32, #tpu.memory_space<vmem>> -> memref<1x32768xf32, #tpu.memory_space<vmem>>
    %dma_start3A_649 = tpu.memref_squeeze %dma_start3A_648 : memref<1x32768xf32, #tpu.memory_space<vmem>> -> memref<32768xf32, #tpu.memory_space<vmem>>
    %dma_start3A_650 = tpu.memref_slice %arg3[%mul3A_645] : memref<33554432xf32, #tpu.memory_space<hbm>> -> memref<32768xf32, #tpu.memory_space<hbm>>
    %dma_start3A_651 = tpu.memref_slice %arg3[%mul3A_645] : memref<33554432xf32, #tpu.memory_space<hbm>> -> memref<32768xf32, #tpu.memory_space<hbm>>
    %dma_start3A_652 = arith.constant 0 : i32
    %dma_start3A_653 = tpu.memref_slice %arg5[%dma_start3A_646, %dma_start3A_652] : memref<2x32768xf32, #tpu.memory_space<vmem>> -> memref<1x32768xf32, #tpu.memory_space<vmem>>
    %dma_start3A_654 = tpu.memref_squeeze %dma_start3A_653 : memref<1x32768xf32, #tpu.memory_space<vmem>> -> memref<32768xf32, #tpu.memory_space<vmem>>
    tpu.enqueue_dma source(%dma_start3A_654 : memref<32768xf32, #tpu.memory_space<vmem>>) target(%dma_start3A_651 : memref<32768xf32, #tpu.memory_space<hbm>>) target_semaphore(%arg7 : memref<!tpu.dma_semaphore, #tpu.memory_space<semaphore_mem>>)
    %add3A_655 = arith.constant 192 : i32
    %add3A_656 = arith.addi %add3A, %add3A_655 : i32
    %dma_wait3A_657 = arith.constant 0 : i32
    %dma_wait3A_658 = arith.constant 0 : i32
    %dma_wait3A_659 = tpu.memref_slice %arg5[%dma_wait3A_657, %dma_wait3A_658] : memref<2x32768xf32, #tpu.memory_space<vmem>> -> memref<1x32768xf32, #tpu.memory_space<vmem>>
    %dma_wait3A_660 = tpu.memref_squeeze %dma_wait3A_659 : memref<1x32768xf32, #tpu.memory_space<vmem>> -> memref<32768xf32, #tpu.memory_space<vmem>>
    %dma_wait3A_661 = tpu.memref_slice %arg3[%mul3A_483] : memref<33554432xf32, #tpu.memory_space<hbm>> -> memref<32768xf32, #tpu.memory_space<hbm>>
    %dma_wait3A_662 = tpu.memref_slice %arg3[%mul3A_483] : memref<33554432xf32, #tpu.memory_space<hbm>> -> memref<32768xf32, #tpu.memory_space<hbm>>
    %dma_wait3A_663 = arith.constant 0 : i32
    %dma_wait3A_664 = tpu.memref_slice %arg5[%dma_wait3A_657, %dma_wait3A_663] : memref<2x32768xf32, #tpu.memory_space<vmem>> -> memref<1x32768xf32, #tpu.memory_space<vmem>>
    %dma_wait3A_665 = tpu.memref_squeeze %dma_wait3A_664 : memref<1x32768xf32, #tpu.memory_space<vmem>> -> memref<32768xf32, #tpu.memory_space<vmem>>
    tpu.wait_dma2 semaphore(%arg6 : memref<!tpu.dma_semaphore, #tpu.memory_space<semaphore_mem>>) src(%dma_wait3A_665 : memref<32768xf32, #tpu.memory_space<vmem>>) dst(%dma_wait3A_662 : memref<32768xf32, #tpu.memory_space<hbm>>)
    %dma_wait3A_666 = arith.constant 0 : i32
    %dma_wait3A_667 = arith.constant 0 : i32
    %dma_wait3A_668 = tpu.memref_slice %arg5[%dma_wait3A_666, %dma_wait3A_667] : memref<2x32768xf32, #tpu.memory_space<vmem>> -> memref<1x32768xf32, #tpu.memory_space<vmem>>
    %dma_wait3A_669 = tpu.memref_squeeze %dma_wait3A_668 : memref<1x32768xf32, #tpu.memory_space<vmem>> -> memref<32768xf32, #tpu.memory_space<vmem>>
    %dma_wait3A_670 = tpu.memref_slice %arg3[%mul3A_496] : memref<33554432xf32, #tpu.memory_space<hbm>> -> memref<32768xf32, #tpu.memory_space<hbm>>
    %dma_wait3A_671 = tpu.memref_slice %arg3[%mul3A_496] : memref<33554432xf32, #tpu.memory_space<hbm>> -> memref<32768xf32, #tpu.memory_space<hbm>>
    %dma_wait3A_672 = arith.constant 0 : i32
    %dma_wait3A_673 = tpu.memref_slice %arg5[%dma_wait3A_666, %dma_wait3A_672] : memref<2x32768xf32, #tpu.memory_space<vmem>> -> memref<1x32768xf32, #tpu.memory_space<vmem>>
    %dma_wait3A_674 = tpu.memref_squeeze %dma_wait3A_673 : memref<1x32768xf32, #tpu.memory_space<vmem>> -> memref<32768xf32, #tpu.memory_space<vmem>>
    tpu.wait_dma2 semaphore(%arg6 : memref<!tpu.dma_semaphore, #tpu.memory_space<semaphore_mem>>) src(%dma_wait3A_674 : memref<32768xf32, #tpu.memory_space<vmem>>) dst(%dma_wait3A_671 : memref<32768xf32, #tpu.memory_space<hbm>>)
    %dma_wait3A_675 = arith.constant 0 : i32
    %dma_wait3A_676 = arith.constant 0 : i32
    %dma_wait3A_677 = tpu.memref_slice %arg5[%dma_wait3A_675, %dma_wait3A_676] : memref<2x32768xf32, #tpu.memory_space<vmem>> -> memref<1x32768xf32, #tpu.memory_space<vmem>>
    %dma_wait3A_678 = tpu.memref_squeeze %dma_wait3A_677 : memref<1x32768xf32, #tpu.memory_space<vmem>> -> memref<32768xf32, #tpu.memory_space<vmem>>
    %dma_wait3A_679 = tpu.memref_slice %arg3[%mul3A_509] : memref<33554432xf32, #tpu.memory_space<hbm>> -> memref<32768xf32, #tpu.memory_space<hbm>>
    %dma_wait3A_680 = tpu.memref_slice %arg3[%mul3A_509] : memref<33554432xf32, #tpu.memory_space<hbm>> -> memref<32768xf32, #tpu.memory_space<hbm>>
    %dma_wait3A_681 = arith.constant 0 : i32
    %dma_wait3A_682 = tpu.memref_slice %arg5[%dma_wait3A_675, %dma_wait3A_681] : memref<2x32768xf32, #tpu.memory_space<vmem>> -> memref<1x32768xf32, #tpu.memory_space<vmem>>
    %dma_wait3A_683 = tpu.memref_squeeze %dma_wait3A_682 : memref<1x32768xf32, #tpu.memory_space<vmem>> -> memref<32768xf32, #tpu.memory_space<vmem>>
    tpu.wait_dma2 semaphore(%arg6 : memref<!tpu.dma_semaphore, #tpu.memory_space<semaphore_mem>>) src(%dma_wait3A_683 : memref<32768xf32, #tpu.memory_space<vmem>>) dst(%dma_wait3A_680 : memref<32768xf32, #tpu.memory_space<hbm>>)
    %dma_wait3A_684 = arith.constant 0 : i32
    %dma_wait3A_685 = arith.constant 0 : i32
    %dma_wait3A_686 = tpu.memref_slice %arg5[%dma_wait3A_684, %dma_wait3A_685] : memref<2x32768xf32, #tpu.memory_space<vmem>> -> memref<1x32768xf32, #tpu.memory_space<vmem>>
    %dma_wait3A_687 = tpu.memref_squeeze %dma_wait3A_686 : memref<1x32768xf32, #tpu.memory_space<vmem>> -> memref<32768xf32, #tpu.memory_space<vmem>>
    %dma_wait3A_688 = tpu.memref_slice %arg3[%mul3A_522] : memref<33554432xf32, #tpu.memory_space<hbm>> -> memref<32768xf32, #tpu.memory_space<hbm>>
    %dma_wait3A_689 = tpu.memref_slice %arg3[%mul3A_522] : memref<33554432xf32, #tpu.memory_space<hbm>> -> memref<32768xf32, #tpu.memory_space<hbm>>
    %dma_wait3A_690 = arith.constant 0 : i32
    %dma_wait3A_691 = tpu.memref_slice %arg5[%dma_wait3A_684, %dma_wait3A_690] : memref<2x32768xf32, #tpu.memory_space<vmem>> -> memref<1x32768xf32, #tpu.memory_space<vmem>>
    %dma_wait3A_692 = tpu.memref_squeeze %dma_wait3A_691 : memref<1x32768xf32, #tpu.memory_space<vmem>> -> memref<32768xf32, #tpu.memory_space<vmem>>
    tpu.wait_dma2 semaphore(%arg6 : memref<!tpu.dma_semaphore, #tpu.memory_space<semaphore_mem>>) src(%dma_wait3A_692 : memref<32768xf32, #tpu.memory_space<vmem>>) dst(%dma_wait3A_689 : memref<32768xf32, #tpu.memory_space<hbm>>)
    %lt3A_693 = arith.constant 86 : i32
    %lt3A_694 = arith.cmpi slt, %add3A_656, %lt3A_693 : i32
    %ge3A_695 = arith.constant 86 : i32
    %ge3A_696 = arith.cmpi sge, %add3A_656, %ge3A_695 : i32
    %lt3A_697 = arith.constant 172 : i32
    %lt3A_698 = arith.cmpi slt, %add3A_656, %lt3A_697 : i32
    %and3A_699 = arith.andi %ge3A_696, %lt3A_698 : i1
    %jit3A_700 = arith.constant 1 : i32
    %jit3A_701 = arith.constant 2 : i32
    %select_n3A_702 = arith.select %and3A_699, %jit3A_700, %jit3A_701 : i32
    %jit3A_703 = arith.constant 0 : i32
    %select_n3A_704 = arith.select %lt3A_694, %jit3A_703, %select_n3A_702 : i32
    %mul3A_705 = arith.constant 86 : i32
    %mul3A_706 = arith.muli %select_n3A_704, %mul3A_705 : i32
    %sub3A_707 = arith.subi %add3A_656, %mul3A_706 : i32
    %mul3A_708 = arith.constant 4300 : i32
    %mul3A_709 = arith.muli %select_n3A_704, %mul3A_708 : i32
    %add3A_710 = arith.addi %mul3A_709, %sub3A_707 : i32
    %broadcast_in_dim3A_711 = vector.broadcast %add3A_710 : i32 to vector<16xi32>
    %convert_element_type3A_712 = arith.extui %lt3A_694 : i1 to i32
    %cond3A_713 = arith.constant 0 : i32
    %cond3A_714 = arith.cmpi ne, %convert_element_type3A_712, %cond3A_713 : i32
    scf.if %cond3A_714 {
      %scan3A = arith.constant 0 : i32
      %scan3A_973 = arith.constant 0 : i32
      %scan3A_974 = arith.constant 32 : i32
      %scan3A_975 = arith.addi %scan3A_973, %scan3A_974 : i32
      %scan3A_976 = arith.constant 1 : i32
      %scan3A_977 = scf.for %scan3A_979 = %scan3A_973 to %scan3A_975 step %scan3A_976 iter_args(%scan3A_980 = %scan3A) -> (i32)  : i32 {
        %mul3A_981 = arith.constant 86 : i32
        %mul3A_982 = arith.muli %scan3A_979, %mul3A_981 : i32
        %add3A_983 = vector.broadcast %mul3A_982 : i32 to vector<16xi32>
        %add3A_984 = arith.addi %broadcast_in_dim3A_711, %add3A_983 : vector<16xi32>
        %gather3A = tpu.vector_load_idx %arg4[%add3A_984] : memref<12900xf32, #tpu.memory_space<vmem>>[vector<16xi32>], vector<16xf32>,
        %parallel_loop3A = arith.constant 0 : i32
        %parallel_loop3A_985 = arith.constant 64 : i32
        %parallel_loop3A_986 = arith.constant 1 : i32
        scf.for %parallel_loop3A_988 = %parallel_loop3A to %parallel_loop3A_985 step %parallel_loop3A_986  : i32 {
          %parallel_loop3A_989 = arith.constant 1024 : i32
          %parallel_loop3A_990 = arith.muli %scan3A_979, %parallel_loop3A_989 : i32
          %parallel_loop3A_991 = arith.constant 16 : i32
          %parallel_loop3A_992 = arith.muli %parallel_loop3A_988, %parallel_loop3A_991 : i32
          %parallel_loop3A_993 = arith.addi %parallel_loop3A_990, %parallel_loop3A_992 : i32
          %parallel_loop3A_994 = arith.constant 0 : i32
          %parallel_loop3A_995 = arith.index_cast %parallel_loop3A_994 : i32 to index
          %parallel_loop3A_996 = arith.index_cast %parallel_loop3A_993 : i32 to index
          %parallel_loop3A_997 = tpu.vector_load %arg5[%parallel_loop3A_995, %parallel_loop3A_996] {strides = array<i32>} : memref<2x32768xf32, #tpu.memory_space<vmem>>, vector<16xf32>,
          tpu.vector_store %arg5[%parallel_loop3A_995, %parallel_loop3A_996], %gather3A {strides = array<i32>} : memref<2x32768xf32, #tpu.memory_space<vmem>>, vector<16xf32>,
        } {sc.loop_unroll_factor = 8 : i64, sc.parallel_access}
        %scan3A_987 = arith.constant 0 : i32
        scf.yield %scan3A_987 : i32
      }
      %scan3A_978 = arith.constant 32 : i32
    } else {
    }
    %convert_element_type3A_715 = arith.extui %and3A_699 : i1 to i32
    %cond3A_716 = arith.constant 0 : i32
    %cond3A_717 = arith.cmpi ne, %convert_element_type3A_715, %cond3A_716 : i32
    scf.if %cond3A_717 {
      %scan3A = arith.constant 0 : i32
      %scan3A_973 = arith.constant 0 : i32
      %scan3A_974 = arith.constant 32 : i32
      %scan3A_975 = arith.addi %scan3A_973, %scan3A_974 : i32
      %scan3A_976 = arith.constant 1 : i32
      %scan3A_977 = scf.for %scan3A_993 = %scan3A_973 to %scan3A_975 step %scan3A_976 iter_args(%scan3A_994 = %scan3A) -> (i32)  : i32 {
        %mul3A_995 = arith.constant 86 : i32
        %mul3A_996 = arith.muli %scan3A_993, %mul3A_995 : i32
        %add3A_997 = vector.broadcast %mul3A_996 : i32 to vector<16xi32>
        %add3A_998 = arith.addi %broadcast_in_dim3A_711, %add3A_997 : vector<16xi32>
        %gather3A = tpu.vector_load_idx %arg4[%add3A_998] : memref<12900xf32, #tpu.memory_space<vmem>>[vector<16xi32>], vector<16xf32>,
        %mul3A_999 = arith.constant 32 : i32
        %mul3A_1000 = arith.muli %scan3A_993, %mul3A_999 : i32
        %swap3A = arith.constant 0 : i32
        %swap3A_1001 = arith.index_cast %swap3A : i32 to index
        %swap3A_1002 = arith.index_cast %mul3A_1000 : i32 to index
        %swap3A_1003 = tpu.vector_load %arg5[%swap3A_1001, %swap3A_1002] {strides = array<i32>} : memref<2x32768xf32, #tpu.memory_space<vmem>>, vector<16xf32>,
        tpu.vector_store %arg5[%swap3A_1001, %swap3A_1002], %gather3A {strides = array<i32>} : memref<2x32768xf32, #tpu.memory_space<vmem>>, vector<16xf32>,
        %mul3A_1004 = arith.constant 32 : i32
        %mul3A_1005 = arith.muli %scan3A_993, %mul3A_1004 : i32
        %add3A_1006 = arith.constant 16 : i32
        %add3A_1007 = arith.addi %mul3A_1005, %add3A_1006 : i32
        %swap3A_1008 = arith.constant 0 : i32
        %swap3A_1009 = arith.index_cast %swap3A_1008 : i32 to index
        %swap3A_1010 = arith.index_cast %add3A_1007 : i32 to index
        %swap3A_1011 = tpu.vector_load %arg5[%swap3A_1009, %swap3A_1010] {strides = array<i32>} : memref<2x32768xf32, #tpu.memory_space<vmem>>, vector<16xf32>,
        tpu.vector_store %arg5[%swap3A_1009, %swap3A_1010], %gather3A {strides = array<i32>} : memref<2x32768xf32, #tpu.memory_space<vmem>>, vector<16xf32>,
        %scan3A_1012 = arith.constant 0 : i32
        scf.yield %scan3A_1012 : i32
      }
      %scan3A_978 = arith.constant 32 : i32
      %parallel_loop3A = arith.constant 0 : i32
      %parallel_loop3A_979 = arith.constant 64 : i32
      %parallel_loop3A_980 = arith.constant 1 : i32
      scf.for %parallel_loop3A_993 = %parallel_loop3A to %parallel_loop3A_979 step %parallel_loop3A_980  : i32 {
        %parallel_loop3A_994 = arith.constant 16 : i32
        %parallel_loop3A_995 = arith.muli %parallel_loop3A_993, %parallel_loop3A_994 : i32
        %parallel_loop3A_996 = arith.constant 0 : i32
        %parallel_loop3A_997 = arith.index_cast %parallel_loop3A_996 : i32 to index
        %parallel_loop3A_998 = arith.index_cast %parallel_loop3A_995 : i32 to index
        %parallel_loop3A_999 = tpu.vector_load %arg5[%parallel_loop3A_997, %parallel_loop3A_998] {strides = array<i32>} : memref<2x32768xf32, #tpu.memory_space<vmem>>, vector<16xf32>,
        %parallel_loop3A_1000 = arith.constant 16 : i32
        %parallel_loop3A_1001 = arith.muli %parallel_loop3A_993, %parallel_loop3A_1000 : i32
        %parallel_loop3A_1002 = arith.constant 1024 : i32
        %parallel_loop3A_1003 = arith.addi %parallel_loop3A_1002, %parallel_loop3A_1001 : i32
        %parallel_loop3A_1004 = arith.constant 0 : i32
        %parallel_loop3A_1005 = arith.index_cast %parallel_loop3A_1004 : i32 to index
        %parallel_loop3A_1006 = arith.index_cast %parallel_loop3A_1003 : i32 to index
        %parallel_loop3A_1007 = tpu.vector_load %arg5[%parallel_loop3A_1005, %parallel_loop3A_1006] {strides = array<i32>} : memref<2x32768xf32, #tpu.memory_space<vmem>>, vector<16xf32>,
        tpu.vector_store %arg5[%parallel_loop3A_1005, %parallel_loop3A_1006], %parallel_loop3A_999 {strides = array<i32>} : memref<2x32768xf32, #tpu.memory_space<vmem>>, vector<16xf32>,
      } {sc.loop_unroll_factor = 8 : i64, sc.parallel_access}
      %parallel_loop3A_981 = arith.constant 0 : i32
      %parallel_loop3A_982 = arith.constant 128 : i32
      %parallel_loop3A_983 = arith.constant 1 : i32
      scf.for %parallel_loop3A_993 = %parallel_loop3A_981 to %parallel_loop3A_982 step %parallel_loop3A_983  : i32 {
        %parallel_loop3A_994 = arith.constant 16 : i32
        %parallel_loop3A_995 = arith.muli %parallel_loop3A_993, %parallel_loop3A_994 : i32
        %parallel_loop3A_996 = arith.constant 0 : i32
        %parallel_loop3A_997 = arith.index_cast %parallel_loop3A_996 : i32 to index
        %parallel_loop3A_998 = arith.index_cast %parallel_loop3A_995 : i32 to index
        %parallel_loop3A_999 = tpu.vector_load %arg5[%parallel_loop3A_997, %parallel_loop3A_998] {strides = array<i32>} : memref<2x32768xf32, #tpu.memory_space<vmem>>, vector<16xf32>,
        %parallel_loop3A_1000 = arith.constant 16 : i32
        %parallel_loop3A_1001 = arith.muli %parallel_loop3A_993, %parallel_loop3A_1000 : i32
        %parallel_loop3A_1002 = arith.constant 2048 : i32
        %parallel_loop3A_1003 = arith.addi %parallel_loop3A_1002, %parallel_loop3A_1001 : i32
        %parallel_loop3A_1004 = arith.constant 0 : i32
        %parallel_loop3A_1005 = arith.index_cast %parallel_loop3A_1004 : i32 to index
        %parallel_loop3A_1006 = arith.index_cast %parallel_loop3A_1003 : i32 to index
        %parallel_loop3A_1007 = tpu.vector_load %arg5[%parallel_loop3A_1005, %parallel_loop3A_1006] {strides = array<i32>} : memref<2x32768xf32, #tpu.memory_space<vmem>>, vector<16xf32>,
        tpu.vector_store %arg5[%parallel_loop3A_1005, %parallel_loop3A_1006], %parallel_loop3A_999 {strides = array<i32>} : memref<2x32768xf32, #tpu.memory_space<vmem>>, vector<16xf32>,
      } {sc.loop_unroll_factor = 8 : i64, sc.parallel_access}
      %parallel_loop3A_984 = arith.constant 0 : i32
      %parallel_loop3A_985 = arith.constant 256 : i32
      %parallel_loop3A_986 = arith.constant 1 : i32
      scf.for %parallel_loop3A_993 = %parallel_loop3A_984 to %parallel_loop3A_985 step %parallel_loop3A_986  : i32 {
        %parallel_loop3A_994 = arith.constant 16 : i32
        %parallel_loop3A_995 = arith.muli %parallel_loop3A_993, %parallel_loop3A_994 : i32
        %parallel_loop3A_996 = arith.constant 0 : i32
        %parallel_loop3A_997 = arith.index_cast %parallel_loop3A_996 : i32 to index
        %parallel_loop3A_998 = arith.index_cast %parallel_loop3A_995 : i32 to index
        %parallel_loop3A_999 = tpu.vector_load %arg5[%parallel_loop3A_997, %parallel_loop3A_998] {strides = array<i32>} : memref<2x32768xf32, #tpu.memory_space<vmem>>, vector<16xf32>,
        %parallel_loop3A_1000 = arith.constant 16 : i32
        %parallel_loop3A_1001 = arith.muli %parallel_loop3A_993, %parallel_loop3A_1000 : i32
        %parallel_loop3A_1002 = arith.constant 4096 : i32
        %parallel_loop3A_1003 = arith.addi %parallel_loop3A_1002, %parallel_loop3A_1001 : i32
        %parallel_loop3A_1004 = arith.constant 0 : i32
        %parallel_loop3A_1005 = arith.index_cast %parallel_loop3A_1004 : i32 to index
        %parallel_loop3A_1006 = arith.index_cast %parallel_loop3A_1003 : i32 to index
        %parallel_loop3A_1007 = tpu.vector_load %arg5[%parallel_loop3A_1005, %parallel_loop3A_1006] {strides = array<i32>} : memref<2x32768xf32, #tpu.memory_space<vmem>>, vector<16xf32>,
        tpu.vector_store %arg5[%parallel_loop3A_1005, %parallel_loop3A_1006], %parallel_loop3A_999 {strides = array<i32>} : memref<2x32768xf32, #tpu.memory_space<vmem>>, vector<16xf32>,
      } {sc.loop_unroll_factor = 8 : i64, sc.parallel_access}
      %parallel_loop3A_987 = arith.constant 0 : i32
      %parallel_loop3A_988 = arith.constant 512 : i32
      %parallel_loop3A_989 = arith.constant 1 : i32
      scf.for %parallel_loop3A_993 = %parallel_loop3A_987 to %parallel_loop3A_988 step %parallel_loop3A_989  : i32 {
        %parallel_loop3A_994 = arith.constant 16 : i32
        %parallel_loop3A_995 = arith.muli %parallel_loop3A_993, %parallel_loop3A_994 : i32
        %parallel_loop3A_996 = arith.constant 0 : i32
        %parallel_loop3A_997 = arith.index_cast %parallel_loop3A_996 : i32 to index
        %parallel_loop3A_998 = arith.index_cast %parallel_loop3A_995 : i32 to index
        %parallel_loop3A_999 = tpu.vector_load %arg5[%parallel_loop3A_997, %parallel_loop3A_998] {strides = array<i32>} : memref<2x32768xf32, #tpu.memory_space<vmem>>, vector<16xf32>,
        %parallel_loop3A_1000 = arith.constant 16 : i32
        %parallel_loop3A_1001 = arith.muli %parallel_loop3A_993, %parallel_loop3A_1000 : i32
        %parallel_loop3A_1002 = arith.constant 8192 : i32
        %parallel_loop3A_1003 = arith.addi %parallel_loop3A_1002, %parallel_loop3A_1001 : i32
        %parallel_loop3A_1004 = arith.constant 0 : i32
        %parallel_loop3A_1005 = arith.index_cast %parallel_loop3A_1004 : i32 to index
        %parallel_loop3A_1006 = arith.index_cast %parallel_loop3A_1003 : i32 to index
        %parallel_loop3A_1007 = tpu.vector_load %arg5[%parallel_loop3A_1005, %parallel_loop3A_1006] {strides = array<i32>} : memref<2x32768xf32, #tpu.memory_space<vmem>>, vector<16xf32>,
        tpu.vector_store %arg5[%parallel_loop3A_1005, %parallel_loop3A_1006], %parallel_loop3A_999 {strides = array<i32>} : memref<2x32768xf32, #tpu.memory_space<vmem>>, vector<16xf32>,
      } {sc.loop_unroll_factor = 8 : i64, sc.parallel_access}
      %parallel_loop3A_990 = arith.constant 0 : i32
      %parallel_loop3A_991 = arith.constant 1024 : i32
      %parallel_loop3A_992 = arith.constant 1 : i32
      scf.for %parallel_loop3A_993 = %parallel_loop3A_990 to %parallel_loop3A_991 step %parallel_loop3A_992  : i32 {
        %parallel_loop3A_994 = arith.constant 16 : i32
        %parallel_loop3A_995 = arith.muli %parallel_loop3A_993, %parallel_loop3A_994 : i32
        %parallel_loop3A_996 = arith.constant 0 : i32
        %parallel_loop3A_997 = arith.index_cast %parallel_loop3A_996 : i32 to index
        %parallel_loop3A_998 = arith.index_cast %parallel_loop3A_995 : i32 to index
        %parallel_loop3A_999 = tpu.vector_load %arg5[%parallel_loop3A_997, %parallel_loop3A_998] {strides = array<i32>} : memref<2x32768xf32, #tpu.memory_space<vmem>>, vector<16xf32>,
        %parallel_loop3A_1000 = arith.constant 16 : i32
        %parallel_loop3A_1001 = arith.muli %parallel_loop3A_993, %parallel_loop3A_1000 : i32
        %parallel_loop3A_1002 = arith.constant 16384 : i32
        %parallel_loop3A_1003 = arith.addi %parallel_loop3A_1002, %parallel_loop3A_1001 : i32
        %parallel_loop3A_1004 = arith.constant 0 : i32
        %parallel_loop3A_1005 = arith.index_cast %parallel_loop3A_1004 : i32 to index
        %parallel_loop3A_1006 = arith.index_cast %parallel_loop3A_1003 : i32 to index
        %parallel_loop3A_1007 = tpu.vector_load %arg5[%parallel_loop3A_1005, %parallel_loop3A_1006] {strides = array<i32>} : memref<2x32768xf32, #tpu.memory_space<vmem>>, vector<16xf32>,
        tpu.vector_store %arg5[%parallel_loop3A_1005, %parallel_loop3A_1006], %parallel_loop3A_999 {strides = array<i32>} : memref<2x32768xf32, #tpu.memory_space<vmem>>, vector<16xf32>,
      } {sc.loop_unroll_factor = 8 : i64, sc.parallel_access}
    } else {
    }
    %not3A_718 = arith.constant true
    %not3A_719 = arith.xori %lt3A_694, %not3A_718 : i1
    %not3A_720 = arith.constant true
    %not3A_721 = arith.xori %and3A_699, %not3A_720 : i1
    %and3A_722 = arith.andi %not3A_719, %not3A_721 : i1
    %convert_element_type3A_723 = arith.extui %and3A_722 : i1 to i32
    %cond3A_724 = arith.constant 0 : i32
    %cond3A_725 = arith.cmpi ne, %convert_element_type3A_723, %cond3A_724 : i32
    scf.if %cond3A_725 {
      %mul3A_973 = arith.constant 86 : i32
      %mul3A_974 = vector.broadcast %mul3A_973 : i32 to vector<16xi32>
      %mul3A_975 = arith.muli %iota3A, %mul3A_974 : vector<16xi32>
      %add3A_976 = arith.addi %broadcast_in_dim3A_711, %mul3A_975 : vector<16xi32>
      %gather3A = tpu.vector_load_idx %arg4[%add3A_976] : memref<12900xf32, #tpu.memory_space<vmem>>[vector<16xi32>], vector<16xf32>,
      %add3A_977 = arith.constant 16 : i32
      %add3A_978 = vector.broadcast %add3A_977 : i32 to vector<16xi32>
      %add3A_979 = arith.addi %iota3A, %add3A_978 : vector<16xi32>
      %mul3A_980 = arith.constant 86 : i32
      %mul3A_981 = vector.broadcast %mul3A_980 : i32 to vector<16xi32>
      %mul3A_982 = arith.muli %add3A_979, %mul3A_981 : vector<16xi32>
      %add3A_983 = arith.addi %broadcast_in_dim3A_711, %mul3A_982 : vector<16xi32>
      %gather3A_984 = tpu.vector_load_idx %arg4[%add3A_983] : memref<12900xf32, #tpu.memory_space<vmem>>[vector<16xi32>], vector<16xf32>,
      %parallel_loop3A = arith.constant 0 : i32
      %parallel_loop3A_985 = arith.constant 1024 : i32
      %parallel_loop3A_986 = arith.constant 1 : i32
      scf.for %parallel_loop3A_987 = %parallel_loop3A to %parallel_loop3A_985 step %parallel_loop3A_986  : i32 {
        %parallel_loop3A_988 = arith.constant 32 : i32
        %parallel_loop3A_989 = arith.muli %parallel_loop3A_987, %parallel_loop3A_988 : i32
        %parallel_loop3A_990 = arith.constant 0 : i32
        %parallel_loop3A_991 = arith.index_cast %parallel_loop3A_990 : i32 to index
        %parallel_loop3A_992 = arith.index_cast %parallel_loop3A_989 : i32 to index
        %parallel_loop3A_993 = tpu.vector_load %arg5[%parallel_loop3A_991, %parallel_loop3A_992] {strides = array<i32>} : memref<2x32768xf32, #tpu.memory_space<vmem>>, vector<16xf32>,
        tpu.vector_store %arg5[%parallel_loop3A_991, %parallel_loop3A_992], %gather3A {strides = array<i32>} : memref<2x32768xf32, #tpu.memory_space<vmem>>, vector<16xf32>,
        %parallel_loop3A_994 = arith.constant 32 : i32
        %parallel_loop3A_995 = arith.muli %parallel_loop3A_987, %parallel_loop3A_994 : i32
        %parallel_loop3A_996 = arith.constant 16 : i32
        %parallel_loop3A_997 = arith.addi %parallel_loop3A_995, %parallel_loop3A_996 : i32
        %parallel_loop3A_998 = arith.constant 0 : i32
        %parallel_loop3A_999 = arith.index_cast %parallel_loop3A_998 : i32 to index
        %parallel_loop3A_1000 = arith.index_cast %parallel_loop3A_997 : i32 to index
        %parallel_loop3A_1001 = tpu.vector_load %arg5[%parallel_loop3A_999, %parallel_loop3A_1000] {strides = array<i32>} : memref<2x32768xf32, #tpu.memory_space<vmem>>, vector<16xf32>,
        tpu.vector_store %arg5[%parallel_loop3A_999, %parallel_loop3A_1000], %gather3A_984 {strides = array<i32>} : memref<2x32768xf32, #tpu.memory_space<vmem>>, vector<16xf32>,
      } {sc.loop_unroll_factor = 8 : i64, sc.parallel_access}
    } else {
    }
    %add3A_726 = arith.constant 0 : i32
    %add3A_727 = arith.addi %add3A_726, %add3A_656 : i32
    %mul3A_728 = arith.constant 32768 : i32
    %mul3A_729 = arith.muli %add3A_727, %mul3A_728 : i32
    %dma_start3A_730 = arith.constant 0 : i32
    %dma_start3A_731 = arith.constant 0 : i32
    %dma_start3A_732 = tpu.memref_slice %arg5[%dma_start3A_730, %dma_start3A_731] : memref<2x32768xf32, #tpu.memory_space<vmem>> -> memref<1x32768xf32, #tpu.memory_space<vmem>>
    %dma_start3A_733 = tpu.memref_squeeze %dma_start3A_732 : memref<1x32768xf32, #tpu.memory_space<vmem>> -> memref<32768xf32, #tpu.memory_space<vmem>>
    %dma_start3A_734 = tpu.memref_slice %arg3[%mul3A_729] : memref<33554432xf32, #tpu.memory_space<hbm>> -> memref<32768xf32, #tpu.memory_space<hbm>>
    %dma_start3A_735 = tpu.memref_slice %arg3[%mul3A_729] : memref<33554432xf32, #tpu.memory_space<hbm>> -> memref<32768xf32, #tpu.memory_space<hbm>>
    %dma_start3A_736 = arith.constant 0 : i32
    %dma_start3A_737 = tpu.memref_slice %arg5[%dma_start3A_730, %dma_start3A_736] : memref<2x32768xf32, #tpu.memory_space<vmem>> -> memref<1x32768xf32, #tpu.memory_space<vmem>>
    %dma_start3A_738 = tpu.memref_squeeze %dma_start3A_737 : memref<1x32768xf32, #tpu.memory_space<vmem>> -> memref<32768xf32, #tpu.memory_space<vmem>>
    tpu.enqueue_dma source(%dma_start3A_738 : memref<32768xf32, #tpu.memory_space<vmem>>) target(%dma_start3A_735 : memref<32768xf32, #tpu.memory_space<hbm>>) target_semaphore(%arg6 : memref<!tpu.dma_semaphore, #tpu.memory_space<semaphore_mem>>)
    %add3A_739 = arith.constant 256 : i32
    %add3A_740 = arith.addi %add3A_739, %add3A_656 : i32
    %mul3A_741 = arith.constant 32768 : i32
    %mul3A_742 = arith.muli %add3A_740, %mul3A_741 : i32
    %dma_start3A_743 = arith.constant 0 : i32
    %dma_start3A_744 = arith.constant 0 : i32
    %dma_start3A_745 = tpu.memref_slice %arg5[%dma_start3A_743, %dma_start3A_744] : memref<2x32768xf32, #tpu.memory_space<vmem>> -> memref<1x32768xf32, #tpu.memory_space<vmem>>
    %dma_start3A_746 = tpu.memref_squeeze %dma_start3A_745 : memref<1x32768xf32, #tpu.memory_space<vmem>> -> memref<32768xf32, #tpu.memory_space<vmem>>
    %dma_start3A_747 = tpu.memref_slice %arg3[%mul3A_742] : memref<33554432xf32, #tpu.memory_space<hbm>> -> memref<32768xf32, #tpu.memory_space<hbm>>
    %dma_start3A_748 = tpu.memref_slice %arg3[%mul3A_742] : memref<33554432xf32, #tpu.memory_space<hbm>> -> memref<32768xf32, #tpu.memory_space<hbm>>
    %dma_start3A_749 = arith.constant 0 : i32
    %dma_start3A_750 = tpu.memref_slice %arg5[%dma_start3A_743, %dma_start3A_749] : memref<2x32768xf32, #tpu.memory_space<vmem>> -> memref<1x32768xf32, #tpu.memory_space<vmem>>
    %dma_start3A_751 = tpu.memref_squeeze %dma_start3A_750 : memref<1x32768xf32, #tpu.memory_space<vmem>> -> memref<32768xf32, #tpu.memory_space<vmem>>
    tpu.enqueue_dma source(%dma_start3A_751 : memref<32768xf32, #tpu.memory_space<vmem>>) target(%dma_start3A_748 : memref<32768xf32, #tpu.memory_space<hbm>>) target_semaphore(%arg6 : memref<!tpu.dma_semaphore, #tpu.memory_space<semaphore_mem>>)
    %add3A_752 = arith.constant 512 : i32
    %add3A_753 = arith.addi %add3A_752, %add3A_656 : i32
    %mul3A_754 = arith.constant 32768 : i32
    %mul3A_755 = arith.muli %add3A_753, %mul3A_754 : i32
    %dma_start3A_756 = arith.constant 0 : i32
    %dma_start3A_757 = arith.constant 0 : i32
    %dma_start3A_758 = tpu.memref_slice %arg5[%dma_start3A_756, %dma_start3A_757] : memref<2x32768xf32, #tpu.memory_space<vmem>> -> memref<1x32768xf32, #tpu.memory_space<vmem>>
    %dma_start3A_759 = tpu.memref_squeeze %dma_start3A_758 : memref<1x32768xf32, #tpu.memory_space<vmem>> -> memref<32768xf32, #tpu.memory_space<vmem>>
    %dma_start3A_760 = tpu.memref_slice %arg3[%mul3A_755] : memref<33554432xf32, #tpu.memory_space<hbm>> -> memref<32768xf32, #tpu.memory_space<hbm>>
    %dma_start3A_761 = tpu.memref_slice %arg3[%mul3A_755] : memref<33554432xf32, #tpu.memory_space<hbm>> -> memref<32768xf32, #tpu.memory_space<hbm>>
    %dma_start3A_762 = arith.constant 0 : i32
    %dma_start3A_763 = tpu.memref_slice %arg5[%dma_start3A_756, %dma_start3A_762] : memref<2x32768xf32, #tpu.memory_space<vmem>> -> memref<1x32768xf32, #tpu.memory_space<vmem>>
    %dma_start3A_764 = tpu.memref_squeeze %dma_start3A_763 : memref<1x32768xf32, #tpu.memory_space<vmem>> -> memref<32768xf32, #tpu.memory_space<vmem>>
    tpu.enqueue_dma source(%dma_start3A_764 : memref<32768xf32, #tpu.memory_space<vmem>>) target(%dma_start3A_761 : memref<32768xf32, #tpu.memory_space<hbm>>) target_semaphore(%arg6 : memref<!tpu.dma_semaphore, #tpu.memory_space<semaphore_mem>>)
    %add3A_765 = arith.constant 768 : i32
    %add3A_766 = arith.addi %add3A_765, %add3A_656 : i32
    %mul3A_767 = arith.constant 32768 : i32
    %mul3A_768 = arith.muli %add3A_766, %mul3A_767 : i32
    %dma_start3A_769 = arith.constant 0 : i32
    %dma_start3A_770 = arith.constant 0 : i32
    %dma_start3A_771 = tpu.memref_slice %arg5[%dma_start3A_769, %dma_start3A_770] : memref<2x32768xf32, #tpu.memory_space<vmem>> -> memref<1x32768xf32, #tpu.memory_space<vmem>>
    %dma_start3A_772 = tpu.memref_squeeze %dma_start3A_771 : memref<1x32768xf32, #tpu.memory_space<vmem>> -> memref<32768xf32, #tpu.memory_space<vmem>>
    %dma_start3A_773 = tpu.memref_slice %arg3[%mul3A_768] : memref<33554432xf32, #tpu.memory_space<hbm>> -> memref<32768xf32, #tpu.memory_space<hbm>>
    %dma_start3A_774 = tpu.memref_slice %arg3[%mul3A_768] : memref<33554432xf32, #tpu.memory_space<hbm>> -> memref<32768xf32, #tpu.memory_space<hbm>>
    %dma_start3A_775 = arith.constant 0 : i32
    %dma_start3A_776 = tpu.memref_slice %arg5[%dma_start3A_769, %dma_start3A_775] : memref<2x32768xf32, #tpu.memory_space<vmem>> -> memref<1x32768xf32, #tpu.memory_space<vmem>>
    %dma_start3A_777 = tpu.memref_squeeze %dma_start3A_776 : memref<1x32768xf32, #tpu.memory_space<vmem>> -> memref<32768xf32, #tpu.memory_space<vmem>>
    tpu.enqueue_dma source(%dma_start3A_777 : memref<32768xf32, #tpu.memory_space<vmem>>) target(%dma_start3A_774 : memref<32768xf32, #tpu.memory_space<hbm>>) target_semaphore(%arg6 : memref<!tpu.dma_semaphore, #tpu.memory_space<semaphore_mem>>)
    %add3A_778 = arith.constant 224 : i32
    %add3A_779 = arith.addi %add3A, %add3A_778 : i32
    %dma_wait3A_780 = arith.constant 1 : i32
    %dma_wait3A_781 = arith.constant 0 : i32
    %dma_wait3A_782 = tpu.memref_slice %arg5[%dma_wait3A_780, %dma_wait3A_781] : memref<2x32768xf32, #tpu.memory_space<vmem>> -> memref<1x32768xf32, #tpu.memory_space<vmem>>
    %dma_wait3A_783 = tpu.memref_squeeze %dma_wait3A_782 : memref<1x32768xf32, #tpu.memory_space<vmem>> -> memref<32768xf32, #tpu.memory_space<vmem>>
    %dma_wait3A_784 = tpu.memref_slice %arg3[%mul3A_606] : memref<33554432xf32, #tpu.memory_space<hbm>> -> memref<32768xf32, #tpu.memory_space<hbm>>
    %dma_wait3A_785 = tpu.memref_slice %arg3[%mul3A_606] : memref<33554432xf32, #tpu.memory_space<hbm>> -> memref<32768xf32, #tpu.memory_space<hbm>>
    %dma_wait3A_786 = arith.constant 0 : i32
    %dma_wait3A_787 = tpu.memref_slice %arg5[%dma_wait3A_780, %dma_wait3A_786] : memref<2x32768xf32, #tpu.memory_space<vmem>> -> memref<1x32768xf32, #tpu.memory_space<vmem>>
    %dma_wait3A_788 = tpu.memref_squeeze %dma_wait3A_787 : memref<1x32768xf32, #tpu.memory_space<vmem>> -> memref<32768xf32, #tpu.memory_space<vmem>>
    tpu.wait_dma2 semaphore(%arg7 : memref<!tpu.dma_semaphore, #tpu.memory_space<semaphore_mem>>) src(%dma_wait3A_788 : memref<32768xf32, #tpu.memory_space<vmem>>) dst(%dma_wait3A_785 : memref<32768xf32, #tpu.memory_space<hbm>>)
    %dma_wait3A_789 = arith.constant 1 : i32
    %dma_wait3A_790 = arith.constant 0 : i32
    %dma_wait3A_791 = tpu.memref_slice %arg5[%dma_wait3A_789, %dma_wait3A_790] : memref<2x32768xf32, #tpu.memory_space<vmem>> -> memref<1x32768xf32, #tpu.memory_space<vmem>>
    %dma_wait3A_792 = tpu.memref_squeeze %dma_wait3A_791 : memref<1x32768xf32, #tpu.memory_space<vmem>> -> memref<32768xf32, #tpu.memory_space<vmem>>
    %dma_wait3A_793 = tpu.memref_slice %arg3[%mul3A_619] : memref<33554432xf32, #tpu.memory_space<hbm>> -> memref<32768xf32, #tpu.memory_space<hbm>>
    %dma_wait3A_794 = tpu.memref_slice %arg3[%mul3A_619] : memref<33554432xf32, #tpu.memory_space<hbm>> -> memref<32768xf32, #tpu.memory_space<hbm>>
    %dma_wait3A_795 = arith.constant 0 : i32
    %dma_wait3A_796 = tpu.memref_slice %arg5[%dma_wait3A_789, %dma_wait3A_795] : memref<2x32768xf32, #tpu.memory_space<vmem>> -> memref<1x32768xf32, #tpu.memory_space<vmem>>
    %dma_wait3A_797 = tpu.memref_squeeze %dma_wait3A_796 : memref<1x32768xf32, #tpu.memory_space<vmem>> -> memref<32768xf32, #tpu.memory_space<vmem>>
    tpu.wait_dma2 semaphore(%arg7 : memref<!tpu.dma_semaphore, #tpu.memory_space<semaphore_mem>>) src(%dma_wait3A_797 : memref<32768xf32, #tpu.memory_space<vmem>>) dst(%dma_wait3A_794 : memref<32768xf32, #tpu.memory_space<hbm>>)
    %dma_wait3A_798 = arith.constant 1 : i32
    %dma_wait3A_799 = arith.constant 0 : i32
    %dma_wait3A_800 = tpu.memref_slice %arg5[%dma_wait3A_798, %dma_wait3A_799] : memref<2x32768xf32, #tpu.memory_space<vmem>> -> memref<1x32768xf32, #tpu.memory_space<vmem>>
    %dma_wait3A_801 = tpu.memref_squeeze %dma_wait3A_800 : memref<1x32768xf32, #tpu.memory_space<vmem>> -> memref<32768xf32, #tpu.memory_space<vmem>>
    %dma_wait3A_802 = tpu.memref_slice %arg3[%mul3A_632] : memref<33554432xf32, #tpu.memory_space<hbm>> -> memref<32768xf32, #tpu.memory_space<hbm>>
    %dma_wait3A_803 = tpu.memref_slice %arg3[%mul3A_632] : memref<33554432xf32, #tpu.memory_space<hbm>> -> memref<32768xf32, #tpu.memory_space<hbm>>
    %dma_wait3A_804 = arith.constant 0 : i32
    %dma_wait3A_805 = tpu.memref_slice %arg5[%dma_wait3A_798, %dma_wait3A_804] : memref<2x32768xf32, #tpu.memory_space<vmem>> -> memref<1x32768xf32, #tpu.memory_space<vmem>>
    %dma_wait3A_806 = tpu.memref_squeeze %dma_wait3A_805 : memref<1x32768xf32, #tpu.memory_space<vmem>> -> memref<32768xf32, #tpu.memory_space<vmem>>
    tpu.wait_dma2 semaphore(%arg7 : memref<!tpu.dma_semaphore, #tpu.memory_space<semaphore_mem>>) src(%dma_wait3A_806 : memref<32768xf32, #tpu.memory_space<vmem>>) dst(%dma_wait3A_803 : memref<32768xf32, #tpu.memory_space<hbm>>)
    %dma_wait3A_807 = arith.constant 1 : i32
    %dma_wait3A_808 = arith.constant 0 : i32
    %dma_wait3A_809 = tpu.memref_slice %arg5[%dma_wait3A_807, %dma_wait3A_808] : memref<2x32768xf32, #tpu.memory_space<vmem>> -> memref<1x32768xf32, #tpu.memory_space<vmem>>
    %dma_wait3A_810 = tpu.memref_squeeze %dma_wait3A_809 : memref<1x32768xf32, #tpu.memory_space<vmem>> -> memref<32768xf32, #tpu.memory_space<vmem>>
    %dma_wait3A_811 = tpu.memref_slice %arg3[%mul3A_645] : memref<33554432xf32, #tpu.memory_space<hbm>> -> memref<32768xf32, #tpu.memory_space<hbm>>
    %dma_wait3A_812 = tpu.memref_slice %arg3[%mul3A_645] : memref<33554432xf32, #tpu.memory_space<hbm>> -> memref<32768xf32, #tpu.memory_space<hbm>>
    %dma_wait3A_813 = arith.constant 0 : i32
    %dma_wait3A_814 = tpu.memref_slice %arg5[%dma_wait3A_807, %dma_wait3A_813] : memref<2x32768xf32, #tpu.memory_space<vmem>> -> memref<1x32768xf32, #tpu.memory_space<vmem>>
    %dma_wait3A_815 = tpu.memref_squeeze %dma_wait3A_814 : memref<1x32768xf32, #tpu.memory_space<vmem>> -> memref<32768xf32, #tpu.memory_space<vmem>>
    tpu.wait_dma2 semaphore(%arg7 : memref<!tpu.dma_semaphore, #tpu.memory_space<semaphore_mem>>) src(%dma_wait3A_815 : memref<32768xf32, #tpu.memory_space<vmem>>) dst(%dma_wait3A_812 : memref<32768xf32, #tpu.memory_space<hbm>>)
    %lt3A_816 = arith.constant 86 : i32
    %lt3A_817 = arith.cmpi slt, %add3A_779, %lt3A_816 : i32
    %ge3A_818 = arith.constant 86 : i32
    %ge3A_819 = arith.cmpi sge, %add3A_779, %ge3A_818 : i32
    %lt3A_820 = arith.constant 172 : i32
    %lt3A_821 = arith.cmpi slt, %add3A_779, %lt3A_820 : i32
    %and3A_822 = arith.andi %ge3A_819, %lt3A_821 : i1
    %jit3A_823 = arith.constant 1 : i32
    %jit3A_824 = arith.constant 2 : i32
    %select_n3A_825 = arith.select %and3A_822, %jit3A_823, %jit3A_824 : i32
    %jit3A_826 = arith.constant 0 : i32
    %select_n3A_827 = arith.select %lt3A_817, %jit3A_826, %select_n3A_825 : i32
    %mul3A_828 = arith.constant 86 : i32
    %mul3A_829 = arith.muli %select_n3A_827, %mul3A_828 : i32
    %sub3A_830 = arith.subi %add3A_779, %mul3A_829 : i32
    %mul3A_831 = arith.constant 4300 : i32
    %mul3A_832 = arith.muli %select_n3A_827, %mul3A_831 : i32
    %add3A_833 = arith.addi %mul3A_832, %sub3A_830 : i32
    %broadcast_in_dim3A_834 = vector.broadcast %add3A_833 : i32 to vector<16xi32>
    %convert_element_type3A_835 = arith.extui %lt3A_817 : i1 to i32
    %cond3A_836 = arith.constant 0 : i32
    %cond3A_837 = arith.cmpi ne, %convert_element_type3A_835, %cond3A_836 : i32
    scf.if %cond3A_837 {
      %scan3A = arith.constant 0 : i32
      %scan3A_973 = arith.constant 0 : i32
      %scan3A_974 = arith.constant 32 : i32
      %scan3A_975 = arith.addi %scan3A_973, %scan3A_974 : i32
      %scan3A_976 = arith.constant 1 : i32
      %scan3A_977 = scf.for %scan3A_979 = %scan3A_973 to %scan3A_975 step %scan3A_976 iter_args(%scan3A_980 = %scan3A) -> (i32)  : i32 {
        %mul3A_981 = arith.constant 86 : i32
        %mul3A_982 = arith.muli %scan3A_979, %mul3A_981 : i32
        %add3A_983 = vector.broadcast %mul3A_982 : i32 to vector<16xi32>
        %add3A_984 = arith.addi %broadcast_in_dim3A_834, %add3A_983 : vector<16xi32>
        %gather3A = tpu.vector_load_idx %arg4[%add3A_984] : memref<12900xf32, #tpu.memory_space<vmem>>[vector<16xi32>], vector<16xf32>,
        %parallel_loop3A = arith.constant 0 : i32
        %parallel_loop3A_985 = arith.constant 64 : i32
        %parallel_loop3A_986 = arith.constant 1 : i32
        scf.for %parallel_loop3A_988 = %parallel_loop3A to %parallel_loop3A_985 step %parallel_loop3A_986  : i32 {
          %parallel_loop3A_989 = arith.constant 1024 : i32
          %parallel_loop3A_990 = arith.muli %scan3A_979, %parallel_loop3A_989 : i32
          %parallel_loop3A_991 = arith.constant 16 : i32
          %parallel_loop3A_992 = arith.muli %parallel_loop3A_988, %parallel_loop3A_991 : i32
          %parallel_loop3A_993 = arith.addi %parallel_loop3A_990, %parallel_loop3A_992 : i32
          %parallel_loop3A_994 = arith.constant 1 : i32
          %parallel_loop3A_995 = arith.index_cast %parallel_loop3A_994 : i32 to index
          %parallel_loop3A_996 = arith.index_cast %parallel_loop3A_993 : i32 to index
          %parallel_loop3A_997 = tpu.vector_load %arg5[%parallel_loop3A_995, %parallel_loop3A_996] {strides = array<i32>} : memref<2x32768xf32, #tpu.memory_space<vmem>>, vector<16xf32>,
          tpu.vector_store %arg5[%parallel_loop3A_995, %parallel_loop3A_996], %gather3A {strides = array<i32>} : memref<2x32768xf32, #tpu.memory_space<vmem>>, vector<16xf32>,
        } {sc.loop_unroll_factor = 8 : i64, sc.parallel_access}
        %scan3A_987 = arith.constant 0 : i32
        scf.yield %scan3A_987 : i32
      }
      %scan3A_978 = arith.constant 32 : i32
    } else {
    }
    %convert_element_type3A_838 = arith.extui %and3A_822 : i1 to i32
    %cond3A_839 = arith.constant 0 : i32
    %cond3A_840 = arith.cmpi ne, %convert_element_type3A_838, %cond3A_839 : i32
    scf.if %cond3A_840 {
      %scan3A = arith.constant 0 : i32
      %scan3A_973 = arith.constant 0 : i32
      %scan3A_974 = arith.constant 32 : i32
      %scan3A_975 = arith.addi %scan3A_973, %scan3A_974 : i32
      %scan3A_976 = arith.constant 1 : i32
      %scan3A_977 = scf.for %scan3A_993 = %scan3A_973 to %scan3A_975 step %scan3A_976 iter_args(%scan3A_994 = %scan3A) -> (i32)  : i32 {
        %mul3A_995 = arith.constant 86 : i32
        %mul3A_996 = arith.muli %scan3A_993, %mul3A_995 : i32
        %add3A_997 = vector.broadcast %mul3A_996 : i32 to vector<16xi32>
        %add3A_998 = arith.addi %broadcast_in_dim3A_834, %add3A_997 : vector<16xi32>
        %gather3A = tpu.vector_load_idx %arg4[%add3A_998] : memref<12900xf32, #tpu.memory_space<vmem>>[vector<16xi32>], vector<16xf32>,
        %mul3A_999 = arith.constant 32 : i32
        %mul3A_1000 = arith.muli %scan3A_993, %mul3A_999 : i32
        %swap3A = arith.constant 1 : i32
        %swap3A_1001 = arith.index_cast %swap3A : i32 to index
        %swap3A_1002 = arith.index_cast %mul3A_1000 : i32 to index
        %swap3A_1003 = tpu.vector_load %arg5[%swap3A_1001, %swap3A_1002] {strides = array<i32>} : memref<2x32768xf32, #tpu.memory_space<vmem>>, vector<16xf32>,
        tpu.vector_store %arg5[%swap3A_1001, %swap3A_1002], %gather3A {strides = array<i32>} : memref<2x32768xf32, #tpu.memory_space<vmem>>, vector<16xf32>,
        %mul3A_1004 = arith.constant 32 : i32
        %mul3A_1005 = arith.muli %scan3A_993, %mul3A_1004 : i32
        %add3A_1006 = arith.constant 16 : i32
        %add3A_1007 = arith.addi %mul3A_1005, %add3A_1006 : i32
        %swap3A_1008 = arith.constant 1 : i32
        %swap3A_1009 = arith.index_cast %swap3A_1008 : i32 to index
        %swap3A_1010 = arith.index_cast %add3A_1007 : i32 to index
        %swap3A_1011 = tpu.vector_load %arg5[%swap3A_1009, %swap3A_1010] {strides = array<i32>} : memref<2x32768xf32, #tpu.memory_space<vmem>>, vector<16xf32>,
        tpu.vector_store %arg5[%swap3A_1009, %swap3A_1010], %gather3A {strides = array<i32>} : memref<2x32768xf32, #tpu.memory_space<vmem>>, vector<16xf32>,
        %scan3A_1012 = arith.constant 0 : i32
        scf.yield %scan3A_1012 : i32
      }
      %scan3A_978 = arith.constant 32 : i32
      %parallel_loop3A = arith.constant 0 : i32
      %parallel_loop3A_979 = arith.constant 64 : i32
      %parallel_loop3A_980 = arith.constant 1 : i32
      scf.for %parallel_loop3A_993 = %parallel_loop3A to %parallel_loop3A_979 step %parallel_loop3A_980  : i32 {
        %parallel_loop3A_994 = arith.constant 16 : i32
        %parallel_loop3A_995 = arith.muli %parallel_loop3A_993, %parallel_loop3A_994 : i32
        %parallel_loop3A_996 = arith.constant 1 : i32
        %parallel_loop3A_997 = arith.index_cast %parallel_loop3A_996 : i32 to index
        %parallel_loop3A_998 = arith.index_cast %parallel_loop3A_995 : i32 to index
        %parallel_loop3A_999 = tpu.vector_load %arg5[%parallel_loop3A_997, %parallel_loop3A_998] {strides = array<i32>} : memref<2x32768xf32, #tpu.memory_space<vmem>>, vector<16xf32>,
        %parallel_loop3A_1000 = arith.constant 16 : i32
        %parallel_loop3A_1001 = arith.muli %parallel_loop3A_993, %parallel_loop3A_1000 : i32
        %parallel_loop3A_1002 = arith.constant 1024 : i32
        %parallel_loop3A_1003 = arith.addi %parallel_loop3A_1002, %parallel_loop3A_1001 : i32
        %parallel_loop3A_1004 = arith.constant 1 : i32
        %parallel_loop3A_1005 = arith.index_cast %parallel_loop3A_1004 : i32 to index
        %parallel_loop3A_1006 = arith.index_cast %parallel_loop3A_1003 : i32 to index
        %parallel_loop3A_1007 = tpu.vector_load %arg5[%parallel_loop3A_1005, %parallel_loop3A_1006] {strides = array<i32>} : memref<2x32768xf32, #tpu.memory_space<vmem>>, vector<16xf32>,
        tpu.vector_store %arg5[%parallel_loop3A_1005, %parallel_loop3A_1006], %parallel_loop3A_999 {strides = array<i32>} : memref<2x32768xf32, #tpu.memory_space<vmem>>, vector<16xf32>,
      } {sc.loop_unroll_factor = 8 : i64, sc.parallel_access}
      %parallel_loop3A_981 = arith.constant 0 : i32
      %parallel_loop3A_982 = arith.constant 128 : i32
      %parallel_loop3A_983 = arith.constant 1 : i32
      scf.for %parallel_loop3A_993 = %parallel_loop3A_981 to %parallel_loop3A_982 step %parallel_loop3A_983  : i32 {
        %parallel_loop3A_994 = arith.constant 16 : i32
        %parallel_loop3A_995 = arith.muli %parallel_loop3A_993, %parallel_loop3A_994 : i32
        %parallel_loop3A_996 = arith.constant 1 : i32
        %parallel_loop3A_997 = arith.index_cast %parallel_loop3A_996 : i32 to index
        %parallel_loop3A_998 = arith.index_cast %parallel_loop3A_995 : i32 to index
        %parallel_loop3A_999 = tpu.vector_load %arg5[%parallel_loop3A_997, %parallel_loop3A_998] {strides = array<i32>} : memref<2x32768xf32, #tpu.memory_space<vmem>>, vector<16xf32>,
        %parallel_loop3A_1000 = arith.constant 16 : i32
        %parallel_loop3A_1001 = arith.muli %parallel_loop3A_993, %parallel_loop3A_1000 : i32
        %parallel_loop3A_1002 = arith.constant 2048 : i32
        %parallel_loop3A_1003 = arith.addi %parallel_loop3A_1002, %parallel_loop3A_1001 : i32
        %parallel_loop3A_1004 = arith.constant 1 : i32
        %parallel_loop3A_1005 = arith.index_cast %parallel_loop3A_1004 : i32 to index
        %parallel_loop3A_1006 = arith.index_cast %parallel_loop3A_1003 : i32 to index
        %parallel_loop3A_1007 = tpu.vector_load %arg5[%parallel_loop3A_1005, %parallel_loop3A_1006] {strides = array<i32>} : memref<2x32768xf32, #tpu.memory_space<vmem>>, vector<16xf32>,
        tpu.vector_store %arg5[%parallel_loop3A_1005, %parallel_loop3A_1006], %parallel_loop3A_999 {strides = array<i32>} : memref<2x32768xf32, #tpu.memory_space<vmem>>, vector<16xf32>,
      } {sc.loop_unroll_factor = 8 : i64, sc.parallel_access}
      %parallel_loop3A_984 = arith.constant 0 : i32
      %parallel_loop3A_985 = arith.constant 256 : i32
      %parallel_loop3A_986 = arith.constant 1 : i32
      scf.for %parallel_loop3A_993 = %parallel_loop3A_984 to %parallel_loop3A_985 step %parallel_loop3A_986  : i32 {
        %parallel_loop3A_994 = arith.constant 16 : i32
        %parallel_loop3A_995 = arith.muli %parallel_loop3A_993, %parallel_loop3A_994 : i32
        %parallel_loop3A_996 = arith.constant 1 : i32
        %parallel_loop3A_997 = arith.index_cast %parallel_loop3A_996 : i32 to index
        %parallel_loop3A_998 = arith.index_cast %parallel_loop3A_995 : i32 to index
        %parallel_loop3A_999 = tpu.vector_load %arg5[%parallel_loop3A_997, %parallel_loop3A_998] {strides = array<i32>} : memref<2x32768xf32, #tpu.memory_space<vmem>>, vector<16xf32>,
        %parallel_loop3A_1000 = arith.constant 16 : i32
        %parallel_loop3A_1001 = arith.muli %parallel_loop3A_993, %parallel_loop3A_1000 : i32
        %parallel_loop3A_1002 = arith.constant 4096 : i32
        %parallel_loop3A_1003 = arith.addi %parallel_loop3A_1002, %parallel_loop3A_1001 : i32
        %parallel_loop3A_1004 = arith.constant 1 : i32
        %parallel_loop3A_1005 = arith.index_cast %parallel_loop3A_1004 : i32 to index
        %parallel_loop3A_1006 = arith.index_cast %parallel_loop3A_1003 : i32 to index
        %parallel_loop3A_1007 = tpu.vector_load %arg5[%parallel_loop3A_1005, %parallel_loop3A_1006] {strides = array<i32>} : memref<2x32768xf32, #tpu.memory_space<vmem>>, vector<16xf32>,
        tpu.vector_store %arg5[%parallel_loop3A_1005, %parallel_loop3A_1006], %parallel_loop3A_999 {strides = array<i32>} : memref<2x32768xf32, #tpu.memory_space<vmem>>, vector<16xf32>,
      } {sc.loop_unroll_factor = 8 : i64, sc.parallel_access}
      %parallel_loop3A_987 = arith.constant 0 : i32
      %parallel_loop3A_988 = arith.constant 512 : i32
      %parallel_loop3A_989 = arith.constant 1 : i32
      scf.for %parallel_loop3A_993 = %parallel_loop3A_987 to %parallel_loop3A_988 step %parallel_loop3A_989  : i32 {
        %parallel_loop3A_994 = arith.constant 16 : i32
        %parallel_loop3A_995 = arith.muli %parallel_loop3A_993, %parallel_loop3A_994 : i32
        %parallel_loop3A_996 = arith.constant 1 : i32
        %parallel_loop3A_997 = arith.index_cast %parallel_loop3A_996 : i32 to index
        %parallel_loop3A_998 = arith.index_cast %parallel_loop3A_995 : i32 to index
        %parallel_loop3A_999 = tpu.vector_load %arg5[%parallel_loop3A_997, %parallel_loop3A_998] {strides = array<i32>} : memref<2x32768xf32, #tpu.memory_space<vmem>>, vector<16xf32>,
        %parallel_loop3A_1000 = arith.constant 16 : i32
        %parallel_loop3A_1001 = arith.muli %parallel_loop3A_993, %parallel_loop3A_1000 : i32
        %parallel_loop3A_1002 = arith.constant 8192 : i32
        %parallel_loop3A_1003 = arith.addi %parallel_loop3A_1002, %parallel_loop3A_1001 : i32
        %parallel_loop3A_1004 = arith.constant 1 : i32
        %parallel_loop3A_1005 = arith.index_cast %parallel_loop3A_1004 : i32 to index
        %parallel_loop3A_1006 = arith.index_cast %parallel_loop3A_1003 : i32 to index
        %parallel_loop3A_1007 = tpu.vector_load %arg5[%parallel_loop3A_1005, %parallel_loop3A_1006] {strides = array<i32>} : memref<2x32768xf32, #tpu.memory_space<vmem>>, vector<16xf32>,
        tpu.vector_store %arg5[%parallel_loop3A_1005, %parallel_loop3A_1006], %parallel_loop3A_999 {strides = array<i32>} : memref<2x32768xf32, #tpu.memory_space<vmem>>, vector<16xf32>,
      } {sc.loop_unroll_factor = 8 : i64, sc.parallel_access}
      %parallel_loop3A_990 = arith.constant 0 : i32
      %parallel_loop3A_991 = arith.constant 1024 : i32
      %parallel_loop3A_992 = arith.constant 1 : i32
      scf.for %parallel_loop3A_993 = %parallel_loop3A_990 to %parallel_loop3A_991 step %parallel_loop3A_992  : i32 {
        %parallel_loop3A_994 = arith.constant 16 : i32
        %parallel_loop3A_995 = arith.muli %parallel_loop3A_993, %parallel_loop3A_994 : i32
        %parallel_loop3A_996 = arith.constant 1 : i32
        %parallel_loop3A_997 = arith.index_cast %parallel_loop3A_996 : i32 to index
        %parallel_loop3A_998 = arith.index_cast %parallel_loop3A_995 : i32 to index
        %parallel_loop3A_999 = tpu.vector_load %arg5[%parallel_loop3A_997, %parallel_loop3A_998] {strides = array<i32>} : memref<2x32768xf32, #tpu.memory_space<vmem>>, vector<16xf32>,
        %parallel_loop3A_1000 = arith.constant 16 : i32
        %parallel_loop3A_1001 = arith.muli %parallel_loop3A_993, %parallel_loop3A_1000 : i32
        %parallel_loop3A_1002 = arith.constant 16384 : i32
        %parallel_loop3A_1003 = arith.addi %parallel_loop3A_1002, %parallel_loop3A_1001 : i32
        %parallel_loop3A_1004 = arith.constant 1 : i32
        %parallel_loop3A_1005 = arith.index_cast %parallel_loop3A_1004 : i32 to index
        %parallel_loop3A_1006 = arith.index_cast %parallel_loop3A_1003 : i32 to index
        %parallel_loop3A_1007 = tpu.vector_load %arg5[%parallel_loop3A_1005, %parallel_loop3A_1006] {strides = array<i32>} : memref<2x32768xf32, #tpu.memory_space<vmem>>, vector<16xf32>,
        tpu.vector_store %arg5[%parallel_loop3A_1005, %parallel_loop3A_1006], %parallel_loop3A_999 {strides = array<i32>} : memref<2x32768xf32, #tpu.memory_space<vmem>>, vector<16xf32>,
      } {sc.loop_unroll_factor = 8 : i64, sc.parallel_access}
    } else {
    }
    %not3A_841 = arith.constant true
    %not3A_842 = arith.xori %lt3A_817, %not3A_841 : i1
    %not3A_843 = arith.constant true
    %not3A_844 = arith.xori %and3A_822, %not3A_843 : i1
    %and3A_845 = arith.andi %not3A_842, %not3A_844 : i1
    %convert_element_type3A_846 = arith.extui %and3A_845 : i1 to i32
    %cond3A_847 = arith.constant 0 : i32
    %cond3A_848 = arith.cmpi ne, %convert_element_type3A_846, %cond3A_847 : i32
    scf.if %cond3A_848 {
      %mul3A_973 = arith.constant 86 : i32
      %mul3A_974 = vector.broadcast %mul3A_973 : i32 to vector<16xi32>
      %mul3A_975 = arith.muli %iota3A, %mul3A_974 : vector<16xi32>
      %add3A_976 = arith.addi %broadcast_in_dim3A_834, %mul3A_975 : vector<16xi32>
      %gather3A = tpu.vector_load_idx %arg4[%add3A_976] : memref<12900xf32, #tpu.memory_space<vmem>>[vector<16xi32>], vector<16xf32>,
      %add3A_977 = arith.constant 16 : i32
      %add3A_978 = vector.broadcast %add3A_977 : i32 to vector<16xi32>
      %add3A_979 = arith.addi %iota3A, %add3A_978 : vector<16xi32>
      %mul3A_980 = arith.constant 86 : i32
      %mul3A_981 = vector.broadcast %mul3A_980 : i32 to vector<16xi32>
      %mul3A_982 = arith.muli %add3A_979, %mul3A_981 : vector<16xi32>
      %add3A_983 = arith.addi %broadcast_in_dim3A_834, %mul3A_982 : vector<16xi32>
      %gather3A_984 = tpu.vector_load_idx %arg4[%add3A_983] : memref<12900xf32, #tpu.memory_space<vmem>>[vector<16xi32>], vector<16xf32>,
      %parallel_loop3A = arith.constant 0 : i32
      %parallel_loop3A_985 = arith.constant 1024 : i32
      %parallel_loop3A_986 = arith.constant 1 : i32
      scf.for %parallel_loop3A_987 = %parallel_loop3A to %parallel_loop3A_985 step %parallel_loop3A_986  : i32 {
        %parallel_loop3A_988 = arith.constant 32 : i32
        %parallel_loop3A_989 = arith.muli %parallel_loop3A_987, %parallel_loop3A_988 : i32
        %parallel_loop3A_990 = arith.constant 1 : i32
        %parallel_loop3A_991 = arith.index_cast %parallel_loop3A_990 : i32 to index
        %parallel_loop3A_992 = arith.index_cast %parallel_loop3A_989 : i32 to index
        %parallel_loop3A_993 = tpu.vector_load %arg5[%parallel_loop3A_991, %parallel_loop3A_992] {strides = array<i32>} : memref<2x32768xf32, #tpu.memory_space<vmem>>, vector<16xf32>,
        tpu.vector_store %arg5[%parallel_loop3A_991, %parallel_loop3A_992], %gather3A {strides = array<i32>} : memref<2x32768xf32, #tpu.memory_space<vmem>>, vector<16xf32>,
        %parallel_loop3A_994 = arith.constant 32 : i32
        %parallel_loop3A_995 = arith.muli %parallel_loop3A_987, %parallel_loop3A_994 : i32
        %parallel_loop3A_996 = arith.constant 16 : i32
        %parallel_loop3A_997 = arith.addi %parallel_loop3A_995, %parallel_loop3A_996 : i32
        %parallel_loop3A_998 = arith.constant 1 : i32
        %parallel_loop3A_999 = arith.index_cast %parallel_loop3A_998 : i32 to index
        %parallel_loop3A_1000 = arith.index_cast %parallel_loop3A_997 : i32 to index
        %parallel_loop3A_1001 = tpu.vector_load %arg5[%parallel_loop3A_999, %parallel_loop3A_1000] {strides = array<i32>} : memref<2x32768xf32, #tpu.memory_space<vmem>>, vector<16xf32>,
        tpu.vector_store %arg5[%parallel_loop3A_999, %parallel_loop3A_1000], %gather3A_984 {strides = array<i32>} : memref<2x32768xf32, #tpu.memory_space<vmem>>, vector<16xf32>,
      } {sc.loop_unroll_factor = 8 : i64, sc.parallel_access}
    } else {
    }
    %add3A_849 = arith.constant 0 : i32
    %add3A_850 = arith.addi %add3A_849, %add3A_779 : i32
    %mul3A_851 = arith.constant 32768 : i32
    %mul3A_852 = arith.muli %add3A_850, %mul3A_851 : i32
    %dma_start3A_853 = arith.constant 1 : i32
    %dma_start3A_854 = arith.constant 0 : i32
    %dma_start3A_855 = tpu.memref_slice %arg5[%dma_start3A_853, %dma_start3A_854] : memref<2x32768xf32, #tpu.memory_space<vmem>> -> memref<1x32768xf32, #tpu.memory_space<vmem>>
    %dma_start3A_856 = tpu.memref_squeeze %dma_start3A_855 : memref<1x32768xf32, #tpu.memory_space<vmem>> -> memref<32768xf32, #tpu.memory_space<vmem>>
    %dma_start3A_857 = tpu.memref_slice %arg3[%mul3A_852] : memref<33554432xf32, #tpu.memory_space<hbm>> -> memref<32768xf32, #tpu.memory_space<hbm>>
    %dma_start3A_858 = tpu.memref_slice %arg3[%mul3A_852] : memref<33554432xf32, #tpu.memory_space<hbm>> -> memref<32768xf32, #tpu.memory_space<hbm>>
    %dma_start3A_859 = arith.constant 0 : i32
    %dma_start3A_860 = tpu.memref_slice %arg5[%dma_start3A_853, %dma_start3A_859] : memref<2x32768xf32, #tpu.memory_space<vmem>> -> memref<1x32768xf32, #tpu.memory_space<vmem>>
    %dma_start3A_861 = tpu.memref_squeeze %dma_start3A_860 : memref<1x32768xf32, #tpu.memory_space<vmem>> -> memref<32768xf32, #tpu.memory_space<vmem>>
    tpu.enqueue_dma source(%dma_start3A_861 : memref<32768xf32, #tpu.memory_space<vmem>>) target(%dma_start3A_858 : memref<32768xf32, #tpu.memory_space<hbm>>) target_semaphore(%arg7 : memref<!tpu.dma_semaphore, #tpu.memory_space<semaphore_mem>>)
    %add3A_862 = arith.constant 256 : i32
    %add3A_863 = arith.addi %add3A_862, %add3A_779 : i32
    %mul3A_864 = arith.constant 32768 : i32
    %mul3A_865 = arith.muli %add3A_863, %mul3A_864 : i32
    %dma_start3A_866 = arith.constant 1 : i32
    %dma_start3A_867 = arith.constant 0 : i32
    %dma_start3A_868 = tpu.memref_slice %arg5[%dma_start3A_866, %dma_start3A_867] : memref<2x32768xf32, #tpu.memory_space<vmem>> -> memref<1x32768xf32, #tpu.memory_space<vmem>>
    %dma_start3A_869 = tpu.memref_squeeze %dma_start3A_868 : memref<1x32768xf32, #tpu.memory_space<vmem>> -> memref<32768xf32, #tpu.memory_space<vmem>>
    %dma_start3A_870 = tpu.memref_slice %arg3[%mul3A_865] : memref<33554432xf32, #tpu.memory_space<hbm>> -> memref<32768xf32, #tpu.memory_space<hbm>>
    %dma_start3A_871 = tpu.memref_slice %arg3[%mul3A_865] : memref<33554432xf32, #tpu.memory_space<hbm>> -> memref<32768xf32, #tpu.memory_space<hbm>>
    %dma_start3A_872 = arith.constant 0 : i32
    %dma_start3A_873 = tpu.memref_slice %arg5[%dma_start3A_866, %dma_start3A_872] : memref<2x32768xf32, #tpu.memory_space<vmem>> -> memref<1x32768xf32, #tpu.memory_space<vmem>>
    %dma_start3A_874 = tpu.memref_squeeze %dma_start3A_873 : memref<1x32768xf32, #tpu.memory_space<vmem>> -> memref<32768xf32, #tpu.memory_space<vmem>>
    tpu.enqueue_dma source(%dma_start3A_874 : memref<32768xf32, #tpu.memory_space<vmem>>) target(%dma_start3A_871 : memref<32768xf32, #tpu.memory_space<hbm>>) target_semaphore(%arg7 : memref<!tpu.dma_semaphore, #tpu.memory_space<semaphore_mem>>)
    %add3A_875 = arith.constant 512 : i32
    %add3A_876 = arith.addi %add3A_875, %add3A_779 : i32
    %mul3A_877 = arith.constant 32768 : i32
    %mul3A_878 = arith.muli %add3A_876, %mul3A_877 : i32
    %dma_start3A_879 = arith.constant 1 : i32
    %dma_start3A_880 = arith.constant 0 : i32
    %dma_start3A_881 = tpu.memref_slice %arg5[%dma_start3A_879, %dma_start3A_880] : memref<2x32768xf32, #tpu.memory_space<vmem>> -> memref<1x32768xf32, #tpu.memory_space<vmem>>
    %dma_start3A_882 = tpu.memref_squeeze %dma_start3A_881 : memref<1x32768xf32, #tpu.memory_space<vmem>> -> memref<32768xf32, #tpu.memory_space<vmem>>
    %dma_start3A_883 = tpu.memref_slice %arg3[%mul3A_878] : memref<33554432xf32, #tpu.memory_space<hbm>> -> memref<32768xf32, #tpu.memory_space<hbm>>
    %dma_start3A_884 = tpu.memref_slice %arg3[%mul3A_878] : memref<33554432xf32, #tpu.memory_space<hbm>> -> memref<32768xf32, #tpu.memory_space<hbm>>
    %dma_start3A_885 = arith.constant 0 : i32
    %dma_start3A_886 = tpu.memref_slice %arg5[%dma_start3A_879, %dma_start3A_885] : memref<2x32768xf32, #tpu.memory_space<vmem>> -> memref<1x32768xf32, #tpu.memory_space<vmem>>
    %dma_start3A_887 = tpu.memref_squeeze %dma_start3A_886 : memref<1x32768xf32, #tpu.memory_space<vmem>> -> memref<32768xf32, #tpu.memory_space<vmem>>
    tpu.enqueue_dma source(%dma_start3A_887 : memref<32768xf32, #tpu.memory_space<vmem>>) target(%dma_start3A_884 : memref<32768xf32, #tpu.memory_space<hbm>>) target_semaphore(%arg7 : memref<!tpu.dma_semaphore, #tpu.memory_space<semaphore_mem>>)
    %add3A_888 = arith.constant 768 : i32
    %add3A_889 = arith.addi %add3A_888, %add3A_779 : i32
    %mul3A_890 = arith.constant 32768 : i32
    %mul3A_891 = arith.muli %add3A_889, %mul3A_890 : i32
    %dma_start3A_892 = arith.constant 1 : i32
    %dma_start3A_893 = arith.constant 0 : i32
    %dma_start3A_894 = tpu.memref_slice %arg5[%dma_start3A_892, %dma_start3A_893] : memref<2x32768xf32, #tpu.memory_space<vmem>> -> memref<1x32768xf32, #tpu.memory_space<vmem>>
    %dma_start3A_895 = tpu.memref_squeeze %dma_start3A_894 : memref<1x32768xf32, #tpu.memory_space<vmem>> -> memref<32768xf32, #tpu.memory_space<vmem>>
    %dma_start3A_896 = tpu.memref_slice %arg3[%mul3A_891] : memref<33554432xf32, #tpu.memory_space<hbm>> -> memref<32768xf32, #tpu.memory_space<hbm>>
    %dma_start3A_897 = tpu.memref_slice %arg3[%mul3A_891] : memref<33554432xf32, #tpu.memory_space<hbm>> -> memref<32768xf32, #tpu.memory_space<hbm>>
    %dma_start3A_898 = arith.constant 0 : i32
    %dma_start3A_899 = tpu.memref_slice %arg5[%dma_start3A_892, %dma_start3A_898] : memref<2x32768xf32, #tpu.memory_space<vmem>> -> memref<1x32768xf32, #tpu.memory_space<vmem>>
    %dma_start3A_900 = tpu.memref_squeeze %dma_start3A_899 : memref<1x32768xf32, #tpu.memory_space<vmem>> -> memref<32768xf32, #tpu.memory_space<vmem>>
    tpu.enqueue_dma source(%dma_start3A_900 : memref<32768xf32, #tpu.memory_space<vmem>>) target(%dma_start3A_897 : memref<32768xf32, #tpu.memory_space<hbm>>) target_semaphore(%arg7 : memref<!tpu.dma_semaphore, #tpu.memory_space<semaphore_mem>>)
    %dma_wait3A_901 = arith.constant 0 : i32
    %dma_wait3A_902 = arith.constant 0 : i32
    %dma_wait3A_903 = tpu.memref_slice %arg5[%dma_wait3A_901, %dma_wait3A_902] : memref<2x32768xf32, #tpu.memory_space<vmem>> -> memref<1x32768xf32, #tpu.memory_space<vmem>>
    %dma_wait3A_904 = tpu.memref_squeeze %dma_wait3A_903 : memref<1x32768xf32, #tpu.memory_space<vmem>> -> memref<32768xf32, #tpu.memory_space<vmem>>
    %dma_wait3A_905 = tpu.memref_slice %arg3[%mul3A_729] : memref<33554432xf32, #tpu.memory_space<hbm>> -> memref<32768xf32, #tpu.memory_space<hbm>>
    %dma_wait3A_906 = tpu.memref_slice %arg3[%mul3A_729] : memref<33554432xf32, #tpu.memory_space<hbm>> -> memref<32768xf32, #tpu.memory_space<hbm>>
    %dma_wait3A_907 = arith.constant 0 : i32
    %dma_wait3A_908 = tpu.memref_slice %arg5[%dma_wait3A_901, %dma_wait3A_907] : memref<2x32768xf32, #tpu.memory_space<vmem>> -> memref<1x32768xf32, #tpu.memory_space<vmem>>
    %dma_wait3A_909 = tpu.memref_squeeze %dma_wait3A_908 : memref<1x32768xf32, #tpu.memory_space<vmem>> -> memref<32768xf32, #tpu.memory_space<vmem>>
    tpu.wait_dma2 semaphore(%arg6 : memref<!tpu.dma_semaphore, #tpu.memory_space<semaphore_mem>>) src(%dma_wait3A_909 : memref<32768xf32, #tpu.memory_space<vmem>>) dst(%dma_wait3A_906 : memref<32768xf32, #tpu.memory_space<hbm>>)
    %dma_wait3A_910 = arith.constant 0 : i32
    %dma_wait3A_911 = arith.constant 0 : i32
    %dma_wait3A_912 = tpu.memref_slice %arg5[%dma_wait3A_910, %dma_wait3A_911] : memref<2x32768xf32, #tpu.memory_space<vmem>> -> memref<1x32768xf32, #tpu.memory_space<vmem>>
    %dma_wait3A_913 = tpu.memref_squeeze %dma_wait3A_912 : memref<1x32768xf32, #tpu.memory_space<vmem>> -> memref<32768xf32, #tpu.memory_space<vmem>>
    %dma_wait3A_914 = tpu.memref_slice %arg3[%mul3A_742] : memref<33554432xf32, #tpu.memory_space<hbm>> -> memref<32768xf32, #tpu.memory_space<hbm>>
    %dma_wait3A_915 = tpu.memref_slice %arg3[%mul3A_742] : memref<33554432xf32, #tpu.memory_space<hbm>> -> memref<32768xf32, #tpu.memory_space<hbm>>
    %dma_wait3A_916 = arith.constant 0 : i32
    %dma_wait3A_917 = tpu.memref_slice %arg5[%dma_wait3A_910, %dma_wait3A_916] : memref<2x32768xf32, #tpu.memory_space<vmem>> -> memref<1x32768xf32, #tpu.memory_space<vmem>>
    %dma_wait3A_918 = tpu.memref_squeeze %dma_wait3A_917 : memref<1x32768xf32, #tpu.memory_space<vmem>> -> memref<32768xf32, #tpu.memory_space<vmem>>
    tpu.wait_dma2 semaphore(%arg6 : memref<!tpu.dma_semaphore, #tpu.memory_space<semaphore_mem>>) src(%dma_wait3A_918 : memref<32768xf32, #tpu.memory_space<vmem>>) dst(%dma_wait3A_915 : memref<32768xf32, #tpu.memory_space<hbm>>)
    %dma_wait3A_919 = arith.constant 0 : i32
    %dma_wait3A_920 = arith.constant 0 : i32
    %dma_wait3A_921 = tpu.memref_slice %arg5[%dma_wait3A_919, %dma_wait3A_920] : memref<2x32768xf32, #tpu.memory_space<vmem>> -> memref<1x32768xf32, #tpu.memory_space<vmem>>
    %dma_wait3A_922 = tpu.memref_squeeze %dma_wait3A_921 : memref<1x32768xf32, #tpu.memory_space<vmem>> -> memref<32768xf32, #tpu.memory_space<vmem>>
    %dma_wait3A_923 = tpu.memref_slice %arg3[%mul3A_755] : memref<33554432xf32, #tpu.memory_space<hbm>> -> memref<32768xf32, #tpu.memory_space<hbm>>
    %dma_wait3A_924 = tpu.memref_slice %arg3[%mul3A_755] : memref<33554432xf32, #tpu.memory_space<hbm>> -> memref<32768xf32, #tpu.memory_space<hbm>>
    %dma_wait3A_925 = arith.constant 0 : i32
    %dma_wait3A_926 = tpu.memref_slice %arg5[%dma_wait3A_919, %dma_wait3A_925] : memref<2x32768xf32, #tpu.memory_space<vmem>> -> memref<1x32768xf32, #tpu.memory_space<vmem>>
    %dma_wait3A_927 = tpu.memref_squeeze %dma_wait3A_926 : memref<1x32768xf32, #tpu.memory_space<vmem>> -> memref<32768xf32, #tpu.memory_space<vmem>>
    tpu.wait_dma2 semaphore(%arg6 : memref<!tpu.dma_semaphore, #tpu.memory_space<semaphore_mem>>) src(%dma_wait3A_927 : memref<32768xf32, #tpu.memory_space<vmem>>) dst(%dma_wait3A_924 : memref<32768xf32, #tpu.memory_space<hbm>>)
    %dma_wait3A_928 = arith.constant 0 : i32
    %dma_wait3A_929 = arith.constant 0 : i32
    %dma_wait3A_930 = tpu.memref_slice %arg5[%dma_wait3A_928, %dma_wait3A_929] : memref<2x32768xf32, #tpu.memory_space<vmem>> -> memref<1x32768xf32, #tpu.memory_space<vmem>>
    %dma_wait3A_931 = tpu.memref_squeeze %dma_wait3A_930 : memref<1x32768xf32, #tpu.memory_space<vmem>> -> memref<32768xf32, #tpu.memory_space<vmem>>
    %dma_wait3A_932 = tpu.memref_slice %arg3[%mul3A_768] : memref<33554432xf32, #tpu.memory_space<hbm>> -> memref<32768xf32, #tpu.memory_space<hbm>>
    %dma_wait3A_933 = tpu.memref_slice %arg3[%mul3A_768] : memref<33554432xf32, #tpu.memory_space<hbm>> -> memref<32768xf32, #tpu.memory_space<hbm>>
    %dma_wait3A_934 = arith.constant 0 : i32
    %dma_wait3A_935 = tpu.memref_slice %arg5[%dma_wait3A_928, %dma_wait3A_934] : memref<2x32768xf32, #tpu.memory_space<vmem>> -> memref<1x32768xf32, #tpu.memory_space<vmem>>
    %dma_wait3A_936 = tpu.memref_squeeze %dma_wait3A_935 : memref<1x32768xf32, #tpu.memory_space<vmem>> -> memref<32768xf32, #tpu.memory_space<vmem>>
    tpu.wait_dma2 semaphore(%arg6 : memref<!tpu.dma_semaphore, #tpu.memory_space<semaphore_mem>>) src(%dma_wait3A_936 : memref<32768xf32, #tpu.memory_space<vmem>>) dst(%dma_wait3A_933 : memref<32768xf32, #tpu.memory_space<hbm>>)
    %dma_wait3A_937 = arith.constant 1 : i32
    %dma_wait3A_938 = arith.constant 0 : i32
    %dma_wait3A_939 = tpu.memref_slice %arg5[%dma_wait3A_937, %dma_wait3A_938] : memref<2x32768xf32, #tpu.memory_space<vmem>> -> memref<1x32768xf32, #tpu.memory_space<vmem>>
    %dma_wait3A_940 = tpu.memref_squeeze %dma_wait3A_939 : memref<1x32768xf32, #tpu.memory_space<vmem>> -> memref<32768xf32, #tpu.memory_space<vmem>>
    %dma_wait3A_941 = tpu.memref_slice %arg3[%mul3A_852] : memref<33554432xf32, #tpu.memory_space<hbm>> -> memref<32768xf32, #tpu.memory_space<hbm>>
    %dma_wait3A_942 = tpu.memref_slice %arg3[%mul3A_852] : memref<33554432xf32, #tpu.memory_space<hbm>> -> memref<32768xf32, #tpu.memory_space<hbm>>
    %dma_wait3A_943 = arith.constant 0 : i32
    %dma_wait3A_944 = tpu.memref_slice %arg5[%dma_wait3A_937, %dma_wait3A_943] : memref<2x32768xf32, #tpu.memory_space<vmem>> -> memref<1x32768xf32, #tpu.memory_space<vmem>>
    %dma_wait3A_945 = tpu.memref_squeeze %dma_wait3A_944 : memref<1x32768xf32, #tpu.memory_space<vmem>> -> memref<32768xf32, #tpu.memory_space<vmem>>
    tpu.wait_dma2 semaphore(%arg7 : memref<!tpu.dma_semaphore, #tpu.memory_space<semaphore_mem>>) src(%dma_wait3A_945 : memref<32768xf32, #tpu.memory_space<vmem>>) dst(%dma_wait3A_942 : memref<32768xf32, #tpu.memory_space<hbm>>)
    %dma_wait3A_946 = arith.constant 1 : i32
    %dma_wait3A_947 = arith.constant 0 : i32
    %dma_wait3A_948 = tpu.memref_slice %arg5[%dma_wait3A_946, %dma_wait3A_947] : memref<2x32768xf32, #tpu.memory_space<vmem>> -> memref<1x32768xf32, #tpu.memory_space<vmem>>
    %dma_wait3A_949 = tpu.memref_squeeze %dma_wait3A_948 : memref<1x32768xf32, #tpu.memory_space<vmem>> -> memref<32768xf32, #tpu.memory_space<vmem>>
    %dma_wait3A_950 = tpu.memref_slice %arg3[%mul3A_865] : memref<33554432xf32, #tpu.memory_space<hbm>> -> memref<32768xf32, #tpu.memory_space<hbm>>
    %dma_wait3A_951 = tpu.memref_slice %arg3[%mul3A_865] : memref<33554432xf32, #tpu.memory_space<hbm>> -> memref<32768xf32, #tpu.memory_space<hbm>>
    %dma_wait3A_952 = arith.constant 0 : i32
    %dma_wait3A_953 = tpu.memref_slice %arg5[%dma_wait3A_946, %dma_wait3A_952] : memref<2x32768xf32, #tpu.memory_space<vmem>> -> memref<1x32768xf32, #tpu.memory_space<vmem>>
    %dma_wait3A_954 = tpu.memref_squeeze %dma_wait3A_953 : memref<1x32768xf32, #tpu.memory_space<vmem>> -> memref<32768xf32, #tpu.memory_space<vmem>>
    tpu.wait_dma2 semaphore(%arg7 : memref<!tpu.dma_semaphore, #tpu.memory_space<semaphore_mem>>) src(%dma_wait3A_954 : memref<32768xf32, #tpu.memory_space<vmem>>) dst(%dma_wait3A_951 : memref<32768xf32, #tpu.memory_space<hbm>>)
    %dma_wait3A_955 = arith.constant 1 : i32
    %dma_wait3A_956 = arith.constant 0 : i32
    %dma_wait3A_957 = tpu.memref_slice %arg5[%dma_wait3A_955, %dma_wait3A_956] : memref<2x32768xf32, #tpu.memory_space<vmem>> -> memref<1x32768xf32, #tpu.memory_space<vmem>>
    %dma_wait3A_958 = tpu.memref_squeeze %dma_wait3A_957 : memref<1x32768xf32, #tpu.memory_space<vmem>> -> memref<32768xf32, #tpu.memory_space<vmem>>
    %dma_wait3A_959 = tpu.memref_slice %arg3[%mul3A_878] : memref<33554432xf32, #tpu.memory_space<hbm>> -> memref<32768xf32, #tpu.memory_space<hbm>>
    %dma_wait3A_960 = tpu.memref_slice %arg3[%mul3A_878] : memref<33554432xf32, #tpu.memory_space<hbm>> -> memref<32768xf32, #tpu.memory_space<hbm>>
    %dma_wait3A_961 = arith.constant 0 : i32
    %dma_wait3A_962 = tpu.memref_slice %arg5[%dma_wait3A_955, %dma_wait3A_961] : memref<2x32768xf32, #tpu.memory_space<vmem>> -> memref<1x32768xf32, #tpu.memory_space<vmem>>
    %dma_wait3A_963 = tpu.memref_squeeze %dma_wait3A_962 : memref<1x32768xf32, #tpu.memory_space<vmem>> -> memref<32768xf32, #tpu.memory_space<vmem>>
    tpu.wait_dma2 semaphore(%arg7 : memref<!tpu.dma_semaphore, #tpu.memory_space<semaphore_mem>>) src(%dma_wait3A_963 : memref<32768xf32, #tpu.memory_space<vmem>>) dst(%dma_wait3A_960 : memref<32768xf32, #tpu.memory_space<hbm>>)
    %dma_wait3A_964 = arith.constant 1 : i32
    %dma_wait3A_965 = arith.constant 0 : i32
    %dma_wait3A_966 = tpu.memref_slice %arg5[%dma_wait3A_964, %dma_wait3A_965] : memref<2x32768xf32, #tpu.memory_space<vmem>> -> memref<1x32768xf32, #tpu.memory_space<vmem>>
    %dma_wait3A_967 = tpu.memref_squeeze %dma_wait3A_966 : memref<1x32768xf32, #tpu.memory_space<vmem>> -> memref<32768xf32, #tpu.memory_space<vmem>>
    %dma_wait3A_968 = tpu.memref_slice %arg3[%mul3A_891] : memref<33554432xf32, #tpu.memory_space<hbm>> -> memref<32768xf32, #tpu.memory_space<hbm>>
    %dma_wait3A_969 = tpu.memref_slice %arg3[%mul3A_891] : memref<33554432xf32, #tpu.memory_space<hbm>> -> memref<32768xf32, #tpu.memory_space<hbm>>
    %dma_wait3A_970 = arith.constant 0 : i32
    %dma_wait3A_971 = tpu.memref_slice %arg5[%dma_wait3A_964, %dma_wait3A_970] : memref<2x32768xf32, #tpu.memory_space<vmem>> -> memref<1x32768xf32, #tpu.memory_space<vmem>>
    %dma_wait3A_972 = tpu.memref_squeeze %dma_wait3A_971 : memref<1x32768xf32, #tpu.memory_space<vmem>> -> memref<32768xf32, #tpu.memory_space<vmem>>
    tpu.wait_dma2 semaphore(%arg7 : memref<!tpu.dma_semaphore, #tpu.memory_space<semaphore_mem>>) src(%dma_wait3A_972 : memref<32768xf32, #tpu.memory_space<vmem>>) dst(%dma_wait3A_969 : memref<32768xf32, #tpu.memory_space<hbm>>)
    return
  }
}

</mosaic_0001>

<sc_bundles>
// kernel: kernel.3.cloned.1.call-start
scs
__scs_entry_jumppad:
0x0: {  	(pc) =	sbr.rel $0x88, $3  }
0x1: {  	(tag) =	ssettag $0x0;
	lr =	simm.s32 $0x1  }
0x2: {  	[smem:$0x3F9E] =	sst lr;
	_ =	strace $0xD0000000  }
0x3: {  	_ = 	snop  }
0x4: {  	_ = 	snop  }
0x5: {  	_ = 	snop  }
0x6: {  	_ = 	snop  }
0x7: {  	_ = 	snop  }
__scs_overlays_trampoline_lowered:
0x8: {  	[smem:$0x3FAD] =	sst s0  }
0x9: {  	[smem:$0x3FAE] =	sst s1  }
0xa: {  	[smem:$0x3FAF] =	sst s2  }
0xb: {  	[smem:$0x3FB0] =	sst s3  }
0xc: {  	[smem:$0x3FB1] =	sst s4  }
0xd: {  	[smem:$0x3FB2] =	sst s5  }
0xe: {  	[smem:$0x3FB3] =	sst s6  }
0xf: {  	[smem:$0x3FB4] =	sst s7  }
0x10: {  	[smem:$0x3FB5] =	sst s8  }
0x11: {  	[smem:$0x3FB6] =	sst s9;
	s0 =	simm.s32 @!p0 $0x0  }
0x12: {  	s1 =	sld [smem:$0x3F9C];
	s0 =	simm.s32 @p0 $0x1  }
0x13: {  	[smem:$0x3FB7] =	sst s0;
	s0 =	simm.s32 @!p1 $0x0  }
0x14: {  	s2 =	sld [smem:$0x3F9B];
	s0 =	simm.s32 @p1 $0x1  }
0x15: {  	[smem:$0x3FB8] =	sst s0;
	s0 =	simm.s32 @!p2 $0x0  }
0x16: {  	s3 =	sld [smem:$0x3FDB];
	s0 =	simm.s32 @p2 $0x1  }
0x17: {  	s4 =	simm.s32 $0x1BF5;
	[smem:$0x3FBA] =	sst s0  }
0x18: {  	s0 =	sld [smem:$0x3F9D];
	_ =	swait.ge [sflag:s4], $0x0  }
0x19: {  	s7 =	sld [smem:$0x3F9E]  }
0x1a: {  	s8 =	sadd.s32 $0xFFFFE003, lr  }
0x1b: {  	s9 =	sadd.s32 $0xFFFFFEF7, lr;
	s5 =	simm.s32 $0xFFFFFFFF;
	p2 =	slt.u32 s8, $0xFFFFF086  }
0x1c: {  	p1 =	slt.u32 s9, $0xF7A;
	s5 =	simm.s32 @!p2 $0x0  }
0x1d: {  	s5 =	simm.s32 @p1 $0x1;
	p0 =	seq.s32 s7, s2  }
0x1e: {  	s7 =	smul.u32 @!p0 $0xF7A, s2;
	p2 =	seq.s32 @!p0 s5, $0x0  }
0x1f: {  	s9 =	smul.u32 $0xF7A, s1;
	s8 =	simm.s32 @!p0 $0x1BF5;
	p2 =	por !p2, p0  }
0x20: {  	[sflag:s8] =	ssyncset.s32 @!p0 $0xFFFFF086;
	s6 =	sadd.s32 @!p0 s3, s7;
	s7 =	simm.s32 @!p0 $0x108  }
0x21: {  	s3 =	sadd.s32 s3, s9;
	s6 =	sadd.s32 @!p0 $0x88, s6;
	s7 =	simm.s32 @p2 $0x1082  }
0x22: {  	[simem:s7], [sflag:s8] =	dma.local @!p0 [hbm:s6], $0xF7A  }
0x23: {  	s9 =	sor.u32 $0xD0000000, s2;
	s6 =	simm.s32 $0x108;
	_ =	swait.ge @!p0 [sflag:s8], $0x0  }
0x24: {  	s3 =	sadd.s32 $0x88, s3;
	s6 =	simm.s32 @!p1 $0x1082;
	[sflag:s4] =	ssyncset.s32 $0xFFFFF086  }
0x25: {  	[simem:s6], [sflag:s4] =	dma.local [hbm:s3], $0xF7A  }
0x26: {  	[smem:$0x3F9E] =	sst s1;
	(tag) =	ssettag s2;
	_ =	strace s9  }
0x27: {  	s1 =	sld [smem:$0x3FAE]  }
0x28: {  	s2 =	sld [smem:$0x3FAF]  }
0x29: {  	s4 =	sld [smem:$0x3FB1]  }
0x2a: {  	p0 =	seq.s32 s5, $0x0;
	s5 =	sld [smem:$0x3FB2]  }
0x2b: {  	s6 =	sld [smem:$0x3FB3]  }
0x2c: {  	s7 =	sld [smem:$0x3FB4]  }
0x2d: {  	s3 =	simm.s32 $0x108;
	s8 =	sld [smem:$0x3FB5]  }
0x2e: {  	s3 =	simm.s32 @!p0 $0x1082;
	s9 =	sld [smem:$0x3FB6]  }
0x2f: {  	lr =	sadd.s32 s0, s3;
	s0 =	sld [smem:$0x3FAD]  }
0x30: {  	s3 =	sld [smem:$0x3FB0]  }
0x31: {  	[smem:$0x3FB9] =	sst s10  }
0x32: {  	s10 =	sld [smem:$0x3FB7];
	_ =	sdelay $0x3  }
0x33: {  	p0 =	seq.s32 s10, $0x1;
	s10 =	sld [smem:$0x3FB9];
	_ =	sdelay $0x3  }
0x34: {  	[smem:$0x3FB9] =	sst s10  }
0x35: {  	s10 =	sld [smem:$0x3FB8];
	_ =	sdelay $0x3  }
0x36: {  	p1 =	seq.s32 s10, $0x1;
	s10 =	sld [smem:$0x3FB9];
	_ =	sdelay $0x3  }
0x37: {  	[smem:$0x3FB9] =	sst s10  }
0x38: {  	s10 =	sld [smem:$0x3FBA]  }
0x39: {  	_ = 	snop;
	(pc) =	sbr.ind lr, $3  }
0x3a: {  	_ = 	snop  }
0x3b: {  	_ = 	snop  }
0x3c: {  	p2 =	seq.s32 s10, $0x1;
	s10 =	sld [smem:$0x3FB9]  }
0x3d: {  	_ =	shalt  }
0x3e: {  	_ =	shalt  }
0x3f: {  	_ =	shalt  }
0x40: {  	_ =	shalt  }
0x41: {  	_ =	shalt  }
0x42: {  	_ =	shalt  }
0x43: {  	_ =	shalt  }
0x44: {  	_ =	shalt  }
0x45: {  	_ =	shalt  }
0x46: {  	_ =	shalt  }
0x47: {  	_ =	shalt  }
0x48: {  	_ =	shalt  }
0x49: {  	_ =	shalt  }
0x4a: {  	_ =	shalt  }
0x4b: {  	_ =	shalt  }
0x4c: {  	_ =	shalt  }
0x4d: {  	_ =	shalt  }
0x4e: {  	_ =	shalt  }
0x4f: {  	_ =	shalt  }
0x50: {  	_ =	shalt  }
0x51: {  	_ =	shalt  }
0x52: {  	_ =	shalt  }
0x53: {  	_ =	shalt  }
0x54: {  	_ =	shalt  }
0x55: {  	_ =	shalt  }
0x56: {  	_ =	shalt  }
0x57: {  	_ =	shalt  }
0x58: {  	_ =	shalt  }
0x59: {  	_ =	shalt  }
0x5a: {  	_ =	shalt  }
0x5b: {  	_ =	shalt  }
0x5c: {  	_ =	shalt  }
0x5d: {  	_ =	shalt  }
0x5e: {  	_ =	shalt  }
0x5f: {  	_ =	shalt  }
0x60: {  	_ =	shalt  }
0x61: {  	_ =	shalt  }
0x62: {  	_ =	shalt  }
0x63: {  	_ =	shalt  }
0x64: {  	_ =	shalt  }
0x65: {  	_ =	shalt  }
0x66: {  	_ =	shalt  }
0x67: {  	_ =	shalt  }
0x68: {  	_ =	shalt  }
0x69: {  	_ =	shalt  }
0x6a: {  	_ =	shalt  }
0x6b: {  	_ =	shalt  }
0x6c: {  	_ =	shalt  }
0x6d: {  	_ =	shalt  }
0x6e: {  	_ =	shalt  }
0x6f: {  	_ =	shalt  }
0x70: {  	_ =	shalt  }
0x71: {  	_ =	shalt  }
0x72: {  	_ =	shalt  }
0x73: {  	_ =	shalt  }
0x74: {  	_ =	shalt  }
0x75: {  	_ =	shalt  }
0x76: {  	_ =	shalt  }
0x77: {  	_ =	shalt  }
0x78: {  	_ =	shalt  }
0x79: {  	_ =	shalt  }
0x7a: {  	_ =	shalt  }
0x7b: {  	_ =	shalt  }
0x7c: {  	_ =	shalt  }
0x7d: {  	_ =	shalt  }
0x7e: {  	_ =	shalt  }
0x7f: {  	_ =	shalt  }
0x80: {  	_ =	shalt  }
0x81: {  	_ =	shalt  }
0x82: {  	_ =	shalt  }
0x83: {  	_ =	shalt  }
0x84: {  	_ =	shalt  }
0x85: {  	_ =	shalt  }
0x86: {  	_ =	shalt  }
0x87: {  	_ =	shalt  }
.Lfunc_end0:
.L_simem_size_0:
called_computation_lowered:
.L_overlay_start_0:
0x88: {  	s2 =	sld [smem:$0x3FD9]  }
0x89: {  	s3 =	sld [smem:$0x3FFE];
	_ =	sdelay $0x1  }
0x8a: {  	s1 =	srdreg.scid  }
0x8b: {  	s0 =	sand.u32 $0x1, s1  }
0x8c: {  	s17 =	sshll.u32 s0, $0xA;
	s2 =	sadd.s32 s3, s2  }
0x8d: {  	s2 =	sadd.s32 s2, s17  }
0x8e: {  	[smem:$0x3FC5] =	sst s2  }
0x8f: {  	_ = 	snop  }
0x90: {  	s2 =	sld [smem:$0x3FD0];
	(tm) =	ssettm $0x1  }
0x91: {  	s18 =	sld [smem:$0x3FFB];
	_ =	sdelay $0x3  }
0x92: {  	_ =	strace s18  }
0x93: {  	s3 =	sld [smem:$0x3FFC];
	_ =	sdelay $0x3  }
0x94: {  	_ =	strace s3  }
0x95: {  	s3 =	sld [smem:$0x3FFD];
	_ =	sdelay $0x3  }
0x96: {  	_ =	strace s3  }
0x97: {  	_ =	strace $0x8FFFFFFF  }
0x98: {  	s19 =	sld [smem:$0x3FDB];
	_ =	sdelay $0x1  }
0x99: {  	s4 =	simm.s32 $_scs_section_size  }
0x9a: {  	s5 =	simm.s32 $_size__tile_overlayer_lowered;
	s6 =	simm.s32 $_tile_overlayer_lowered  }
0x9b: {  	s22 =	simm.s32 $0x1BFF;
	s21 =	sshll.u32 s6, $0x1;
	s3 =	sadd.s32 s4, s19  }
0x9c: {  	s7 =	simm.s32 $0x0;
	s20 =	sshll.u32 s5, $0x1;
	s5 =	sadd.s32 s21, s3  }
0x9d: {  	[timem:s7], [sflag:s22] =	dma.local [hbm:s5], s20  }
0x9e: {  	_ =	swait.ge [sflag:s22], s20  }
0x9f: {  	s4 =	ssub.s32 $0x0, s20;
	[sflag:s22] =	ssyncset.done $0x0  }
0xa0: {  	[sflag:s22] =	ssyncadd.s32 s4;
	_ =	sdelay $0x1  }
0xa1: {  	s23 =	simm.s32 $0x1B8B  }
0xa2: {  	_ =	swait.ge [sflag:s23], $0x1  }
0xa3: {  	[sflag:s23] =	ssyncset.done $0x0  }
0xa4: {  	s25 =	simm.s32 $0x1B8E;
	s24 =	sld [smem:$0x3FFE];
	[sflag:s23] =	ssyncadd.s32 $0xFFFFFFFF  }
0xa5: {  	s26 =	simm.s32 $execute0_lowered;
	[smem:$0x3FD2] =	sst s25  }
0xa6: {  	s5 =	sshll.u32 s26, $0x1;
	_ =	strace $0x80000046;
	[dreg:$0x1] =	wrdreg $0xFFFFFFFF  }
0xa7: {  	s28 =	simm.s32 $_size_execute0_lowered;
	s3 =	sadd.s32 s3, s5;
	[dreg:$0x0] =	wrdreg $0x0  }
0xa8: {  	s5 =	sshll.u32 s28, $0x1;
	[dreg:$0x2] =	wrdreg s3  }
0xa9: {  	[dreg:$0x3] =	wrdreg s5  }
0xaa: {  	[dreg:$0x4] =	wrdreg $0xC0  }
0xab: {  	_ =	task [dreg:s7], $0x5FFFF  }
0xac: {  	[dreg:$0x1] =	wrdreg $0xFFFFFFFF  }
0xad: {  	[dreg:$0x0] =	wrdreg $0x60  }
0xae: {  	[dreg:$0x2] =	wrdreg s2  }
0xaf: {  	[dreg:$0x3] =	wrdreg s24  }
0xb0: {  	[dreg:$0x4] =	wrdreg $0x9  }
0xb1: {  	_ =	task.clear_ibuf [dreg:s7], $0x5FFFF;
	_ =	strace $0x90000046  }
0xb2: {  	s29 =	simm.s32 $0x9;
	_ =	strace $0x80000048  }
0xb3: {  	_ =	swait.ge [sflag:s29], $0x1  }
0xb4: {  	[sflag:s29] =	ssyncadd.s32 $0xFFFFFFFF  }
0xb5: {  	_ =	strace $0x90000048  }
0xb6: {  	_ =	sfence  }
0xb7: {  	s30 =	sld [smem:$0x0];
	_ =	sdelay $0x2  }
0xb8: {  	s31 =	sshll.u32 s1, $0xD;
	s1 =	sshrl.u32 s1, $0x2  }
0xb9: {  	s3 =	sand.u32 $0x4000, s31;
	s1 =	sadd.s32 s1, s30  }
0xba: {  	s0 =	sor.u32 s3, s0;
	s1 =	sshll.u32 s1, $0x11  }
0xbb: {  	s0 =	sor.u32 s1, s0  }
0xbc: {  	s0 =	sadd.s32 $0x8F2B, s0  }
0xbd: {  	[sflag:s0] =	ssyncadd.remote.s32 $0x1  }
0xbe: {  	_ =	sfence.sel $0xFFFF  }
0xbf: {  	[dreg:$0x0] =	wrdreg $0xFFFFFFFF;
	(pc) =	sbr.abs _section_cstart, $3  }
0xc0: {  	[dreg:$0x1] =	wrdreg $0xFFFFFFFF  }
0xc1: {  	_ =	task.clear_ibuf [dreg:s7], $0x2FFFF;
	_ =	strace $0x9FFFFFFF  }
0xc2: {  	(tm) =	ssettm $0x7FFFFFFF  }
0xc3: {  	_ =	shalt  }
tec
execute0_lowered:
.L_overlay_start_1:
0x0: {  	(tag) =	ssettag $0x1  }
0x1: {  	s0 =	rddreg [dreg:$0x1];
	s3 =	simm.s32 $0x0;
	s1 =	srdreg.scid  }
0x2: {  	s7 =	stileid.u32;
	[smem:$0x7FF] =	sst s3;
	s1 =	sand.u32 $0x1, s1  }
0x3: {  	s2 =	sshll.u32 s7, $0x1;
	s0 =	sadd.s32 $0x400, s0;
	p0 =	sgt.u32 s7, $0xA  }
0x4: {  	p1 =	sgt.u32 s7, $0x5;
	p2 =	slt.u32 s7, $0xB;
	s15 =	sor.u32 s1, s2  }
0x5: {  	_ =	strace $0x80000047;
	s1 =	ssub.s32 $0x2, s1;
	s2 =	sshll.u32 s15, $0xC  }
0x6: {  	s4 =	sshrl.u32 s1, $0x1;
	s23 =	sor.u32 $0x20, s15;
	s6 =	sor.u32 $0x40, s15  }
0x7: {  	s19 =	sadd.s32 $0x10D6, s15;
	s10 =	sor.u32 $0xA0, s15;
	s28 =	sadd.s32 $0x10F6, s15  }
0x8: {  	s13 =	sadd.s32 $0x21AC, s15;
	[dreg:$0x5] =	wrdreg s15;
	s8 =	sadd.s32 s0, s2  }
0x9: {  	s1 =	ssub.s32 s1, s4;
	[dreg:$0x7] =	wrdreg s23;
	s2 =	sshll.u32 s23, $0xC  }
0xa: {  	s9 =	sshll.u32 s6, $0xC;
	s24 =	sadd.s32 $0x100000, s8;
	s25 =	sadd.s32 $0x200000, s8  }
0xb: {  	s26 =	sadd.s32 $0x300000, s8;
	s2 =	sadd.s32 s0, s2;
	s4 =	sadd.s32 $0x120000, s8  }
0xc: {  	s5 =	sadd.s32 $0x220000, s8;
	s16 =	sadd.s32 $0x140000, s8;
	s17 =	sadd.s32 $0x240000, s8  }
0xd: {  	s18 =	sadd.s32 $0x340000, s8;
	s20 =	sadd.s32 $0x60000, s8;
	[dreg:$0x6] =	wrdreg s8  }
0xe: {  	s22 =	sadd.s32 $0x160000, s8;
	s12 =	smax.u32 s1, $0x1;
	[dreg:$0x8] =	wrdreg s24  }
0xf: {  	s29 =	sadd.s32 $0x80000, s8;
	s30 =	sadd.s32 $0x180000, s8;
	[dreg:$0x9] =	wrdreg s25  }
0x10: {  	s31 =	sadd.s32 $0x280000, s8;
	s1 =	sadd.s32 $0x1A0000, s8;
	[dreg:$0xa] =	wrdreg s26  }
0x11: {  	s21 =	sadd.s32 $0x3C0000, s8;
	s14 =	sadd.s32 $0xE0000, s8;
	[dreg:$0xb] =	wrdreg s2  }
0x12: {  	s7 =	sadd.s32 $0x2E0000, s8;
	[dreg:$0xc] =	wrdreg s4;
	s2 =	simm.s32 $0x1076  }
0x13: {  	[dreg:$0xd] =	wrdreg s5;
	s5 =	sadd.s32 $0x320000, s8;
	s4 =	simm.s32 $0x1  }
0x14: {  	s24 =	sadd.s32 $0x260000, s8;
	[dreg:$0x10] =	wrdreg s12;
	s26 =	sadd.s32 $0x360000, s8  }
0x15: {  	s25 =	sadd.s32 $0x2A0000, s8;
	s12 =	simm.s32 $0x0;
	[dreg:$0x12] =	wrdreg s16  }
0x16: {  	s2 =	simm.s32 @!p0 $0x0;
	[dreg:$0xe] =	wrdreg s5;
	s5 =	simm.s32 $0x2198  }
0x17: {  	s4 =	simm.s32 @!p1 $0x0;
	s2 =	sadd.s32 s6, s2;
	s6 =	simm.s32 $0xFFFFFFAA  }
0x18: {  	v0 =	vlaneseq.u32;
	s5 =	simm.s32 @!p1 $0x10CC;
	[dreg:$0x3] =	wrdreg s2;
	s2 =	sadd.s32 s0, s9  }
0x19: {  	v4 =	vmul.u32 $0x56, v0;
	s4 =	sshll.u32 s6, s4;
	s5 =	sadd.s32 s5, s10;
	s6 =	sadd.s32 $0xC0000, s8  }
0x1a: {  	s9 =	sadd.s32 $0x1C0000, s8;
	[dreg:$0xf] =	wrdreg s2;
	s11 =	sadd.s32 s4, s5  }
0x1b: {  	v5 =	vadd.s32 $0x560, v4;
	s2 =	sshll.u32 s10, $0xC;
	s4 =	sadd.s32 $0x2C0000, s8;
	s10 =	sadd.s32 $0x21CC, s15  }
0x1c: {  	v0 =	vadd.s32 s13, v4;
	v1 =	vadd.s32 s13, v5;
	s5 =	sadd.s32 $0x1E0000, s8;
	s23 =	sadd.s32 s0, s2;
	s0 =	sadd.s32 $0x380000, s8;
	v2 =	vadd.s32 s10, v4  }
0x1d: {  	s2 =	sadd.s32 $0x3A0000, s8;
	s8 =	sadd.s32 $0x3E0000, s8;
	v3 =	vadd.s32 s10, v5;
	v4 =	vadd.s32 s11, v4;
	[dreg:$0x4] =	wrdreg s11;
	v5 =	vadd.s32 s11, v5  }
.LBB2_1:
0x1e: {  	[dreg:$0x11] =	wrdreg s12  }
0x1f: {  	s10 =	rddreg [dreg:$0x0];
	s16 =	simm.s32 $0x3  }
0x20: {  	[tilespmem:s3], [sflag:$0x3] =	stream.linear.gather [hbm4b:s10+s3], $0x3280, $0x38;
	[tilespmem:$0x13280] =	vst v63  }
0x21: {  	_ =	swait.ge [sflag:s16], $0x3280  }
0x22: {  	[sflag:s16] =	ssyncset.done $0x0  }
0x23: {  	s11 =	simm.s32 $0x0;
	s10 =	simm.s32 $0x32C0;
	[sflag:s16] =	ssyncadd.s32 $0xFFFFCD80  }
.LBB2_2:
0x24: {  	s12 =	smul.u32 $0x56, s11;
	_ =	sdelay $0x1  }
0x25: {  	s12 =	sadd.s32 s15, s12  }
0x26: {  	v6 =	vmov s12;
	_ =	sdelay $0x4  }
0x27: {  	v6 =	vld.idx.msk [tilespmem:v6+s3+$0x0], $0xffff;
	_ =	sdelay $0x4  }
0x28: {  	[tilespmem:s10+$0xFFFFFFC0] =	vst v6  }
0x29: {  	[tilespmem:s10+$0x30] =	vst v6  }
0x2a: {  	[tilespmem:s10+$0x20] =	vst v6  }
0x2b: {  	[tilespmem:s10+$0x10] =	vst v6  }
0x2c: {  	[tilespmem:s10+$0x0] =	vst v6  }
0x2d: {  	[tilespmem:s10+$0xFFFFFFF0] =	vst v6  }
0x2e: {  	s13 =	simm.s32 $0x0;
	s12 =	smov.u32 s10;
	[tilespmem:s10+$0xFFFFFFE0] =	vst v6  }
.LBB2_3:
0x2f: {  	s13 =	sadd.s32 $0x8, s13;
	[tilespmem:s12+$0xFFFFFFD0] =	vst v6;
	s12 =	sadd.s32 $0x100, s12  }
0x30: {  	[tilespmem:s12+$0xFFFFFFC0] =	vst v6;
	p3 =	slt.u32 s13, $0x38  }
0x31: {  	[tilespmem:s12+$0x30] =	vst v6  }
.Ltmp0:
0x32: {  	[tilespmem:s12+$0x20] =	vst v6;
	(pc) =	sbr.rel @p3 .LBB2_3-.Ltmp0, $4  }
0x33: {  	[tilespmem:s12+$0x10] =	vst v6  }
0x34: {  	[tilespmem:s12+$0x0] =	vst v6  }
0x35: {  	[tilespmem:s12+$0xFFFFFFF0] =	vst v6  }
0x36: {  	[tilespmem:s12+$0xFFFFFFE0] =	vst v6  }
0x37: {  	s11 =	sadd.s32 $0x1, s11  }
0x38: {  	p3 =	sne.s32 s11, $0x20  }
.Ltmp1:
0x39: {  	_ = 	snop;
	(pc) =	sbr.rel @p3 .LBB2_2-.Ltmp1, $2  }
0x3a: {  	_ =	sdelay $0x2  }
0x3b: {  	[tilespmem:s12+$0xFFFFFFD0] =	vst v6;
	s10 =	sadd.s32 $0x800, s10  }
0x3c: {  	s10 =	simm.s32 $0x3280;
	s15 =	rddreg [dreg:$0x6]  }
0x3d: {  	s11 =	simm.s32 $0x10;
	s12 =	simm.s32 $0x3380;
	s13 =	sadd.s32 $0x0, s15  }
.LBB2_6:
0x3e: {  	[hbm4b:s13+s3] =	stream.linear.scatter [tilespmem:s10], [sflag:$0x1], $0x80, $0x38;
	[tilespmem:$0x13280] =	vst v63  }
0x3f: {  	s13 =	smov.u32 s11;
	s10 =	smov.u32 s12;
	p3 =	sne.s32 s11, $0xFF0  }
.Ltmp2:
0x40: {  	s11 =	sadd.s32 $0x10, s11;
	(pc) =	sbr.rel @p3 .LBB2_6-.Ltmp2, $2  }
0x41: {  	_ =	sdelay $0x2  }
0x42: {  	s12 =	sadd.s32 $0x100, s12;
	s13 =	sadd.s32 s13, s15  }
0x43: {  	[hbm4b:s13+s3] =	stream.linear.scatter [tilespmem:s10], [sflag:$0x1], $0x80, $0x38;
	[tilespmem:$0x13280] =	vst v63  }
0x44: {  	s10 =	simm.s32 $0x3280;
	s15 =	rddreg [dreg:$0x8]  }
0x45: {  	s11 =	simm.s32 $0x10;
	s12 =	simm.s32 $0x3380;
	s13 =	sadd.s32 $0x0, s15  }
.LBB2_8:
0x46: {  	[hbm4b:s13+s3] =	stream.linear.scatter [tilespmem:s10], [sflag:$0x1], $0x80, $0x38;
	[tilespmem:$0x13280] =	vst v63  }
0x47: {  	s13 =	smov.u32 s11;
	s10 =	smov.u32 s12;
	p3 =	sne.s32 s11, $0xFF0  }
.Ltmp3:
0x48: {  	s11 =	sadd.s32 $0x10, s11;
	(pc) =	sbr.rel @p3 .LBB2_8-.Ltmp3, $2  }
0x49: {  	_ =	sdelay $0x2  }
0x4a: {  	s12 =	sadd.s32 $0x100, s12;
	s13 =	sadd.s32 s13, s15  }
0x4b: {  	[hbm4b:s13+s3] =	stream.linear.scatter [tilespmem:s10], [sflag:$0x1], $0x80, $0x38;
	[tilespmem:$0x13280] =	vst v63  }
0x4c: {  	s10 =	simm.s32 $0x3280;
	s15 =	rddreg [dreg:$0x9]  }
0x4d: {  	s11 =	simm.s32 $0x10;
	s12 =	simm.s32 $0x3380;
	s13 =	sadd.s32 $0x0, s15  }
.LBB2_10:
0x4e: {  	[hbm4b:s13+s3] =	stream.linear.scatter [tilespmem:s10], [sflag:$0x1], $0x80, $0x38;
	[tilespmem:$0x13280] =	vst v63  }
0x4f: {  	s13 =	smov.u32 s11;
	s10 =	smov.u32 s12;
	p3 =	sne.s32 s11, $0xFF0  }
.Ltmp4:
0x50: {  	s11 =	sadd.s32 $0x10, s11;
	(pc) =	sbr.rel @p3 .LBB2_10-.Ltmp4, $2  }
0x51: {  	_ =	sdelay $0x2  }
0x52: {  	s12 =	sadd.s32 $0x100, s12;
	s13 =	sadd.s32 s13, s15  }
0x53: {  	[hbm4b:s13+s3] =	stream.linear.scatter [tilespmem:s10], [sflag:$0x1], $0x80, $0x38;
	[tilespmem:$0x13280] =	vst v63  }
0x54: {  	s10 =	simm.s32 $0x0  }
0x55: {  	s11 =	simm.s32 $0x3280;
	s12 =	simm.s32 $0x0;
	s15 =	rddreg [dreg:$0xa]  }
.LBB2_12:
0x56: {  	p3 =	sne.s32 s12, $0xFF0  }
.Ltmp5:
0x57: {  	_ = 	snop;
	(pc) =	sbr.rel @p3 .LBB2_12-.Ltmp5, $4  }
0x58: {  	_ = 	snop  }
0x59: {  	s13 =	sadd.s32 s12, s15  }
0x5a: {  	[hbm4b:s13+s10] =	stream.linear.scatter [tilespmem:s11], [sflag:$0x1], $0x80, $0x38;
	[tilespmem:$0x13280] =	vst v63  }
0x5b: {  	s12 =	sadd.s32 $0x10, s12;
	s11 =	sadd.s32 $0x100, s11  }
0x5c: {  	s15 =	rddreg [dreg:$0xb]  }
0x5d: {  	s11 =	simm.s32 $0x3370;
	s16 =	rddreg [dreg:$0x12]  }
.LBB2_14:
0x5e: {  	s12 =	smul.u32 $0x56, s10  }
0x5f: {  	s13 =	rddreg [dreg:$0x7]  }
0x60: {  	s12 =	sadd.s32 s13, s12  }
0x61: {  	v6 =	vmov s12;
	_ =	sdelay $0x4  }
0x62: {  	v6 =	vld.idx.msk [tilespmem:v6+s3+$0x0], $0xffff;
	_ =	sdelay $0x4  }
0x63: {  	[tilespmem:s11+$0xFFFFFF90] =	vst v6  }
0x64: {  	[tilespmem:s11+$0x0] =	vst v6  }
0x65: {  	[tilespmem:s11+$0xFFFFFFF0] =	vst v6  }
0x66: {  	[tilespmem:s11+$0xFFFFFFE0] =	vst v6  }
0x67: {  	[tilespmem:s11+$0xFFFFFFD0] =	vst v6  }
0x68: {  	[tilespmem:s11+$0xFFFFFFC0] =	vst v6  }
0x69: {  	s13 =	simm.s32 $0x0;
	s12 =	smov.u32 s11;
	[tilespmem:s11+$0xFFFFFFB0] =	vst v6  }
.LBB2_15:
0x6a: {  	s13 =	sadd.s32 $0x8, s13;
	[tilespmem:s12+$0xFFFFFFA0] =	vst v6;
	s12 =	sadd.s32 $0x100, s12  }
0x6b: {  	[tilespmem:s12+$0xFFFFFF90] =	vst v6;
	p3 =	slt.u32 s13, $0x38  }
0x6c: {  	[tilespmem:s12+$0x0] =	vst v6  }
.Ltmp6:
0x6d: {  	[tilespmem:s12+$0xFFFFFFF0] =	vst v6;
	(pc) =	sbr.rel @p3 .LBB2_15-.Ltmp6, $4  }
0x6e: {  	[tilespmem:s12+$0xFFFFFFE0] =	vst v6  }
0x6f: {  	[tilespmem:s12+$0xFFFFFFD0] =	vst v6  }
0x70: {  	[tilespmem:s12+$0xFFFFFFC0] =	vst v6  }
0x71: {  	[tilespmem:s12+$0xFFFFFFB0] =	vst v6  }
0x72: {  	s10 =	sadd.s32 $0x1, s10  }
0x73: {  	p3 =	sne.s32 s10, $0x20  }
.Ltmp7:
0x74: {  	_ = 	snop;
	(pc) =	sbr.rel @p3 .LBB2_14-.Ltmp7, $2  }
0x75: {  	_ =	sdelay $0x2  }
0x76: {  	[tilespmem:s12+$0xFFFFFFA0] =	vst v6;
	s11 =	sadd.s32 $0x800, s11  }
0x77: {  	s10 =	simm.s32 $0x3300  }
0x78: {  	s11 =	simm.s32 $0x10;
	s13 =	sadd.s32 $0x0, s15;
	s12 =	simm.s32 $0x3400  }
.LBB2_18:
0x79: {  	[hbm4b:s13+s3] =	stream.linear.scatter [tilespmem:s10], [sflag:$0x2], $0x80, $0x38;
	[tilespmem:$0x13280] =	vst v63  }
0x7a: {  	s13 =	smov.u32 s11;
	s10 =	smov.u32 s12;
	p3 =	sne.s32 s11, $0xFF0  }
.Ltmp8:
0x7b: {  	s11 =	sadd.s32 $0x10, s11;
	(pc) =	sbr.rel @p3 .LBB2_18-.Ltmp8, $2  }
0x7c: {  	_ =	sdelay $0x2  }
0x7d: {  	s12 =	sadd.s32 $0x100, s12;
	s13 =	sadd.s32 s13, s15  }
0x7e: {  	[hbm4b:s13+s3] =	stream.linear.scatter [tilespmem:s10], [sflag:$0x2], $0x80, $0x38;
	[tilespmem:$0x13280] =	vst v63  }
0x7f: {  	s10 =	simm.s32 $0x3300;
	s15 =	rddreg [dreg:$0xc]  }
0x80: {  	s11 =	simm.s32 $0x10;
	s12 =	simm.s32 $0x3400;
	s13 =	sadd.s32 $0x0, s15  }
.LBB2_20:
0x81: {  	[hbm4b:s13+s3] =	stream.linear.scatter [tilespmem:s10], [sflag:$0x2], $0x80, $0x38;
	[tilespmem:$0x13280] =	vst v63  }
0x82: {  	s13 =	smov.u32 s11;
	s10 =	smov.u32 s12;
	p3 =	sne.s32 s11, $0xFF0  }
.Ltmp9:
0x83: {  	s11 =	sadd.s32 $0x10, s11;
	(pc) =	sbr.rel @p3 .LBB2_20-.Ltmp9, $2  }
0x84: {  	_ =	sdelay $0x2  }
0x85: {  	s12 =	sadd.s32 $0x100, s12;
	s13 =	sadd.s32 s13, s15  }
0x86: {  	[hbm4b:s13+s3] =	stream.linear.scatter [tilespmem:s10], [sflag:$0x2], $0x80, $0x38;
	[tilespmem:$0x13280] =	vst v63  }
0x87: {  	s10 =	simm.s32 $0x3300;
	s15 =	rddreg [dreg:$0xd]  }
0x88: {  	s11 =	simm.s32 $0x10;
	s12 =	simm.s32 $0x3400;
	s13 =	sadd.s32 $0x0, s15  }
.LBB2_22:
0x89: {  	[hbm4b:s13+s3] =	stream.linear.scatter [tilespmem:s10], [sflag:$0x2], $0x80, $0x38;
	[tilespmem:$0x13280] =	vst v63  }
0x8a: {  	s13 =	smov.u32 s11;
	s10 =	smov.u32 s12;
	p3 =	sne.s32 s11, $0xFF0  }
.Ltmp10:
0x8b: {  	s11 =	sadd.s32 $0x10, s11;
	(pc) =	sbr.rel @p3 .LBB2_22-.Ltmp10, $2  }
0x8c: {  	_ =	sdelay $0x2  }
0x8d: {  	s12 =	sadd.s32 $0x100, s12;
	s13 =	sadd.s32 s13, s15  }
0x8e: {  	[hbm4b:s13+s3] =	stream.linear.scatter [tilespmem:s10], [sflag:$0x2], $0x80, $0x38;
	[tilespmem:$0x13280] =	vst v63  }
0x8f: {  	s10 =	simm.s32 $0x3300;
	s15 =	rddreg [dreg:$0xe]  }
0x90: {  	s11 =	simm.s32 $0x10;
	s12 =	simm.s32 $0x3400;
	s13 =	sadd.s32 $0x0, s15  }
.LBB2_24:
0x91: {  	[hbm4b:s13+s3] =	stream.linear.scatter [tilespmem:s10], [sflag:$0x2], $0x80, $0x38;
	[tilespmem:$0x13280] =	vst v63  }
0x92: {  	s13 =	smov.u32 s11;
	s10 =	smov.u32 s12;
	p3 =	sne.s32 s11, $0xFF0  }
.Ltmp11:
0x93: {  	s11 =	sadd.s32 $0x10, s11;
	(pc) =	sbr.rel @p3 .LBB2_24-.Ltmp11, $2  }
0x94: {  	_ =	sdelay $0x2  }
0x95: {  	s12 =	sadd.s32 $0x100, s12;
	s13 =	sadd.s32 s13, s15  }
0x96: {  	[hbm4b:s13+s3] =	stream.linear.scatter [tilespmem:s10], [sflag:$0x2], $0x80, $0x38;
	[tilespmem:$0x13280] =	vst v63  }
0x97: {  	s15 =	simm.s32 $0x1  }
0x98: {  	_ =	swait.ge [sflag:s15], $0x8000  }
0x99: {  	[sflag:s15] =	ssyncset.done $0x0  }
0x9a: {  	[sflag:s15] =	ssyncadd.s32 $0xFFFF8000  }
0x9b: {  	_ =	swait.ge [sflag:s15], $0x8000  }
0x9c: {  	[sflag:s15] =	ssyncset.done $0x0  }
0x9d: {  	[sflag:s15] =	ssyncadd.s32 $0xFFFF8000  }
0x9e: {  	_ =	swait.ge [sflag:s15], $0x8000  }
.Ltmp12:
0x9f: {  	[sflag:s15] =	ssyncset.done $0x0;
	(pc) =	sbr.rel @p0 .LBB2_31-.Ltmp12, $4  }
0xa0: {  	[sflag:s15] =	ssyncadd.s32 $0xFFFF8000  }
0xa1: {  	_ =	swait.ge [sflag:s15], $0x8000  }
0xa2: {  	[sflag:s15] =	ssyncset.done $0x0  }
0xa3: {  	[sflag:s15] =	ssyncadd.s32 $0xFFFF8000;
	s15 =	rddreg [dreg:$0x3]  }
0xa4: {  	s10 =	simm.s32 $0x0;
	s11 =	simm.s32 $0x32C0  }
.LBB2_27:
0xa5: {  	s12 =	smul.u32 $0x56, s10;
	_ =	sdelay $0x1  }
0xa6: {  	s12 =	sadd.s32 s15, s12  }
0xa7: {  	v6 =	vmov s12;
	_ =	sdelay $0x4  }
0xa8: {  	v6 =	vld.idx.msk [tilespmem:v6+s3+$0x0], $0xffff;
	_ =	sdelay $0x4  }
0xa9: {  	[tilespmem:s11+$0xFFFFFFC0] =	vst v6  }
0xaa: {  	[tilespmem:s11+$0x30] =	vst v6  }
0xab: {  	[tilespmem:s11+$0x20] =	vst v6  }
0xac: {  	[tilespmem:s11+$0x10] =	vst v6  }
0xad: {  	[tilespmem:s11+$0x0] =	vst v6  }
0xae: {  	[tilespmem:s11+$0xFFFFFFF0] =	vst v6  }
0xaf: {  	s13 =	simm.s32 $0x0;
	s12 =	smov.u32 s11;
	[tilespmem:s11+$0xFFFFFFE0] =	vst v6  }
.LBB2_28:
0xb0: {  	s13 =	sadd.s32 $0x8, s13;
	[tilespmem:s12+$0xFFFFFFD0] =	vst v6;
	s12 =	sadd.s32 $0x100, s12  }
0xb1: {  	[tilespmem:s12+$0xFFFFFFC0] =	vst v6;
	p3 =	slt.u32 s13, $0x38  }
0xb2: {  	[tilespmem:s12+$0x30] =	vst v6  }
.Ltmp13:
0xb3: {  	[tilespmem:s12+$0x20] =	vst v6;
	(pc) =	sbr.rel @p3 .LBB2_28-.Ltmp13, $4  }
0xb4: {  	[tilespmem:s12+$0x10] =	vst v6  }
0xb5: {  	[tilespmem:s12+$0x0] =	vst v6  }
0xb6: {  	[tilespmem:s12+$0xFFFFFFF0] =	vst v6  }
0xb7: {  	[tilespmem:s12+$0xFFFFFFE0] =	vst v6  }
0xb8: {  	s10 =	sadd.s32 $0x1, s10  }
0xb9: {  	p3 =	sne.s32 s10, $0x20  }
.Ltmp14:
0xba: {  	_ = 	snop;
	(pc) =	sbr.rel @p3 .LBB2_27-.Ltmp14, $2  }
0xbb: {  	_ =	sdelay $0x2  }
0xbc: {  	[tilespmem:s12+$0xFFFFFFD0] =	vst v6;
	s11 =	sadd.s32 $0x800, s11  }
.Ltmp15:
0xbd: {  	(pc) =	sbr.rel @p2 .LBB2_44-.Ltmp15, $1  }
0xbe: {  	_ =	sdelay $0x3  }
.LBB2_31:
0xbf: {  	s10 =	sadd.s32 $0x0, s15  }
0xc0: {  	v6 =	vmov s10;
	_ =	sdelay $0x4  }
0xc1: {  	v6 =	vld.idx.msk [tilespmem:v6+s3+$0x0], $0xffff  }
0xc2: {  	s11 =	sadd.s32 $0x56, s15  }
0xc3: {  	s10 =	simm.s32 $0x0;
	v7 =	vmov s11  }
0xc4: {  	s13 =	sand.u32 $0x60, s10;
	s12 =	sand.u32 $0x700, s10  }
0xc5: {  	s11 =	sor.u32 s13, s12  }
0xc6: {  	[tilespmem:s11+$0x3280] =	vst v6  }
0xc7: {  	[tilespmem:s11+$0x3290] =	vst v6  }
0xc8: {  	s13 =	sadd.s32 $0xAC, s15;
	s12 =	simm.s32 $0x102;
	s11 =	simm.s32 $0x0;
	v6 =	vld.idx.msk [tilespmem:v7+s3+$0x0], $0xffff  }
.LBB2_32:
0xc9: {  	_ = 	snop  }
0xca: {  	p3 =	sne.s32 s12, $0xA6A;
	v7 =	vmov s13;
	s10 =	sadd.s32 $0x40, s10;
	s11 =	sadd.s32 $0x20, s11  }
.Ltmp16:
0xcb: {  	s13 =	sand.u32 $0x60, s11;
	s15 =	sand.u32 $0x700, s10;
	(pc) =	sbr.rel @p3 .LBB2_32-.Ltmp16, $4  }
0xcc: {  	s13 =	sor.u32 s13, s15  }
0xcd: {  	[tilespmem:s13+$0x3280] =	vst v6  }
0xce: {  	s15 =	rddreg [dreg:$0x3];
	[tilespmem:s13+$0x3290] =	vst v6  }
0xcf: {  	s13 =	sadd.s32 s15, s12;
	s12 =	sadd.s32 $0x56, s12;
	v6 =	vld.idx.msk [tilespmem:v7+s3+$0x0], $0xffff  }
0xd0: {  	_ = 	snop  }
0xd1: {  	v7 =	vmov s13;
	s10 =	sadd.s32 $0x40, s10;
	s11 =	sadd.s32 $0x20, s11  }
0xd2: {  	s12 =	sand.u32 $0x60, s11;
	s15 =	sand.u32 $0x700, s10  }
0xd3: {  	s12 =	sor.u32 s12, s15  }
0xd4: {  	[tilespmem:s12+$0x3280] =	vst v6  }
0xd5: {  	[tilespmem:s12+$0x3290] =	vst v6  }
0xd6: {  	v6 =	vld.idx.msk [tilespmem:v7+s3+$0x0], $0xffff;
	_ =	sdelay $0x1  }
0xd7: {  	s10 =	sadd.s32 $0x40, s10;
	s11 =	sadd.s32 $0x20, s11  }
0xd8: {  	s11 =	sand.u32 $0x60, s11;
	s10 =	sand.u32 $0x700, s10  }
0xd9: {  	s10 =	sor.u32 s11, s10  }
0xda: {  	[tilespmem:s10+$0x3280] =	vst v6  }
0xdb: {  	s11 =	simm.s32 $0x3A80;
	[tilespmem:s10+$0x3290] =	vst v6  }
0xdc: {  	v9 =	vld [tilespmem:s11+$0xFFFFF870]  }
0xdd: {  	v10 =	vld [tilespmem:s11+$0xFFFFF810]  }
0xde: {  	v11 =	vld [tilespmem:s11+$0xFFFFF820]  }
0xdf: {  	v7 =	vld [tilespmem:s11+$0xFFFFF830]  }
0xe0: {  	v6 =	vld [tilespmem:s11+$0xFFFFF840]  }
0xe1: {  	v8 =	vld [tilespmem:s11+$0xFFFFF850];
	[tilespmem:s11+$0x70] =	vst v9  }
0xe2: {  	[tilespmem:s11+$0x10] =	vst v10;
	v9 =	vld [tilespmem:s11+$0xFFFFF860]  }
0xe3: {  	s13 =	simm.s32 $0x3B80;
	s12 =	simm.s32 $0x0;
	s10 =	simm.s32 $0x4280;
	v10 =	vld [tilespmem:s11+$0xFFFFF800];
	[tilespmem:s11+$0x20] =	vst v11  }
.LBB2_34:
0xe4: {  	v11 =	vld [tilespmem:s13+$0xFFFFF870];
	s12 =	sadd.s32 $0x8, s12;
	[tilespmem:s11+$0x30] =	vst v7  }
0xe5: {  	v12 =	vld [tilespmem:s13+$0xFFFFF810];
	p3 =	slt.u32 s12, $0x38;
	[tilespmem:s11+$0x40] =	vst v6  }
0xe6: {  	v13 =	vld [tilespmem:s13+$0xFFFFF820];
	[tilespmem:s11+$0x50] =	vst v8  }
.Ltmp17:
0xe7: {  	v7 =	vld [tilespmem:s13+$0xFFFFF830];
	[tilespmem:s11+$0x60] =	vst v9;
	(pc) =	sbr.rel @p3 .LBB2_34-.Ltmp17, $4  }
0xe8: {  	v6 =	vld [tilespmem:s13+$0xFFFFF840];
	[tilespmem:s11+$0x0] =	vst v10;
	s11 =	smov.u32 s13  }
0xe9: {  	v8 =	vld [tilespmem:s13+$0xFFFFF850];
	[tilespmem:s13+$0x70] =	vst v11  }
0xea: {  	[tilespmem:s13+$0x10] =	vst v12;
	v9 =	vld [tilespmem:s13+$0xFFFFF860]  }
0xeb: {  	s13 =	sadd.s32 $0x100, s13;
	v10 =	vld [tilespmem:s11+$0xFFFFF800];
	[tilespmem:s11+$0x20] =	vst v13  }
0xec: {  	[tilespmem:s11+$0x30] =	vst v7  }
0xed: {  	[tilespmem:s11+$0x40] =	vst v6  }
0xee: {  	[tilespmem:s11+$0x50] =	vst v8  }
0xef: {  	[tilespmem:s11+$0x60] =	vst v9  }
0xf0: {  	[tilespmem:s11+$0x0] =	vst v10  }
0xf1: {  	v9 =	vld [tilespmem:s10+$0xFFFFF070]  }
0xf2: {  	v10 =	vld [tilespmem:s10+$0xFFFFF010]  }
0xf3: {  	v11 =	vld [tilespmem:s10+$0xFFFFF020]  }
0xf4: {  	v7 =	vld [tilespmem:s10+$0xFFFFF030]  }
0xf5: {  	v6 =	vld [tilespmem:s10+$0xFFFFF040]  }
0xf6: {  	v8 =	vld [tilespmem:s10+$0xFFFFF050];
	[tilespmem:s10+$0x70] =	vst v9  }
0xf7: {  	[tilespmem:s10+$0x10] =	vst v10;
	v9 =	vld [tilespmem:s10+$0xFFFFF060]  }
0xf8: {  	s12 =	simm.s32 $0x0;
	s13 =	simm.s32 $0x4380;
	s11 =	simm.s32 $0x5280;
	v10 =	vld [tilespmem:s10+$0xFFFFF000];
	[tilespmem:s10+$0x20] =	vst v11  }
.LBB2_36:
0xf9: {  	v11 =	vld [tilespmem:s13+$0xFFFFF070];
	s12 =	sadd.s32 $0x8, s12;
	[tilespmem:s10+$0x30] =	vst v7  }
0xfa: {  	v12 =	vld [tilespmem:s13+$0xFFFFF010];
	p3 =	slt.u32 s12, $0x78;
	[tilespmem:s10+$0x40] =	vst v6  }
0xfb: {  	v13 =	vld [tilespmem:s13+$0xFFFFF020];
	[tilespmem:s10+$0x50] =	vst v8  }
.Ltmp18:
0xfc: {  	v7 =	vld [tilespmem:s13+$0xFFFFF030];
	[tilespmem:s10+$0x60] =	vst v9;
	(pc) =	sbr.rel @p3 .LBB2_36-.Ltmp18, $4  }
0xfd: {  	v6 =	vld [tilespmem:s13+$0xFFFFF040];
	[tilespmem:s10+$0x0] =	vst v10;
	s10 =	smov.u32 s13  }
0xfe: {  	v8 =	vld [tilespmem:s13+$0xFFFFF050];
	[tilespmem:s13+$0x70] =	vst v11  }
0xff: {  	[tilespmem:s13+$0x10] =	vst v12;
	v9 =	vld [tilespmem:s13+$0xFFFFF060]  }
0x100: {  	s13 =	sadd.s32 $0x100, s13;
	v10 =	vld [tilespmem:s10+$0xFFFFF000];
	[tilespmem:s10+$0x20] =	vst v13  }
0x101: {  	[tilespmem:s10+$0x30] =	vst v7  }
0x102: {  	[tilespmem:s10+$0x40] =	vst v6  }
0x103: {  	[tilespmem:s10+$0x50] =	vst v8  }
0x104: {  	[tilespmem:s10+$0x60] =	vst v9  }
0x105: {  	[tilespmem:s10+$0x0] =	vst v10  }
0x106: {  	v9 =	vld [tilespmem:s11+$0xFFFFE070]  }
0x107: {  	v10 =	vld [tilespmem:s11+$0xFFFFE010]  }
0x108: {  	v11 =	vld [tilespmem:s11+$0xFFFFE020]  }
0x109: {  	v7 =	vld [tilespmem:s11+$0xFFFFE030]  }
0x10a: {  	v6 =	vld [tilespmem:s11+$0xFFFFE040]  }
0x10b: {  	v8 =	vld [tilespmem:s11+$0xFFFFE050];
	[tilespmem:s11+$0x70] =	vst v9  }
0x10c: {  	[tilespmem:s11+$0x10] =	vst v10;
	v9 =	vld [tilespmem:s11+$0xFFFFE060]  }
0x10d: {  	s12 =	simm.s32 $0x0;
	s13 =	simm.s32 $0x5380;
	s10 =	simm.s32 $0x72F0;
	v10 =	vld [tilespmem:s11+$0xFFFFE000];
	[tilespmem:s11+$0x20] =	vst v11  }
.LBB2_38:
0x10e: {  	v11 =	vld [tilespmem:s13+$0xFFFFE070];
	s12 =	sadd.s32 $0x8, s12;
	[tilespmem:s11+$0x30] =	vst v7  }
0x10f: {  	v12 =	vld [tilespmem:s13+$0xFFFFE010];
	p3 =	slt.u32 s12, $0xF8;
	[tilespmem:s11+$0x40] =	vst v6  }
0x110: {  	v13 =	vld [tilespmem:s13+$0xFFFFE020];
	[tilespmem:s11+$0x50] =	vst v8  }
.Ltmp19:
0x111: {  	v7 =	vld [tilespmem:s13+$0xFFFFE030];
	[tilespmem:s11+$0x60] =	vst v9;
	(pc) =	sbr.rel @p3 .LBB2_38-.Ltmp19, $4  }
0x112: {  	v6 =	vld [tilespmem:s13+$0xFFFFE040];
	[tilespmem:s11+$0x0] =	vst v10;
	s11 =	smov.u32 s13  }
0x113: {  	v8 =	vld [tilespmem:s13+$0xFFFFE050];
	[tilespmem:s13+$0x70] =	vst v11  }
0x114: {  	[tilespmem:s13+$0x10] =	vst v12;
	v9 =	vld [tilespmem:s13+$0xFFFFE060]  }
0x115: {  	s13 =	sadd.s32 $0x100, s13;
	v10 =	vld [tilespmem:s11+$0xFFFFE000];
	[tilespmem:s11+$0x20] =	vst v13  }
0x116: {  	[tilespmem:s11+$0x30] =	vst v7  }
0x117: {  	[tilespmem:s11+$0x40] =	vst v6  }
0x118: {  	[tilespmem:s11+$0x50] =	vst v8  }
0x119: {  	[tilespmem:s11+$0x60] =	vst v9  }
0x11a: {  	[tilespmem:s11+$0x0] =	vst v10  }
0x11b: {  	v9 =	vld [tilespmem:s10+$0xFFFFC000]  }
0x11c: {  	v10 =	vld [tilespmem:s10+$0xFFFFBFA0]  }
0x11d: {  	v11 =	vld [tilespmem:s10+$0xFFFFBFB0]  }
0x11e: {  	v7 =	vld [tilespmem:s10+$0xFFFFBFC0]  }
0x11f: {  	v6 =	vld [tilespmem:s10+$0xFFFFBFD0]  }
0x120: {  	v8 =	vld [tilespmem:s10+$0xFFFFBFE0];
	[tilespmem:s10+$0x0] =	vst v9  }
0x121: {  	[tilespmem:s10+$0xFFFFFFA0] =	vst v10;
	v9 =	vld [tilespmem:s10+$0xFFFFBFF0]  }
0x122: {  	s12 =	simm.s32 $0x0;
	s13 =	simm.s32 $0x73F0;
	s11 =	simm.s32 $0xB2F0;
	v10 =	vld [tilespmem:s10+$0xFFFFBF90];
	[tilespmem:s10+$0xFFFFFFB0] =	vst v11  }
.LBB2_40:
0x123: {  	v11 =	vld [tilespmem:s13+$0xFFFFC000];
	s12 =	sadd.s32 $0x8, s12;
	[tilespmem:s10+$0xFFFFFFC0] =	vst v7  }
0x124: {  	v12 =	vld [tilespmem:s13+$0xFFFFBFA0];
	p3 =	slt.u32 s12, $0x1F8;
	[tilespmem:s10+$0xFFFFFFD0] =	vst v6  }
0x125: {  	v13 =	vld [tilespmem:s13+$0xFFFFBFB0];
	[tilespmem:s10+$0xFFFFFFE0] =	vst v8  }
.Ltmp20:
0x126: {  	v7 =	vld [tilespmem:s13+$0xFFFFBFC0];
	[tilespmem:s10+$0xFFFFFFF0] =	vst v9;
	(pc) =	sbr.rel @p3 .LBB2_40-.Ltmp20, $4  }
0x127: {  	v6 =	vld [tilespmem:s13+$0xFFFFBFD0];
	[tilespmem:s10+$0xFFFFFF90] =	vst v10;
	s10 =	smov.u32 s13  }
0x128: {  	v8 =	vld [tilespmem:s13+$0xFFFFBFE0];
	[tilespmem:s13+$0x0] =	vst v11  }
0x129: {  	[tilespmem:s13+$0xFFFFFFA0] =	vst v12;
	v9 =	vld [tilespmem:s13+$0xFFFFBFF0]  }
0x12a: {  	s13 =	sadd.s32 $0x100, s13;
	v10 =	vld [tilespmem:s10+$0xFFFFBF90];
	[tilespmem:s10+$0xFFFFFFB0] =	vst v13  }
0x12b: {  	[tilespmem:s10+$0xFFFFFFC0] =	vst v7  }
0x12c: {  	[tilespmem:s10+$0xFFFFFFD0] =	vst v6  }
0x12d: {  	[tilespmem:s10+$0xFFFFFFE0] =	vst v8  }
0x12e: {  	[tilespmem:s10+$0xFFFFFFF0] =	vst v9  }
0x12f: {  	[tilespmem:s10+$0xFFFFFF90] =	vst v10  }
0x130: {  	v9 =	vld [tilespmem:s11+$0xFFFF8000]  }
0x131: {  	v10 =	vld [tilespmem:s11+$0xFFFF7FA0]  }
0x132: {  	v11 =	vld [tilespmem:s11+$0xFFFF7FB0]  }
0x133: {  	v7 =	vld [tilespmem:s11+$0xFFFF7FC0]  }
0x134: {  	v6 =	vld [tilespmem:s11+$0xFFFF7FD0]  }
0x135: {  	v8 =	vld [tilespmem:s11+$0xFFFF7FE0];
	[tilespmem:s11+$0x0] =	vst v9  }
0x136: {  	[tilespmem:s11+$0xFFFFFFA0] =	vst v10;
	v9 =	vld [tilespmem:s11+$0xFFFF7FF0]  }
0x137: {  	s12 =	simm.s32 $0xB3F0;
	s10 =	simm.s32 $0x0;
	v10 =	vld [tilespmem:s11+$0xFFFF7F90];
	[tilespmem:s11+$0xFFFFFFB0] =	vst v11  }
.LBB2_42:
0x138: {  	v11 =	vld [tilespmem:s12+$0xFFFF8000];
	s10 =	sadd.s32 $0x8, s10;
	[tilespmem:s11+$0xFFFFFFC0] =	vst v7  }
0x139: {  	v12 =	vld [tilespmem:s12+$0xFFFF7FA0];
	p3 =	slt.u32 s10, $0x3F8;
	[tilespmem:s11+$0xFFFFFFD0] =	vst v6  }
0x13a: {  	v13 =	vld [tilespmem:s12+$0xFFFF7FB0];
	[tilespmem:s11+$0xFFFFFFE0] =	vst v8  }
.Ltmp21:
0x13b: {  	v7 =	vld [tilespmem:s12+$0xFFFF7FC0];
	[tilespmem:s11+$0xFFFFFFF0] =	vst v9;
	(pc) =	sbr.rel @p3 .LBB2_42-.Ltmp21, $4  }
0x13c: {  	v6 =	vld [tilespmem:s12+$0xFFFF7FD0];
	[tilespmem:s11+$0xFFFFFF90] =	vst v10;
	s11 =	smov.u32 s12  }
0x13d: {  	v8 =	vld [tilespmem:s12+$0xFFFF7FE0];
	[tilespmem:s12+$0x0] =	vst v11  }
0x13e: {  	[tilespmem:s12+$0xFFFFFFA0] =	vst v12;
	v9 =	vld [tilespmem:s12+$0xFFFF7FF0]  }
0x13f: {  	s12 =	sadd.s32 $0x100, s12;
	v10 =	vld [tilespmem:s11+$0xFFFF7F90];
	[tilespmem:s11+$0xFFFFFFB0] =	vst v13  }
0x140: {  	[tilespmem:s11+$0xFFFFFFC0] =	vst v7  }
0x141: {  	[tilespmem:s11+$0xFFFFFFD0] =	vst v6  }
0x142: {  	[tilespmem:s11+$0xFFFFFFE0] =	vst v8  }
0x143: {  	[tilespmem:s11+$0xFFFFFFF0] =	vst v9  }
0x144: {  	[tilespmem:s11+$0xFFFFFF90] =	vst v10  }
.LBB2_44:
0x145: {  	s10 =	simm.s32 $0x3280;
	s15 =	rddreg [dreg:$0xf]  }
0x146: {  	s11 =	simm.s32 $0x10;
	s12 =	simm.s32 $0x3380;
	s13 =	sadd.s32 $0x0, s15  }
.LBB2_45:
0x147: {  	[hbm4b:s13+s3] =	stream.linear.scatter [tilespmem:s10], [sflag:$0x1], $0x80, $0x38;
	[tilespmem:$0x13280] =	vst v63  }
0x148: {  	s13 =	smov.u32 s11;
	s10 =	smov.u32 s12;
	p3 =	sne.s32 s11, $0xFF0  }
.Ltmp22:
0x149: {  	s11 =	sadd.s32 $0x10, s11;
	(pc) =	sbr.rel @p3 .LBB2_45-.Ltmp22, $2  }
0x14a: {  	_ =	sdelay $0x2  }
0x14b: {  	s12 =	sadd.s32 $0x100, s12;
	s13 =	sadd.s32 s13, s15  }
0x14c: {  	[hbm4b:s13+s3] =	stream.linear.scatter [tilespmem:s10], [sflag:$0x1], $0x80, $0x38;
	[tilespmem:$0x13280] =	vst v63  }
0x14d: {  	s10 =	simm.s32 $0x3280  }
0x14e: {  	s11 =	simm.s32 $0x10;
	s13 =	sadd.s32 $0x0, s16;
	s12 =	simm.s32 $0x3380  }
.LBB2_47:
0x14f: {  	[hbm4b:s13+s3] =	stream.linear.scatter [tilespmem:s10], [sflag:$0x1], $0x80, $0x38;
	[tilespmem:$0x13280] =	vst v63  }
0x150: {  	s13 =	smov.u32 s11;
	s10 =	smov.u32 s12;
	p3 =	sne.s32 s11, $0xFF0  }
.Ltmp23:
0x151: {  	s11 =	sadd.s32 $0x10, s11;
	(pc) =	sbr.rel @p3 .LBB2_47-.Ltmp23, $2  }
0x152: {  	_ =	sdelay $0x2  }
0x153: {  	s12 =	sadd.s32 $0x100, s12;
	s13 =	sadd.s32 s13, s16  }
0x154: {  	[hbm4b:s13+s3] =	stream.linear.scatter [tilespmem:s10], [sflag:$0x1], $0x80, $0x38;
	[tilespmem:$0x13280] =	vst v63  }
0x155: {  	s10 =	simm.s32 $0x3280  }
0x156: {  	s11 =	simm.s32 $0x10;
	s13 =	sadd.s32 $0x0, s17;
	s12 =	simm.s32 $0x3380  }
.LBB2_49:
0x157: {  	[hbm4b:s13+s3] =	stream.linear.scatter [tilespmem:s10], [sflag:$0x1], $0x80, $0x38;
	[tilespmem:$0x13280] =	vst v63  }
0x158: {  	s13 =	smov.u32 s11;
	s10 =	smov.u32 s12;
	p3 =	sne.s32 s11, $0xFF0  }
.Ltmp24:
0x159: {  	s11 =	sadd.s32 $0x10, s11;
	(pc) =	sbr.rel @p3 .LBB2_49-.Ltmp24, $2  }
0x15a: {  	_ =	sdelay $0x2  }
0x15b: {  	s12 =	sadd.s32 $0x100, s12;
	s13 =	sadd.s32 s13, s17  }
0x15c: {  	[hbm4b:s13+s3] =	stream.linear.scatter [tilespmem:s10], [sflag:$0x1], $0x80, $0x38;
	[tilespmem:$0x13280] =	vst v63  }
0x15d: {  	s10 =	simm.s32 $0x3280  }
0x15e: {  	s11 =	simm.s32 $0x10;
	s13 =	sadd.s32 $0x0, s18;
	s12 =	simm.s32 $0x3380  }
.LBB2_51:
0x15f: {  	[hbm4b:s13+s3] =	stream.linear.scatter [tilespmem:s10], [sflag:$0x1], $0x80, $0x38;
	[tilespmem:$0x13280] =	vst v63  }
0x160: {  	s13 =	smov.u32 s11;
	s10 =	smov.u32 s12;
	p3 =	sne.s32 s11, $0xFF0  }
.Ltmp25:
0x161: {  	s11 =	sadd.s32 $0x10, s11;
	(pc) =	sbr.rel @p3 .LBB2_51-.Ltmp25, $2  }
0x162: {  	_ =	sdelay $0x2  }
0x163: {  	s12 =	sadd.s32 $0x100, s12;
	s13 =	sadd.s32 s13, s18  }
0x164: {  	[hbm4b:s13+s3] =	stream.linear.scatter [tilespmem:s10], [sflag:$0x1], $0x80, $0x38;
	[tilespmem:$0x13280] =	vst v63  }
0x165: {  	s11 =	simm.s32 $0x2  }
0x166: {  	_ =	swait.ge [sflag:s11], $0x8000  }
0x167: {  	[sflag:s11] =	ssyncset.done $0x0  }
0x168: {  	[sflag:s11] =	ssyncadd.s32 $0xFFFF8000  }
0x169: {  	_ =	swait.ge [sflag:s11], $0x8000  }
0x16a: {  	[sflag:s11] =	ssyncset.done $0x0  }
0x16b: {  	[sflag:s11] =	ssyncadd.s32 $0xFFFF8000  }
0x16c: {  	s13 =	sadd.s32 $0x0, s19;
	_ =	swait.ge [sflag:s11], $0x8000  }
0x16d: {  	v6 =	vmov s13;
	[sflag:s11] =	ssyncset.done $0x0  }
0x16e: {  	[sflag:s11] =	ssyncadd.s32 $0xFFFF8000  }
0x16f: {  	_ =	swait.ge [sflag:s11], $0x8000  }
0x170: {  	[sflag:s11] =	ssyncset.done $0x0  }
0x171: {  	[sflag:s11] =	ssyncadd.s32 $0xFFFF8000  }
0x172: {  	v6 =	vld.idx.msk [tilespmem:v6+s3+$0x0], $0xffff  }
0x173: {  	s15 =	sadd.s32 $0x56, s19  }
0x174: {  	s10 =	simm.s32 $0x0;
	v7 =	vmov s15  }
0x175: {  	s16 =	sand.u32 $0x60, s10;
	s12 =	sand.u32 $0x700, s10  }
0x176: {  	s11 =	sor.u32 s16, s12  }
0x177: {  	[tilespmem:s11+$0x3300] =	vst v6  }
0x178: {  	[tilespmem:s11+$0x3310] =	vst v6  }
0x179: {  	v6 =	vld.idx.msk [tilespmem:v7+s3+$0x0], $0xffff  }
0x17a: {  	s13 =	sadd.s32 $0xAC, s19;
	s12 =	simm.s32 $0x102;
	s11 =	simm.s32 $0x0  }
.LBB2_53:
0x17b: {  	p3 =	sne.s32 s12, $0xA6A;
	v7 =	vmov s13;
	s10 =	sadd.s32 $0x40, s10;
	s11 =	sadd.s32 $0x20, s11  }
0x17c: {  	s13 =	sand.u32 $0x60, s11;
	s15 =	sand.u32 $0x700, s10  }
0x17d: {  	s13 =	sor.u32 s13, s15  }
.Ltmp26:
0x17e: {  	[tilespmem:s13+$0x3300] =	vst v6;
	(pc) =	sbr.rel @p3 .LBB2_53-.Ltmp26, $3  }
0x17f: {  	[tilespmem:s13+$0x3310] =	vst v6  }
0x180: {  	v6 =	vld.idx.msk [tilespmem:v7+s3+$0x0], $0xffff;
	_ =	sdelay $0x1  }
0x181: {  	s13 =	sadd.s32 s19, s12;
	s12 =	sadd.s32 $0x56, s12  }
0x182: {  	v7 =	vmov s13;
	s10 =	sadd.s32 $0x40, s10;
	s11 =	sadd.s32 $0x20, s11  }
0x183: {  	s12 =	sand.u32 $0x60, s11;
	s16 =	sand.u32 $0x700, s10  }
0x184: {  	s12 =	sor.u32 s12, s16  }
0x185: {  	[tilespmem:s12+$0x3300] =	vst v6  }
0x186: {  	[tilespmem:s12+$0x3310] =	vst v6  }
0x187: {  	v6 =	vld.idx.msk [tilespmem:v7+s3+$0x0], $0xffff;
	_ =	sdelay $0x1  }
0x188: {  	s10 =	sadd.s32 $0x40, s10;
	s11 =	sadd.s32 $0x20, s11  }
0x189: {  	s11 =	sand.u32 $0x60, s11;
	s10 =	sand.u32 $0x700, s10  }
0x18a: {  	s10 =	sor.u32 s11, s10  }
0x18b: {  	[tilespmem:s10+$0x3300] =	vst v6  }
0x18c: {  	s11 =	simm.s32 $0x3B00;
	[tilespmem:s10+$0x3310] =	vst v6  }
0x18d: {  	v9 =	vld [tilespmem:s11+$0xFFFFF870]  }
0x18e: {  	v10 =	vld [tilespmem:s11+$0xFFFFF810]  }
0x18f: {  	v11 =	vld [tilespmem:s11+$0xFFFFF820]  }
0x190: {  	v7 =	vld [tilespmem:s11+$0xFFFFF830]  }
0x191: {  	v6 =	vld [tilespmem:s11+$0xFFFFF840]  }
0x192: {  	v8 =	vld [tilespmem:s11+$0xFFFFF850];
	[tilespmem:s11+$0x70] =	vst v9  }
0x193: {  	[tilespmem:s11+$0x10] =	vst v10;
	v9 =	vld [tilespmem:s11+$0xFFFFF860]  }
0x194: {  	s13 =	simm.s32 $0x3C00;
	s12 =	simm.s32 $0x0;
	s10 =	simm.s32 $0x4300;
	v10 =	vld [tilespmem:s11+$0xFFFFF800];
	[tilespmem:s11+$0x20] =	vst v11  }
.LBB2_55:
0x195: {  	v11 =	vld [tilespmem:s13+$0xFFFFF870];
	s12 =	sadd.s32 $0x8, s12;
	[tilespmem:s11+$0x30] =	vst v7  }
0x196: {  	v12 =	vld [tilespmem:s13+$0xFFFFF810];
	p3 =	slt.u32 s12, $0x38;
	[tilespmem:s11+$0x40] =	vst v6  }
0x197: {  	v13 =	vld [tilespmem:s13+$0xFFFFF820];
	[tilespmem:s11+$0x50] =	vst v8  }
.Ltmp27:
0x198: {  	v7 =	vld [tilespmem:s13+$0xFFFFF830];
	[tilespmem:s11+$0x60] =	vst v9;
	(pc) =	sbr.rel @p3 .LBB2_55-.Ltmp27, $4  }
0x199: {  	v6 =	vld [tilespmem:s13+$0xFFFFF840];
	[tilespmem:s11+$0x0] =	vst v10;
	s11 =	smov.u32 s13  }
0x19a: {  	v8 =	vld [tilespmem:s13+$0xFFFFF850];
	[tilespmem:s13+$0x70] =	vst v11  }
0x19b: {  	[tilespmem:s13+$0x10] =	vst v12;
	v9 =	vld [tilespmem:s13+$0xFFFFF860]  }
0x19c: {  	s13 =	sadd.s32 $0x100, s13;
	v10 =	vld [tilespmem:s11+$0xFFFFF800];
	[tilespmem:s11+$0x20] =	vst v13  }
0x19d: {  	[tilespmem:s11+$0x30] =	vst v7  }
0x19e: {  	[tilespmem:s11+$0x40] =	vst v6  }
0x19f: {  	[tilespmem:s11+$0x50] =	vst v8  }
0x1a0: {  	[tilespmem:s11+$0x60] =	vst v9  }
0x1a1: {  	[tilespmem:s11+$0x0] =	vst v10  }
0x1a2: {  	v9 =	vld [tilespmem:s10+$0xFFFFF070]  }
0x1a3: {  	v10 =	vld [tilespmem:s10+$0xFFFFF010]  }
0x1a4: {  	v11 =	vld [tilespmem:s10+$0xFFFFF020]  }
0x1a5: {  	v7 =	vld [tilespmem:s10+$0xFFFFF030]  }
0x1a6: {  	v6 =	vld [tilespmem:s10+$0xFFFFF040]  }
0x1a7: {  	v8 =	vld [tilespmem:s10+$0xFFFFF050];
	[tilespmem:s10+$0x70] =	vst v9  }
0x1a8: {  	[tilespmem:s10+$0x10] =	vst v10;
	v9 =	vld [tilespmem:s10+$0xFFFFF060]  }
0x1a9: {  	s12 =	simm.s32 $0x0;
	s13 =	simm.s32 $0x4400;
	s11 =	simm.s32 $0x5300;
	v10 =	vld [tilespmem:s10+$0xFFFFF000];
	[tilespmem:s10+$0x20] =	vst v11  }
.LBB2_57:
0x1aa: {  	v11 =	vld [tilespmem:s13+$0xFFFFF070];
	s12 =	sadd.s32 $0x8, s12;
	[tilespmem:s10+$0x30] =	vst v7  }
0x1ab: {  	v12 =	vld [tilespmem:s13+$0xFFFFF010];
	p3 =	slt.u32 s12, $0x78;
	[tilespmem:s10+$0x40] =	vst v6  }
0x1ac: {  	v13 =	vld [tilespmem:s13+$0xFFFFF020];
	[tilespmem:s10+$0x50] =	vst v8  }
.Ltmp28:
0x1ad: {  	v7 =	vld [tilespmem:s13+$0xFFFFF030];
	[tilespmem:s10+$0x60] =	vst v9;
	(pc) =	sbr.rel @p3 .LBB2_57-.Ltmp28, $4  }
0x1ae: {  	v6 =	vld [tilespmem:s13+$0xFFFFF040];
	[tilespmem:s10+$0x0] =	vst v10;
	s10 =	smov.u32 s13  }
0x1af: {  	v8 =	vld [tilespmem:s13+$0xFFFFF050];
	[tilespmem:s13+$0x70] =	vst v11  }
0x1b0: {  	[tilespmem:s13+$0x10] =	vst v12;
	v9 =	vld [tilespmem:s13+$0xFFFFF060]  }
0x1b1: {  	s13 =	sadd.s32 $0x100, s13;
	v10 =	vld [tilespmem:s10+$0xFFFFF000];
	[tilespmem:s10+$0x20] =	vst v13  }
0x1b2: {  	[tilespmem:s10+$0x30] =	vst v7  }
0x1b3: {  	[tilespmem:s10+$0x40] =	vst v6  }
0x1b4: {  	[tilespmem:s10+$0x50] =	vst v8  }
0x1b5: {  	[tilespmem:s10+$0x60] =	vst v9  }
0x1b6: {  	[tilespmem:s10+$0x0] =	vst v10  }
0x1b7: {  	v9 =	vld [tilespmem:s11+$0xFFFFE070]  }
0x1b8: {  	v10 =	vld [tilespmem:s11+$0xFFFFE010]  }
0x1b9: {  	v11 =	vld [tilespmem:s11+$0xFFFFE020]  }
0x1ba: {  	v7 =	vld [tilespmem:s11+$0xFFFFE030]  }
0x1bb: {  	v6 =	vld [tilespmem:s11+$0xFFFFE040]  }
0x1bc: {  	v8 =	vld [tilespmem:s11+$0xFFFFE050];
	[tilespmem:s11+$0x70] =	vst v9  }
0x1bd: {  	[tilespmem:s11+$0x10] =	vst v10;
	v9 =	vld [tilespmem:s11+$0xFFFFE060]  }
0x1be: {  	s12 =	simm.s32 $0x0;
	s13 =	simm.s32 $0x5400;
	s10 =	simm.s32 $0x7370;
	v10 =	vld [tilespmem:s11+$0xFFFFE000];
	[tilespmem:s11+$0x20] =	vst v11  }
.LBB2_59:
0x1bf: {  	v11 =	vld [tilespmem:s13+$0xFFFFE070];
	s12 =	sadd.s32 $0x8, s12;
	[tilespmem:s11+$0x30] =	vst v7  }
0x1c0: {  	v12 =	vld [tilespmem:s13+$0xFFFFE010];
	p3 =	slt.u32 s12, $0xF8;
	[tilespmem:s11+$0x40] =	vst v6  }
0x1c1: {  	v13 =	vld [tilespmem:s13+$0xFFFFE020];
	[tilespmem:s11+$0x50] =	vst v8  }
.Ltmp29:
0x1c2: {  	v7 =	vld [tilespmem:s13+$0xFFFFE030];
	[tilespmem:s11+$0x60] =	vst v9;
	(pc) =	sbr.rel @p3 .LBB2_59-.Ltmp29, $4  }
0x1c3: {  	v6 =	vld [tilespmem:s13+$0xFFFFE040];
	[tilespmem:s11+$0x0] =	vst v10;
	s11 =	smov.u32 s13  }
0x1c4: {  	v8 =	vld [tilespmem:s13+$0xFFFFE050];
	[tilespmem:s13+$0x70] =	vst v11  }
0x1c5: {  	[tilespmem:s13+$0x10] =	vst v12;
	v9 =	vld [tilespmem:s13+$0xFFFFE060]  }
0x1c6: {  	s13 =	sadd.s32 $0x100, s13;
	v10 =	vld [tilespmem:s11+$0xFFFFE000];
	[tilespmem:s11+$0x20] =	vst v13  }
0x1c7: {  	[tilespmem:s11+$0x30] =	vst v7  }
0x1c8: {  	[tilespmem:s11+$0x40] =	vst v6  }
0x1c9: {  	[tilespmem:s11+$0x50] =	vst v8  }
0x1ca: {  	[tilespmem:s11+$0x60] =	vst v9  }
0x1cb: {  	[tilespmem:s11+$0x0] =	vst v10  }
0x1cc: {  	v9 =	vld [tilespmem:s10+$0xFFFFC000]  }
0x1cd: {  	v10 =	vld [tilespmem:s10+$0xFFFFBFA0]  }
0x1ce: {  	v11 =	vld [tilespmem:s10+$0xFFFFBFB0]  }
0x1cf: {  	v7 =	vld [tilespmem:s10+$0xFFFFBFC0]  }
0x1d0: {  	v6 =	vld [tilespmem:s10+$0xFFFFBFD0]  }
0x1d1: {  	v8 =	vld [tilespmem:s10+$0xFFFFBFE0];
	[tilespmem:s10+$0x0] =	vst v9  }
0x1d2: {  	[tilespmem:s10+$0xFFFFFFA0] =	vst v10;
	v9 =	vld [tilespmem:s10+$0xFFFFBFF0]  }
0x1d3: {  	s12 =	simm.s32 $0x0;
	s13 =	simm.s32 $0x7470;
	s11 =	simm.s32 $0xB370;
	v10 =	vld [tilespmem:s10+$0xFFFFBF90];
	[tilespmem:s10+$0xFFFFFFB0] =	vst v11  }
.LBB2_61:
0x1d4: {  	v11 =	vld [tilespmem:s13+$0xFFFFC000];
	s12 =	sadd.s32 $0x8, s12;
	[tilespmem:s10+$0xFFFFFFC0] =	vst v7  }
0x1d5: {  	v12 =	vld [tilespmem:s13+$0xFFFFBFA0];
	p3 =	slt.u32 s12, $0x1F8;
	[tilespmem:s10+$0xFFFFFFD0] =	vst v6  }
0x1d6: {  	v13 =	vld [tilespmem:s13+$0xFFFFBFB0];
	[tilespmem:s10+$0xFFFFFFE0] =	vst v8  }
.Ltmp30:
0x1d7: {  	v7 =	vld [tilespmem:s13+$0xFFFFBFC0];
	[tilespmem:s10+$0xFFFFFFF0] =	vst v9;
	(pc) =	sbr.rel @p3 .LBB2_61-.Ltmp30, $4  }
0x1d8: {  	v6 =	vld [tilespmem:s13+$0xFFFFBFD0];
	[tilespmem:s10+$0xFFFFFF90] =	vst v10;
	s10 =	smov.u32 s13  }
0x1d9: {  	v8 =	vld [tilespmem:s13+$0xFFFFBFE0];
	[tilespmem:s13+$0x0] =	vst v11  }
0x1da: {  	[tilespmem:s13+$0xFFFFFFA0] =	vst v12;
	v9 =	vld [tilespmem:s13+$0xFFFFBFF0]  }
0x1db: {  	s13 =	sadd.s32 $0x100, s13;
	v10 =	vld [tilespmem:s10+$0xFFFFBF90];
	[tilespmem:s10+$0xFFFFFFB0] =	vst v13  }
0x1dc: {  	[tilespmem:s10+$0xFFFFFFC0] =	vst v7  }
0x1dd: {  	[tilespmem:s10+$0xFFFFFFD0] =	vst v6  }
0x1de: {  	[tilespmem:s10+$0xFFFFFFE0] =	vst v8  }
0x1df: {  	[tilespmem:s10+$0xFFFFFFF0] =	vst v9  }
0x1e0: {  	[tilespmem:s10+$0xFFFFFF90] =	vst v10  }
0x1e1: {  	v9 =	vld [tilespmem:s11+$0xFFFF8000]  }
0x1e2: {  	v10 =	vld [tilespmem:s11+$0xFFFF7FA0]  }
0x1e3: {  	v11 =	vld [tilespmem:s11+$0xFFFF7FB0]  }
0x1e4: {  	v7 =	vld [tilespmem:s11+$0xFFFF7FC0]  }
0x1e5: {  	v6 =	vld [tilespmem:s11+$0xFFFF7FD0]  }
0x1e6: {  	v8 =	vld [tilespmem:s11+$0xFFFF7FE0];
	[tilespmem:s11+$0x0] =	vst v9  }
0x1e7: {  	[tilespmem:s11+$0xFFFFFFA0] =	vst v10;
	v10 =	vld [tilespmem:s11+$0xFFFF7FF0]  }
0x1e8: {  	s12 =	simm.s32 $0xB470;
	s10 =	simm.s32 $0x0;
	v9 =	vld [tilespmem:s11+$0xFFFF7F90];
	[tilespmem:s11+$0xFFFFFFB0] =	vst v11  }
.LBB2_63:
0x1e9: {  	v11 =	vld [tilespmem:s12+$0xFFFF8000];
	s10 =	sadd.s32 $0x8, s10;
	[tilespmem:s11+$0xFFFFFFC0] =	vst v7  }
0x1ea: {  	v12 =	vld [tilespmem:s12+$0xFFFF7FA0];
	p3 =	slt.u32 s10, $0x3F8;
	[tilespmem:s11+$0xFFFFFFD0] =	vst v6  }
0x1eb: {  	v13 =	vld [tilespmem:s12+$0xFFFF7FB0];
	[tilespmem:s11+$0xFFFFFFE0] =	vst v8  }
.Ltmp31:
0x1ec: {  	v7 =	vld [tilespmem:s12+$0xFFFF7FC0];
	[tilespmem:s11+$0xFFFFFFF0] =	vst v10;
	(pc) =	sbr.rel @p3 .LBB2_63-.Ltmp31, $4  }
0x1ed: {  	v6 =	vld [tilespmem:s12+$0xFFFF7FD0];
	[tilespmem:s11+$0xFFFFFF90] =	vst v9;
	s11 =	smov.u32 s12  }
0x1ee: {  	v8 =	vld [tilespmem:s12+$0xFFFF7FE0];
	[tilespmem:s12+$0x0] =	vst v11  }
0x1ef: {  	[tilespmem:s12+$0xFFFFFFA0] =	vst v12;
	v10 =	vld [tilespmem:s12+$0xFFFF7FF0]  }
0x1f0: {  	s12 =	sadd.s32 $0x100, s12;
	v9 =	vld [tilespmem:s11+$0xFFFF7F90];
	[tilespmem:s11+$0xFFFFFFB0] =	vst v13  }
0x1f1: {  	[tilespmem:s11+$0xFFFFFFC0] =	vst v7  }
0x1f2: {  	[tilespmem:s11+$0xFFFFFFD0] =	vst v6  }
0x1f3: {  	[tilespmem:s11+$0xFFFFFFE0] =	vst v8  }
0x1f4: {  	s10 =	simm.s32 $0x3300;
	[tilespmem:s11+$0xFFFFFFF0] =	vst v10  }
0x1f5: {  	s13 =	sadd.s32 $0x0, s20;
	s12 =	simm.s32 $0x3400;
	[tilespmem:s11+$0xFFFFFF90] =	vst v9;
	s11 =	simm.s32 $0x10  }
.LBB2_65:
0x1f6: {  	[hbm4b:s13+s3] =	stream.linear.scatter [tilespmem:s10], [sflag:$0x2], $0x80, $0x38;
	[tilespmem:$0x13280] =	vst v63  }
0x1f7: {  	s13 =	smov.u32 s11;
	s10 =	smov.u32 s12;
	p3 =	sne.s32 s11, $0xFF0  }
.Ltmp32:
0x1f8: {  	s11 =	sadd.s32 $0x10, s11;
	(pc) =	sbr.rel @p3 .LBB2_65-.Ltmp32, $2  }
0x1f9: {  	_ =	sdelay $0x2  }
0x1fa: {  	s12 =	sadd.s32 $0x100, s12;
	s13 =	sadd.s32 s13, s20  }
0x1fb: {  	[hbm4b:s13+s3] =	stream.linear.scatter [tilespmem:s10], [sflag:$0x2], $0x80, $0x38;
	[tilespmem:$0x13280] =	vst v63  }
0x1fc: {  	s10 =	simm.s32 $0x3300  }
0x1fd: {  	s11 =	simm.s32 $0x10;
	s13 =	sadd.s32 $0x0, s22;
	s12 =	simm.s32 $0x3400  }
.LBB2_67:
0x1fe: {  	[hbm4b:s13+s3] =	stream.linear.scatter [tilespmem:s10], [sflag:$0x2], $0x80, $0x38;
	[tilespmem:$0x13280] =	vst v63  }
0x1ff: {  	s13 =	smov.u32 s11;
	s10 =	smov.u32 s12;
	p3 =	sne.s32 s11, $0xFF0  }
.Ltmp33:
0x200: {  	s11 =	sadd.s32 $0x10, s11;
	(pc) =	sbr.rel @p3 .LBB2_67-.Ltmp33, $2  }
0x201: {  	_ =	sdelay $0x2  }
0x202: {  	s12 =	sadd.s32 $0x100, s12;
	s13 =	sadd.s32 s13, s22  }
0x203: {  	[hbm4b:s13+s3] =	stream.linear.scatter [tilespmem:s10], [sflag:$0x2], $0x80, $0x38;
	[tilespmem:$0x13280] =	vst v63  }
0x204: {  	s10 =	simm.s32 $0x3300  }
0x205: {  	s11 =	simm.s32 $0x10;
	s13 =	sadd.s32 $0x0, s24;
	s12 =	simm.s32 $0x3400  }
.LBB2_69:
0x206: {  	[hbm4b:s13+s3] =	stream.linear.scatter [tilespmem:s10], [sflag:$0x2], $0x80, $0x38;
	[tilespmem:$0x13280] =	vst v63  }
0x207: {  	s13 =	smov.u32 s11;
	s10 =	smov.u32 s12;
	p3 =	sne.s32 s11, $0xFF0  }
.Ltmp34:
0x208: {  	s11 =	sadd.s32 $0x10, s11;
	(pc) =	sbr.rel @p3 .LBB2_69-.Ltmp34, $2  }
0x209: {  	_ =	sdelay $0x2  }
0x20a: {  	s12 =	sadd.s32 $0x100, s12;
	s13 =	sadd.s32 s13, s24  }
0x20b: {  	[hbm4b:s13+s3] =	stream.linear.scatter [tilespmem:s10], [sflag:$0x2], $0x80, $0x38;
	[tilespmem:$0x13280] =	vst v63  }
0x20c: {  	s10 =	simm.s32 $0x3300  }
0x20d: {  	s11 =	simm.s32 $0x10;
	s13 =	sadd.s32 $0x0, s26;
	s12 =	simm.s32 $0x3400  }
.LBB2_71:
0x20e: {  	[hbm4b:s13+s3] =	stream.linear.scatter [tilespmem:s10], [sflag:$0x2], $0x80, $0x38;
	[tilespmem:$0x13280] =	vst v63  }
0x20f: {  	s13 =	smov.u32 s11;
	s10 =	smov.u32 s12;
	p3 =	sne.s32 s11, $0xFF0  }
.Ltmp35:
0x210: {  	s11 =	sadd.s32 $0x10, s11;
	(pc) =	sbr.rel @p3 .LBB2_71-.Ltmp35, $2  }
0x211: {  	_ =	sdelay $0x2  }
0x212: {  	s12 =	sadd.s32 $0x100, s12;
	s13 =	sadd.s32 s13, s26  }
0x213: {  	[hbm4b:s13+s3] =	stream.linear.scatter [tilespmem:s10], [sflag:$0x2], $0x80, $0x38;
	[tilespmem:$0x13280] =	vst v63  }
0x214: {  	s11 =	simm.s32 $0x1  }
0x215: {  	_ =	swait.ge [sflag:s11], $0x8000  }
0x216: {  	[sflag:s11] =	ssyncset.done $0x0  }
0x217: {  	[sflag:s11] =	ssyncadd.s32 $0xFFFF8000  }
0x218: {  	_ =	swait.ge [sflag:s11], $0x8000  }
0x219: {  	[sflag:s11] =	ssyncset.done $0x0  }
0x21a: {  	[sflag:s11] =	ssyncadd.s32 $0xFFFF8000  }
0x21b: {  	s13 =	sadd.s32 $0x0, s28;
	_ =	swait.ge [sflag:s11], $0x8000  }
0x21c: {  	v6 =	vmov s13;
	[sflag:s11] =	ssyncset.done $0x0  }
0x21d: {  	[sflag:s11] =	ssyncadd.s32 $0xFFFF8000  }
0x21e: {  	_ =	swait.ge [sflag:s11], $0x8000  }
0x21f: {  	[sflag:s11] =	ssyncset.done $0x0  }
0x220: {  	[sflag:s11] =	ssyncadd.s32 $0xFFFF8000  }
0x221: {  	v6 =	vld.idx.msk [tilespmem:v6+s3+$0x0], $0xffff  }
0x222: {  	s15 =	sadd.s32 $0x56, s28  }
0x223: {  	s10 =	simm.s32 $0x0;
	v7 =	vmov s15  }
0x224: {  	s16 =	sand.u32 $0x60, s10;
	s12 =	sand.u32 $0x700, s10  }
0x225: {  	s11 =	sor.u32 s16, s12  }
0x226: {  	[tilespmem:s11+$0x3280] =	vst v6  }
0x227: {  	[tilespmem:s11+$0x3290] =	vst v6  }
0x228: {  	v6 =	vld.idx.msk [tilespmem:v7+s3+$0x0], $0xffff  }
0x229: {  	s13 =	sadd.s32 $0xAC, s28;
	s12 =	simm.s32 $0x102;
	s11 =	simm.s32 $0x0  }
.LBB2_73:
0x22a: {  	p3 =	sne.s32 s12, $0xA6A;
	v7 =	vmov s13;
	s10 =	sadd.s32 $0x40, s10;
	s11 =	sadd.s32 $0x20, s11  }
0x22b: {  	s13 =	sand.u32 $0x60, s11;
	s15 =	sand.u32 $0x700, s10  }
0x22c: {  	s13 =	sor.u32 s13, s15  }
.Ltmp36:
0x22d: {  	[tilespmem:s13+$0x3280] =	vst v6;
	(pc) =	sbr.rel @p3 .LBB2_73-.Ltmp36, $3  }
0x22e: {  	[tilespmem:s13+$0x3290] =	vst v6  }
0x22f: {  	v6 =	vld.idx.msk [tilespmem:v7+s3+$0x0], $0xffff;
	_ =	sdelay $0x1  }
0x230: {  	s13 =	sadd.s32 s28, s12;
	s12 =	sadd.s32 $0x56, s12  }
0x231: {  	v7 =	vmov s13;
	s10 =	sadd.s32 $0x40, s10;
	s11 =	sadd.s32 $0x20, s11  }
0x232: {  	s12 =	sand.u32 $0x60, s11;
	s16 =	sand.u32 $0x700, s10  }
0x233: {  	s12 =	sor.u32 s12, s16  }
0x234: {  	[tilespmem:s12+$0x3280] =	vst v6  }
0x235: {  	[tilespmem:s12+$0x3290] =	vst v6  }
0x236: {  	v6 =	vld.idx.msk [tilespmem:v7+s3+$0x0], $0xffff;
	_ =	sdelay $0x1  }
0x237: {  	s10 =	sadd.s32 $0x40, s10;
	s11 =	sadd.s32 $0x20, s11  }
0x238: {  	s11 =	sand.u32 $0x60, s11;
	s10 =	sand.u32 $0x700, s10  }
0x239: {  	s10 =	sor.u32 s11, s10  }
0x23a: {  	[tilespmem:s10+$0x3280] =	vst v6  }
0x23b: {  	s11 =	simm.s32 $0x3A80;
	[tilespmem:s10+$0x3290] =	vst v6  }
0x23c: {  	v9 =	vld [tilespmem:s11+$0xFFFFF870]  }
0x23d: {  	v10 =	vld [tilespmem:s11+$0xFFFFF810]  }
0x23e: {  	v11 =	vld [tilespmem:s11+$0xFFFFF820]  }
0x23f: {  	v7 =	vld [tilespmem:s11+$0xFFFFF830]  }
0x240: {  	v6 =	vld [tilespmem:s11+$0xFFFFF840]  }
0x241: {  	v8 =	vld [tilespmem:s11+$0xFFFFF850];
	[tilespmem:s11+$0x70] =	vst v9  }
0x242: {  	[tilespmem:s11+$0x10] =	vst v10;
	v9 =	vld [tilespmem:s11+$0xFFFFF860]  }
0x243: {  	s13 =	simm.s32 $0x3B80;
	s12 =	simm.s32 $0x0;
	s10 =	simm.s32 $0x4280;
	v10 =	vld [tilespmem:s11+$0xFFFFF800];
	[tilespmem:s11+$0x20] =	vst v11  }
.LBB2_75:
0x244: {  	v11 =	vld [tilespmem:s13+$0xFFFFF870];
	s12 =	sadd.s32 $0x8, s12;
	[tilespmem:s11+$0x30] =	vst v7  }
0x245: {  	v12 =	vld [tilespmem:s13+$0xFFFFF810];
	p3 =	slt.u32 s12, $0x38;
	[tilespmem:s11+$0x40] =	vst v6  }
0x246: {  	v13 =	vld [tilespmem:s13+$0xFFFFF820];
	[tilespmem:s11+$0x50] =	vst v8  }
.Ltmp37:
0x247: {  	v7 =	vld [tilespmem:s13+$0xFFFFF830];
	[tilespmem:s11+$0x60] =	vst v9;
	(pc) =	sbr.rel @p3 .LBB2_75-.Ltmp37, $4  }
0x248: {  	v6 =	vld [tilespmem:s13+$0xFFFFF840];
	[tilespmem:s11+$0x0] =	vst v10;
	s11 =	smov.u32 s13  }
0x249: {  	v8 =	vld [tilespmem:s13+$0xFFFFF850];
	[tilespmem:s13+$0x70] =	vst v11  }
0x24a: {  	[tilespmem:s13+$0x10] =	vst v12;
	v9 =	vld [tilespmem:s13+$0xFFFFF860]  }
0x24b: {  	s13 =	sadd.s32 $0x100, s13;
	v10 =	vld [tilespmem:s11+$0xFFFFF800];
	[tilespmem:s11+$0x20] =	vst v13  }
0x24c: {  	[tilespmem:s11+$0x30] =	vst v7  }
0x24d: {  	[tilespmem:s11+$0x40] =	vst v6  }
0x24e: {  	[tilespmem:s11+$0x50] =	vst v8  }
0x24f: {  	[tilespmem:s11+$0x60] =	vst v9  }
0x250: {  	[tilespmem:s11+$0x0] =	vst v10  }
0x251: {  	v9 =	vld [tilespmem:s10+$0xFFFFF070]  }
0x252: {  	v10 =	vld [tilespmem:s10+$0xFFFFF010]  }
0x253: {  	v11 =	vld [tilespmem:s10+$0xFFFFF020];
	_ =	sdelay $0x1  }
0x254: {  	v7 =	vld [tilespmem:s10+$0xFFFFF030]  }
0x255: {  	v6 =	vld [tilespmem:s10+$0xFFFFF040];
	[tilespmem:s10+$0x70] =	vst v9  }
0x256: {  	v8 =	vld [tilespmem:s10+$0xFFFFF050];
	[tilespmem:s10+$0x10] =	vst v10  }
0x257: {  	s12 =	simm.s32 $0x0;
	v9 =	vld [tilespmem:s10+$0xFFFFF060];
	[tilespmem:s10+$0x20] =	vst v11  }
0x258: {  	s13 =	simm.s32 $0x4380;
	s11 =	simm.s32 $0x5280;
	v10 =	vld [tilespmem:s10+$0xFFFFF000];
	s15 =	rddreg [dreg:$0x5]  }
.LBB2_77:
0x259: {  	v11 =	vld [tilespmem:s13+$0xFFFFF070];
	s12 =	sadd.s32 $0x8, s12;
	[tilespmem:s10+$0x30] =	vst v7  }
0x25a: {  	v12 =	vld [tilespmem:s13+$0xFFFFF010];
	p3 =	slt.u32 s12, $0x78;
	[tilespmem:s10+$0x40] =	vst v6  }
0x25b: {  	v13 =	vld [tilespmem:s13+$0xFFFFF020];
	[tilespmem:s10+$0x50] =	vst v8  }
.Ltmp38:
0x25c: {  	v7 =	vld [tilespmem:s13+$0xFFFFF030];
	[tilespmem:s10+$0x60] =	vst v9;
	(pc) =	sbr.rel @p3 .LBB2_77-.Ltmp38, $4  }
0x25d: {  	v6 =	vld [tilespmem:s13+$0xFFFFF040];
	[tilespmem:s10+$0x0] =	vst v10;
	s10 =	smov.u32 s13  }
0x25e: {  	v8 =	vld [tilespmem:s13+$0xFFFFF050];
	[tilespmem:s13+$0x70] =	vst v11  }
0x25f: {  	[tilespmem:s13+$0x10] =	vst v12;
	v9 =	vld [tilespmem:s13+$0xFFFFF060]  }
0x260: {  	s13 =	sadd.s32 $0x100, s13;
	v10 =	vld [tilespmem:s10+$0xFFFFF000];
	[tilespmem:s10+$0x20] =	vst v13  }
0x261: {  	[tilespmem:s10+$0x30] =	vst v7  }
0x262: {  	[tilespmem:s10+$0x40] =	vst v6  }
0x263: {  	[tilespmem:s10+$0x50] =	vst v8  }
0x264: {  	[tilespmem:s10+$0x60] =	vst v9  }
0x265: {  	[tilespmem:s10+$0x0] =	vst v10  }
0x266: {  	v9 =	vld [tilespmem:s11+$0xFFFFE070]  }
0x267: {  	v10 =	vld [tilespmem:s11+$0xFFFFE010]  }
0x268: {  	v11 =	vld [tilespmem:s11+$0xFFFFE020]  }
0x269: {  	v7 =	vld [tilespmem:s11+$0xFFFFE030]  }
0x26a: {  	v6 =	vld [tilespmem:s11+$0xFFFFE040]  }
0x26b: {  	v8 =	vld [tilespmem:s11+$0xFFFFE050];
	[tilespmem:s11+$0x70] =	vst v9  }
0x26c: {  	[tilespmem:s11+$0x10] =	vst v10;
	v9 =	vld [tilespmem:s11+$0xFFFFE060]  }
0x26d: {  	s12 =	simm.s32 $0x0;
	s13 =	simm.s32 $0x5380;
	s10 =	simm.s32 $0x72F0;
	v10 =	vld [tilespmem:s11+$0xFFFFE000];
	[tilespmem:s11+$0x20] =	vst v11  }
.LBB2_79:
0x26e: {  	v11 =	vld [tilespmem:s13+$0xFFFFE070];
	s12 =	sadd.s32 $0x8, s12;
	[tilespmem:s11+$0x30] =	vst v7  }
0x26f: {  	v12 =	vld [tilespmem:s13+$0xFFFFE010];
	p3 =	slt.u32 s12, $0xF8;
	[tilespmem:s11+$0x40] =	vst v6  }
0x270: {  	v13 =	vld [tilespmem:s13+$0xFFFFE020];
	[tilespmem:s11+$0x50] =	vst v8  }
.Ltmp39:
0x271: {  	v7 =	vld [tilespmem:s13+$0xFFFFE030];
	[tilespmem:s11+$0x60] =	vst v9;
	(pc) =	sbr.rel @p3 .LBB2_79-.Ltmp39, $4  }
0x272: {  	v6 =	vld [tilespmem:s13+$0xFFFFE040];
	[tilespmem:s11+$0x0] =	vst v10;
	s11 =	smov.u32 s13  }
0x273: {  	v8 =	vld [tilespmem:s13+$0xFFFFE050];
	[tilespmem:s13+$0x70] =	vst v11  }
0x274: {  	[tilespmem:s13+$0x10] =	vst v12;
	v9 =	vld [tilespmem:s13+$0xFFFFE060]  }
0x275: {  	s13 =	sadd.s32 $0x100, s13;
	v10 =	vld [tilespmem:s11+$0xFFFFE000];
	[tilespmem:s11+$0x20] =	vst v13  }
0x276: {  	[tilespmem:s11+$0x30] =	vst v7  }
0x277: {  	[tilespmem:s11+$0x40] =	vst v6  }
0x278: {  	[tilespmem:s11+$0x50] =	vst v8  }
0x279: {  	[tilespmem:s11+$0x60] =	vst v9  }
0x27a: {  	[tilespmem:s11+$0x0] =	vst v10  }
0x27b: {  	v9 =	vld [tilespmem:s10+$0xFFFFC000]  }
0x27c: {  	v10 =	vld [tilespmem:s10+$0xFFFFBFA0]  }
0x27d: {  	v11 =	vld [tilespmem:s10+$0xFFFFBFB0]  }
0x27e: {  	v7 =	vld [tilespmem:s10+$0xFFFFBFC0]  }
0x27f: {  	v6 =	vld [tilespmem:s10+$0xFFFFBFD0]  }
0x280: {  	v8 =	vld [tilespmem:s10+$0xFFFFBFE0];
	[tilespmem:s10+$0x0] =	vst v9  }
0x281: {  	[tilespmem:s10+$0xFFFFFFA0] =	vst v10;
	v9 =	vld [tilespmem:s10+$0xFFFFBFF0]  }
0x282: {  	s12 =	simm.s32 $0x0;
	s13 =	simm.s32 $0x73F0;
	s11 =	simm.s32 $0xB2F0;
	v10 =	vld [tilespmem:s10+$0xFFFFBF90];
	[tilespmem:s10+$0xFFFFFFB0] =	vst v11  }
.LBB2_81:
0x283: {  	v11 =	vld [tilespmem:s13+$0xFFFFC000];
	s12 =	sadd.s32 $0x8, s12;
	[tilespmem:s10+$0xFFFFFFC0] =	vst v7  }
0x284: {  	v12 =	vld [tilespmem:s13+$0xFFFFBFA0];
	p3 =	slt.u32 s12, $0x1F8;
	[tilespmem:s10+$0xFFFFFFD0] =	vst v6  }
0x285: {  	v13 =	vld [tilespmem:s13+$0xFFFFBFB0];
	[tilespmem:s10+$0xFFFFFFE0] =	vst v8  }
.Ltmp40:
0x286: {  	v7 =	vld [tilespmem:s13+$0xFFFFBFC0];
	[tilespmem:s10+$0xFFFFFFF0] =	vst v9;
	(pc) =	sbr.rel @p3 .LBB2_81-.Ltmp40, $4  }
0x287: {  	v6 =	vld [tilespmem:s13+$0xFFFFBFD0];
	[tilespmem:s10+$0xFFFFFF90] =	vst v10;
	s10 =	smov.u32 s13  }
0x288: {  	v8 =	vld [tilespmem:s13+$0xFFFFBFE0];
	[tilespmem:s13+$0x0] =	vst v11  }
0x289: {  	[tilespmem:s13+$0xFFFFFFA0] =	vst v12;
	v9 =	vld [tilespmem:s13+$0xFFFFBFF0]  }
0x28a: {  	s13 =	sadd.s32 $0x100, s13;
	v10 =	vld [tilespmem:s10+$0xFFFFBF90];
	[tilespmem:s10+$0xFFFFFFB0] =	vst v13  }
0x28b: {  	[tilespmem:s10+$0xFFFFFFC0] =	vst v7  }
0x28c: {  	[tilespmem:s10+$0xFFFFFFD0] =	vst v6  }
0x28d: {  	[tilespmem:s10+$0xFFFFFFE0] =	vst v8  }
0x28e: {  	[tilespmem:s10+$0xFFFFFFF0] =	vst v9  }
0x28f: {  	[tilespmem:s10+$0xFFFFFF90] =	vst v10  }
0x290: {  	v9 =	vld [tilespmem:s11+$0xFFFF8000]  }
0x291: {  	v10 =	vld [tilespmem:s11+$0xFFFF7FA0]  }
0x292: {  	v11 =	vld [tilespmem:s11+$0xFFFF7FB0]  }
0x293: {  	v7 =	vld [tilespmem:s11+$0xFFFF7FC0]  }
0x294: {  	v6 =	vld [tilespmem:s11+$0xFFFF7FD0]  }
0x295: {  	v8 =	vld [tilespmem:s11+$0xFFFF7FE0];
	[tilespmem:s11+$0x0] =	vst v9  }
0x296: {  	[tilespmem:s11+$0xFFFFFFA0] =	vst v10;
	v10 =	vld [tilespmem:s11+$0xFFFF7FF0]  }
0x297: {  	s12 =	simm.s32 $0xB3F0;
	s10 =	simm.s32 $0x0;
	v9 =	vld [tilespmem:s11+$0xFFFF7F90];
	[tilespmem:s11+$0xFFFFFFB0] =	vst v11  }
.LBB2_83:
0x298: {  	v11 =	vld [tilespmem:s12+$0xFFFF8000];
	s10 =	sadd.s32 $0x8, s10;
	[tilespmem:s11+$0xFFFFFFC0] =	vst v7  }
0x299: {  	v12 =	vld [tilespmem:s12+$0xFFFF7FA0];
	p3 =	slt.u32 s10, $0x3F8;
	[tilespmem:s11+$0xFFFFFFD0] =	vst v6  }
0x29a: {  	v13 =	vld [tilespmem:s12+$0xFFFF7FB0];
	[tilespmem:s11+$0xFFFFFFE0] =	vst v8  }
.Ltmp41:
0x29b: {  	v7 =	vld [tilespmem:s12+$0xFFFF7FC0];
	[tilespmem:s11+$0xFFFFFFF0] =	vst v10;
	(pc) =	sbr.rel @p3 .LBB2_83-.Ltmp41, $4  }
0x29c: {  	v6 =	vld [tilespmem:s12+$0xFFFF7FD0];
	[tilespmem:s11+$0xFFFFFF90] =	vst v9;
	s11 =	smov.u32 s12  }
0x29d: {  	v8 =	vld [tilespmem:s12+$0xFFFF7FE0];
	[tilespmem:s12+$0x0] =	vst v11  }
0x29e: {  	[tilespmem:s12+$0xFFFFFFA0] =	vst v12;
	v10 =	vld [tilespmem:s12+$0xFFFF7FF0]  }
0x29f: {  	s12 =	sadd.s32 $0x100, s12;
	v9 =	vld [tilespmem:s11+$0xFFFF7F90];
	[tilespmem:s11+$0xFFFFFFB0] =	vst v13  }
0x2a0: {  	[tilespmem:s11+$0xFFFFFFC0] =	vst v7  }
0x2a1: {  	[tilespmem:s11+$0xFFFFFFD0] =	vst v6  }
0x2a2: {  	[tilespmem:s11+$0xFFFFFFE0] =	vst v8  }
0x2a3: {  	s10 =	simm.s32 $0x3280;
	[tilespmem:s11+$0xFFFFFFF0] =	vst v10  }
0x2a4: {  	s13 =	sadd.s32 $0x0, s29;
	s12 =	simm.s32 $0x3380;
	[tilespmem:s11+$0xFFFFFF90] =	vst v9;
	s11 =	simm.s32 $0x10  }
.LBB2_85:
0x2a5: {  	[hbm4b:s13+s3] =	stream.linear.scatter [tilespmem:s10], [sflag:$0x1], $0x80, $0x38;
	[tilespmem:$0x13280] =	vst v63  }
0x2a6: {  	s13 =	smov.u32 s11;
	s10 =	smov.u32 s12;
	p3 =	sne.s32 s11, $0xFF0  }
.Ltmp42:
0x2a7: {  	s11 =	sadd.s32 $0x10, s11;
	(pc) =	sbr.rel @p3 .LBB2_85-.Ltmp42, $2  }
0x2a8: {  	_ =	sdelay $0x2  }
0x2a9: {  	s12 =	sadd.s32 $0x100, s12;
	s13 =	sadd.s32 s13, s29  }
0x2aa: {  	[hbm4b:s13+s3] =	stream.linear.scatter [tilespmem:s10], [sflag:$0x1], $0x80, $0x38;
	[tilespmem:$0x13280] =	vst v63  }
0x2ab: {  	s10 =	simm.s32 $0x3280  }
0x2ac: {  	s11 =	simm.s32 $0x10;
	s13 =	sadd.s32 $0x0, s30;
	s12 =	simm.s32 $0x3380  }
.LBB2_87:
0x2ad: {  	[hbm4b:s13+s3] =	stream.linear.scatter [tilespmem:s10], [sflag:$0x1], $0x80, $0x38;
	[tilespmem:$0x13280] =	vst v63  }
0x2ae: {  	s13 =	smov.u32 s11;
	s10 =	smov.u32 s12;
	p3 =	sne.s32 s11, $0xFF0  }
.Ltmp43:
0x2af: {  	s11 =	sadd.s32 $0x10, s11;
	(pc) =	sbr.rel @p3 .LBB2_87-.Ltmp43, $2  }
0x2b0: {  	_ =	sdelay $0x2  }
0x2b1: {  	s12 =	sadd.s32 $0x100, s12;
	s13 =	sadd.s32 s13, s30  }
0x2b2: {  	[hbm4b:s13+s3] =	stream.linear.scatter [tilespmem:s10], [sflag:$0x1], $0x80, $0x38;
	[tilespmem:$0x13280] =	vst v63  }
0x2b3: {  	s10 =	simm.s32 $0x3280  }
0x2b4: {  	s11 =	simm.s32 $0x10;
	s13 =	sadd.s32 $0x0, s31;
	s12 =	simm.s32 $0x3380  }
.LBB2_89:
0x2b5: {  	[hbm4b:s13+s3] =	stream.linear.scatter [tilespmem:s10], [sflag:$0x1], $0x80, $0x38;
	[tilespmem:$0x13280] =	vst v63  }
0x2b6: {  	s13 =	smov.u32 s11;
	s10 =	smov.u32 s12;
	p3 =	sne.s32 s11, $0xFF0  }
.Ltmp44:
0x2b7: {  	s11 =	sadd.s32 $0x10, s11;
	(pc) =	sbr.rel @p3 .LBB2_89-.Ltmp44, $2  }
0x2b8: {  	_ =	sdelay $0x2  }
0x2b9: {  	s12 =	sadd.s32 $0x100, s12;
	s13 =	sadd.s32 s13, s31  }
0x2ba: {  	[hbm4b:s13+s3] =	stream.linear.scatter [tilespmem:s10], [sflag:$0x1], $0x80, $0x38;
	[tilespmem:$0x13280] =	vst v63  }
0x2bb: {  	s10 =	simm.s32 $0x3280  }
0x2bc: {  	s11 =	simm.s32 $0x10;
	s13 =	sadd.s32 $0x0, s0;
	s12 =	simm.s32 $0x3380  }
.LBB2_91:
0x2bd: {  	[hbm4b:s13+s3] =	stream.linear.scatter [tilespmem:s10], [sflag:$0x1], $0x80, $0x38;
	[tilespmem:$0x13280] =	vst v63  }
0x2be: {  	s13 =	smov.u32 s11;
	s10 =	smov.u32 s12;
	p3 =	sne.s32 s11, $0xFF0  }
.Ltmp45:
0x2bf: {  	s11 =	sadd.s32 $0x10, s11;
	(pc) =	sbr.rel @p3 .LBB2_91-.Ltmp45, $2  }
0x2c0: {  	_ =	sdelay $0x2  }
0x2c1: {  	s12 =	sadd.s32 $0x100, s12;
	s13 =	sadd.s32 s13, s0  }
0x2c2: {  	[hbm4b:s13+s3] =	stream.linear.scatter [tilespmem:s10], [sflag:$0x1], $0x80, $0x38;
	[tilespmem:$0x13280] =	vst v63  }
0x2c3: {  	s16 =	simm.s32 $0x2  }
0x2c4: {  	_ =	swait.ge [sflag:s16], $0x8000  }
0x2c5: {  	[sflag:s16] =	ssyncset.done $0x0  }
0x2c6: {  	[sflag:s16] =	ssyncadd.s32 $0xFFFF8000  }
0x2c7: {  	_ =	swait.ge [sflag:s16], $0x8000  }
0x2c8: {  	[sflag:s16] =	ssyncset.done $0x0  }
0x2c9: {  	[sflag:s16] =	ssyncadd.s32 $0xFFFF8000  }
0x2ca: {  	_ =	swait.ge [sflag:s16], $0x8000  }
.Ltmp46:
0x2cb: {  	[sflag:s16] =	ssyncset.done $0x0;
	(pc) =	sbr.rel @!p1 .LBB2_93-.Ltmp46, $4  }
0x2cc: {  	[sflag:s16] =	ssyncadd.s32 $0xFFFF8000  }
0x2cd: {  	_ =	swait.ge [sflag:s16], $0x8000  }
0x2ce: {  	[sflag:s16] =	ssyncset.done $0x0  }
0x2cf: {  	s10 =	simm.s32 $0x0;
	[sflag:s16] =	ssyncadd.s32 $0xFFFF8000  }
0x2d0: {  	_ =	sdelay $0x3  }
0x2d1: {  	v7 =	vld.idx.msk [tilespmem:v4+s3+$0x0], $0xffff  }
0x2d2: {  	v6 =	vld.idx.msk [tilespmem:v5+s3+$0x0], $0xffff;
	_ =	sdelay $0x2  }
0x2d3: {  	s10 =	simm.s32 $0x3400  }
0x2d4: {  	[tilespmem:s10+$0xFFFFFF00] =	vst v7  }
0x2d5: {  	[tilespmem:s10+$0x70] =	vst v6  }
0x2d6: {  	[tilespmem:s10+$0x60] =	vst v7  }
0x2d7: {  	[tilespmem:s10+$0x50] =	vst v6  }
0x2d8: {  	[tilespmem:s10+$0x40] =	vst v7  }
0x2d9: {  	[tilespmem:s10+$0x30] =	vst v6  }
0x2da: {  	[tilespmem:s10+$0x20] =	vst v7  }
0x2db: {  	[tilespmem:s10+$0x10] =	vst v6  }
0x2dc: {  	[tilespmem:s10+$0x0] =	vst v7  }
0x2dd: {  	[tilespmem:s10+$0xFFFFFF70] =	vst v6  }
0x2de: {  	[tilespmem:s10+$0xFFFFFF60] =	vst v7  }
0x2df: {  	[tilespmem:s10+$0xFFFFFF50] =	vst v6  }
0x2e0: {  	[tilespmem:s10+$0xFFFFFF40] =	vst v7  }
0x2e1: {  	[tilespmem:s10+$0xFFFFFF30] =	vst v6  }
0x2e2: {  	s11 =	simm.s32 $0x0;
	[tilespmem:s10+$0xFFFFFF20] =	vst v7  }
.LBB2_107:
0x2e3: {  	s11 =	sadd.s32 $0x8, s11;
	[tilespmem:s10+$0xFFFFFF10] =	vst v6;
	s10 =	sadd.s32 $0x200, s10  }
0x2e4: {  	[tilespmem:s10+$0xFFFFFF00] =	vst v7;
	p3 =	slt.u32 s11, $0x3F8  }
0x2e5: {  	[tilespmem:s10+$0x70] =	vst v6  }
0x2e6: {  	[tilespmem:s10+$0x60] =	vst v7  }
0x2e7: {  	[tilespmem:s10+$0x50] =	vst v6  }
0x2e8: {  	[tilespmem:s10+$0x40] =	vst v7  }
0x2e9: {  	[tilespmem:s10+$0x30] =	vst v6  }
0x2ea: {  	[tilespmem:s10+$0x20] =	vst v7  }
0x2eb: {  	[tilespmem:s10+$0x10] =	vst v6  }
0x2ec: {  	[tilespmem:s10+$0x0] =	vst v7  }
0x2ed: {  	[tilespmem:s10+$0xFFFFFF70] =	vst v6  }
.Ltmp47:
0x2ee: {  	[tilespmem:s10+$0xFFFFFF60] =	vst v7;
	(pc) =	sbr.rel @p3 .LBB2_107-.Ltmp47, $4  }
0x2ef: {  	[tilespmem:s10+$0xFFFFFF50] =	vst v6  }
0x2f0: {  	[tilespmem:s10+$0xFFFFFF40] =	vst v7  }
0x2f1: {  	[tilespmem:s10+$0xFFFFFF30] =	vst v6  }
0x2f2: {  	[tilespmem:s10+$0xFFFFFF20] =	vst v7  }
.Ltmp48:
0x2f3: {  	(pc) =	sbr.rel .LBB2_109-.Ltmp48, $2  }
0x2f4: {  	_ =	sdelay $0x2  }
0x2f5: {  	[tilespmem:s10+$0xFFFFFF10] =	vst v6  }
.LBB2_93:
0x2f6: {  	s15 =	rddreg [dreg:$0x4]  }
0x2f7: {  	s11 =	sadd.s32 s15, s10  }
0x2f8: {  	v6 =	vmov s11;
	_ =	sdelay $0x4  }
0x2f9: {  	s11 =	sadd.s32 $0x56, s10;
	v6 =	vld.idx.msk [tilespmem:v6+s3+$0x0], $0xffff  }
0x2fa: {  	s12 =	sadd.s32 s15, s11  }
0x2fb: {  	v7 =	vmov s12  }
0x2fc: {  	s16 =	sand.u32 $0x60, s10;
	s13 =	sand.u32 $0x700, s10  }
0x2fd: {  	s12 =	sor.u32 s16, s13  }
0x2fe: {  	[tilespmem:s12+$0x3300] =	vst v6  }
0x2ff: {  	s11 =	sadd.s32 $0x56, s11;
	[tilespmem:s12+$0x3310] =	vst v6  }
0x300: {  	s13 =	sadd.s32 s15, s11;
	s12 =	sadd.s32 $0x56, s11;
	s11 =	simm.s32 $0x0;
	v6 =	vld.idx.msk [tilespmem:v7+s3+$0x0], $0xffff  }
.LBB2_94:
0x301: {  	_ = 	snop  }
0x302: {  	p3 =	sne.s32 s12, $0xA6A;
	v7 =	vmov s13;
	s10 =	sadd.s32 $0x40, s10;
	s11 =	sadd.s32 $0x20, s11  }
.Ltmp49:
0x303: {  	s16 =	sand.u32 $0x60, s11;
	s15 =	sand.u32 $0x700, s10;
	(pc) =	sbr.rel @p3 .LBB2_94-.Ltmp49, $4  }
0x304: {  	s13 =	sor.u32 s16, s15  }
0x305: {  	[tilespmem:s13+$0x3300] =	vst v6  }
0x306: {  	s16 =	rddreg [dreg:$0x4];
	[tilespmem:s13+$0x3310] =	vst v6  }
0x307: {  	s13 =	sadd.s32 s16, s12;
	s12 =	sadd.s32 $0x56, s12;
	v6 =	vld.idx.msk [tilespmem:v7+s3+$0x0], $0xffff  }
0x308: {  	_ = 	snop  }
0x309: {  	v7 =	vmov s13;
	s10 =	sadd.s32 $0x40, s10;
	s11 =	sadd.s32 $0x20, s11  }
0x30a: {  	s12 =	sand.u32 $0x60, s11;
	s16 =	sand.u32 $0x700, s10  }
0x30b: {  	s12 =	sor.u32 s12, s16  }
0x30c: {  	[tilespmem:s12+$0x3300] =	vst v6  }
0x30d: {  	[tilespmem:s12+$0x3310] =	vst v6  }
0x30e: {  	v6 =	vld.idx.msk [tilespmem:v7+s3+$0x0], $0xffff;
	_ =	sdelay $0x1  }
0x30f: {  	s10 =	sadd.s32 $0x40, s10;
	s11 =	sadd.s32 $0x20, s11  }
0x310: {  	s11 =	sand.u32 $0x60, s11;
	s10 =	sand.u32 $0x700, s10  }
0x311: {  	s10 =	sor.u32 s11, s10  }
0x312: {  	[tilespmem:s10+$0x3300] =	vst v6  }
0x313: {  	s11 =	simm.s32 $0x3B00;
	[tilespmem:s10+$0x3310] =	vst v6  }
0x314: {  	v9 =	vld [tilespmem:s11+$0xFFFFF870]  }
0x315: {  	v10 =	vld [tilespmem:s11+$0xFFFFF810]  }
0x316: {  	v11 =	vld [tilespmem:s11+$0xFFFFF820]  }
0x317: {  	v7 =	vld [tilespmem:s11+$0xFFFFF830]  }
0x318: {  	v6 =	vld [tilespmem:s11+$0xFFFFF840]  }
0x319: {  	v8 =	vld [tilespmem:s11+$0xFFFFF850];
	[tilespmem:s11+$0x70] =	vst v9  }
0x31a: {  	[tilespmem:s11+$0x10] =	vst v10;
	v9 =	vld [tilespmem:s11+$0xFFFFF860]  }
0x31b: {  	s13 =	simm.s32 $0x3C00;
	s12 =	simm.s32 $0x0;
	v10 =	vld [tilespmem:s11+$0xFFFFF800];
	[tilespmem:s11+$0x20] =	vst v11  }
.LBB2_96:
0x31c: {  	v11 =	vld [tilespmem:s13+$0xFFFFF870];
	s12 =	sadd.s32 $0x8, s12;
	[tilespmem:s11+$0x30] =	vst v7  }
0x31d: {  	v12 =	vld [tilespmem:s13+$0xFFFFF810];
	p3 =	slt.u32 s12, $0x38;
	[tilespmem:s11+$0x40] =	vst v6  }
0x31e: {  	v13 =	vld [tilespmem:s13+$0xFFFFF820];
	[tilespmem:s11+$0x50] =	vst v8  }
.Ltmp50:
0x31f: {  	v7 =	vld [tilespmem:s13+$0xFFFFF830];
	[tilespmem:s11+$0x60] =	vst v9;
	(pc) =	sbr.rel @p3 .LBB2_96-.Ltmp50, $4  }
0x320: {  	v6 =	vld [tilespmem:s13+$0xFFFFF840];
	[tilespmem:s11+$0x0] =	vst v10;
	s11 =	smov.u32 s13  }
0x321: {  	s10 =	simm.s32 $0x4300;
	v8 =	vld [tilespmem:s13+$0xFFFFF850];
	[tilespmem:s13+$0x70] =	vst v11  }
0x322: {  	[tilespmem:s13+$0x10] =	vst v12;
	v9 =	vld [tilespmem:s13+$0xFFFFF860]  }
0x323: {  	s13 =	sadd.s32 $0x100, s13;
	v10 =	vld [tilespmem:s11+$0xFFFFF800];
	[tilespmem:s11+$0x20] =	vst v13  }
0x324: {  	[tilespmem:s11+$0x30] =	vst v7  }
0x325: {  	[tilespmem:s11+$0x40] =	vst v6  }
0x326: {  	[tilespmem:s11+$0x50] =	vst v8  }
0x327: {  	[tilespmem:s11+$0x60] =	vst v9  }
0x328: {  	[tilespmem:s11+$0x0] =	vst v10  }
0x329: {  	v9 =	vld [tilespmem:s10+$0xFFFFF070]  }
0x32a: {  	v10 =	vld [tilespmem:s10+$0xFFFFF010]  }
0x32b: {  	v11 =	vld [tilespmem:s10+$0xFFFFF020]  }
0x32c: {  	v7 =	vld [tilespmem:s10+$0xFFFFF030]  }
0x32d: {  	v6 =	vld [tilespmem:s10+$0xFFFFF040]  }
0x32e: {  	v8 =	vld [tilespmem:s10+$0xFFFFF050];
	[tilespmem:s10+$0x70] =	vst v9  }
0x32f: {  	[tilespmem:s10+$0x10] =	vst v10;
	v9 =	vld [tilespmem:s10+$0xFFFFF060]  }
0x330: {  	s12 =	simm.s32 $0x0;
	s13 =	simm.s32 $0x4400;
	v10 =	vld [tilespmem:s10+$0xFFFFF000];
	[tilespmem:s10+$0x20] =	vst v11  }
.LBB2_98:
0x331: {  	v11 =	vld [tilespmem:s13+$0xFFFFF070];
	s12 =	sadd.s32 $0x8, s12;
	[tilespmem:s10+$0x30] =	vst v7  }
0x332: {  	v12 =	vld [tilespmem:s13+$0xFFFFF010];
	p3 =	slt.u32 s12, $0x78;
	[tilespmem:s10+$0x40] =	vst v6  }
0x333: {  	v13 =	vld [tilespmem:s13+$0xFFFFF020];
	[tilespmem:s10+$0x50] =	vst v8  }
.Ltmp51:
0x334: {  	v7 =	vld [tilespmem:s13+$0xFFFFF030];
	[tilespmem:s10+$0x60] =	vst v9;
	(pc) =	sbr.rel @p3 .LBB2_98-.Ltmp51, $4  }
0x335: {  	v6 =	vld [tilespmem:s13+$0xFFFFF040];
	[tilespmem:s10+$0x0] =	vst v10;
	s10 =	smov.u32 s13  }
0x336: {  	s11 =	simm.s32 $0x5300;
	v8 =	vld [tilespmem:s13+$0xFFFFF050];
	[tilespmem:s13+$0x70] =	vst v11  }
0x337: {  	[tilespmem:s13+$0x10] =	vst v12;
	v9 =	vld [tilespmem:s13+$0xFFFFF060]  }
0x338: {  	s13 =	sadd.s32 $0x100, s13;
	v10 =	vld [tilespmem:s10+$0xFFFFF000];
	[tilespmem:s10+$0x20] =	vst v13  }
0x339: {  	[tilespmem:s10+$0x30] =	vst v7  }
0x33a: {  	[tilespmem:s10+$0x40] =	vst v6  }
0x33b: {  	[tilespmem:s10+$0x50] =	vst v8  }
0x33c: {  	[tilespmem:s10+$0x60] =	vst v9  }
0x33d: {  	[tilespmem:s10+$0x0] =	vst v10  }
0x33e: {  	v9 =	vld [tilespmem:s11+$0xFFFFE070]  }
0x33f: {  	v10 =	vld [tilespmem:s11+$0xFFFFE010]  }
0x340: {  	v11 =	vld [tilespmem:s11+$0xFFFFE020];
	_ =	sdelay $0x1  }
0x341: {  	v7 =	vld [tilespmem:s11+$0xFFFFE030]  }
0x342: {  	v6 =	vld [tilespmem:s11+$0xFFFFE040];
	[tilespmem:s11+$0x70] =	vst v9  }
0x343: {  	v8 =	vld [tilespmem:s11+$0xFFFFE050];
	[tilespmem:s11+$0x10] =	vst v10  }
0x344: {  	v9 =	vld [tilespmem:s11+$0xFFFFE060];
	[tilespmem:s11+$0x20] =	vst v11  }
0x345: {  	s12 =	simm.s32 $0x0;
	s13 =	simm.s32 $0x5400;
	v10 =	vld [tilespmem:s11+$0xFFFFE000];
	s15 =	rddreg [dreg:$0x5]  }
.LBB2_100:
0x346: {  	v11 =	vld [tilespmem:s13+$0xFFFFE070];
	s12 =	sadd.s32 $0x8, s12;
	[tilespmem:s11+$0x30] =	vst v7  }
0x347: {  	v12 =	vld [tilespmem:s13+$0xFFFFE010];
	p3 =	slt.u32 s12, $0xF8;
	[tilespmem:s11+$0x40] =	vst v6  }
0x348: {  	v13 =	vld [tilespmem:s13+$0xFFFFE020];
	[tilespmem:s11+$0x50] =	vst v8  }
.Ltmp52:
0x349: {  	v7 =	vld [tilespmem:s13+$0xFFFFE030];
	[tilespmem:s11+$0x60] =	vst v9;
	(pc) =	sbr.rel @p3 .LBB2_100-.Ltmp52, $4  }
0x34a: {  	v6 =	vld [tilespmem:s13+$0xFFFFE040];
	[tilespmem:s11+$0x0] =	vst v10;
	s11 =	smov.u32 s13  }
0x34b: {  	s10 =	simm.s32 $0x7370;
	v8 =	vld [tilespmem:s13+$0xFFFFE050];
	[tilespmem:s13+$0x70] =	vst v11  }
0x34c: {  	[tilespmem:s13+$0x10] =	vst v12;
	v9 =	vld [tilespmem:s13+$0xFFFFE060]  }
0x34d: {  	s13 =	sadd.s32 $0x100, s13;
	v10 =	vld [tilespmem:s11+$0xFFFFE000];
	[tilespmem:s11+$0x20] =	vst v13  }
0x34e: {  	[tilespmem:s11+$0x30] =	vst v7  }
0x34f: {  	[tilespmem:s11+$0x40] =	vst v6  }
0x350: {  	[tilespmem:s11+$0x50] =	vst v8  }
0x351: {  	[tilespmem:s11+$0x60] =	vst v9  }
0x352: {  	[tilespmem:s11+$0x0] =	vst v10  }
0x353: {  	v9 =	vld [tilespmem:s10+$0xFFFFC000]  }
0x354: {  	v10 =	vld [tilespmem:s10+$0xFFFFBFA0]  }
0x355: {  	v11 =	vld [tilespmem:s10+$0xFFFFBFB0]  }
0x356: {  	v7 =	vld [tilespmem:s10+$0xFFFFBFC0]  }
0x357: {  	v6 =	vld [tilespmem:s10+$0xFFFFBFD0]  }
0x358: {  	v8 =	vld [tilespmem:s10+$0xFFFFBFE0];
	[tilespmem:s10+$0x0] =	vst v9  }
0x359: {  	[tilespmem:s10+$0xFFFFFFA0] =	vst v10;
	v9 =	vld [tilespmem:s10+$0xFFFFBFF0]  }
0x35a: {  	s12 =	simm.s32 $0x0;
	s13 =	simm.s32 $0x7470;
	v10 =	vld [tilespmem:s10+$0xFFFFBF90];
	[tilespmem:s10+$0xFFFFFFB0] =	vst v11  }
.LBB2_102:
0x35b: {  	v11 =	vld [tilespmem:s13+$0xFFFFC000];
	s12 =	sadd.s32 $0x8, s12;
	[tilespmem:s10+$0xFFFFFFC0] =	vst v7  }
0x35c: {  	v12 =	vld [tilespmem:s13+$0xFFFFBFA0];
	p3 =	slt.u32 s12, $0x1F8;
	[tilespmem:s10+$0xFFFFFFD0] =	vst v6  }
0x35d: {  	v13 =	vld [tilespmem:s13+$0xFFFFBFB0];
	[tilespmem:s10+$0xFFFFFFE0] =	vst v8  }
.Ltmp53:
0x35e: {  	v7 =	vld [tilespmem:s13+$0xFFFFBFC0];
	[tilespmem:s10+$0xFFFFFFF0] =	vst v9;
	(pc) =	sbr.rel @p3 .LBB2_102-.Ltmp53, $4  }
0x35f: {  	v6 =	vld [tilespmem:s13+$0xFFFFBFD0];
	[tilespmem:s10+$0xFFFFFF90] =	vst v10;
	s10 =	smov.u32 s13  }
0x360: {  	s11 =	simm.s32 $0xB370;
	v8 =	vld [tilespmem:s13+$0xFFFFBFE0];
	[tilespmem:s13+$0x0] =	vst v11  }
0x361: {  	[tilespmem:s13+$0xFFFFFFA0] =	vst v12;
	v9 =	vld [tilespmem:s13+$0xFFFFBFF0]  }
0x362: {  	s13 =	sadd.s32 $0x100, s13;
	v10 =	vld [tilespmem:s10+$0xFFFFBF90];
	[tilespmem:s10+$0xFFFFFFB0] =	vst v13  }
0x363: {  	[tilespmem:s10+$0xFFFFFFC0] =	vst v7  }
0x364: {  	[tilespmem:s10+$0xFFFFFFD0] =	vst v6  }
0x365: {  	[tilespmem:s10+$0xFFFFFFE0] =	vst v8  }
0x366: {  	[tilespmem:s10+$0xFFFFFFF0] =	vst v9  }
0x367: {  	[tilespmem:s10+$0xFFFFFF90] =	vst v10  }
0x368: {  	v9 =	vld [tilespmem:s11+$0xFFFF8000]  }
0x369: {  	v10 =	vld [tilespmem:s11+$0xFFFF7FA0]  }
0x36a: {  	v11 =	vld [tilespmem:s11+$0xFFFF7FB0]  }
0x36b: {  	v7 =	vld [tilespmem:s11+$0xFFFF7FC0]  }
0x36c: {  	v6 =	vld [tilespmem:s11+$0xFFFF7FD0]  }
0x36d: {  	v8 =	vld [tilespmem:s11+$0xFFFF7FE0];
	[tilespmem:s11+$0x0] =	vst v9  }
0x36e: {  	[tilespmem:s11+$0xFFFFFFA0] =	vst v10;
	v9 =	vld [tilespmem:s11+$0xFFFF7FF0]  }
0x36f: {  	s12 =	simm.s32 $0xB470;
	s10 =	simm.s32 $0x0;
	v10 =	vld [tilespmem:s11+$0xFFFF7F90];
	[tilespmem:s11+$0xFFFFFFB0] =	vst v11  }
.LBB2_104:
0x370: {  	v11 =	vld [tilespmem:s12+$0xFFFF8000];
	s10 =	sadd.s32 $0x8, s10;
	[tilespmem:s11+$0xFFFFFFC0] =	vst v7  }
0x371: {  	v12 =	vld [tilespmem:s12+$0xFFFF7FA0];
	p3 =	slt.u32 s10, $0x3F8;
	[tilespmem:s11+$0xFFFFFFD0] =	vst v6  }
0x372: {  	v13 =	vld [tilespmem:s12+$0xFFFF7FB0];
	[tilespmem:s11+$0xFFFFFFE0] =	vst v8  }
.Ltmp54:
0x373: {  	v7 =	vld [tilespmem:s12+$0xFFFF7FC0];
	[tilespmem:s11+$0xFFFFFFF0] =	vst v9;
	(pc) =	sbr.rel @p3 .LBB2_104-.Ltmp54, $4  }
0x374: {  	v6 =	vld [tilespmem:s12+$0xFFFF7FD0];
	[tilespmem:s11+$0xFFFFFF90] =	vst v10;
	s11 =	smov.u32 s12  }
0x375: {  	v8 =	vld [tilespmem:s12+$0xFFFF7FE0];
	[tilespmem:s12+$0x0] =	vst v11  }
0x376: {  	[tilespmem:s12+$0xFFFFFFA0] =	vst v12;
	v9 =	vld [tilespmem:s12+$0xFFFF7FF0]  }
0x377: {  	s12 =	sadd.s32 $0x100, s12;
	v10 =	vld [tilespmem:s11+$0xFFFF7F90];
	[tilespmem:s11+$0xFFFFFFB0] =	vst v13  }
0x378: {  	[tilespmem:s11+$0xFFFFFFC0] =	vst v7  }
0x379: {  	[tilespmem:s11+$0xFFFFFFD0] =	vst v6  }
0x37a: {  	[tilespmem:s11+$0xFFFFFFE0] =	vst v8  }
0x37b: {  	[tilespmem:s11+$0xFFFFFFF0] =	vst v9  }
0x37c: {  	[tilespmem:s11+$0xFFFFFF90] =	vst v10  }
.LBB2_109:
0x37d: {  	s10 =	simm.s32 $0x3300  }
0x37e: {  	s11 =	simm.s32 $0x10;
	s13 =	sadd.s32 $0x0, s23;
	s12 =	simm.s32 $0x3400  }
.LBB2_110:
0x37f: {  	[hbm4b:s13+s3] =	stream.linear.scatter [tilespmem:s10], [sflag:$0x2], $0x80, $0x38;
	[tilespmem:$0x13280] =	vst v63  }
0x380: {  	s13 =	smov.u32 s11;
	s10 =	smov.u32 s12;
	p3 =	sne.s32 s11, $0xFF0  }
.Ltmp55:
0x381: {  	s11 =	sadd.s32 $0x10, s11;
	(pc) =	sbr.rel @p3 .LBB2_110-.Ltmp55, $2  }
0x382: {  	_ =	sdelay $0x2  }
0x383: {  	s12 =	sadd.s32 $0x100, s12;
	s13 =	sadd.s32 s13, s23  }
0x384: {  	[hbm4b:s13+s3] =	stream.linear.scatter [tilespmem:s10], [sflag:$0x2], $0x80, $0x38;
	[tilespmem:$0x13280] =	vst v63  }
0x385: {  	s10 =	simm.s32 $0x3300  }
0x386: {  	s11 =	simm.s32 $0x10;
	s13 =	sadd.s32 $0x0, s1;
	s12 =	simm.s32 $0x3400  }
.LBB2_112:
0x387: {  	[hbm4b:s13+s3] =	stream.linear.scatter [tilespmem:s10], [sflag:$0x2], $0x80, $0x38;
	[tilespmem:$0x13280] =	vst v63  }
0x388: {  	s13 =	smov.u32 s11;
	s10 =	smov.u32 s12;
	p3 =	sne.s32 s11, $0xFF0  }
.Ltmp56:
0x389: {  	s11 =	sadd.s32 $0x10, s11;
	(pc) =	sbr.rel @p3 .LBB2_112-.Ltmp56, $2  }
0x38a: {  	_ =	sdelay $0x2  }
0x38b: {  	s12 =	sadd.s32 $0x100, s12;
	s13 =	sadd.s32 s13, s1  }
0x38c: {  	[hbm4b:s13+s3] =	stream.linear.scatter [tilespmem:s10], [sflag:$0x2], $0x80, $0x38;
	[tilespmem:$0x13280] =	vst v63  }
0x38d: {  	s10 =	simm.s32 $0x3300  }
0x38e: {  	s11 =	simm.s32 $0x10;
	s13 =	sadd.s32 $0x0, s25;
	s12 =	simm.s32 $0x3400  }
.LBB2_114:
0x38f: {  	[hbm4b:s13+s3] =	stream.linear.scatter [tilespmem:s10], [sflag:$0x2], $0x80, $0x38;
	[tilespmem:$0x13280] =	vst v63  }
0x390: {  	s13 =	smov.u32 s11;
	s10 =	smov.u32 s12;
	p3 =	sne.s32 s11, $0xFF0  }
.Ltmp57:
0x391: {  	s11 =	sadd.s32 $0x10, s11;
	(pc) =	sbr.rel @p3 .LBB2_114-.Ltmp57, $2  }
0x392: {  	_ =	sdelay $0x2  }
0x393: {  	s12 =	sadd.s32 $0x100, s12;
	s13 =	sadd.s32 s13, s25  }
0x394: {  	[hbm4b:s13+s3] =	stream.linear.scatter [tilespmem:s10], [sflag:$0x2], $0x80, $0x38;
	[tilespmem:$0x13280] =	vst v63  }
0x395: {  	s10 =	simm.s32 $0x3300  }
0x396: {  	s11 =	simm.s32 $0x10;
	s13 =	sadd.s32 $0x0, s2;
	s12 =	simm.s32 $0x3400  }
.LBB2_116:
0x397: {  	[hbm4b:s13+s3] =	stream.linear.scatter [tilespmem:s10], [sflag:$0x2], $0x80, $0x38;
	[tilespmem:$0x13280] =	vst v63  }
0x398: {  	s13 =	smov.u32 s11;
	s10 =	smov.u32 s12;
	p3 =	sne.s32 s11, $0xFF0  }
.Ltmp58:
0x399: {  	s11 =	sadd.s32 $0x10, s11;
	(pc) =	sbr.rel @p3 .LBB2_116-.Ltmp58, $2  }
0x39a: {  	_ =	sdelay $0x2  }
0x39b: {  	s12 =	sadd.s32 $0x100, s12;
	s13 =	sadd.s32 s13, s2  }
0x39c: {  	[hbm4b:s13+s3] =	stream.linear.scatter [tilespmem:s10], [sflag:$0x2], $0x80, $0x38;
	[tilespmem:$0x13280] =	vst v63  }
0x39d: {  	s16 =	simm.s32 $0x1  }
0x39e: {  	_ =	swait.ge [sflag:s16], $0x8000  }
0x39f: {  	[sflag:s16] =	ssyncset.done $0x0  }
0x3a0: {  	[sflag:s16] =	ssyncadd.s32 $0xFFFF8000  }
0x3a1: {  	_ =	swait.ge [sflag:s16], $0x8000  }
0x3a2: {  	[sflag:s16] =	ssyncset.done $0x0  }
0x3a3: {  	[sflag:s16] =	ssyncadd.s32 $0xFFFF8000  }
0x3a4: {  	_ =	swait.ge [sflag:s16], $0x8000  }
0x3a5: {  	[sflag:s16] =	ssyncset.done $0x0  }
0x3a6: {  	[sflag:s16] =	ssyncadd.s32 $0xFFFF8000  }
0x3a7: {  	_ =	swait.ge [sflag:s16], $0x8000  }
0x3a8: {  	[sflag:s16] =	ssyncset.done $0x0  }
0x3a9: {  	[sflag:s16] =	ssyncadd.s32 $0xFFFF8000  }
0x3aa: {  	v7 =	vld.idx.msk [tilespmem:v0+s3+$0x0], $0xffff  }
0x3ab: {  	v6 =	vld.idx.msk [tilespmem:v1+s3+$0x0], $0xffff;
	_ =	sdelay $0x2  }
0x3ac: {  	s10 =	simm.s32 $0x3380  }
0x3ad: {  	[tilespmem:s10+$0xFFFFFF00] =	vst v7  }
0x3ae: {  	[tilespmem:s10+$0x70] =	vst v6  }
0x3af: {  	[tilespmem:s10+$0x60] =	vst v7  }
0x3b0: {  	[tilespmem:s10+$0x50] =	vst v6  }
0x3b1: {  	[tilespmem:s10+$0x40] =	vst v7  }
0x3b2: {  	[tilespmem:s10+$0x30] =	vst v6  }
0x3b3: {  	[tilespmem:s10+$0x20] =	vst v7  }
0x3b4: {  	[tilespmem:s10+$0x10] =	vst v6  }
0x3b5: {  	[tilespmem:s10+$0x0] =	vst v7  }
0x3b6: {  	[tilespmem:s10+$0xFFFFFF70] =	vst v6  }
0x3b7: {  	[tilespmem:s10+$0xFFFFFF60] =	vst v7  }
0x3b8: {  	[tilespmem:s10+$0xFFFFFF50] =	vst v6  }
0x3b9: {  	[tilespmem:s10+$0xFFFFFF40] =	vst v7  }
0x3ba: {  	[tilespmem:s10+$0xFFFFFF30] =	vst v6  }
0x3bb: {  	s11 =	simm.s32 $0x0;
	[tilespmem:s10+$0xFFFFFF20] =	vst v7  }
.LBB2_118:
0x3bc: {  	s11 =	sadd.s32 $0x8, s11;
	[tilespmem:s10+$0xFFFFFF10] =	vst v6;
	s10 =	sadd.s32 $0x200, s10  }
0x3bd: {  	[tilespmem:s10+$0xFFFFFF00] =	vst v7;
	p3 =	slt.u32 s11, $0x3F8  }
0x3be: {  	[tilespmem:s10+$0x70] =	vst v6  }
0x3bf: {  	[tilespmem:s10+$0x60] =	vst v7  }
0x3c0: {  	[tilespmem:s10+$0x50] =	vst v6  }
0x3c1: {  	[tilespmem:s10+$0x40] =	vst v7  }
0x3c2: {  	[tilespmem:s10+$0x30] =	vst v6  }
0x3c3: {  	[tilespmem:s10+$0x20] =	vst v7  }
0x3c4: {  	[tilespmem:s10+$0x10] =	vst v6  }
0x3c5: {  	[tilespmem:s10+$0x0] =	vst v7  }
0x3c6: {  	[tilespmem:s10+$0xFFFFFF70] =	vst v6  }
.Ltmp59:
0x3c7: {  	[tilespmem:s10+$0xFFFFFF60] =	vst v7;
	(pc) =	sbr.rel @p3 .LBB2_118-.Ltmp59, $4  }
0x3c8: {  	[tilespmem:s10+$0xFFFFFF50] =	vst v6  }
0x3c9: {  	[tilespmem:s10+$0xFFFFFF40] =	vst v7  }
0x3ca: {  	[tilespmem:s10+$0xFFFFFF30] =	vst v6  }
0x3cb: {  	[tilespmem:s10+$0xFFFFFF20] =	vst v7  }
0x3cc: {  	s11 =	simm.s32 $0x3280  }
0x3cd: {  	[tilespmem:s10+$0xFFFFFF10] =	vst v6;
	s10 =	simm.s32 $0x10;
	s13 =	sadd.s32 $0x0, s6;
	s12 =	simm.s32 $0x3380  }
.LBB2_120:
0x3ce: {  	[hbm4b:s13+s3] =	stream.linear.scatter [tilespmem:s11], [sflag:$0x1], $0x80, $0x38;
	[tilespmem:$0x13280] =	vst v63  }
0x3cf: {  	s13 =	smov.u32 s10;
	s11 =	smov.u32 s12;
	p3 =	sne.s32 s10, $0xFF0  }
.Ltmp60:
0x3d0: {  	s10 =	sadd.s32 $0x10, s10;
	(pc) =	sbr.rel @p3 .LBB2_120-.Ltmp60, $2  }
0x3d1: {  	_ =	sdelay $0x2  }
0x3d2: {  	s12 =	sadd.s32 $0x100, s12;
	s13 =	sadd.s32 s13, s6  }
0x3d3: {  	[hbm4b:s13+s3] =	stream.linear.scatter [tilespmem:s11], [sflag:$0x1], $0x80, $0x38;
	[tilespmem:$0x13280] =	vst v63  }
0x3d4: {  	s10 =	simm.s32 $0x3280  }
0x3d5: {  	s11 =	simm.s32 $0x10;
	s13 =	sadd.s32 $0x0, s9;
	s12 =	simm.s32 $0x3380  }
.LBB2_122:
0x3d6: {  	[hbm4b:s13+s3] =	stream.linear.scatter [tilespmem:s10], [sflag:$0x1], $0x80, $0x38;
	[tilespmem:$0x13280] =	vst v63  }
0x3d7: {  	s13 =	smov.u32 s11;
	s10 =	smov.u32 s12;
	p3 =	sne.s32 s11, $0xFF0  }
.Ltmp61:
0x3d8: {  	s11 =	sadd.s32 $0x10, s11;
	(pc) =	sbr.rel @p3 .LBB2_122-.Ltmp61, $2  }
0x3d9: {  	_ =	sdelay $0x2  }
0x3da: {  	s12 =	sadd.s32 $0x100, s12;
	s13 =	sadd.s32 s13, s9  }
0x3db: {  	[hbm4b:s13+s3] =	stream.linear.scatter [tilespmem:s10], [sflag:$0x1], $0x80, $0x38;
	[tilespmem:$0x13280] =	vst v63  }
0x3dc: {  	s10 =	simm.s32 $0x3280  }
0x3dd: {  	s11 =	simm.s32 $0x10;
	s13 =	sadd.s32 $0x0, s4;
	s12 =	simm.s32 $0x3380  }
.LBB2_124:
0x3de: {  	[hbm4b:s13+s3] =	stream.linear.scatter [tilespmem:s10], [sflag:$0x1], $0x80, $0x38;
	[tilespmem:$0x13280] =	vst v63  }
0x3df: {  	s13 =	smov.u32 s11;
	s10 =	smov.u32 s12;
	p3 =	sne.s32 s11, $0xFF0  }
.Ltmp62:
0x3e0: {  	s11 =	sadd.s32 $0x10, s11;
	(pc) =	sbr.rel @p3 .LBB2_124-.Ltmp62, $2  }
0x3e1: {  	_ =	sdelay $0x2  }
0x3e2: {  	s12 =	sadd.s32 $0x100, s12;
	s13 =	sadd.s32 s13, s4  }
0x3e3: {  	[hbm4b:s13+s3] =	stream.linear.scatter [tilespmem:s10], [sflag:$0x1], $0x80, $0x38;
	[tilespmem:$0x13280] =	vst v63  }
0x3e4: {  	s10 =	simm.s32 $0x3280  }
0x3e5: {  	s11 =	simm.s32 $0x10;
	s13 =	sadd.s32 $0x0, s21;
	s12 =	simm.s32 $0x3380  }
.LBB2_126:
0x3e6: {  	[hbm4b:s13+s3] =	stream.linear.scatter [tilespmem:s10], [sflag:$0x1], $0x80, $0x38;
	[tilespmem:$0x13280] =	vst v63  }
0x3e7: {  	s13 =	smov.u32 s11;
	s10 =	smov.u32 s12;
	p3 =	sne.s32 s11, $0xFF0  }
.Ltmp63:
0x3e8: {  	s11 =	sadd.s32 $0x10, s11;
	(pc) =	sbr.rel @p3 .LBB2_126-.Ltmp63, $2  }
0x3e9: {  	_ =	sdelay $0x2  }
0x3ea: {  	s12 =	sadd.s32 $0x100, s12;
	s13 =	sadd.s32 s13, s21  }
0x3eb: {  	[hbm4b:s13+s3] =	stream.linear.scatter [tilespmem:s10], [sflag:$0x1], $0x80, $0x38;
	[tilespmem:$0x13280] =	vst v63  }
0x3ec: {  	s16 =	simm.s32 $0x2  }
0x3ed: {  	_ =	swait.ge [sflag:s16], $0x8000  }
0x3ee: {  	[sflag:s16] =	ssyncset.done $0x0  }
0x3ef: {  	[sflag:s16] =	ssyncadd.s32 $0xFFFF8000  }
0x3f0: {  	_ =	swait.ge [sflag:s16], $0x8000  }
0x3f1: {  	[sflag:s16] =	ssyncset.done $0x0  }
0x3f2: {  	[sflag:s16] =	ssyncadd.s32 $0xFFFF8000  }
0x3f3: {  	_ =	swait.ge [sflag:s16], $0x8000  }
0x3f4: {  	[sflag:s16] =	ssyncset.done $0x0  }
0x3f5: {  	[sflag:s16] =	ssyncadd.s32 $0xFFFF8000  }
0x3f6: {  	_ =	swait.ge [sflag:s16], $0x8000  }
0x3f7: {  	[sflag:s16] =	ssyncset.done $0x0  }
0x3f8: {  	[sflag:s16] =	ssyncadd.s32 $0xFFFF8000  }
0x3f9: {  	v7 =	vld.idx.msk [tilespmem:v2+s3+$0x0], $0xffff  }
0x3fa: {  	v6 =	vld.idx.msk [tilespmem:v3+s3+$0x0], $0xffff;
	_ =	sdelay $0x2  }
0x3fb: {  	s10 =	simm.s32 $0x3400  }
0x3fc: {  	[tilespmem:s10+$0xFFFFFF00] =	vst v7  }
0x3fd: {  	[tilespmem:s10+$0x70] =	vst v6  }
0x3fe: {  	[tilespmem:s10+$0x60] =	vst v7  }
0x3ff: {  	[tilespmem:s10+$0x50] =	vst v6  }
0x400: {  	[tilespmem:s10+$0x40] =	vst v7  }
0x401: {  	[tilespmem:s10+$0x30] =	vst v6  }
0x402: {  	[tilespmem:s10+$0x20] =	vst v7  }
0x403: {  	[tilespmem:s10+$0x10] =	vst v6  }
0x404: {  	[tilespmem:s10+$0x0] =	vst v7  }
0x405: {  	[tilespmem:s10+$0xFFFFFF70] =	vst v6  }
0x406: {  	[tilespmem:s10+$0xFFFFFF60] =	vst v7  }
0x407: {  	[tilespmem:s10+$0xFFFFFF50] =	vst v6  }
0x408: {  	[tilespmem:s10+$0xFFFFFF40] =	vst v7  }
0x409: {  	[tilespmem:s10+$0xFFFFFF30] =	vst v6  }
0x40a: {  	s11 =	simm.s32 $0x0;
	[tilespmem:s10+$0xFFFFFF20] =	vst v7  }
.LBB2_128:
0x40b: {  	s11 =	sadd.s32 $0x8, s11;
	[tilespmem:s10+$0xFFFFFF10] =	vst v6;
	s10 =	sadd.s32 $0x200, s10  }
0x40c: {  	[tilespmem:s10+$0xFFFFFF00] =	vst v7;
	p3 =	slt.u32 s11, $0x3F8  }
0x40d: {  	[tilespmem:s10+$0x70] =	vst v6  }
0x40e: {  	[tilespmem:s10+$0x60] =	vst v7  }
0x40f: {  	[tilespmem:s10+$0x50] =	vst v6  }
0x410: {  	[tilespmem:s10+$0x40] =	vst v7  }
0x411: {  	[tilespmem:s10+$0x30] =	vst v6  }
0x412: {  	[tilespmem:s10+$0x20] =	vst v7  }
0x413: {  	[tilespmem:s10+$0x10] =	vst v6  }
0x414: {  	[tilespmem:s10+$0x0] =	vst v7  }
0x415: {  	[tilespmem:s10+$0xFFFFFF70] =	vst v6  }
.Ltmp64:
0x416: {  	[tilespmem:s10+$0xFFFFFF60] =	vst v7;
	(pc) =	sbr.rel @p3 .LBB2_128-.Ltmp64, $4  }
0x417: {  	[tilespmem:s10+$0xFFFFFF50] =	vst v6  }
0x418: {  	[tilespmem:s10+$0xFFFFFF40] =	vst v7  }
0x419: {  	[tilespmem:s10+$0xFFFFFF30] =	vst v6  }
0x41a: {  	[tilespmem:s10+$0xFFFFFF20] =	vst v7  }
0x41b: {  	s11 =	simm.s32 $0x3300  }
0x41c: {  	[tilespmem:s10+$0xFFFFFF10] =	vst v6;
	s10 =	simm.s32 $0x10;
	s13 =	sadd.s32 $0x0, s14;
	s12 =	simm.s32 $0x3400  }
.LBB2_130:
0x41d: {  	[hbm4b:s13+s3] =	stream.linear.scatter [tilespmem:s11], [sflag:$0x2], $0x80, $0x38;
	[tilespmem:$0x13280] =	vst v63  }
0x41e: {  	s13 =	smov.u32 s10;
	s11 =	smov.u32 s12;
	p3 =	sne.s32 s10, $0xFF0  }
.Ltmp65:
0x41f: {  	s10 =	sadd.s32 $0x10, s10;
	(pc) =	sbr.rel @p3 .LBB2_130-.Ltmp65, $2  }
0x420: {  	_ =	sdelay $0x2  }
0x421: {  	s12 =	sadd.s32 $0x100, s12;
	s13 =	sadd.s32 s13, s14  }
0x422: {  	[hbm4b:s13+s3] =	stream.linear.scatter [tilespmem:s11], [sflag:$0x2], $0x80, $0x38;
	[tilespmem:$0x13280] =	vst v63  }
0x423: {  	s10 =	simm.s32 $0x3300  }
0x424: {  	s11 =	simm.s32 $0x10;
	s13 =	sadd.s32 $0x0, s5;
	s12 =	simm.s32 $0x3400  }
.LBB2_132:
0x425: {  	[hbm4b:s13+s3] =	stream.linear.scatter [tilespmem:s10], [sflag:$0x2], $0x80, $0x38;
	[tilespmem:$0x13280] =	vst v63  }
0x426: {  	s13 =	smov.u32 s11;
	s10 =	smov.u32 s12;
	p3 =	sne.s32 s11, $0xFF0  }
.Ltmp66:
0x427: {  	s11 =	sadd.s32 $0x10, s11;
	(pc) =	sbr.rel @p3 .LBB2_132-.Ltmp66, $2  }
0x428: {  	_ =	sdelay $0x2  }
0x429: {  	s12 =	sadd.s32 $0x100, s12;
	s13 =	sadd.s32 s13, s5  }
0x42a: {  	[hbm4b:s13+s3] =	stream.linear.scatter [tilespmem:s10], [sflag:$0x2], $0x80, $0x38;
	[tilespmem:$0x13280] =	vst v63  }
0x42b: {  	s10 =	simm.s32 $0x3300  }
0x42c: {  	s11 =	simm.s32 $0x10;
	s13 =	sadd.s32 $0x0, s7;
	s12 =	simm.s32 $0x3400  }
.LBB2_134:
0x42d: {  	[hbm4b:s13+s3] =	stream.linear.scatter [tilespmem:s10], [sflag:$0x2], $0x80, $0x38;
	[tilespmem:$0x13280] =	vst v63  }
0x42e: {  	s13 =	smov.u32 s11;
	s10 =	smov.u32 s12;
	p3 =	sne.s32 s11, $0xFF0  }
.Ltmp67:
0x42f: {  	s11 =	sadd.s32 $0x10, s11;
	(pc) =	sbr.rel @p3 .LBB2_134-.Ltmp67, $2  }
0x430: {  	_ =	sdelay $0x2  }
0x431: {  	s12 =	sadd.s32 $0x100, s12;
	s13 =	sadd.s32 s13, s7  }
0x432: {  	[hbm4b:s13+s3] =	stream.linear.scatter [tilespmem:s10], [sflag:$0x2], $0x80, $0x38;
	[tilespmem:$0x13280] =	vst v63  }
0x433: {  	s10 =	simm.s32 $0x3300  }
0x434: {  	s11 =	simm.s32 $0x10;
	s13 =	sadd.s32 $0x0, s8;
	s12 =	simm.s32 $0x3400  }
.LBB2_136:
0x435: {  	[hbm4b:s13+s3] =	stream.linear.scatter [tilespmem:s10], [sflag:$0x2], $0x80, $0x38;
	[tilespmem:$0x13280] =	vst v63  }
0x436: {  	s13 =	smov.u32 s11;
	s10 =	smov.u32 s12;
	p3 =	sne.s32 s11, $0xFF0  }
.Ltmp68:
0x437: {  	s11 =	sadd.s32 $0x10, s11;
	(pc) =	sbr.rel @p3 .LBB2_136-.Ltmp68, $2  }
0x438: {  	_ =	sdelay $0x2  }
0x439: {  	s12 =	sadd.s32 $0x100, s12;
	s13 =	sadd.s32 s13, s8  }
0x43a: {  	[hbm4b:s13+s3] =	stream.linear.scatter [tilespmem:s10], [sflag:$0x2], $0x80, $0x38;
	[tilespmem:$0x13280] =	vst v63  }
0x43b: {  	s13 =	simm.s32 $0x1  }
0x43c: {  	_ =	swait.ge [sflag:s13], $0x8000  }
0x43d: {  	[sflag:s13] =	ssyncset.done $0x0  }
0x43e: {  	[sflag:s13] =	ssyncadd.s32 $0xFFFF8000  }
0x43f: {  	_ =	swait.ge [sflag:s13], $0x8000  }
0x440: {  	[sflag:s13] =	ssyncset.done $0x0  }
0x441: {  	[sflag:s13] =	ssyncadd.s32 $0xFFFF8000  }
0x442: {  	_ =	swait.ge [sflag:s13], $0x8000  }
0x443: {  	[sflag:s13] =	ssyncset.done $0x0  }
0x444: {  	[sflag:s13] =	ssyncadd.s32 $0xFFFF8000  }
0x445: {  	_ =	swait.ge [sflag:s13], $0x8000  }
0x446: {  	[sflag:s13] =	ssyncset.done $0x0  }
0x447: {  	s11 =	simm.s32 $0x2;
	[sflag:s13] =	ssyncadd.s32 $0xFFFF8000  }
0x448: {  	_ =	swait.ge [sflag:s11], $0x8000  }
0x449: {  	[sflag:s11] =	ssyncset.done $0x0  }
0x44a: {  	[sflag:s11] =	ssyncadd.s32 $0xFFFF8000  }
0x44b: {  	_ =	swait.ge [sflag:s11], $0x8000  }
0x44c: {  	[sflag:s11] =	ssyncset.done $0x0  }
0x44d: {  	[sflag:s11] =	ssyncadd.s32 $0xFFFF8000  }
0x44e: {  	_ =	swait.ge [sflag:s11], $0x8000  }
0x44f: {  	[sflag:s11] =	ssyncset.done $0x0  }
0x450: {  	[sflag:s11] =	ssyncadd.s32 $0xFFFF8000  }
0x451: {  	_ =	swait.ge [sflag:s11], $0x8000  }
0x452: {  	s12 =	rddreg [dreg:$0x11]  }
0x453: {  	s16 =	rddreg [dreg:$0x10];
	s12 =	sadd.s32 $0x1, s12  }
0x454: {  	p3 =	sne.s32 s12, s16  }
.Ltmp69:
0x455: {  	_ = 	snop;
	(pc) =	sbr.rel @p3 .LBB2_1-.Ltmp69, $3  }
0x456: {  	_ =	sdelay $0x1  }
0x457: {  	[sflag:s11] =	ssyncset.done $0x0  }
0x458: {  	[sflag:s11] =	ssyncadd.s32 $0xFFFF8000  }
0x459: {  	_ =	sfence.sel $0x180000  }
0x45a: {  	[bflag:$0x0] =	sbarrier.arrive $0xFFFF  }
0x45b: {  	_ =	strace $0x90000047  }
0x45c: {  	s0 =	stileid.u32;
	[bflag:$0x2] =	sbarrier.arrive $0xFFFF  }
0x45d: {  	p0 =	sne.s32 s0, $0x0;
	s0 =	rddreg [dreg:$0x2]  }
0x45e: {  	s0 =	sadd.s32 @!p0 $0x100000, s0  }
0x45f: {  	[sflag:s0] =	ssyncadd.tile.s32 @!p0 $0x1;
	_ =	shalt  }
.Lfunc_end2:
_tile_overlayer_lowered:
.L_overlay_start_2:
0x460: {  	(tag) =	ssettag $0x2  }
0x461: {  	s0 =	rddreg [dreg:$0x0];
	s2 =	stileid.u32  }
0x462: {  	s1 =	rddreg [dreg:$0x1];
	p0 =	sne.s32 s2, $0x0  }
0x463: {  	s3 =	rddreg [dreg:$0x2];
	[bflag:$0x3] =	sbarrier.arrive $0xFFFF;
	s2 =	simm.s32 @!p0 $0x1C03  }
0x464: {  	[timem:s3], [sflag:s2] =	dma.local @!p0 [hbm:s0], s1  }
0x465: {  	s0 =	simm.s32 @!p0 $0x3  }
0x466: {  	_ =	swait.ge @!p0 [sflag:s0], s1  }
0x467: {  	s1 =	ssub.s32 @!p0 $0x0, s1;
	[sflag:s0] =	ssyncset.done @!p0 $0x0  }
0x468: {  	[sflag:s0] =	ssyncadd.s32 @!p0 s1  }
0x469: {  	[bflag:$0x3] =	sbarrier.arrive $0xFFFF  }
0x46a: {  	_ =	shalt  }

</sc_bundles>
